<compile_context>
chip_gen: v7x
topology: tpu7x:2x2x1
jax: 0.10.2.dev20260603
libtpu: 0.0.44.dev20260713+nightly
codegen_flags: <defaults>
</compile_context>

<pallas_src>
import functools

import jax
import jax.numpy as jnp
from jax import lax
from jax.experimental import pallas as pl
from jax.experimental.pallas import tpu as pltpu
from jax.experimental.pallas import tpu_sc as plsc

_S, _B, _C, _H, _W, _N = 3, 16, 192, 56, 56, 4096
_BN = _B * _N
_NC, _NS = 2, 16
_NW = _NC * _NS
_PTS = _BN // _NW
_CH = 16
_NCH = _PTS // _CH
_NG = _C // 32
_ROW3 = _S * _C


def _sc_body(table, px_h, py_h, pz_h, out_h,
             px_v, py_v, pz_v,
             idxA1, idxA2, idxB1, idxB2,
             rowsA1, rowsA2, rowsB1, rowsB2,
             wtsA, wtsB, outA, outB,
             semA, semB, osem):
    wid = lax.axis_index("s") * _NC + lax.axis_index("c")
    base = wid * _PTS
    b = base // _N
    rowbase = b * (_H * _W)

    pltpu.sync_copy(px_h.at[pl.ds(base, _PTS)], px_v)
    pltpu.sync_copy(py_h.at[pl.ds(base, _PTS)], py_v)
    pltpu.sync_copy(pz_h.at[pl.ds(base, _PTS)], pz_v)

    def issue(ch, idx1, idx2, rows1, rows2, wts, sem):
        off = ch * _CH
        X = px_v[pl.ds(off, _CH)]
        Y = py_v[pl.ds(off, _CH)]
        Z = pz_v[pl.ds(off, _CH)]
        az = jnp.abs(Z)
        wq = 420.0 * X / az + 111.5
        hq = 420.0 * Y / az + 111.5
        wq = jnp.clip(wq, 0.0, 223.0)
        hq = jnp.clip(hq, 0.0, 223.0)
        x = wq / (223.0 / (_W - 1.0))
        y = hq / (223.0 / (_H - 1.0))
        xi1 = x.astype(jnp.int32)
        yi1 = y.astype(jnp.int32)
        x1 = xi1.astype(jnp.float32)
        y1 = yi1.astype(jnp.float32)
        xi2 = xi1 + jnp.where(x > x1, 1, 0).astype(jnp.int32)
        yi2 = yi1 + jnp.where(y > y1, 1, 0).astype(jnp.int32)
        x2 = xi2.astype(jnp.float32)
        y2 = yi2.astype(jnp.float32)
        gx1 = x2 - x
        gx2 = x - x1
        gy1 = y2 - y
        gy2 = y - y1
        wts[pl.ds(0, 16)] = gx1 * gy1
        wts[pl.ds(16, 16)] = gx1 * gy2
        wts[pl.ds(32, 16)] = gx2 * gy1
        wts[pl.ds(48, 16)] = gx2 * gy2
        r_11 = rowbase + xi1 * _W + yi1
        r_12 = rowbase + xi1 * _W + yi2
        r_21 = rowbase + xi2 * _W + yi1
        r_22 = rowbase + xi2 * _W + yi2
        for s in range(_S):
            soff = s * (_B * _H * _W)
            for k, r in enumerate((r_11, r_12, r_21, r_22)):
                j = s * 4 + k
                if j < 8:
                    idx1[pl.ds(j * 16, 16)] = r + soff
                else:
                    idx2[pl.ds((j - 8) * 16, 16)] = r + soff
        pltpu.async_copy(table.at[idx1], rows1, sem)
        pltpu.async_copy(table.at[idx2], rows2, sem)

    def drain(rows1, rows2, sem):
        pltpu.make_async_copy(table.at[pl.ds(0, 8 * _CH)], rows1, sem).wait()
        pltpu.make_async_copy(table.at[pl.ds(0, 4 * _CH)], rows2, sem).wait()

    def compute(ch, rows1, rows2, wts, out_v):
        def point(p, pc):
            pidx = jnp.full((16,), 0, dtype=jnp.int32) + p
            w11 = plsc.load_gather(wts, [pidx])
            w12 = plsc.load_gather(wts, [pidx + 16])
            w21 = plsc.load_gather(wts, [pidx + 32])
            w22 = plsc.load_gather(wts, [pidx + 48])

            def corners(s, g):
                sl = pl.ds(g * 32, 32)
                if s < 2:
                    return (rows1[(s * 4 + 0) * 16 + p, sl],
                            rows1[(s * 4 + 1) * 16 + p, sl],
                            rows1[(s * 4 + 2) * 16 + p, sl],
                            rows1[(s * 4 + 3) * 16 + p, sl])
                return (rows2[0 * 16 + p, sl],
                        rows2[1 * 16 + p, sl],
                        rows2[2 * 16 + p, sl],
                        rows2[3 * 16 + p, sl])

            two_iota = 2 * lax.iota(jnp.int32, 16)

            def emit(q, unit):
                s, g = unit
                u = [plsc.unpack(qq, format=plsc.PackFormat.INTERLEAVED)
                     for qq in q]
                r0 = (u[0][0] * w11 + u[1][0] * w12) + (u[2][0] * w21 + u[3][0] * w22)
                r1 = (u[0][1] * w11 + u[1][1] * w12) + (u[2][1] * w21 + u[3][1] * w22)
                col = two_iota + (s * _C + g * 32)
                plsc.store_scatter(out_v, [pidx, col], r0)
                plsc.store_scatter(out_v, [pidx, col + 1], r1)

            sg = [(s, g) for s in range(_S) for g in range(_NG)]
            prev_q, prev_u = corners(*sg[0]), sg[0]
            for t in range(1, len(sg)):
                cur_q = corners(*sg[t])
                emit(prev_q, prev_u)
                prev_q, prev_u = cur_q, sg[t]
            emit(prev_q, prev_u)
            return pc

        lax.fori_loop(0, _CH, point, 0)
        pltpu.async_copy(out_v, out_h.at[pl.ds(base + ch * _CH, _CH)], osem)

    issue(0, idxA1, idxA2, rowsA1, rowsA2, wtsA, semA)

    def pair(i, carry):
        @pl.when(i > 0)
        def _():
            pltpu.make_async_copy(px_h.at[pl.ds(0, _CH)], outA, osem).wait()
            pltpu.make_async_copy(px_h.at[pl.ds(0, _CH)], outB, osem).wait()

        issue(2 * i + 1, idxB1, idxB2, rowsB1, rowsB2, wtsB, semB)
        drain(rowsA1, rowsA2, semA)
        compute(2 * i, rowsA1, rowsA2, wtsA, outA)

        @pl.when(i < _NCH // 2 - 1)
        def _():
            issue(2 * i + 2, idxA1, idxA2, rowsA1, rowsA2, wtsA, semA)

        drain(rowsB1, rowsB2, semB)
        compute(2 * i + 1, rowsB1, rowsB2, wtsB, outB)
        return carry

    lax.fori_loop(0, _NCH // 2, pair, 0)
    pltpu.make_async_copy(px_h.at[pl.ds(0, _CH)], outA, osem).wait()
    pltpu.make_async_copy(px_h.at[pl.ds(0, _CH)], outB, osem).wait()


_sc_call = functools.partial(
    pl.kernel,
    out_type=jax.ShapeDtypeStruct((_BN, _ROW3), jnp.float32),
    mesh=plsc.VectorSubcoreMesh(core_axis_name="c", subcore_axis_name="s"),
    compiler_params=pltpu.CompilerParams(
        use_tc_tiling_on_sc=False, needs_layout_passes=False),
    scratch_types=(
        [pltpu.VMEM((_PTS,), jnp.float32)] * 3
        + [pltpu.VMEM((8 * _CH,), jnp.int32),
           pltpu.VMEM((4 * _CH,), jnp.int32)] * 2
        + [pltpu.VMEM((8 * _CH, _C), jnp.bfloat16),
           pltpu.VMEM((4 * _CH, _C), jnp.bfloat16)] * 2
        + [pltpu.VMEM((64,), jnp.float32)] * 2
        + [pltpu.VMEM((_CH, _ROW3), jnp.float32)] * 2
        + [pltpu.SemaphoreType.DMA] * 3
    ),
)(_sc_body)


def kernel(img_feats, pc):
    s, b, c, h, w = img_feats.shape
    table = (jnp.transpose(img_feats.astype(jnp.bfloat16), (0, 1, 3, 4, 2))
             .reshape(s * b * h * w, c))
    px = pc[:, :, 0].reshape(-1)
    py = pc[:, :, 1].reshape(-1)
    pz = pc[:, :, 2].reshape(-1)
    out = _sc_call(table, px, py, pz)
    return out.reshape(b, _N, s * c)

# --- scband reference (transcript-rebuilt; emitter-appended) ---
"""Pipeline reference for scband-feature-projection-15152644620607 (READ-ONLY COPY).

The authoritative reference and input builder live on the scoring server;
editing this copy changes nothing except your own understanding.
"""

import jax, jax.numpy as jnp
import numpy as np

S, B, C, H, W, N = 3, 16, 192, 56, 56, 4096


def setup_inputs(seed: int = 0) -> dict:
    key = jax.random.key(seed)
    k1, k2 = jax.random.split(key)
    img_feats = jax.random.normal(k1, (S, B, C, H, W), dtype=jnp.float32)
    pc = jax.random.normal(k2, (B, N, 3), dtype=jnp.float32)
    return {"img_feats": img_feats, "pc": pc}


def _project(img_feat, xs, ys):
    b, c, h, w = img_feat.shape
    x = xs.reshape(-1)
    y = ys.reshape(-1)
    npts = xs.shape[1]
    idb = jnp.repeat(jnp.arange(b), npts)
    x1 = jnp.floor(x)
    y1 = jnp.floor(y)
    x2 = jnp.ceil(x)
    y2 = jnp.ceil(y)
    xi1 = x1.astype(jnp.int32)
    yi1 = y1.astype(jnp.int32)
    xi2 = x2.astype(jnp.int32)
    yi2 = y2.astype(jnp.int32)
    q11 = img_feat[idb, :, xi1, yi1]
    q12 = img_feat[idb, :, xi1, yi2]
    q21 = img_feat[idb, :, xi2, yi1]
    q22 = img_feat[idb, :, xi2, yi2]
    w11 = ((x2 - x) * (y2 - y))[:, None]
    w21 = ((x - x1) * (y2 - y))[:, None]
    w12 = ((x2 - x) * (y - y1))[:, None]
    w22 = ((x - x1) * (y - y1))[:, None]
    out = q11 * w11 + q12 * w12 + q21 * w21 + q22 * w22
    return out.reshape(b, -1, c)


def _get_projection(img_feat, pc):
    h_, w_ = img_feat.shape[2], img_feat.shape[3]
    X = pc[..., 0]
    Y = pc[..., 1]
    Z = pc[..., 2]
    w = 420.0 * X / jnp.abs(Z) + 111.5
    h = 420.0 * Y / jnp.abs(Z) + 111.5
    w = jnp.clip(w, 0.0, 223.0)
    h = jnp.clip(h, 0.0, 223.0)
    x = w / (223.0 / (w_ - 1.0))
    y = h / (223.0 / (h_ - 1.0))
    return _project(img_feat, x, y)


def reference(img_feats, pc):
    pc_feats = [_get_projection(img_feats[s], pc) for s in range(img_feats.shape[0])]
    return jnp.concatenate(pc_feats, axis=-1)

if __name__ == "__main__":
    import jax
    _d = setup_inputs()
    print(jax.jit(kernel)(*tuple(_d.values())))

</pallas_src>

<mosaic_0001>
#map = affine_map<(d0, d1) -> (0, 0)>
#map1 = affine_map<(d0, d1) -> (0)>
module attributes {stable_mosaic.version = 14 : i64} {
  func.func @_sc_body(%arg0: i32, %arg1: i32, %arg2: memref<150528x192xbf16, #tpu.memory_space<hbm>>, %arg3: memref<65536xf32, #tpu.memory_space<hbm>>, %arg4: memref<65536xf32, #tpu.memory_space<hbm>>, %arg5: memref<65536xf32, #tpu.memory_space<hbm>>, %arg6: memref<65536x576xf32, #tpu.memory_space<hbm>>, %arg7: memref<2048xf32, #tpu.memory_space<vmem>>, %arg8: memref<2048xf32, #tpu.memory_space<vmem>>, %arg9: memref<2048xf32, #tpu.memory_space<vmem>>, %arg10: memref<128xi32, #tpu.memory_space<vmem>>, %arg11: memref<64xi32, #tpu.memory_space<vmem>>, %arg12: memref<128xi32, #tpu.memory_space<vmem>>, %arg13: memref<64xi32, #tpu.memory_space<vmem>>, %arg14: memref<128x192xbf16, #tpu.memory_space<vmem>>, %arg15: memref<64x192xbf16, #tpu.memory_space<vmem>>, %arg16: memref<128x192xbf16, #tpu.memory_space<vmem>>, %arg17: memref<64x192xbf16, #tpu.memory_space<vmem>>, %arg18: memref<64xf32, #tpu.memory_space<vmem>>, %arg19: memref<64xf32, #tpu.memory_space<vmem>>, %arg20: memref<16x576xf32, #tpu.memory_space<vmem>>, %arg21: memref<16x576xf32, #tpu.memory_space<vmem>>, %arg22: memref<!tpu.dma_semaphore, #tpu.memory_space<semaphore_mem>>, %arg23: memref<!tpu.dma_semaphore, #tpu.memory_space<semaphore_mem>>, %arg24: memref<!tpu.dma_semaphore, #tpu.memory_space<semaphore_mem>>) attributes {dimension_semantics = [#tpu.dimension_semantics<core_parallel>, #tpu.dimension_semantics<subcore_parallel>], iteration_bounds = array<i64: 2, 16>, scalar_prefetch = 0 : i64, scratch_operands = 18 : i64, tpu.core_type = #tpu.core_type<sc_vector_subcore>, window_params = [{transform_indices = #map}, {transform_indices = #map1}, {transform_indices = #map1}, {transform_indices = #map1}, {transform_indices = #map}]} {
    %mul3A = arith.constant 2 : i32
    %mul3A_0 = arith.muli %arg1, %mul3A : i32
    %add3A = arith.addi %mul3A_0, %arg0 : i32
    %mul3A_1 = arith.constant 2048 : i32
    %mul3A_2 = arith.muli %add3A, %mul3A_1 : i32
    %jit3A = arith.constant 4096 : i32
    %div3A = arith.divsi %mul3A_2, %jit3A : i32
    %sign3A = arith.constant 0 : i32
    %sign3A_3 = arith.cmpi sgt, %mul3A_2, %sign3A : i32
    %sign3A_4 = arith.extui %sign3A_3 : i1 to i32
    %sign3A_5 = arith.constant 0 : i32
    %sign3A_6 = arith.cmpi slt, %mul3A_2, %sign3A_5 : i32
    %sign3A_7 = arith.extui %sign3A_6 : i1 to i32
    %sign3A_8 = arith.subi %sign3A_4, %sign3A_7 : i32
    %sign3A_9 = arith.constant 0 : i32
    %sign3A_10 = arith.cmpi sgt, %jit3A, %sign3A_9 : i32
    %sign3A_11 = arith.extui %sign3A_10 : i1 to i32
    %sign3A_12 = arith.constant 0 : i32
    %sign3A_13 = arith.cmpi slt, %jit3A, %sign3A_12 : i32
    %sign3A_14 = arith.extui %sign3A_13 : i1 to i32
    %sign3A_15 = arith.subi %sign3A_11, %sign3A_14 : i32
    %ne3A = arith.cmpi ne, %sign3A_8, %sign3A_15 : i32
    %rem3A = arith.remsi %mul3A_2, %jit3A : i32
    %ne3A_16 = arith.constant 0 : i32
    %ne3A_17 = arith.cmpi ne, %rem3A, %ne3A_16 : i32
    %and3A = arith.andi %ne3A, %ne3A_17 : i1
    %sub3A = arith.constant 1 : i32
    %sub3A_18 = arith.subi %div3A, %sub3A : i32
    %select_n3A = arith.select %and3A, %sub3A_18, %div3A : i32
    %mul3A_19 = arith.constant 3136 : i32
    %mul3A_20 = arith.muli %select_n3A, %mul3A_19 : i32
    "tpu.region"() ({
      %run_scoped3A = tpu.sem_alloc : memref<!tpu.dma_semaphore, #tpu.memory_space<semaphore_mem>>
      %dma_start3A_189 = tpu.memref_slice %arg3[%mul3A_2] : memref<65536xf32, #tpu.memory_space<hbm>> -> memref<2048xf32, #tpu.memory_space<hbm>>
      %dma_start3A_190 = tpu.memref_slice %arg3[%mul3A_2] : memref<65536xf32, #tpu.memory_space<hbm>> -> memref<2048xf32, #tpu.memory_space<hbm>>
      tpu.enqueue_dma source(%dma_start3A_190 : memref<2048xf32, #tpu.memory_space<hbm>>) target(%arg7 : memref<2048xf32, #tpu.memory_space<vmem>>) target_semaphore(%run_scoped3A : memref<!tpu.dma_semaphore, #tpu.memory_space<semaphore_mem>>)
      %dma_wait3A_191 = tpu.memref_slice %arg3[%mul3A_2] : memref<65536xf32, #tpu.memory_space<hbm>> -> memref<2048xf32, #tpu.memory_space<hbm>>
      %dma_wait3A_192 = tpu.memref_slice %arg3[%mul3A_2] : memref<65536xf32, #tpu.memory_space<hbm>> -> memref<2048xf32, #tpu.memory_space<hbm>>
      tpu.wait_dma2 semaphore(%run_scoped3A : memref<!tpu.dma_semaphore, #tpu.memory_space<semaphore_mem>>) src(%dma_wait3A_192 : memref<2048xf32, #tpu.memory_space<hbm>>) dst(%arg7 : memref<2048xf32, #tpu.memory_space<vmem>>)
      tpu.yield
    }) : () -> ()
    "tpu.region"() ({
      %run_scoped3A = tpu.sem_alloc : memref<!tpu.dma_semaphore, #tpu.memory_space<semaphore_mem>>
      %dma_start3A_189 = tpu.memref_slice %arg4[%mul3A_2] : memref<65536xf32, #tpu.memory_space<hbm>> -> memref<2048xf32, #tpu.memory_space<hbm>>
      %dma_start3A_190 = tpu.memref_slice %arg4[%mul3A_2] : memref<65536xf32, #tpu.memory_space<hbm>> -> memref<2048xf32, #tpu.memory_space<hbm>>
      tpu.enqueue_dma source(%dma_start3A_190 : memref<2048xf32, #tpu.memory_space<hbm>>) target(%arg8 : memref<2048xf32, #tpu.memory_space<vmem>>) target_semaphore(%run_scoped3A : memref<!tpu.dma_semaphore, #tpu.memory_space<semaphore_mem>>)
      %dma_wait3A_191 = tpu.memref_slice %arg4[%mul3A_2] : memref<65536xf32, #tpu.memory_space<hbm>> -> memref<2048xf32, #tpu.memory_space<hbm>>
      %dma_wait3A_192 = tpu.memref_slice %arg4[%mul3A_2] : memref<65536xf32, #tpu.memory_space<hbm>> -> memref<2048xf32, #tpu.memory_space<hbm>>
      tpu.wait_dma2 semaphore(%run_scoped3A : memref<!tpu.dma_semaphore, #tpu.memory_space<semaphore_mem>>) src(%dma_wait3A_192 : memref<2048xf32, #tpu.memory_space<hbm>>) dst(%arg8 : memref<2048xf32, #tpu.memory_space<vmem>>)
      tpu.yield
    }) : () -> ()
    "tpu.region"() ({
      %run_scoped3A = tpu.sem_alloc : memref<!tpu.dma_semaphore, #tpu.memory_space<semaphore_mem>>
      %dma_start3A_189 = tpu.memref_slice %arg5[%mul3A_2] : memref<65536xf32, #tpu.memory_space<hbm>> -> memref<2048xf32, #tpu.memory_space<hbm>>
      %dma_start3A_190 = tpu.memref_slice %arg5[%mul3A_2] : memref<65536xf32, #tpu.memory_space<hbm>> -> memref<2048xf32, #tpu.memory_space<hbm>>
      tpu.enqueue_dma source(%dma_start3A_190 : memref<2048xf32, #tpu.memory_space<hbm>>) target(%arg9 : memref<2048xf32, #tpu.memory_space<vmem>>) target_semaphore(%run_scoped3A : memref<!tpu.dma_semaphore, #tpu.memory_space<semaphore_mem>>)
      %dma_wait3A_191 = tpu.memref_slice %arg5[%mul3A_2] : memref<65536xf32, #tpu.memory_space<hbm>> -> memref<2048xf32, #tpu.memory_space<hbm>>
      %dma_wait3A_192 = tpu.memref_slice %arg5[%mul3A_2] : memref<65536xf32, #tpu.memory_space<hbm>> -> memref<2048xf32, #tpu.memory_space<hbm>>
      tpu.wait_dma2 semaphore(%run_scoped3A : memref<!tpu.dma_semaphore, #tpu.memory_space<semaphore_mem>>) src(%dma_wait3A_192 : memref<2048xf32, #tpu.memory_space<hbm>>) dst(%arg9 : memref<2048xf32, #tpu.memory_space<vmem>>)
      tpu.yield
    }) : () -> ()
    %get3A = arith.constant 0 : index
    %get3A_21 = tpu.vector_load %arg7[%get3A] {strides = array<i32>} : memref<2048xf32, #tpu.memory_space<vmem>>, vector<16xf32>,
    %get3A_22 = arith.constant 0 : index
    %get3A_23 = tpu.vector_load %arg8[%get3A_22] {strides = array<i32>} : memref<2048xf32, #tpu.memory_space<vmem>>, vector<16xf32>,
    %get3A_24 = arith.constant 0 : index
    %get3A_25 = tpu.vector_load %arg9[%get3A_24] {strides = array<i32>} : memref<2048xf32, #tpu.memory_space<vmem>>, vector<16xf32>,
    %abs3A = math.absf %get3A_25 : vector<16xf32>
    %mul3A_26 = arith.constant 4.200000e+02 : f32
    %mul3A_27 = vector.broadcast %mul3A_26 : f32 to vector<16xf32>
    %mul3A_28 = arith.mulf %mul3A_27, %get3A_21 : vector<16xf32>
    %div3A_29 = arith.divf %mul3A_28, %abs3A : vector<16xf32>
    %add3A_30 = arith.constant 1.115000e+02 : f32
    %add3A_31 = vector.broadcast %add3A_30 : f32 to vector<16xf32>
    %add3A_32 = arith.addf %div3A_29, %add3A_31 : vector<16xf32>
    %mul3A_33 = arith.constant 4.200000e+02 : f32
    %mul3A_34 = vector.broadcast %mul3A_33 : f32 to vector<16xf32>
    %mul3A_35 = arith.mulf %mul3A_34, %get3A_23 : vector<16xf32>
    %div3A_36 = arith.divf %mul3A_35, %abs3A : vector<16xf32>
    %add3A_37 = arith.constant 1.115000e+02 : f32
    %add3A_38 = vector.broadcast %add3A_37 : f32 to vector<16xf32>
    %add3A_39 = arith.addf %div3A_36, %add3A_38 : vector<16xf32>
    %jit3A_40 = arith.constant 0.000000e+00 : f32
    %jit3A_41 = arith.constant 2.230000e+02 : f32
    %max3A = vector.broadcast %jit3A_40 : f32 to vector<16xf32>
    %max3A_42 = arith.maximumf %max3A, %add3A_32 : vector<16xf32>
    %min3A = vector.broadcast %jit3A_41 : f32 to vector<16xf32>
    %min3A_43 = arith.minimumf %min3A, %max3A_42 : vector<16xf32>
    %jit3A_44 = arith.constant 0.000000e+00 : f32
    %jit3A_45 = arith.constant 2.230000e+02 : f32
    %max3A_46 = vector.broadcast %jit3A_44 : f32 to vector<16xf32>
    %max3A_47 = arith.maximumf %max3A_46, %add3A_39 : vector<16xf32>
    %min3A_48 = vector.broadcast %jit3A_45 : f32 to vector<16xf32>
    %min3A_49 = arith.minimumf %min3A_48, %max3A_47 : vector<16xf32>
    %div3A_50 = arith.constant 4.0545454 : f32
    %div3A_51 = vector.broadcast %div3A_50 : f32 to vector<16xf32>
    %div3A_52 = arith.divf %min3A_43, %div3A_51 : vector<16xf32>
    %div3A_53 = arith.constant 4.0545454 : f32
    %div3A_54 = vector.broadcast %div3A_53 : f32 to vector<16xf32>
    %div3A_55 = arith.divf %min3A_49, %div3A_54 : vector<16xf32>
    %convert_element_type3A = arith.fptosi %div3A_52 : vector<16xf32> to vector<16xi32>
    %convert_element_type3A_56 = arith.fptosi %div3A_55 : vector<16xf32> to vector<16xi32>
    %convert_element_type3A_57 = arith.sitofp %convert_element_type3A : vector<16xi32> to vector<16xf32>
    %convert_element_type3A_58 = arith.sitofp %convert_element_type3A_56 : vector<16xi32> to vector<16xf32>
    %gt3A = arith.cmpf ogt, %div3A_52, %convert_element_type3A_57 : vector<16xf32>
    %jit3A_59 = arith.constant 1 : i32
    %jit3A_60 = arith.constant 0 : i32
    %broadcast_in_dim3A = vector.broadcast %jit3A_59 : i32 to vector<16xi32>
    %broadcast_in_dim3A_61 = vector.broadcast %jit3A_60 : i32 to vector<16xi32>
    %select_n3A_62 = arith.select %gt3A, %broadcast_in_dim3A, %broadcast_in_dim3A_61 : vector<16xi1>, vector<16xi32>
    %add3A_63 = arith.addi %convert_element_type3A, %select_n3A_62 : vector<16xi32>
    %gt3A_64 = arith.cmpf ogt, %div3A_55, %convert_element_type3A_58 : vector<16xf32>
    %jit3A_65 = arith.constant 1 : i32
    %jit3A_66 = arith.constant 0 : i32
    %broadcast_in_dim3A_67 = vector.broadcast %jit3A_65 : i32 to vector<16xi32>
    %broadcast_in_dim3A_68 = vector.broadcast %jit3A_66 : i32 to vector<16xi32>
    %select_n3A_69 = arith.select %gt3A_64, %broadcast_in_dim3A_67, %broadcast_in_dim3A_68 : vector<16xi1>, vector<16xi32>
    %add3A_70 = arith.addi %convert_element_type3A_56, %select_n3A_69 : vector<16xi32>
    %convert_element_type3A_71 = arith.sitofp %add3A_63 : vector<16xi32> to vector<16xf32>
    %convert_element_type3A_72 = arith.sitofp %add3A_70 : vector<16xi32> to vector<16xf32>
    %sub3A_73 = arith.subf %convert_element_type3A_71, %div3A_52 : vector<16xf32>
    %sub3A_74 = arith.subf %div3A_52, %convert_element_type3A_57 : vector<16xf32>
    %sub3A_75 = arith.subf %convert_element_type3A_72, %div3A_55 : vector<16xf32>
    %sub3A_76 = arith.subf %div3A_55, %convert_element_type3A_58 : vector<16xf32>
    %mul3A_77 = arith.mulf %sub3A_73, %sub3A_75 : vector<16xf32>
    %swap3A = arith.constant 0 : index
    %swap3A_78 = tpu.vector_load %arg18[%swap3A] {strides = array<i32>} : memref<64xf32, #tpu.memory_space<vmem>>, vector<16xf32>,
    tpu.vector_store %arg18[%swap3A], %mul3A_77 {strides = array<i32>} : memref<64xf32, #tpu.memory_space<vmem>>, vector<16xf32>,
    %mul3A_79 = arith.mulf %sub3A_73, %sub3A_76 : vector<16xf32>
    %swap3A_80 = arith.constant 16 : index
    %swap3A_81 = tpu.vector_load %arg18[%swap3A_80] {strides = array<i32>} : memref<64xf32, #tpu.memory_space<vmem>>, vector<16xf32>,
    tpu.vector_store %arg18[%swap3A_80], %mul3A_79 {strides = array<i32>} : memref<64xf32, #tpu.memory_space<vmem>>, vector<16xf32>,
    %mul3A_82 = arith.mulf %sub3A_74, %sub3A_75 : vector<16xf32>
    %swap3A_83 = arith.constant 32 : index
    %swap3A_84 = tpu.vector_load %arg18[%swap3A_83] {strides = array<i32>} : memref<64xf32, #tpu.memory_space<vmem>>, vector<16xf32>,
    tpu.vector_store %arg18[%swap3A_83], %mul3A_82 {strides = array<i32>} : memref<64xf32, #tpu.memory_space<vmem>>, vector<16xf32>,
    %mul3A_85 = arith.mulf %sub3A_74, %sub3A_76 : vector<16xf32>
    %swap3A_86 = arith.constant 48 : index
    %swap3A_87 = tpu.vector_load %arg18[%swap3A_86] {strides = array<i32>} : memref<64xf32, #tpu.memory_space<vmem>>, vector<16xf32>,
    tpu.vector_store %arg18[%swap3A_86], %mul3A_85 {strides = array<i32>} : memref<64xf32, #tpu.memory_space<vmem>>, vector<16xf32>,
    %mul3A_88 = arith.constant 56 : i32
    %mul3A_89 = vector.broadcast %mul3A_88 : i32 to vector<16xi32>
    %mul3A_90 = arith.muli %convert_element_type3A, %mul3A_89 : vector<16xi32>
    %add3A_91 = vector.broadcast %mul3A_20 : i32 to vector<16xi32>
    %add3A_92 = arith.addi %add3A_91, %mul3A_90 : vector<16xi32>
    %add3A_93 = arith.addi %add3A_92, %convert_element_type3A_56 : vector<16xi32>
    %mul3A_94 = arith.constant 56 : i32
    %mul3A_95 = vector.broadcast %mul3A_94 : i32 to vector<16xi32>
    %mul3A_96 = arith.muli %convert_element_type3A, %mul3A_95 : vector<16xi32>
    %add3A_97 = vector.broadcast %mul3A_20 : i32 to vector<16xi32>
    %add3A_98 = arith.addi %add3A_97, %mul3A_96 : vector<16xi32>
    %add3A_99 = arith.addi %add3A_98, %add3A_70 : vector<16xi32>
    %mul3A_100 = arith.constant 56 : i32
    %mul3A_101 = vector.broadcast %mul3A_100 : i32 to vector<16xi32>
    %mul3A_102 = arith.muli %add3A_63, %mul3A_101 : vector<16xi32>
    %add3A_103 = vector.broadcast %mul3A_20 : i32 to vector<16xi32>
    %add3A_104 = arith.addi %add3A_103, %mul3A_102 : vector<16xi32>
    %add3A_105 = arith.addi %add3A_104, %convert_element_type3A_56 : vector<16xi32>
    %mul3A_106 = arith.constant 56 : i32
    %mul3A_107 = vector.broadcast %mul3A_106 : i32 to vector<16xi32>
    %mul3A_108 = arith.muli %add3A_63, %mul3A_107 : vector<16xi32>
    %add3A_109 = vector.broadcast %mul3A_20 : i32 to vector<16xi32>
    %add3A_110 = arith.addi %add3A_109, %mul3A_108 : vector<16xi32>
    %add3A_111 = arith.addi %add3A_110, %add3A_70 : vector<16xi32>
    %add3A_112 = arith.constant 0 : i32
    %add3A_113 = vector.broadcast %add3A_112 : i32 to vector<16xi32>
    %add3A_114 = arith.addi %add3A_93, %add3A_113 : vector<16xi32>
    %swap3A_115 = arith.constant 0 : index
    %swap3A_116 = tpu.vector_load %arg10[%swap3A_115] {strides = array<i32>} : memref<128xi32, #tpu.memory_space<vmem>>, vector<16xi32>,
    tpu.vector_store %arg10[%swap3A_115], %add3A_114 {strides = array<i32>} : memref<128xi32, #tpu.memory_space<vmem>>, vector<16xi32>,
    %add3A_117 = arith.constant 0 : i32
    %add3A_118 = vector.broadcast %add3A_117 : i32 to vector<16xi32>
    %add3A_119 = arith.addi %add3A_99, %add3A_118 : vector<16xi32>
    %swap3A_120 = arith.constant 16 : index
    %swap3A_121 = tpu.vector_load %arg10[%swap3A_120] {strides = array<i32>} : memref<128xi32, #tpu.memory_space<vmem>>, vector<16xi32>,
    tpu.vector_store %arg10[%swap3A_120], %add3A_119 {strides = array<i32>} : memref<128xi32, #tpu.memory_space<vmem>>, vector<16xi32>,
    %add3A_122 = arith.constant 0 : i32
    %add3A_123 = vector.broadcast %add3A_122 : i32 to vector<16xi32>
    %add3A_124 = arith.addi %add3A_105, %add3A_123 : vector<16xi32>
    %swap3A_125 = arith.constant 32 : index
    %swap3A_126 = tpu.vector_load %arg10[%swap3A_125] {strides = array<i32>} : memref<128xi32, #tpu.memory_space<vmem>>, vector<16xi32>,
    tpu.vector_store %arg10[%swap3A_125], %add3A_124 {strides = array<i32>} : memref<128xi32, #tpu.memory_space<vmem>>, vector<16xi32>,
    %add3A_127 = arith.constant 0 : i32
    %add3A_128 = vector.broadcast %add3A_127 : i32 to vector<16xi32>
    %add3A_129 = arith.addi %add3A_111, %add3A_128 : vector<16xi32>
    %swap3A_130 = arith.constant 48 : index
    %swap3A_131 = tpu.vector_load %arg10[%swap3A_130] {strides = array<i32>} : memref<128xi32, #tpu.memory_space<vmem>>, vector<16xi32>,
    tpu.vector_store %arg10[%swap3A_130], %add3A_129 {strides = array<i32>} : memref<128xi32, #tpu.memory_space<vmem>>, vector<16xi32>,
    %add3A_132 = arith.constant 50176 : i32
    %add3A_133 = vector.broadcast %add3A_132 : i32 to vector<16xi32>
    %add3A_134 = arith.addi %add3A_93, %add3A_133 : vector<16xi32>
    %swap3A_135 = arith.constant 64 : index
    %swap3A_136 = tpu.vector_load %arg10[%swap3A_135] {strides = array<i32>} : memref<128xi32, #tpu.memory_space<vmem>>, vector<16xi32>,
    tpu.vector_store %arg10[%swap3A_135], %add3A_134 {strides = array<i32>} : memref<128xi32, #tpu.memory_space<vmem>>, vector<16xi32>,
    %add3A_137 = arith.constant 50176 : i32
    %add3A_138 = vector.broadcast %add3A_137 : i32 to vector<16xi32>
    %add3A_139 = arith.addi %add3A_99, %add3A_138 : vector<16xi32>
    %swap3A_140 = arith.constant 80 : index
    %swap3A_141 = tpu.vector_load %arg10[%swap3A_140] {strides = array<i32>} : memref<128xi32, #tpu.memory_space<vmem>>, vector<16xi32>,
    tpu.vector_store %arg10[%swap3A_140], %add3A_139 {strides = array<i32>} : memref<128xi32, #tpu.memory_space<vmem>>, vector<16xi32>,
    %add3A_142 = arith.constant 50176 : i32
    %add3A_143 = vector.broadcast %add3A_142 : i32 to vector<16xi32>
    %add3A_144 = arith.addi %add3A_105, %add3A_143 : vector<16xi32>
    %swap3A_145 = arith.constant 96 : index
    %swap3A_146 = tpu.vector_load %arg10[%swap3A_145] {strides = array<i32>} : memref<128xi32, #tpu.memory_space<vmem>>, vector<16xi32>,
    tpu.vector_store %arg10[%swap3A_145], %add3A_144 {strides = array<i32>} : memref<128xi32, #tpu.memory_space<vmem>>, vector<16xi32>,
    %add3A_147 = arith.constant 50176 : i32
    %add3A_148 = vector.broadcast %add3A_147 : i32 to vector<16xi32>
    %add3A_149 = arith.addi %add3A_111, %add3A_148 : vector<16xi32>
    %swap3A_150 = arith.constant 112 : index
    %swap3A_151 = tpu.vector_load %arg10[%swap3A_150] {strides = array<i32>} : memref<128xi32, #tpu.memory_space<vmem>>, vector<16xi32>,
    tpu.vector_store %arg10[%swap3A_150], %add3A_149 {strides = array<i32>} : memref<128xi32, #tpu.memory_space<vmem>>, vector<16xi32>,
    %add3A_152 = arith.constant 100352 : i32
    %add3A_153 = vector.broadcast %add3A_152 : i32 to vector<16xi32>
    %add3A_154 = arith.addi %add3A_93, %add3A_153 : vector<16xi32>
    %swap3A_155 = arith.constant 0 : index
    %swap3A_156 = tpu.vector_load %arg11[%swap3A_155] {strides = array<i32>} : memref<64xi32, #tpu.memory_space<vmem>>, vector<16xi32>,
    tpu.vector_store %arg11[%swap3A_155], %add3A_154 {strides = array<i32>} : memref<64xi32, #tpu.memory_space<vmem>>, vector<16xi32>,
    %add3A_157 = arith.constant 100352 : i32
    %add3A_158 = vector.broadcast %add3A_157 : i32 to vector<16xi32>
    %add3A_159 = arith.addi %add3A_99, %add3A_158 : vector<16xi32>
    %swap3A_160 = arith.constant 16 : index
    %swap3A_161 = tpu.vector_load %arg11[%swap3A_160] {strides = array<i32>} : memref<64xi32, #tpu.memory_space<vmem>>, vector<16xi32>,
    tpu.vector_store %arg11[%swap3A_160], %add3A_159 {strides = array<i32>} : memref<64xi32, #tpu.memory_space<vmem>>, vector<16xi32>,
    %add3A_162 = arith.constant 100352 : i32
    %add3A_163 = vector.broadcast %add3A_162 : i32 to vector<16xi32>
    %add3A_164 = arith.addi %add3A_105, %add3A_163 : vector<16xi32>
    %swap3A_165 = arith.constant 32 : index
    %swap3A_166 = tpu.vector_load %arg11[%swap3A_165] {strides = array<i32>} : memref<64xi32, #tpu.memory_space<vmem>>, vector<16xi32>,
    tpu.vector_store %arg11[%swap3A_165], %add3A_164 {strides = array<i32>} : memref<64xi32, #tpu.memory_space<vmem>>, vector<16xi32>,
    %add3A_167 = arith.constant 100352 : i32
    %add3A_168 = vector.broadcast %add3A_167 : i32 to vector<16xi32>
    %add3A_169 = arith.addi %add3A_111, %add3A_168 : vector<16xi32>
    %swap3A_170 = arith.constant 48 : index
    %swap3A_171 = tpu.vector_load %arg11[%swap3A_170] {strides = array<i32>} : memref<64xi32, #tpu.memory_space<vmem>>, vector<16xi32>,
    tpu.vector_store %arg11[%swap3A_170], %add3A_169 {strides = array<i32>} : memref<64xi32, #tpu.memory_space<vmem>>, vector<16xi32>,
    %dma_start3A = arith.constant 0 : i32
    %dma_start3A_172 = arith.constant 0 : i32
    %dma_start3A_173 = tpu.memref_slice %arg2[%dma_start3A, %dma_start3A_172] : memref<150528x192xbf16, #tpu.memory_space<hbm>> -> memref<150528x192xbf16, #tpu.memory_space<hbm>>
    tpu.enqueue_indirect_dma source(%dma_start3A_173 : memref<150528x192xbf16, #tpu.memory_space<hbm>>) target(%arg14 : memref<128x192xbf16, #tpu.memory_space<vmem>>) offsets(%arg10 : memref<128xi32, #tpu.memory_space<vmem>>) semaphore(%arg22 : memref<!tpu.dma_semaphore, #tpu.memory_space<semaphore_mem>>)
    %dma_start3A_174 = arith.constant 0 : i32
    %dma_start3A_175 = arith.constant 0 : i32
    %dma_start3A_176 = tpu.memref_slice %arg2[%dma_start3A_174, %dma_start3A_175] : memref<150528x192xbf16, #tpu.memory_space<hbm>> -> memref<150528x192xbf16, #tpu.memory_space<hbm>>
    tpu.enqueue_indirect_dma source(%dma_start3A_176 : memref<150528x192xbf16, #tpu.memory_space<hbm>>) target(%arg15 : memref<64x192xbf16, #tpu.memory_space<vmem>>) offsets(%arg11 : memref<64xi32, #tpu.memory_space<vmem>>) semaphore(%arg22 : memref<!tpu.dma_semaphore, #tpu.memory_space<semaphore_mem>>)
    %scan3A = arith.constant 0 : i32
    %scan3A_177 = arith.constant 0 : i32
    %scan3A_178 = arith.constant 64 : i32
    %scan3A_179 = arith.addi %scan3A_177, %scan3A_178 : i32
    %scan3A_180 = arith.constant 1 : i32
    scf.for %scan3A_189 = %scan3A_177 to %scan3A_179 step %scan3A_180  : i32 {
      %gt3A_190 = arith.constant 0 : i32
      %gt3A_191 = arith.cmpi sgt, %scan3A_189, %gt3A_190 : i32
      %convert_element_type3A_192 = arith.extui %gt3A_191 : i1 to i32
      %cond3A = arith.constant 0 : i32
      %cond3A_193 = arith.cmpi ne, %convert_element_type3A_192, %cond3A : i32
      scf.if %cond3A_193 {
        %dma_wait3A_425 = arith.constant 0 : i32
        %dma_wait3A_426 = tpu.memref_slice %arg3[%dma_wait3A_425] : memref<65536xf32, #tpu.memory_space<hbm>> -> memref<16xf32, #tpu.memory_space<hbm>>
        %dma_wait3A_427 = arith.constant 0 : i32
        %dma_wait3A_428 = tpu.memref_slice %arg3[%dma_wait3A_427] : memref<65536xf32, #tpu.memory_space<hbm>> -> memref<16xf32, #tpu.memory_space<hbm>>
        tpu.wait_dma2 semaphore(%arg24 : memref<!tpu.dma_semaphore, #tpu.memory_space<semaphore_mem>>) src(%dma_wait3A_428 : memref<16xf32, #tpu.memory_space<hbm>>) dst(%arg20 : memref<16x576xf32, #tpu.memory_space<vmem>>)
        %dma_wait3A_429 = arith.constant 0 : i32
        %dma_wait3A_430 = tpu.memref_slice %arg3[%dma_wait3A_429] : memref<65536xf32, #tpu.memory_space<hbm>> -> memref<16xf32, #tpu.memory_space<hbm>>
        %dma_wait3A_431 = arith.constant 0 : i32
        %dma_wait3A_432 = tpu.memref_slice %arg3[%dma_wait3A_431] : memref<65536xf32, #tpu.memory_space<hbm>> -> memref<16xf32, #tpu.memory_space<hbm>>
        tpu.wait_dma2 semaphore(%arg24 : memref<!tpu.dma_semaphore, #tpu.memory_space<semaphore_mem>>) src(%dma_wait3A_432 : memref<16xf32, #tpu.memory_space<hbm>>) dst(%arg21 : memref<16x576xf32, #tpu.memory_space<vmem>>)
      } else {
      }
      %mul3A_194 = arith.constant 2 : i32
      %mul3A_195 = arith.muli %mul3A_194, %scan3A_189 : i32
      %add3A_196 = arith.constant 1 : i32
      %add3A_197 = arith.addi %mul3A_195, %add3A_196 : i32
      %mul3A_198 = arith.constant 16 : i32
      %mul3A_199 = arith.muli %add3A_197, %mul3A_198 : i32
      %get3A_200 = arith.index_cast %mul3A_199 : i32 to index
      %get3A_201 = tpu.vector_load %arg7[%get3A_200] {strides = array<i32>} : memref<2048xf32, #tpu.memory_space<vmem>>, vector<16xf32>,
      %get3A_202 = arith.index_cast %mul3A_199 : i32 to index
      %get3A_203 = tpu.vector_load %arg8[%get3A_202] {strides = array<i32>} : memref<2048xf32, #tpu.memory_space<vmem>>, vector<16xf32>,
      %get3A_204 = arith.index_cast %mul3A_199 : i32 to index
      %get3A_205 = tpu.vector_load %arg9[%get3A_204] {strides = array<i32>} : memref<2048xf32, #tpu.memory_space<vmem>>, vector<16xf32>,
      %abs3A_206 = math.absf %get3A_205 : vector<16xf32>
      %mul3A_207 = arith.constant 4.200000e+02 : f32
      %mul3A_208 = vector.broadcast %mul3A_207 : f32 to vector<16xf32>
      %mul3A_209 = arith.mulf %mul3A_208, %get3A_201 : vector<16xf32>
      %div3A_210 = arith.divf %mul3A_209, %abs3A_206 : vector<16xf32>
      %add3A_211 = arith.constant 1.115000e+02 : f32
      %add3A_212 = vector.broadcast %add3A_211 : f32 to vector<16xf32>
      %add3A_213 = arith.addf %div3A_210, %add3A_212 : vector<16xf32>
      %mul3A_214 = arith.constant 4.200000e+02 : f32
      %mul3A_215 = vector.broadcast %mul3A_214 : f32 to vector<16xf32>
      %mul3A_216 = arith.mulf %mul3A_215, %get3A_203 : vector<16xf32>
      %div3A_217 = arith.divf %mul3A_216, %abs3A_206 : vector<16xf32>
      %add3A_218 = arith.constant 1.115000e+02 : f32
      %add3A_219 = vector.broadcast %add3A_218 : f32 to vector<16xf32>
      %add3A_220 = arith.addf %div3A_217, %add3A_219 : vector<16xf32>
      %jit3A_221 = arith.constant 0.000000e+00 : f32
      %jit3A_222 = arith.constant 2.230000e+02 : f32
      %max3A_223 = vector.broadcast %jit3A_221 : f32 to vector<16xf32>
      %max3A_224 = arith.maximumf %max3A_223, %add3A_213 : vector<16xf32>
      %min3A_225 = vector.broadcast %jit3A_222 : f32 to vector<16xf32>
      %min3A_226 = arith.minimumf %min3A_225, %max3A_224 : vector<16xf32>
      %jit3A_227 = arith.constant 0.000000e+00 : f32
      %jit3A_228 = arith.constant 2.230000e+02 : f32
      %max3A_229 = vector.broadcast %jit3A_227 : f32 to vector<16xf32>
      %max3A_230 = arith.maximumf %max3A_229, %add3A_220 : vector<16xf32>
      %min3A_231 = vector.broadcast %jit3A_228 : f32 to vector<16xf32>
      %min3A_232 = arith.minimumf %min3A_231, %max3A_230 : vector<16xf32>
      %div3A_233 = arith.constant 4.0545454 : f32
      %div3A_234 = vector.broadcast %div3A_233 : f32 to vector<16xf32>
      %div3A_235 = arith.divf %min3A_226, %div3A_234 : vector<16xf32>
      %div3A_236 = arith.constant 4.0545454 : f32
      %div3A_237 = vector.broadcast %div3A_236 : f32 to vector<16xf32>
      %div3A_238 = arith.divf %min3A_232, %div3A_237 : vector<16xf32>
      %convert_element_type3A_239 = arith.fptosi %div3A_235 : vector<16xf32> to vector<16xi32>
      %convert_element_type3A_240 = arith.fptosi %div3A_238 : vector<16xf32> to vector<16xi32>
      %convert_element_type3A_241 = arith.sitofp %convert_element_type3A_239 : vector<16xi32> to vector<16xf32>
      %convert_element_type3A_242 = arith.sitofp %convert_element_type3A_240 : vector<16xi32> to vector<16xf32>
      %gt3A_243 = arith.cmpf ogt, %div3A_235, %convert_element_type3A_241 : vector<16xf32>
      %jit3A_244 = arith.constant 1 : i32
      %jit3A_245 = arith.constant 0 : i32
      %broadcast_in_dim3A_246 = vector.broadcast %jit3A_244 : i32 to vector<16xi32>
      %broadcast_in_dim3A_247 = vector.broadcast %jit3A_245 : i32 to vector<16xi32>
      %select_n3A_248 = arith.select %gt3A_243, %broadcast_in_dim3A_246, %broadcast_in_dim3A_247 : vector<16xi1>, vector<16xi32>
      %add3A_249 = arith.addi %convert_element_type3A_239, %select_n3A_248 : vector<16xi32>
      %gt3A_250 = arith.cmpf ogt, %div3A_238, %convert_element_type3A_242 : vector<16xf32>
      %jit3A_251 = arith.constant 1 : i32
      %jit3A_252 = arith.constant 0 : i32
      %broadcast_in_dim3A_253 = vector.broadcast %jit3A_251 : i32 to vector<16xi32>
      %broadcast_in_dim3A_254 = vector.broadcast %jit3A_252 : i32 to vector<16xi32>
      %select_n3A_255 = arith.select %gt3A_250, %broadcast_in_dim3A_253, %broadcast_in_dim3A_254 : vector<16xi1>, vector<16xi32>
      %add3A_256 = arith.addi %convert_element_type3A_240, %select_n3A_255 : vector<16xi32>
      %convert_element_type3A_257 = arith.sitofp %add3A_249 : vector<16xi32> to vector<16xf32>
      %convert_element_type3A_258 = arith.sitofp %add3A_256 : vector<16xi32> to vector<16xf32>
      %sub3A_259 = arith.subf %convert_element_type3A_257, %div3A_235 : vector<16xf32>
      %sub3A_260 = arith.subf %div3A_235, %convert_element_type3A_241 : vector<16xf32>
      %sub3A_261 = arith.subf %convert_element_type3A_258, %div3A_238 : vector<16xf32>
      %sub3A_262 = arith.subf %div3A_238, %convert_element_type3A_242 : vector<16xf32>
      %mul3A_263 = arith.mulf %sub3A_259, %sub3A_261 : vector<16xf32>
      %swap3A_264 = arith.constant 0 : index
      %swap3A_265 = tpu.vector_load %arg19[%swap3A_264] {strides = array<i32>} : memref<64xf32, #tpu.memory_space<vmem>>, vector<16xf32>,
      tpu.vector_store %arg19[%swap3A_264], %mul3A_263 {strides = array<i32>} : memref<64xf32, #tpu.memory_space<vmem>>, vector<16xf32>,
      %mul3A_266 = arith.mulf %sub3A_259, %sub3A_262 : vector<16xf32>
      %swap3A_267 = arith.constant 16 : index
      %swap3A_268 = tpu.vector_load %arg19[%swap3A_267] {strides = array<i32>} : memref<64xf32, #tpu.memory_space<vmem>>, vector<16xf32>,
      tpu.vector_store %arg19[%swap3A_267], %mul3A_266 {strides = array<i32>} : memref<64xf32, #tpu.memory_space<vmem>>, vector<16xf32>,
      %mul3A_269 = arith.mulf %sub3A_260, %sub3A_261 : vector<16xf32>
      %swap3A_270 = arith.constant 32 : index
      %swap3A_271 = tpu.vector_load %arg19[%swap3A_270] {strides = array<i32>} : memref<64xf32, #tpu.memory_space<vmem>>, vector<16xf32>,
      tpu.vector_store %arg19[%swap3A_270], %mul3A_269 {strides = array<i32>} : memref<64xf32, #tpu.memory_space<vmem>>, vector<16xf32>,
      %mul3A_272 = arith.mulf %sub3A_260, %sub3A_262 : vector<16xf32>
      %swap3A_273 = arith.constant 48 : index
      %swap3A_274 = tpu.vector_load %arg19[%swap3A_273] {strides = array<i32>} : memref<64xf32, #tpu.memory_space<vmem>>, vector<16xf32>,
      tpu.vector_store %arg19[%swap3A_273], %mul3A_272 {strides = array<i32>} : memref<64xf32, #tpu.memory_space<vmem>>, vector<16xf32>,
      %mul3A_275 = arith.constant 56 : i32
      %mul3A_276 = vector.broadcast %mul3A_275 : i32 to vector<16xi32>
      %mul3A_277 = arith.muli %convert_element_type3A_239, %mul3A_276 : vector<16xi32>
      %add3A_278 = vector.broadcast %mul3A_20 : i32 to vector<16xi32>
      %add3A_279 = arith.addi %add3A_278, %mul3A_277 : vector<16xi32>
      %add3A_280 = arith.addi %add3A_279, %convert_element_type3A_240 : vector<16xi32>
      %mul3A_281 = arith.constant 56 : i32
      %mul3A_282 = vector.broadcast %mul3A_281 : i32 to vector<16xi32>
      %mul3A_283 = arith.muli %convert_element_type3A_239, %mul3A_282 : vector<16xi32>
      %add3A_284 = vector.broadcast %mul3A_20 : i32 to vector<16xi32>
      %add3A_285 = arith.addi %add3A_284, %mul3A_283 : vector<16xi32>
      %add3A_286 = arith.addi %add3A_285, %add3A_256 : vector<16xi32>
      %mul3A_287 = arith.constant 56 : i32
      %mul3A_288 = vector.broadcast %mul3A_287 : i32 to vector<16xi32>
      %mul3A_289 = arith.muli %add3A_249, %mul3A_288 : vector<16xi32>
      %add3A_290 = vector.broadcast %mul3A_20 : i32 to vector<16xi32>
      %add3A_291 = arith.addi %add3A_290, %mul3A_289 : vector<16xi32>
      %add3A_292 = arith.addi %add3A_291, %convert_element_type3A_240 : vector<16xi32>
      %mul3A_293 = arith.constant 56 : i32
      %mul3A_294 = vector.broadcast %mul3A_293 : i32 to vector<16xi32>
      %mul3A_295 = arith.muli %add3A_249, %mul3A_294 : vector<16xi32>
      %add3A_296 = vector.broadcast %mul3A_20 : i32 to vector<16xi32>
      %add3A_297 = arith.addi %add3A_296, %mul3A_295 : vector<16xi32>
      %add3A_298 = arith.addi %add3A_297, %add3A_256 : vector<16xi32>
      %add3A_299 = arith.constant 0 : i32
      %add3A_300 = vector.broadcast %add3A_299 : i32 to vector<16xi32>
      %add3A_301 = arith.addi %add3A_280, %add3A_300 : vector<16xi32>
      %swap3A_302 = arith.constant 0 : index
      %swap3A_303 = tpu.vector_load %arg12[%swap3A_302] {strides = array<i32>} : memref<128xi32, #tpu.memory_space<vmem>>, vector<16xi32>,
      tpu.vector_store %arg12[%swap3A_302], %add3A_301 {strides = array<i32>} : memref<128xi32, #tpu.memory_space<vmem>>, vector<16xi32>,
      %add3A_304 = arith.constant 0 : i32
      %add3A_305 = vector.broadcast %add3A_304 : i32 to vector<16xi32>
      %add3A_306 = arith.addi %add3A_286, %add3A_305 : vector<16xi32>
      %swap3A_307 = arith.constant 16 : index
      %swap3A_308 = tpu.vector_load %arg12[%swap3A_307] {strides = array<i32>} : memref<128xi32, #tpu.memory_space<vmem>>, vector<16xi32>,
      tpu.vector_store %arg12[%swap3A_307], %add3A_306 {strides = array<i32>} : memref<128xi32, #tpu.memory_space<vmem>>, vector<16xi32>,
      %add3A_309 = arith.constant 0 : i32
      %add3A_310 = vector.broadcast %add3A_309 : i32 to vector<16xi32>
      %add3A_311 = arith.addi %add3A_292, %add3A_310 : vector<16xi32>
      %swap3A_312 = arith.constant 32 : index
      %swap3A_313 = tpu.vector_load %arg12[%swap3A_312] {strides = array<i32>} : memref<128xi32, #tpu.memory_space<vmem>>, vector<16xi32>,
      tpu.vector_store %arg12[%swap3A_312], %add3A_311 {strides = array<i32>} : memref<128xi32, #tpu.memory_space<vmem>>, vector<16xi32>,
      %add3A_314 = arith.constant 0 : i32
      %add3A_315 = vector.broadcast %add3A_314 : i32 to vector<16xi32>
      %add3A_316 = arith.addi %add3A_298, %add3A_315 : vector<16xi32>
      %swap3A_317 = arith.constant 48 : index
      %swap3A_318 = tpu.vector_load %arg12[%swap3A_317] {strides = array<i32>} : memref<128xi32, #tpu.memory_space<vmem>>, vector<16xi32>,
      tpu.vector_store %arg12[%swap3A_317], %add3A_316 {strides = array<i32>} : memref<128xi32, #tpu.memory_space<vmem>>, vector<16xi32>,
      %add3A_319 = arith.constant 50176 : i32
      %add3A_320 = vector.broadcast %add3A_319 : i32 to vector<16xi32>
      %add3A_321 = arith.addi %add3A_280, %add3A_320 : vector<16xi32>
      %swap3A_322 = arith.constant 64 : index
      %swap3A_323 = tpu.vector_load %arg12[%swap3A_322] {strides = array<i32>} : memref<128xi32, #tpu.memory_space<vmem>>, vector<16xi32>,
      tpu.vector_store %arg12[%swap3A_322], %add3A_321 {strides = array<i32>} : memref<128xi32, #tpu.memory_space<vmem>>, vector<16xi32>,
      %add3A_324 = arith.constant 50176 : i32
      %add3A_325 = vector.broadcast %add3A_324 : i32 to vector<16xi32>
      %add3A_326 = arith.addi %add3A_286, %add3A_325 : vector<16xi32>
      %swap3A_327 = arith.constant 80 : index
      %swap3A_328 = tpu.vector_load %arg12[%swap3A_327] {strides = array<i32>} : memref<128xi32, #tpu.memory_space<vmem>>, vector<16xi32>,
      tpu.vector_store %arg12[%swap3A_327], %add3A_326 {strides = array<i32>} : memref<128xi32, #tpu.memory_space<vmem>>, vector<16xi32>,
      %add3A_329 = arith.constant 50176 : i32
      %add3A_330 = vector.broadcast %add3A_329 : i32 to vector<16xi32>
      %add3A_331 = arith.addi %add3A_292, %add3A_330 : vector<16xi32>
      %swap3A_332 = arith.constant 96 : index
      %swap3A_333 = tpu.vector_load %arg12[%swap3A_332] {strides = array<i32>} : memref<128xi32, #tpu.memory_space<vmem>>, vector<16xi32>,
      tpu.vector_store %arg12[%swap3A_332], %add3A_331 {strides = array<i32>} : memref<128xi32, #tpu.memory_space<vmem>>, vector<16xi32>,
      %add3A_334 = arith.constant 50176 : i32
      %add3A_335 = vector.broadcast %add3A_334 : i32 to vector<16xi32>
      %add3A_336 = arith.addi %add3A_298, %add3A_335 : vector<16xi32>
      %swap3A_337 = arith.constant 112 : index
      %swap3A_338 = tpu.vector_load %arg12[%swap3A_337] {strides = array<i32>} : memref<128xi32, #tpu.memory_space<vmem>>, vector<16xi32>,
      tpu.vector_store %arg12[%swap3A_337], %add3A_336 {strides = array<i32>} : memref<128xi32, #tpu.memory_space<vmem>>, vector<16xi32>,
      %add3A_339 = arith.constant 100352 : i32
      %add3A_340 = vector.broadcast %add3A_339 : i32 to vector<16xi32>
      %add3A_341 = arith.addi %add3A_280, %add3A_340 : vector<16xi32>
      %swap3A_342 = arith.constant 0 : index
      %swap3A_343 = tpu.vector_load %arg13[%swap3A_342] {strides = array<i32>} : memref<64xi32, #tpu.memory_space<vmem>>, vector<16xi32>,
      tpu.vector_store %arg13[%swap3A_342], %add3A_341 {strides = array<i32>} : memref<64xi32, #tpu.memory_space<vmem>>, vector<16xi32>,
      %add3A_344 = arith.constant 100352 : i32
      %add3A_345 = vector.broadcast %add3A_344 : i32 to vector<16xi32>
      %add3A_346 = arith.addi %add3A_286, %add3A_345 : vector<16xi32>
      %swap3A_347 = arith.constant 16 : index
      %swap3A_348 = tpu.vector_load %arg13[%swap3A_347] {strides = array<i32>} : memref<64xi32, #tpu.memory_space<vmem>>, vector<16xi32>,
      tpu.vector_store %arg13[%swap3A_347], %add3A_346 {strides = array<i32>} : memref<64xi32, #tpu.memory_space<vmem>>, vector<16xi32>,
      %add3A_349 = arith.constant 100352 : i32
      %add3A_350 = vector.broadcast %add3A_349 : i32 to vector<16xi32>
      %add3A_351 = arith.addi %add3A_292, %add3A_350 : vector<16xi32>
      %swap3A_352 = arith.constant 32 : index
      %swap3A_353 = tpu.vector_load %arg13[%swap3A_352] {strides = array<i32>} : memref<64xi32, #tpu.memory_space<vmem>>, vector<16xi32>,
      tpu.vector_store %arg13[%swap3A_352], %add3A_351 {strides = array<i32>} : memref<64xi32, #tpu.memory_space<vmem>>, vector<16xi32>,
      %add3A_354 = arith.constant 100352 : i32
      %add3A_355 = vector.broadcast %add3A_354 : i32 to vector<16xi32>
      %add3A_356 = arith.addi %add3A_298, %add3A_355 : vector<16xi32>
      %swap3A_357 = arith.constant 48 : index
      %swap3A_358 = tpu.vector_load %arg13[%swap3A_357] {strides = array<i32>} : memref<64xi32, #tpu.memory_space<vmem>>, vector<16xi32>,
      tpu.vector_store %arg13[%swap3A_357], %add3A_356 {strides = array<i32>} : memref<64xi32, #tpu.memory_space<vmem>>, vector<16xi32>,
      %dma_start3A_359 = arith.constant 0 : i32
      %dma_start3A_360 = arith.constant 0 : i32
      %dma_start3A_361 = tpu.memref_slice %arg2[%dma_start3A_359, %dma_start3A_360] : memref<150528x192xbf16, #tpu.memory_space<hbm>> -> memref<150528x192xbf16, #tpu.memory_space<hbm>>
      tpu.enqueue_indirect_dma source(%dma_start3A_361 : memref<150528x192xbf16, #tpu.memory_space<hbm>>) target(%arg16 : memref<128x192xbf16, #tpu.memory_space<vmem>>) offsets(%arg12 : memref<128xi32, #tpu.memory_space<vmem>>) semaphore(%arg23 : memref<!tpu.dma_semaphore, #tpu.memory_space<semaphore_mem>>)
      %dma_start3A_362 = arith.constant 0 : i32
      %dma_start3A_363 = arith.constant 0 : i32
      %dma_start3A_364 = tpu.memref_slice %arg2[%dma_start3A_362, %dma_start3A_363] : memref<150528x192xbf16, #tpu.memory_space<hbm>> -> memref<150528x192xbf16, #tpu.memory_space<hbm>>
      tpu.enqueue_indirect_dma source(%dma_start3A_364 : memref<150528x192xbf16, #tpu.memory_space<hbm>>) target(%arg17 : memref<64x192xbf16, #tpu.memory_space<vmem>>) offsets(%arg13 : memref<64xi32, #tpu.memory_space<vmem>>) semaphore(%arg23 : memref<!tpu.dma_semaphore, #tpu.memory_space<semaphore_mem>>)
      %dma_wait3A_365 = arith.constant 0 : i32
      %dma_wait3A_366 = arith.constant 0 : i32
      %dma_wait3A_367 = tpu.memref_slice %arg2[%dma_wait3A_365, %dma_wait3A_366] : memref<150528x192xbf16, #tpu.memory_space<hbm>> -> memref<128x192xbf16, #tpu.memory_space<hbm>>
      %dma_wait3A_368 = arith.constant 0 : i32
      %dma_wait3A_369 = arith.constant 0 : i32
      %dma_wait3A_370 = tpu.memref_slice %arg2[%dma_wait3A_368, %dma_wait3A_369] : memref<150528x192xbf16, #tpu.memory_space<hbm>> -> memref<128x192xbf16, #tpu.memory_space<hbm>>
      tpu.wait_dma2 semaphore(%arg22 : memref<!tpu.dma_semaphore, #tpu.memory_space<semaphore_mem>>) src(%dma_wait3A_370 : memref<128x192xbf16, #tpu.memory_space<hbm>>) dst(%arg14 : memref<128x192xbf16, #tpu.memory_space<vmem>>)
      %dma_wait3A_371 = arith.constant 0 : i32
      %dma_wait3A_372 = arith.constant 0 : i32
      %dma_wait3A_373 = tpu.memref_slice %arg2[%dma_wait3A_371, %dma_wait3A_372] : memref<150528x192xbf16, #tpu.memory_space<hbm>> -> memref<64x192xbf16, #tpu.memory_space<hbm>>
      %dma_wait3A_374 = arith.constant 0 : i32
      %dma_wait3A_375 = arith.constant 0 : i32
      %dma_wait3A_376 = tpu.memref_slice %arg2[%dma_wait3A_374, %dma_wait3A_375] : memref<150528x192xbf16, #tpu.memory_space<hbm>> -> memref<64x192xbf16, #tpu.memory_space<hbm>>
      tpu.wait_dma2 semaphore(%arg22 : memref<!tpu.dma_semaphore, #tpu.memory_space<semaphore_mem>>) src(%dma_wait3A_376 : memref<64x192xbf16, #tpu.memory_space<hbm>>) dst(%arg15 : memref<64x192xbf16, #tpu.memory_space<vmem>>)
      %mul3A_377 = arith.constant 2 : i32
      %mul3A_378 = arith.muli %mul3A_377, %scan3A_189 : i32
      %scan3A_379 = arith.constant 0 : i32
      %scan3A_380 = arith.constant 0 : i32
      %scan3A_381 = arith.constant 16 : i32
      %scan3A_382 = arith.addi %scan3A_380, %scan3A_381 : i32
      %scan3A_383 = arith.constant 1 : i32
      scf.for %scan3A_425 = %scan3A_380 to %scan3A_382 step %scan3A_383  : i32 {
        %broadcast_in_dim3A_426 = arith.constant 0 : i32
        %broadcast_in_dim3A_427 = vector.broadcast %broadcast_in_dim3A_426 : i32 to vector<16xi32>
        %add3A_428 = vector.broadcast %scan3A_425 : i32 to vector<16xi32>
        %add3A_429 = arith.addi %broadcast_in_dim3A_427, %add3A_428 : vector<16xi32>
        %gather3A = tpu.vector_load_idx %arg18[%add3A_429] : memref<64xf32, #tpu.memory_space<vmem>>[vector<16xi32>], vector<16xf32>,
        %add3A_430 = arith.constant 16 : i32
        %add3A_431 = vector.broadcast %add3A_430 : i32 to vector<16xi32>
        %add3A_432 = arith.addi %add3A_429, %add3A_431 : vector<16xi32>
        %gather3A_433 = tpu.vector_load_idx %arg18[%add3A_432] : memref<64xf32, #tpu.memory_space<vmem>>[vector<16xi32>], vector<16xf32>,
        %add3A_434 = arith.constant 32 : i32
        %add3A_435 = vector.broadcast %add3A_434 : i32 to vector<16xi32>
        %add3A_436 = arith.addi %add3A_429, %add3A_435 : vector<16xi32>
        %gather3A_437 = tpu.vector_load_idx %arg18[%add3A_436] : memref<64xf32, #tpu.memory_space<vmem>>[vector<16xi32>], vector<16xf32>,
        %add3A_438 = arith.constant 48 : i32
        %add3A_439 = vector.broadcast %add3A_438 : i32 to vector<16xi32>
        %add3A_440 = arith.addi %add3A_429, %add3A_439 : vector<16xi32>
        %gather3A_441 = tpu.vector_load_idx %arg18[%add3A_440] : memref<64xf32, #tpu.memory_space<vmem>>[vector<16xi32>], vector<16xf32>,
        %iota3A = tpu.iota {dimensions = array<i32: 0>} : vector<16xi32>
        %mul3A_442 = arith.constant 2 : i32
        %mul3A_443 = vector.broadcast %mul3A_442 : i32 to vector<16xi32>
        %mul3A_444 = arith.muli %mul3A_443, %iota3A : vector<16xi32>
        %add3A_445 = arith.constant 0 : i32
        %add3A_446 = arith.addi %add3A_445, %scan3A_425 : i32
        %get3A_447 = arith.index_cast %add3A_446 : i32 to index
        %get3A_448 = arith.constant 0 : index
        %get3A_449 = tpu.vector_load %arg14[%get3A_447, %get3A_448] {strides = array<i32>} : memref<128x192xbf16, #tpu.memory_space<vmem>>, vector<32xbf16>,
        %add3A_450 = arith.constant 16 : i32
        %add3A_451 = arith.addi %add3A_450, %scan3A_425 : i32
        %get3A_452 = arith.index_cast %add3A_451 : i32 to index
        %get3A_453 = arith.constant 0 : index
        %get3A_454 = tpu.vector_load %arg14[%get3A_452, %get3A_453] {strides = array<i32>} : memref<128x192xbf16, #tpu.memory_space<vmem>>, vector<32xbf16>,
        %add3A_455 = arith.constant 32 : i32
        %add3A_456 = arith.addi %add3A_455, %scan3A_425 : i32
        %get3A_457 = arith.index_cast %add3A_456 : i32 to index
        %get3A_458 = arith.constant 0 : index
        %get3A_459 = tpu.vector_load %arg14[%get3A_457, %get3A_458] {strides = array<i32>} : memref<128x192xbf16, #tpu.memory_space<vmem>>, vector<32xbf16>,
        %add3A_460 = arith.constant 48 : i32
        %add3A_461 = arith.addi %add3A_460, %scan3A_425 : i32
        %get3A_462 = arith.index_cast %add3A_461 : i32 to index
        %get3A_463 = arith.constant 0 : index
        %get3A_464 = tpu.vector_load %arg14[%get3A_462, %get3A_463] {strides = array<i32>} : memref<128x192xbf16, #tpu.memory_space<vmem>>, vector<32xbf16>,
        %add3A_465 = arith.constant 0 : i32
        %add3A_466 = arith.addi %add3A_465, %scan3A_425 : i32
        %get3A_467 = arith.index_cast %add3A_466 : i32 to index
        %get3A_468 = arith.constant 32 : index
        %get3A_469 = tpu.vector_load %arg14[%get3A_467, %get3A_468] {strides = array<i32>} : memref<128x192xbf16, #tpu.memory_space<vmem>>, vector<32xbf16>,
        %add3A_470 = arith.constant 16 : i32
        %add3A_471 = arith.addi %add3A_470, %scan3A_425 : i32
        %get3A_472 = arith.index_cast %add3A_471 : i32 to index
        %get3A_473 = arith.constant 32 : index
        %get3A_474 = tpu.vector_load %arg14[%get3A_472, %get3A_473] {strides = array<i32>} : memref<128x192xbf16, #tpu.memory_space<vmem>>, vector<32xbf16>,
        %add3A_475 = arith.constant 32 : i32
        %add3A_476 = arith.addi %add3A_475, %scan3A_425 : i32
        %get3A_477 = arith.index_cast %add3A_476 : i32 to index
        %get3A_478 = arith.constant 32 : index
        %get3A_479 = tpu.vector_load %arg14[%get3A_477, %get3A_478] {strides = array<i32>} : memref<128x192xbf16, #tpu.memory_space<vmem>>, vector<32xbf16>,
        %add3A_480 = arith.constant 48 : i32
        %add3A_481 = arith.addi %add3A_480, %scan3A_425 : i32
        %get3A_482 = arith.index_cast %add3A_481 : i32 to index
        %get3A_483 = arith.constant 32 : index
        %get3A_484 = tpu.vector_load %arg14[%get3A_482, %get3A_483] {strides = array<i32>} : memref<128x192xbf16, #tpu.memory_space<vmem>>, vector<32xbf16>,
        %unpack3A = tpu.unpack_subelements %get3A_449, 0 {pack_format = #tpu.pack_format<interleaved>} : vector<32xbf16> -> vector<16xf32>
        %unpack3A_485 = tpu.unpack_subelements %get3A_449, 1 {pack_format = #tpu.pack_format<interleaved>} : vector<32xbf16> -> vector<16xf32>
        %unpack3A_486 = tpu.unpack_subelements %get3A_454, 0 {pack_format = #tpu.pack_format<interleaved>} : vector<32xbf16> -> vector<16xf32>
        %unpack3A_487 = tpu.unpack_subelements %get3A_454, 1 {pack_format = #tpu.pack_format<interleaved>} : vector<32xbf16> -> vector<16xf32>
        %unpack3A_488 = tpu.unpack_subelements %get3A_459, 0 {pack_format = #tpu.pack_format<interleaved>} : vector<32xbf16> -> vector<16xf32>
        %unpack3A_489 = tpu.unpack_subelements %get3A_459, 1 {pack_format = #tpu.pack_format<interleaved>} : vector<32xbf16> -> vector<16xf32>
        %unpack3A_490 = tpu.unpack_subelements %get3A_464, 0 {pack_format = #tpu.pack_format<interleaved>} : vector<32xbf16> -> vector<16xf32>
        %unpack3A_491 = tpu.unpack_subelements %get3A_464, 1 {pack_format = #tpu.pack_format<interleaved>} : vector<32xbf16> -> vector<16xf32>
        %mul3A_492 = arith.mulf %unpack3A, %gather3A : vector<16xf32>
        %mul3A_493 = arith.mulf %unpack3A_486, %gather3A_433 : vector<16xf32>
        %add3A_494 = arith.addf %mul3A_492, %mul3A_493 : vector<16xf32>
        %mul3A_495 = arith.mulf %unpack3A_488, %gather3A_437 : vector<16xf32>
        %mul3A_496 = arith.mulf %unpack3A_490, %gather3A_441 : vector<16xf32>
        %add3A_497 = arith.addf %mul3A_495, %mul3A_496 : vector<16xf32>
        %add3A_498 = arith.addf %add3A_494, %add3A_497 : vector<16xf32>
        %mul3A_499 = arith.mulf %unpack3A_485, %gather3A : vector<16xf32>
        %mul3A_500 = arith.mulf %unpack3A_487, %gather3A_433 : vector<16xf32>
        %add3A_501 = arith.addf %mul3A_499, %mul3A_500 : vector<16xf32>
        %mul3A_502 = arith.mulf %unpack3A_489, %gather3A_437 : vector<16xf32>
        %mul3A_503 = arith.mulf %unpack3A_491, %gather3A_441 : vector<16xf32>
        %add3A_504 = arith.addf %mul3A_502, %mul3A_503 : vector<16xf32>
        %add3A_505 = arith.addf %add3A_501, %add3A_504 : vector<16xf32>
        %add3A_506 = arith.constant 0 : i32
        %add3A_507 = vector.broadcast %add3A_506 : i32 to vector<16xi32>
        %add3A_508 = arith.addi %mul3A_444, %add3A_507 : vector<16xi32>
        tpu.vector_store_idx %arg20[%add3A_429, %add3A_508], %add3A_498 : memref<16x576xf32, #tpu.memory_space<vmem>>[vector<16xi32>, vector<16xi32>], vector<16xf32>,
        %add3A_509 = arith.constant 1 : i32
        %add3A_510 = vector.broadcast %add3A_509 : i32 to vector<16xi32>
        %add3A_511 = arith.addi %add3A_508, %add3A_510 : vector<16xi32>
        tpu.vector_store_idx %arg20[%add3A_429, %add3A_511], %add3A_505 : memref<16x576xf32, #tpu.memory_space<vmem>>[vector<16xi32>, vector<16xi32>], vector<16xf32>,
        %add3A_512 = arith.constant 0 : i32
        %add3A_513 = arith.addi %add3A_512, %scan3A_425 : i32
        %get3A_514 = arith.index_cast %add3A_513 : i32 to index
        %get3A_515 = arith.constant 64 : index
        %get3A_516 = tpu.vector_load %arg14[%get3A_514, %get3A_515] {strides = array<i32>} : memref<128x192xbf16, #tpu.memory_space<vmem>>, vector<32xbf16>,
        %add3A_517 = arith.constant 16 : i32
        %add3A_518 = arith.addi %add3A_517, %scan3A_425 : i32
        %get3A_519 = arith.index_cast %add3A_518 : i32 to index
        %get3A_520 = arith.constant 64 : index
        %get3A_521 = tpu.vector_load %arg14[%get3A_519, %get3A_520] {strides = array<i32>} : memref<128x192xbf16, #tpu.memory_space<vmem>>, vector<32xbf16>,
        %add3A_522 = arith.constant 32 : i32
        %add3A_523 = arith.addi %add3A_522, %scan3A_425 : i32
        %get3A_524 = arith.index_cast %add3A_523 : i32 to index
        %get3A_525 = arith.constant 64 : index
        %get3A_526 = tpu.vector_load %arg14[%get3A_524, %get3A_525] {strides = array<i32>} : memref<128x192xbf16, #tpu.memory_space<vmem>>, vector<32xbf16>,
        %add3A_527 = arith.constant 48 : i32
        %add3A_528 = arith.addi %add3A_527, %scan3A_425 : i32
        %get3A_529 = arith.index_cast %add3A_528 : i32 to index
        %get3A_530 = arith.constant 64 : index
        %get3A_531 = tpu.vector_load %arg14[%get3A_529, %get3A_530] {strides = array<i32>} : memref<128x192xbf16, #tpu.memory_space<vmem>>, vector<32xbf16>,
        %unpack3A_532 = tpu.unpack_subelements %get3A_469, 0 {pack_format = #tpu.pack_format<interleaved>} : vector<32xbf16> -> vector<16xf32>
        %unpack3A_533 = tpu.unpack_subelements %get3A_469, 1 {pack_format = #tpu.pack_format<interleaved>} : vector<32xbf16> -> vector<16xf32>
        %unpack3A_534 = tpu.unpack_subelements %get3A_474, 0 {pack_format = #tpu.pack_format<interleaved>} : vector<32xbf16> -> vector<16xf32>
        %unpack3A_535 = tpu.unpack_subelements %get3A_474, 1 {pack_format = #tpu.pack_format<interleaved>} : vector<32xbf16> -> vector<16xf32>
        %unpack3A_536 = tpu.unpack_subelements %get3A_479, 0 {pack_format = #tpu.pack_format<interleaved>} : vector<32xbf16> -> vector<16xf32>
        %unpack3A_537 = tpu.unpack_subelements %get3A_479, 1 {pack_format = #tpu.pack_format<interleaved>} : vector<32xbf16> -> vector<16xf32>
        %unpack3A_538 = tpu.unpack_subelements %get3A_484, 0 {pack_format = #tpu.pack_format<interleaved>} : vector<32xbf16> -> vector<16xf32>
        %unpack3A_539 = tpu.unpack_subelements %get3A_484, 1 {pack_format = #tpu.pack_format<interleaved>} : vector<32xbf16> -> vector<16xf32>
        %mul3A_540 = arith.mulf %unpack3A_532, %gather3A : vector<16xf32>
        %mul3A_541 = arith.mulf %unpack3A_534, %gather3A_433 : vector<16xf32>
        %add3A_542 = arith.addf %mul3A_540, %mul3A_541 : vector<16xf32>
        %mul3A_543 = arith.mulf %unpack3A_536, %gather3A_437 : vector<16xf32>
        %mul3A_544 = arith.mulf %unpack3A_538, %gather3A_441 : vector<16xf32>
        %add3A_545 = arith.addf %mul3A_543, %mul3A_544 : vector<16xf32>
        %add3A_546 = arith.addf %add3A_542, %add3A_545 : vector<16xf32>
        %mul3A_547 = arith.mulf %unpack3A_533, %gather3A : vector<16xf32>
        %mul3A_548 = arith.mulf %unpack3A_535, %gather3A_433 : vector<16xf32>
        %add3A_549 = arith.addf %mul3A_547, %mul3A_548 : vector<16xf32>
        %mul3A_550 = arith.mulf %unpack3A_537, %gather3A_437 : vector<16xf32>
        %mul3A_551 = arith.mulf %unpack3A_539, %gather3A_441 : vector<16xf32>
        %add3A_552 = arith.addf %mul3A_550, %mul3A_551 : vector<16xf32>
        %add3A_553 = arith.addf %add3A_549, %add3A_552 : vector<16xf32>
        %add3A_554 = arith.constant 32 : i32
        %add3A_555 = vector.broadcast %add3A_554 : i32 to vector<16xi32>
        %add3A_556 = arith.addi %mul3A_444, %add3A_555 : vector<16xi32>
        tpu.vector_store_idx %arg20[%add3A_429, %add3A_556], %add3A_546 : memref<16x576xf32, #tpu.memory_space<vmem>>[vector<16xi32>, vector<16xi32>], vector<16xf32>,
        %add3A_557 = arith.constant 1 : i32
        %add3A_558 = vector.broadcast %add3A_557 : i32 to vector<16xi32>
        %add3A_559 = arith.addi %add3A_556, %add3A_558 : vector<16xi32>
        tpu.vector_store_idx %arg20[%add3A_429, %add3A_559], %add3A_553 : memref<16x576xf32, #tpu.memory_space<vmem>>[vector<16xi32>, vector<16xi32>], vector<16xf32>,
        %add3A_560 = arith.constant 0 : i32
        %add3A_561 = arith.addi %add3A_560, %scan3A_425 : i32
        %get3A_562 = arith.index_cast %add3A_561 : i32 to index
        %get3A_563 = arith.constant 96 : index
        %get3A_564 = tpu.vector_load %arg14[%get3A_562, %get3A_563] {strides = array<i32>} : memref<128x192xbf16, #tpu.memory_space<vmem>>, vector<32xbf16>,
        %add3A_565 = arith.constant 16 : i32
        %add3A_566 = arith.addi %add3A_565, %scan3A_425 : i32
        %get3A_567 = arith.index_cast %add3A_566 : i32 to index
        %get3A_568 = arith.constant 96 : index
        %get3A_569 = tpu.vector_load %arg14[%get3A_567, %get3A_568] {strides = array<i32>} : memref<128x192xbf16, #tpu.memory_space<vmem>>, vector<32xbf16>,
        %add3A_570 = arith.constant 32 : i32
        %add3A_571 = arith.addi %add3A_570, %scan3A_425 : i32
        %get3A_572 = arith.index_cast %add3A_571 : i32 to index
        %get3A_573 = arith.constant 96 : index
        %get3A_574 = tpu.vector_load %arg14[%get3A_572, %get3A_573] {strides = array<i32>} : memref<128x192xbf16, #tpu.memory_space<vmem>>, vector<32xbf16>,
        %add3A_575 = arith.constant 48 : i32
        %add3A_576 = arith.addi %add3A_575, %scan3A_425 : i32
        %get3A_577 = arith.index_cast %add3A_576 : i32 to index
        %get3A_578 = arith.constant 96 : index
        %get3A_579 = tpu.vector_load %arg14[%get3A_577, %get3A_578] {strides = array<i32>} : memref<128x192xbf16, #tpu.memory_space<vmem>>, vector<32xbf16>,
        %unpack3A_580 = tpu.unpack_subelements %get3A_516, 0 {pack_format = #tpu.pack_format<interleaved>} : vector<32xbf16> -> vector<16xf32>
        %unpack3A_581 = tpu.unpack_subelements %get3A_516, 1 {pack_format = #tpu.pack_format<interleaved>} : vector<32xbf16> -> vector<16xf32>
        %unpack3A_582 = tpu.unpack_subelements %get3A_521, 0 {pack_format = #tpu.pack_format<interleaved>} : vector<32xbf16> -> vector<16xf32>
        %unpack3A_583 = tpu.unpack_subelements %get3A_521, 1 {pack_format = #tpu.pack_format<interleaved>} : vector<32xbf16> -> vector<16xf32>
        %unpack3A_584 = tpu.unpack_subelements %get3A_526, 0 {pack_format = #tpu.pack_format<interleaved>} : vector<32xbf16> -> vector<16xf32>
        %unpack3A_585 = tpu.unpack_subelements %get3A_526, 1 {pack_format = #tpu.pack_format<interleaved>} : vector<32xbf16> -> vector<16xf32>
        %unpack3A_586 = tpu.unpack_subelements %get3A_531, 0 {pack_format = #tpu.pack_format<interleaved>} : vector<32xbf16> -> vector<16xf32>
        %unpack3A_587 = tpu.unpack_subelements %get3A_531, 1 {pack_format = #tpu.pack_format<interleaved>} : vector<32xbf16> -> vector<16xf32>
        %mul3A_588 = arith.mulf %unpack3A_580, %gather3A : vector<16xf32>
        %mul3A_589 = arith.mulf %unpack3A_582, %gather3A_433 : vector<16xf32>
        %add3A_590 = arith.addf %mul3A_588, %mul3A_589 : vector<16xf32>
        %mul3A_591 = arith.mulf %unpack3A_584, %gather3A_437 : vector<16xf32>
        %mul3A_592 = arith.mulf %unpack3A_586, %gather3A_441 : vector<16xf32>
        %add3A_593 = arith.addf %mul3A_591, %mul3A_592 : vector<16xf32>
        %add3A_594 = arith.addf %add3A_590, %add3A_593 : vector<16xf32>
        %mul3A_595 = arith.mulf %unpack3A_581, %gather3A : vector<16xf32>
        %mul3A_596 = arith.mulf %unpack3A_583, %gather3A_433 : vector<16xf32>
        %add3A_597 = arith.addf %mul3A_595, %mul3A_596 : vector<16xf32>
        %mul3A_598 = arith.mulf %unpack3A_585, %gather3A_437 : vector<16xf32>
        %mul3A_599 = arith.mulf %unpack3A_587, %gather3A_441 : vector<16xf32>
        %add3A_600 = arith.addf %mul3A_598, %mul3A_599 : vector<16xf32>
        %add3A_601 = arith.addf %add3A_597, %add3A_600 : vector<16xf32>
        %add3A_602 = arith.constant 64 : i32
        %add3A_603 = vector.broadcast %add3A_602 : i32 to vector<16xi32>
        %add3A_604 = arith.addi %mul3A_444, %add3A_603 : vector<16xi32>
        tpu.vector_store_idx %arg20[%add3A_429, %add3A_604], %add3A_594 : memref<16x576xf32, #tpu.memory_space<vmem>>[vector<16xi32>, vector<16xi32>], vector<16xf32>,
        %add3A_605 = arith.constant 1 : i32
        %add3A_606 = vector.broadcast %add3A_605 : i32 to vector<16xi32>
        %add3A_607 = arith.addi %add3A_604, %add3A_606 : vector<16xi32>
        tpu.vector_store_idx %arg20[%add3A_429, %add3A_607], %add3A_601 : memref<16x576xf32, #tpu.memory_space<vmem>>[vector<16xi32>, vector<16xi32>], vector<16xf32>,
        %add3A_608 = arith.constant 0 : i32
        %add3A_609 = arith.addi %add3A_608, %scan3A_425 : i32
        %get3A_610 = arith.index_cast %add3A_609 : i32 to index
        %get3A_611 = arith.constant 128 : index
        %get3A_612 = tpu.vector_load %arg14[%get3A_610, %get3A_611] {strides = array<i32>} : memref<128x192xbf16, #tpu.memory_space<vmem>>, vector<32xbf16>,
        %add3A_613 = arith.constant 16 : i32
        %add3A_614 = arith.addi %add3A_613, %scan3A_425 : i32
        %get3A_615 = arith.index_cast %add3A_614 : i32 to index
        %get3A_616 = arith.constant 128 : index
        %get3A_617 = tpu.vector_load %arg14[%get3A_615, %get3A_616] {strides = array<i32>} : memref<128x192xbf16, #tpu.memory_space<vmem>>, vector<32xbf16>,
        %add3A_618 = arith.constant 32 : i32
        %add3A_619 = arith.addi %add3A_618, %scan3A_425 : i32
        %get3A_620 = arith.index_cast %add3A_619 : i32 to index
        %get3A_621 = arith.constant 128 : index
        %get3A_622 = tpu.vector_load %arg14[%get3A_620, %get3A_621] {strides = array<i32>} : memref<128x192xbf16, #tpu.memory_space<vmem>>, vector<32xbf16>,
        %add3A_623 = arith.constant 48 : i32
        %add3A_624 = arith.addi %add3A_623, %scan3A_425 : i32
        %get3A_625 = arith.index_cast %add3A_624 : i32 to index
        %get3A_626 = arith.constant 128 : index
        %get3A_627 = tpu.vector_load %arg14[%get3A_625, %get3A_626] {strides = array<i32>} : memref<128x192xbf16, #tpu.memory_space<vmem>>, vector<32xbf16>,
        %unpack3A_628 = tpu.unpack_subelements %get3A_564, 0 {pack_format = #tpu.pack_format<interleaved>} : vector<32xbf16> -> vector<16xf32>
        %unpack3A_629 = tpu.unpack_subelements %get3A_564, 1 {pack_format = #tpu.pack_format<interleaved>} : vector<32xbf16> -> vector<16xf32>
        %unpack3A_630 = tpu.unpack_subelements %get3A_569, 0 {pack_format = #tpu.pack_format<interleaved>} : vector<32xbf16> -> vector<16xf32>
        %unpack3A_631 = tpu.unpack_subelements %get3A_569, 1 {pack_format = #tpu.pack_format<interleaved>} : vector<32xbf16> -> vector<16xf32>
        %unpack3A_632 = tpu.unpack_subelements %get3A_574, 0 {pack_format = #tpu.pack_format<interleaved>} : vector<32xbf16> -> vector<16xf32>
        %unpack3A_633 = tpu.unpack_subelements %get3A_574, 1 {pack_format = #tpu.pack_format<interleaved>} : vector<32xbf16> -> vector<16xf32>
        %unpack3A_634 = tpu.unpack_subelements %get3A_579, 0 {pack_format = #tpu.pack_format<interleaved>} : vector<32xbf16> -> vector<16xf32>
        %unpack3A_635 = tpu.unpack_subelements %get3A_579, 1 {pack_format = #tpu.pack_format<interleaved>} : vector<32xbf16> -> vector<16xf32>
        %mul3A_636 = arith.mulf %unpack3A_628, %gather3A : vector<16xf32>
        %mul3A_637 = arith.mulf %unpack3A_630, %gather3A_433 : vector<16xf32>
        %add3A_638 = arith.addf %mul3A_636, %mul3A_637 : vector<16xf32>
        %mul3A_639 = arith.mulf %unpack3A_632, %gather3A_437 : vector<16xf32>
        %mul3A_640 = arith.mulf %unpack3A_634, %gather3A_441 : vector<16xf32>
        %add3A_641 = arith.addf %mul3A_639, %mul3A_640 : vector<16xf32>
        %add3A_642 = arith.addf %add3A_638, %add3A_641 : vector<16xf32>
        %mul3A_643 = arith.mulf %unpack3A_629, %gather3A : vector<16xf32>
        %mul3A_644 = arith.mulf %unpack3A_631, %gather3A_433 : vector<16xf32>
        %add3A_645 = arith.addf %mul3A_643, %mul3A_644 : vector<16xf32>
        %mul3A_646 = arith.mulf %unpack3A_633, %gather3A_437 : vector<16xf32>
        %mul3A_647 = arith.mulf %unpack3A_635, %gather3A_441 : vector<16xf32>
        %add3A_648 = arith.addf %mul3A_646, %mul3A_647 : vector<16xf32>
        %add3A_649 = arith.addf %add3A_645, %add3A_648 : vector<16xf32>
        %add3A_650 = arith.constant 96 : i32
        %add3A_651 = vector.broadcast %add3A_650 : i32 to vector<16xi32>
        %add3A_652 = arith.addi %mul3A_444, %add3A_651 : vector<16xi32>
        tpu.vector_store_idx %arg20[%add3A_429, %add3A_652], %add3A_642 : memref<16x576xf32, #tpu.memory_space<vmem>>[vector<16xi32>, vector<16xi32>], vector<16xf32>,
        %add3A_653 = arith.constant 1 : i32
        %add3A_654 = vector.broadcast %add3A_653 : i32 to vector<16xi32>
        %add3A_655 = arith.addi %add3A_652, %add3A_654 : vector<16xi32>
        tpu.vector_store_idx %arg20[%add3A_429, %add3A_655], %add3A_649 : memref<16x576xf32, #tpu.memory_space<vmem>>[vector<16xi32>, vector<16xi32>], vector<16xf32>,
        %add3A_656 = arith.constant 0 : i32
        %add3A_657 = arith.addi %add3A_656, %scan3A_425 : i32
        %get3A_658 = arith.index_cast %add3A_657 : i32 to index
        %get3A_659 = arith.constant 160 : index
        %get3A_660 = tpu.vector_load %arg14[%get3A_658, %get3A_659] {strides = array<i32>} : memref<128x192xbf16, #tpu.memory_space<vmem>>, vector<32xbf16>,
        %add3A_661 = arith.constant 16 : i32
        %add3A_662 = arith.addi %add3A_661, %scan3A_425 : i32
        %get3A_663 = arith.index_cast %add3A_662 : i32 to index
        %get3A_664 = arith.constant 160 : index
        %get3A_665 = tpu.vector_load %arg14[%get3A_663, %get3A_664] {strides = array<i32>} : memref<128x192xbf16, #tpu.memory_space<vmem>>, vector<32xbf16>,
        %add3A_666 = arith.constant 32 : i32
        %add3A_667 = arith.addi %add3A_666, %scan3A_425 : i32
        %get3A_668 = arith.index_cast %add3A_667 : i32 to index
        %get3A_669 = arith.constant 160 : index
        %get3A_670 = tpu.vector_load %arg14[%get3A_668, %get3A_669] {strides = array<i32>} : memref<128x192xbf16, #tpu.memory_space<vmem>>, vector<32xbf16>,
        %add3A_671 = arith.constant 48 : i32
        %add3A_672 = arith.addi %add3A_671, %scan3A_425 : i32
        %get3A_673 = arith.index_cast %add3A_672 : i32 to index
        %get3A_674 = arith.constant 160 : index
        %get3A_675 = tpu.vector_load %arg14[%get3A_673, %get3A_674] {strides = array<i32>} : memref<128x192xbf16, #tpu.memory_space<vmem>>, vector<32xbf16>,
        %unpack3A_676 = tpu.unpack_subelements %get3A_612, 0 {pack_format = #tpu.pack_format<interleaved>} : vector<32xbf16> -> vector<16xf32>
        %unpack3A_677 = tpu.unpack_subelements %get3A_612, 1 {pack_format = #tpu.pack_format<interleaved>} : vector<32xbf16> -> vector<16xf32>
        %unpack3A_678 = tpu.unpack_subelements %get3A_617, 0 {pack_format = #tpu.pack_format<interleaved>} : vector<32xbf16> -> vector<16xf32>
        %unpack3A_679 = tpu.unpack_subelements %get3A_617, 1 {pack_format = #tpu.pack_format<interleaved>} : vector<32xbf16> -> vector<16xf32>
        %unpack3A_680 = tpu.unpack_subelements %get3A_622, 0 {pack_format = #tpu.pack_format<interleaved>} : vector<32xbf16> -> vector<16xf32>
        %unpack3A_681 = tpu.unpack_subelements %get3A_622, 1 {pack_format = #tpu.pack_format<interleaved>} : vector<32xbf16> -> vector<16xf32>
        %unpack3A_682 = tpu.unpack_subelements %get3A_627, 0 {pack_format = #tpu.pack_format<interleaved>} : vector<32xbf16> -> vector<16xf32>
        %unpack3A_683 = tpu.unpack_subelements %get3A_627, 1 {pack_format = #tpu.pack_format<interleaved>} : vector<32xbf16> -> vector<16xf32>
        %mul3A_684 = arith.mulf %unpack3A_676, %gather3A : vector<16xf32>
        %mul3A_685 = arith.mulf %unpack3A_678, %gather3A_433 : vector<16xf32>
        %add3A_686 = arith.addf %mul3A_684, %mul3A_685 : vector<16xf32>
        %mul3A_687 = arith.mulf %unpack3A_680, %gather3A_437 : vector<16xf32>
        %mul3A_688 = arith.mulf %unpack3A_682, %gather3A_441 : vector<16xf32>
        %add3A_689 = arith.addf %mul3A_687, %mul3A_688 : vector<16xf32>
        %add3A_690 = arith.addf %add3A_686, %add3A_689 : vector<16xf32>
        %mul3A_691 = arith.mulf %unpack3A_677, %gather3A : vector<16xf32>
        %mul3A_692 = arith.mulf %unpack3A_679, %gather3A_433 : vector<16xf32>
        %add3A_693 = arith.addf %mul3A_691, %mul3A_692 : vector<16xf32>
        %mul3A_694 = arith.mulf %unpack3A_681, %gather3A_437 : vector<16xf32>
        %mul3A_695 = arith.mulf %unpack3A_683, %gather3A_441 : vector<16xf32>
        %add3A_696 = arith.addf %mul3A_694, %mul3A_695 : vector<16xf32>
        %add3A_697 = arith.addf %add3A_693, %add3A_696 : vector<16xf32>
        %add3A_698 = arith.constant 128 : i32
        %add3A_699 = vector.broadcast %add3A_698 : i32 to vector<16xi32>
        %add3A_700 = arith.addi %mul3A_444, %add3A_699 : vector<16xi32>
        tpu.vector_store_idx %arg20[%add3A_429, %add3A_700], %add3A_690 : memref<16x576xf32, #tpu.memory_space<vmem>>[vector<16xi32>, vector<16xi32>], vector<16xf32>,
        %add3A_701 = arith.constant 1 : i32
        %add3A_702 = vector.broadcast %add3A_701 : i32 to vector<16xi32>
        %add3A_703 = arith.addi %add3A_700, %add3A_702 : vector<16xi32>
        tpu.vector_store_idx %arg20[%add3A_429, %add3A_703], %add3A_697 : memref<16x576xf32, #tpu.memory_space<vmem>>[vector<16xi32>, vector<16xi32>], vector<16xf32>,
        %add3A_704 = arith.constant 64 : i32
        %add3A_705 = arith.addi %add3A_704, %scan3A_425 : i32
        %get3A_706 = arith.index_cast %add3A_705 : i32 to index
        %get3A_707 = arith.constant 0 : index
        %get3A_708 = tpu.vector_load %arg14[%get3A_706, %get3A_707] {strides = array<i32>} : memref<128x192xbf16, #tpu.memory_space<vmem>>, vector<32xbf16>,
        %add3A_709 = arith.constant 80 : i32
        %add3A_710 = arith.addi %add3A_709, %scan3A_425 : i32
        %get3A_711 = arith.index_cast %add3A_710 : i32 to index
        %get3A_712 = arith.constant 0 : index
        %get3A_713 = tpu.vector_load %arg14[%get3A_711, %get3A_712] {strides = array<i32>} : memref<128x192xbf16, #tpu.memory_space<vmem>>, vector<32xbf16>,
        %add3A_714 = arith.constant 96 : i32
        %add3A_715 = arith.addi %add3A_714, %scan3A_425 : i32
        %get3A_716 = arith.index_cast %add3A_715 : i32 to index
        %get3A_717 = arith.constant 0 : index
        %get3A_718 = tpu.vector_load %arg14[%get3A_716, %get3A_717] {strides = array<i32>} : memref<128x192xbf16, #tpu.memory_space<vmem>>, vector<32xbf16>,
        %add3A_719 = arith.constant 112 : i32
        %add3A_720 = arith.addi %add3A_719, %scan3A_425 : i32
        %get3A_721 = arith.index_cast %add3A_720 : i32 to index
        %get3A_722 = arith.constant 0 : index
        %get3A_723 = tpu.vector_load %arg14[%get3A_721, %get3A_722] {strides = array<i32>} : memref<128x192xbf16, #tpu.memory_space<vmem>>, vector<32xbf16>,
        %unpack3A_724 = tpu.unpack_subelements %get3A_660, 0 {pack_format = #tpu.pack_format<interleaved>} : vector<32xbf16> -> vector<16xf32>
        %unpack3A_725 = tpu.unpack_subelements %get3A_660, 1 {pack_format = #tpu.pack_format<interleaved>} : vector<32xbf16> -> vector<16xf32>
        %unpack3A_726 = tpu.unpack_subelements %get3A_665, 0 {pack_format = #tpu.pack_format<interleaved>} : vector<32xbf16> -> vector<16xf32>
        %unpack3A_727 = tpu.unpack_subelements %get3A_665, 1 {pack_format = #tpu.pack_format<interleaved>} : vector<32xbf16> -> vector<16xf32>
        %unpack3A_728 = tpu.unpack_subelements %get3A_670, 0 {pack_format = #tpu.pack_format<interleaved>} : vector<32xbf16> -> vector<16xf32>
        %unpack3A_729 = tpu.unpack_subelements %get3A_670, 1 {pack_format = #tpu.pack_format<interleaved>} : vector<32xbf16> -> vector<16xf32>
        %unpack3A_730 = tpu.unpack_subelements %get3A_675, 0 {pack_format = #tpu.pack_format<interleaved>} : vector<32xbf16> -> vector<16xf32>
        %unpack3A_731 = tpu.unpack_subelements %get3A_675, 1 {pack_format = #tpu.pack_format<interleaved>} : vector<32xbf16> -> vector<16xf32>
        %mul3A_732 = arith.mulf %unpack3A_724, %gather3A : vector<16xf32>
        %mul3A_733 = arith.mulf %unpack3A_726, %gather3A_433 : vector<16xf32>
        %add3A_734 = arith.addf %mul3A_732, %mul3A_733 : vector<16xf32>
        %mul3A_735 = arith.mulf %unpack3A_728, %gather3A_437 : vector<16xf32>
        %mul3A_736 = arith.mulf %unpack3A_730, %gather3A_441 : vector<16xf32>
        %add3A_737 = arith.addf %mul3A_735, %mul3A_736 : vector<16xf32>
        %add3A_738 = arith.addf %add3A_734, %add3A_737 : vector<16xf32>
        %mul3A_739 = arith.mulf %unpack3A_725, %gather3A : vector<16xf32>
        %mul3A_740 = arith.mulf %unpack3A_727, %gather3A_433 : vector<16xf32>
        %add3A_741 = arith.addf %mul3A_739, %mul3A_740 : vector<16xf32>
        %mul3A_742 = arith.mulf %unpack3A_729, %gather3A_437 : vector<16xf32>
        %mul3A_743 = arith.mulf %unpack3A_731, %gather3A_441 : vector<16xf32>
        %add3A_744 = arith.addf %mul3A_742, %mul3A_743 : vector<16xf32>
        %add3A_745 = arith.addf %add3A_741, %add3A_744 : vector<16xf32>
        %add3A_746 = arith.constant 160 : i32
        %add3A_747 = vector.broadcast %add3A_746 : i32 to vector<16xi32>
        %add3A_748 = arith.addi %mul3A_444, %add3A_747 : vector<16xi32>
        tpu.vector_store_idx %arg20[%add3A_429, %add3A_748], %add3A_738 : memref<16x576xf32, #tpu.memory_space<vmem>>[vector<16xi32>, vector<16xi32>], vector<16xf32>,
        %add3A_749 = arith.constant 1 : i32
        %add3A_750 = vector.broadcast %add3A_749 : i32 to vector<16xi32>
        %add3A_751 = arith.addi %add3A_748, %add3A_750 : vector<16xi32>
        tpu.vector_store_idx %arg20[%add3A_429, %add3A_751], %add3A_745 : memref<16x576xf32, #tpu.memory_space<vmem>>[vector<16xi32>, vector<16xi32>], vector<16xf32>,
        %add3A_752 = arith.constant 64 : i32
        %add3A_753 = arith.addi %add3A_752, %scan3A_425 : i32
        %get3A_754 = arith.index_cast %add3A_753 : i32 to index
        %get3A_755 = arith.constant 32 : index
        %get3A_756 = tpu.vector_load %arg14[%get3A_754, %get3A_755] {strides = array<i32>} : memref<128x192xbf16, #tpu.memory_space<vmem>>, vector<32xbf16>,
        %add3A_757 = arith.constant 80 : i32
        %add3A_758 = arith.addi %add3A_757, %scan3A_425 : i32
        %get3A_759 = arith.index_cast %add3A_758 : i32 to index
        %get3A_760 = arith.constant 32 : index
        %get3A_761 = tpu.vector_load %arg14[%get3A_759, %get3A_760] {strides = array<i32>} : memref<128x192xbf16, #tpu.memory_space<vmem>>, vector<32xbf16>,
        %add3A_762 = arith.constant 96 : i32
        %add3A_763 = arith.addi %add3A_762, %scan3A_425 : i32
        %get3A_764 = arith.index_cast %add3A_763 : i32 to index
        %get3A_765 = arith.constant 32 : index
        %get3A_766 = tpu.vector_load %arg14[%get3A_764, %get3A_765] {strides = array<i32>} : memref<128x192xbf16, #tpu.memory_space<vmem>>, vector<32xbf16>,
        %add3A_767 = arith.constant 112 : i32
        %add3A_768 = arith.addi %add3A_767, %scan3A_425 : i32
        %get3A_769 = arith.index_cast %add3A_768 : i32 to index
        %get3A_770 = arith.constant 32 : index
        %get3A_771 = tpu.vector_load %arg14[%get3A_769, %get3A_770] {strides = array<i32>} : memref<128x192xbf16, #tpu.memory_space<vmem>>, vector<32xbf16>,
        %unpack3A_772 = tpu.unpack_subelements %get3A_708, 0 {pack_format = #tpu.pack_format<interleaved>} : vector<32xbf16> -> vector<16xf32>
        %unpack3A_773 = tpu.unpack_subelements %get3A_708, 1 {pack_format = #tpu.pack_format<interleaved>} : vector<32xbf16> -> vector<16xf32>
        %unpack3A_774 = tpu.unpack_subelements %get3A_713, 0 {pack_format = #tpu.pack_format<interleaved>} : vector<32xbf16> -> vector<16xf32>
        %unpack3A_775 = tpu.unpack_subelements %get3A_713, 1 {pack_format = #tpu.pack_format<interleaved>} : vector<32xbf16> -> vector<16xf32>
        %unpack3A_776 = tpu.unpack_subelements %get3A_718, 0 {pack_format = #tpu.pack_format<interleaved>} : vector<32xbf16> -> vector<16xf32>
        %unpack3A_777 = tpu.unpack_subelements %get3A_718, 1 {pack_format = #tpu.pack_format<interleaved>} : vector<32xbf16> -> vector<16xf32>
        %unpack3A_778 = tpu.unpack_subelements %get3A_723, 0 {pack_format = #tpu.pack_format<interleaved>} : vector<32xbf16> -> vector<16xf32>
        %unpack3A_779 = tpu.unpack_subelements %get3A_723, 1 {pack_format = #tpu.pack_format<interleaved>} : vector<32xbf16> -> vector<16xf32>
        %mul3A_780 = arith.mulf %unpack3A_772, %gather3A : vector<16xf32>
        %mul3A_781 = arith.mulf %unpack3A_774, %gather3A_433 : vector<16xf32>
        %add3A_782 = arith.addf %mul3A_780, %mul3A_781 : vector<16xf32>
        %mul3A_783 = arith.mulf %unpack3A_776, %gather3A_437 : vector<16xf32>
        %mul3A_784 = arith.mulf %unpack3A_778, %gather3A_441 : vector<16xf32>
        %add3A_785 = arith.addf %mul3A_783, %mul3A_784 : vector<16xf32>
        %add3A_786 = arith.addf %add3A_782, %add3A_785 : vector<16xf32>
        %mul3A_787 = arith.mulf %unpack3A_773, %gather3A : vector<16xf32>
        %mul3A_788 = arith.mulf %unpack3A_775, %gather3A_433 : vector<16xf32>
        %add3A_789 = arith.addf %mul3A_787, %mul3A_788 : vector<16xf32>
        %mul3A_790 = arith.mulf %unpack3A_777, %gather3A_437 : vector<16xf32>
        %mul3A_791 = arith.mulf %unpack3A_779, %gather3A_441 : vector<16xf32>
        %add3A_792 = arith.addf %mul3A_790, %mul3A_791 : vector<16xf32>
        %add3A_793 = arith.addf %add3A_789, %add3A_792 : vector<16xf32>
        %add3A_794 = arith.constant 192 : i32
        %add3A_795 = vector.broadcast %add3A_794 : i32 to vector<16xi32>
        %add3A_796 = arith.addi %mul3A_444, %add3A_795 : vector<16xi32>
        tpu.vector_store_idx %arg20[%add3A_429, %add3A_796], %add3A_786 : memref<16x576xf32, #tpu.memory_space<vmem>>[vector<16xi32>, vector<16xi32>], vector<16xf32>,
        %add3A_797 = arith.constant 1 : i32
        %add3A_798 = vector.broadcast %add3A_797 : i32 to vector<16xi32>
        %add3A_799 = arith.addi %add3A_796, %add3A_798 : vector<16xi32>
        tpu.vector_store_idx %arg20[%add3A_429, %add3A_799], %add3A_793 : memref<16x576xf32, #tpu.memory_space<vmem>>[vector<16xi32>, vector<16xi32>], vector<16xf32>,
        %add3A_800 = arith.constant 64 : i32
        %add3A_801 = arith.addi %add3A_800, %scan3A_425 : i32
        %get3A_802 = arith.index_cast %add3A_801 : i32 to index
        %get3A_803 = arith.constant 64 : index
        %get3A_804 = tpu.vector_load %arg14[%get3A_802, %get3A_803] {strides = array<i32>} : memref<128x192xbf16, #tpu.memory_space<vmem>>, vector<32xbf16>,
        %add3A_805 = arith.constant 80 : i32
        %add3A_806 = arith.addi %add3A_805, %scan3A_425 : i32
        %get3A_807 = arith.index_cast %add3A_806 : i32 to index
        %get3A_808 = arith.constant 64 : index
        %get3A_809 = tpu.vector_load %arg14[%get3A_807, %get3A_808] {strides = array<i32>} : memref<128x192xbf16, #tpu.memory_space<vmem>>, vector<32xbf16>,
        %add3A_810 = arith.constant 96 : i32
        %add3A_811 = arith.addi %add3A_810, %scan3A_425 : i32
        %get3A_812 = arith.index_cast %add3A_811 : i32 to index
        %get3A_813 = arith.constant 64 : index
        %get3A_814 = tpu.vector_load %arg14[%get3A_812, %get3A_813] {strides = array<i32>} : memref<128x192xbf16, #tpu.memory_space<vmem>>, vector<32xbf16>,
        %add3A_815 = arith.constant 112 : i32
        %add3A_816 = arith.addi %add3A_815, %scan3A_425 : i32
        %get3A_817 = arith.index_cast %add3A_816 : i32 to index
        %get3A_818 = arith.constant 64 : index
        %get3A_819 = tpu.vector_load %arg14[%get3A_817, %get3A_818] {strides = array<i32>} : memref<128x192xbf16, #tpu.memory_space<vmem>>, vector<32xbf16>,
        %unpack3A_820 = tpu.unpack_subelements %get3A_756, 0 {pack_format = #tpu.pack_format<interleaved>} : vector<32xbf16> -> vector<16xf32>
        %unpack3A_821 = tpu.unpack_subelements %get3A_756, 1 {pack_format = #tpu.pack_format<interleaved>} : vector<32xbf16> -> vector<16xf32>
        %unpack3A_822 = tpu.unpack_subelements %get3A_761, 0 {pack_format = #tpu.pack_format<interleaved>} : vector<32xbf16> -> vector<16xf32>
        %unpack3A_823 = tpu.unpack_subelements %get3A_761, 1 {pack_format = #tpu.pack_format<interleaved>} : vector<32xbf16> -> vector<16xf32>
        %unpack3A_824 = tpu.unpack_subelements %get3A_766, 0 {pack_format = #tpu.pack_format<interleaved>} : vector<32xbf16> -> vector<16xf32>
        %unpack3A_825 = tpu.unpack_subelements %get3A_766, 1 {pack_format = #tpu.pack_format<interleaved>} : vector<32xbf16> -> vector<16xf32>
        %unpack3A_826 = tpu.unpack_subelements %get3A_771, 0 {pack_format = #tpu.pack_format<interleaved>} : vector<32xbf16> -> vector<16xf32>
        %unpack3A_827 = tpu.unpack_subelements %get3A_771, 1 {pack_format = #tpu.pack_format<interleaved>} : vector<32xbf16> -> vector<16xf32>
        %mul3A_828 = arith.mulf %unpack3A_820, %gather3A : vector<16xf32>
        %mul3A_829 = arith.mulf %unpack3A_822, %gather3A_433 : vector<16xf32>
        %add3A_830 = arith.addf %mul3A_828, %mul3A_829 : vector<16xf32>
        %mul3A_831 = arith.mulf %unpack3A_824, %gather3A_437 : vector<16xf32>
        %mul3A_832 = arith.mulf %unpack3A_826, %gather3A_441 : vector<16xf32>
        %add3A_833 = arith.addf %mul3A_831, %mul3A_832 : vector<16xf32>
        %add3A_834 = arith.addf %add3A_830, %add3A_833 : vector<16xf32>
        %mul3A_835 = arith.mulf %unpack3A_821, %gather3A : vector<16xf32>
        %mul3A_836 = arith.mulf %unpack3A_823, %gather3A_433 : vector<16xf32>
        %add3A_837 = arith.addf %mul3A_835, %mul3A_836 : vector<16xf32>
        %mul3A_838 = arith.mulf %unpack3A_825, %gather3A_437 : vector<16xf32>
        %mul3A_839 = arith.mulf %unpack3A_827, %gather3A_441 : vector<16xf32>
        %add3A_840 = arith.addf %mul3A_838, %mul3A_839 : vector<16xf32>
        %add3A_841 = arith.addf %add3A_837, %add3A_840 : vector<16xf32>
        %add3A_842 = arith.constant 224 : i32
        %add3A_843 = vector.broadcast %add3A_842 : i32 to vector<16xi32>
        %add3A_844 = arith.addi %mul3A_444, %add3A_843 : vector<16xi32>
        tpu.vector_store_idx %arg20[%add3A_429, %add3A_844], %add3A_834 : memref<16x576xf32, #tpu.memory_space<vmem>>[vector<16xi32>, vector<16xi32>], vector<16xf32>,
        %add3A_845 = arith.constant 1 : i32
        %add3A_846 = vector.broadcast %add3A_845 : i32 to vector<16xi32>
        %add3A_847 = arith.addi %add3A_844, %add3A_846 : vector<16xi32>
        tpu.vector_store_idx %arg20[%add3A_429, %add3A_847], %add3A_841 : memref<16x576xf32, #tpu.memory_space<vmem>>[vector<16xi32>, vector<16xi32>], vector<16xf32>,
        %add3A_848 = arith.constant 64 : i32
        %add3A_849 = arith.addi %add3A_848, %scan3A_425 : i32
        %get3A_850 = arith.index_cast %add3A_849 : i32 to index
        %get3A_851 = arith.constant 96 : index
        %get3A_852 = tpu.vector_load %arg14[%get3A_850, %get3A_851] {strides = array<i32>} : memref<128x192xbf16, #tpu.memory_space<vmem>>, vector<32xbf16>,
        %add3A_853 = arith.constant 80 : i32
        %add3A_854 = arith.addi %add3A_853, %scan3A_425 : i32
        %get3A_855 = arith.index_cast %add3A_854 : i32 to index
        %get3A_856 = arith.constant 96 : index
        %get3A_857 = tpu.vector_load %arg14[%get3A_855, %get3A_856] {strides = array<i32>} : memref<128x192xbf16, #tpu.memory_space<vmem>>, vector<32xbf16>,
        %add3A_858 = arith.constant 96 : i32
        %add3A_859 = arith.addi %add3A_858, %scan3A_425 : i32
        %get3A_860 = arith.index_cast %add3A_859 : i32 to index
        %get3A_861 = arith.constant 96 : index
        %get3A_862 = tpu.vector_load %arg14[%get3A_860, %get3A_861] {strides = array<i32>} : memref<128x192xbf16, #tpu.memory_space<vmem>>, vector<32xbf16>,
        %add3A_863 = arith.constant 112 : i32
        %add3A_864 = arith.addi %add3A_863, %scan3A_425 : i32
        %get3A_865 = arith.index_cast %add3A_864 : i32 to index
        %get3A_866 = arith.constant 96 : index
        %get3A_867 = tpu.vector_load %arg14[%get3A_865, %get3A_866] {strides = array<i32>} : memref<128x192xbf16, #tpu.memory_space<vmem>>, vector<32xbf16>,
        %unpack3A_868 = tpu.unpack_subelements %get3A_804, 0 {pack_format = #tpu.pack_format<interleaved>} : vector<32xbf16> -> vector<16xf32>
        %unpack3A_869 = tpu.unpack_subelements %get3A_804, 1 {pack_format = #tpu.pack_format<interleaved>} : vector<32xbf16> -> vector<16xf32>
        %unpack3A_870 = tpu.unpack_subelements %get3A_809, 0 {pack_format = #tpu.pack_format<interleaved>} : vector<32xbf16> -> vector<16xf32>
        %unpack3A_871 = tpu.unpack_subelements %get3A_809, 1 {pack_format = #tpu.pack_format<interleaved>} : vector<32xbf16> -> vector<16xf32>
        %unpack3A_872 = tpu.unpack_subelements %get3A_814, 0 {pack_format = #tpu.pack_format<interleaved>} : vector<32xbf16> -> vector<16xf32>
        %unpack3A_873 = tpu.unpack_subelements %get3A_814, 1 {pack_format = #tpu.pack_format<interleaved>} : vector<32xbf16> -> vector<16xf32>
        %unpack3A_874 = tpu.unpack_subelements %get3A_819, 0 {pack_format = #tpu.pack_format<interleaved>} : vector<32xbf16> -> vector<16xf32>
        %unpack3A_875 = tpu.unpack_subelements %get3A_819, 1 {pack_format = #tpu.pack_format<interleaved>} : vector<32xbf16> -> vector<16xf32>
        %mul3A_876 = arith.mulf %unpack3A_868, %gather3A : vector<16xf32>
        %mul3A_877 = arith.mulf %unpack3A_870, %gather3A_433 : vector<16xf32>
        %add3A_878 = arith.addf %mul3A_876, %mul3A_877 : vector<16xf32>
        %mul3A_879 = arith.mulf %unpack3A_872, %gather3A_437 : vector<16xf32>
        %mul3A_880 = arith.mulf %unpack3A_874, %gather3A_441 : vector<16xf32>
        %add3A_881 = arith.addf %mul3A_879, %mul3A_880 : vector<16xf32>
        %add3A_882 = arith.addf %add3A_878, %add3A_881 : vector<16xf32>
        %mul3A_883 = arith.mulf %unpack3A_869, %gather3A : vector<16xf32>
        %mul3A_884 = arith.mulf %unpack3A_871, %gather3A_433 : vector<16xf32>
        %add3A_885 = arith.addf %mul3A_883, %mul3A_884 : vector<16xf32>
        %mul3A_886 = arith.mulf %unpack3A_873, %gather3A_437 : vector<16xf32>
        %mul3A_887 = arith.mulf %unpack3A_875, %gather3A_441 : vector<16xf32>
        %add3A_888 = arith.addf %mul3A_886, %mul3A_887 : vector<16xf32>
        %add3A_889 = arith.addf %add3A_885, %add3A_888 : vector<16xf32>
        %add3A_890 = arith.constant 256 : i32
        %add3A_891 = vector.broadcast %add3A_890 : i32 to vector<16xi32>
        %add3A_892 = arith.addi %mul3A_444, %add3A_891 : vector<16xi32>
        tpu.vector_store_idx %arg20[%add3A_429, %add3A_892], %add3A_882 : memref<16x576xf32, #tpu.memory_space<vmem>>[vector<16xi32>, vector<16xi32>], vector<16xf32>,
        %add3A_893 = arith.constant 1 : i32
        %add3A_894 = vector.broadcast %add3A_893 : i32 to vector<16xi32>
        %add3A_895 = arith.addi %add3A_892, %add3A_894 : vector<16xi32>
        tpu.vector_store_idx %arg20[%add3A_429, %add3A_895], %add3A_889 : memref<16x576xf32, #tpu.memory_space<vmem>>[vector<16xi32>, vector<16xi32>], vector<16xf32>,
        %add3A_896 = arith.constant 64 : i32
        %add3A_897 = arith.addi %add3A_896, %scan3A_425 : i32
        %get3A_898 = arith.index_cast %add3A_897 : i32 to index
        %get3A_899 = arith.constant 128 : index
        %get3A_900 = tpu.vector_load %arg14[%get3A_898, %get3A_899] {strides = array<i32>} : memref<128x192xbf16, #tpu.memory_space<vmem>>, vector<32xbf16>,
        %add3A_901 = arith.constant 80 : i32
        %add3A_902 = arith.addi %add3A_901, %scan3A_425 : i32
        %get3A_903 = arith.index_cast %add3A_902 : i32 to index
        %get3A_904 = arith.constant 128 : index
        %get3A_905 = tpu.vector_load %arg14[%get3A_903, %get3A_904] {strides = array<i32>} : memref<128x192xbf16, #tpu.memory_space<vmem>>, vector<32xbf16>,
        %add3A_906 = arith.constant 96 : i32
        %add3A_907 = arith.addi %add3A_906, %scan3A_425 : i32
        %get3A_908 = arith.index_cast %add3A_907 : i32 to index
        %get3A_909 = arith.constant 128 : index
        %get3A_910 = tpu.vector_load %arg14[%get3A_908, %get3A_909] {strides = array<i32>} : memref<128x192xbf16, #tpu.memory_space<vmem>>, vector<32xbf16>,
        %add3A_911 = arith.constant 112 : i32
        %add3A_912 = arith.addi %add3A_911, %scan3A_425 : i32
        %get3A_913 = arith.index_cast %add3A_912 : i32 to index
        %get3A_914 = arith.constant 128 : index
        %get3A_915 = tpu.vector_load %arg14[%get3A_913, %get3A_914] {strides = array<i32>} : memref<128x192xbf16, #tpu.memory_space<vmem>>, vector<32xbf16>,
        %unpack3A_916 = tpu.unpack_subelements %get3A_852, 0 {pack_format = #tpu.pack_format<interleaved>} : vector<32xbf16> -> vector<16xf32>
        %unpack3A_917 = tpu.unpack_subelements %get3A_852, 1 {pack_format = #tpu.pack_format<interleaved>} : vector<32xbf16> -> vector<16xf32>
        %unpack3A_918 = tpu.unpack_subelements %get3A_857, 0 {pack_format = #tpu.pack_format<interleaved>} : vector<32xbf16> -> vector<16xf32>
        %unpack3A_919 = tpu.unpack_subelements %get3A_857, 1 {pack_format = #tpu.pack_format<interleaved>} : vector<32xbf16> -> vector<16xf32>
        %unpack3A_920 = tpu.unpack_subelements %get3A_862, 0 {pack_format = #tpu.pack_format<interleaved>} : vector<32xbf16> -> vector<16xf32>
        %unpack3A_921 = tpu.unpack_subelements %get3A_862, 1 {pack_format = #tpu.pack_format<interleaved>} : vector<32xbf16> -> vector<16xf32>
        %unpack3A_922 = tpu.unpack_subelements %get3A_867, 0 {pack_format = #tpu.pack_format<interleaved>} : vector<32xbf16> -> vector<16xf32>
        %unpack3A_923 = tpu.unpack_subelements %get3A_867, 1 {pack_format = #tpu.pack_format<interleaved>} : vector<32xbf16> -> vector<16xf32>
        %mul3A_924 = arith.mulf %unpack3A_916, %gather3A : vector<16xf32>
        %mul3A_925 = arith.mulf %unpack3A_918, %gather3A_433 : vector<16xf32>
        %add3A_926 = arith.addf %mul3A_924, %mul3A_925 : vector<16xf32>
        %mul3A_927 = arith.mulf %unpack3A_920, %gather3A_437 : vector<16xf32>
        %mul3A_928 = arith.mulf %unpack3A_922, %gather3A_441 : vector<16xf32>
        %add3A_929 = arith.addf %mul3A_927, %mul3A_928 : vector<16xf32>
        %add3A_930 = arith.addf %add3A_926, %add3A_929 : vector<16xf32>
        %mul3A_931 = arith.mulf %unpack3A_917, %gather3A : vector<16xf32>
        %mul3A_932 = arith.mulf %unpack3A_919, %gather3A_433 : vector<16xf32>
        %add3A_933 = arith.addf %mul3A_931, %mul3A_932 : vector<16xf32>
        %mul3A_934 = arith.mulf %unpack3A_921, %gather3A_437 : vector<16xf32>
        %mul3A_935 = arith.mulf %unpack3A_923, %gather3A_441 : vector<16xf32>
        %add3A_936 = arith.addf %mul3A_934, %mul3A_935 : vector<16xf32>
        %add3A_937 = arith.addf %add3A_933, %add3A_936 : vector<16xf32>
        %add3A_938 = arith.constant 288 : i32
        %add3A_939 = vector.broadcast %add3A_938 : i32 to vector<16xi32>
        %add3A_940 = arith.addi %mul3A_444, %add3A_939 : vector<16xi32>
        tpu.vector_store_idx %arg20[%add3A_429, %add3A_940], %add3A_930 : memref<16x576xf32, #tpu.memory_space<vmem>>[vector<16xi32>, vector<16xi32>], vector<16xf32>,
        %add3A_941 = arith.constant 1 : i32
        %add3A_942 = vector.broadcast %add3A_941 : i32 to vector<16xi32>
        %add3A_943 = arith.addi %add3A_940, %add3A_942 : vector<16xi32>
        tpu.vector_store_idx %arg20[%add3A_429, %add3A_943], %add3A_937 : memref<16x576xf32, #tpu.memory_space<vmem>>[vector<16xi32>, vector<16xi32>], vector<16xf32>,
        %add3A_944 = arith.constant 64 : i32
        %add3A_945 = arith.addi %add3A_944, %scan3A_425 : i32
        %get3A_946 = arith.index_cast %add3A_945 : i32 to index
        %get3A_947 = arith.constant 160 : index
        %get3A_948 = tpu.vector_load %arg14[%get3A_946, %get3A_947] {strides = array<i32>} : memref<128x192xbf16, #tpu.memory_space<vmem>>, vector<32xbf16>,
        %add3A_949 = arith.constant 80 : i32
        %add3A_950 = arith.addi %add3A_949, %scan3A_425 : i32
        %get3A_951 = arith.index_cast %add3A_950 : i32 to index
        %get3A_952 = arith.constant 160 : index
        %get3A_953 = tpu.vector_load %arg14[%get3A_951, %get3A_952] {strides = array<i32>} : memref<128x192xbf16, #tpu.memory_space<vmem>>, vector<32xbf16>,
        %add3A_954 = arith.constant 96 : i32
        %add3A_955 = arith.addi %add3A_954, %scan3A_425 : i32
        %get3A_956 = arith.index_cast %add3A_955 : i32 to index
        %get3A_957 = arith.constant 160 : index
        %get3A_958 = tpu.vector_load %arg14[%get3A_956, %get3A_957] {strides = array<i32>} : memref<128x192xbf16, #tpu.memory_space<vmem>>, vector<32xbf16>,
        %add3A_959 = arith.constant 112 : i32
        %add3A_960 = arith.addi %add3A_959, %scan3A_425 : i32
        %get3A_961 = arith.index_cast %add3A_960 : i32 to index
        %get3A_962 = arith.constant 160 : index
        %get3A_963 = tpu.vector_load %arg14[%get3A_961, %get3A_962] {strides = array<i32>} : memref<128x192xbf16, #tpu.memory_space<vmem>>, vector<32xbf16>,
        %unpack3A_964 = tpu.unpack_subelements %get3A_900, 0 {pack_format = #tpu.pack_format<interleaved>} : vector<32xbf16> -> vector<16xf32>
        %unpack3A_965 = tpu.unpack_subelements %get3A_900, 1 {pack_format = #tpu.pack_format<interleaved>} : vector<32xbf16> -> vector<16xf32>
        %unpack3A_966 = tpu.unpack_subelements %get3A_905, 0 {pack_format = #tpu.pack_format<interleaved>} : vector<32xbf16> -> vector<16xf32>
        %unpack3A_967 = tpu.unpack_subelements %get3A_905, 1 {pack_format = #tpu.pack_format<interleaved>} : vector<32xbf16> -> vector<16xf32>
        %unpack3A_968 = tpu.unpack_subelements %get3A_910, 0 {pack_format = #tpu.pack_format<interleaved>} : vector<32xbf16> -> vector<16xf32>
        %unpack3A_969 = tpu.unpack_subelements %get3A_910, 1 {pack_format = #tpu.pack_format<interleaved>} : vector<32xbf16> -> vector<16xf32>
        %unpack3A_970 = tpu.unpack_subelements %get3A_915, 0 {pack_format = #tpu.pack_format<interleaved>} : vector<32xbf16> -> vector<16xf32>
        %unpack3A_971 = tpu.unpack_subelements %get3A_915, 1 {pack_format = #tpu.pack_format<interleaved>} : vector<32xbf16> -> vector<16xf32>
        %mul3A_972 = arith.mulf %unpack3A_964, %gather3A : vector<16xf32>
        %mul3A_973 = arith.mulf %unpack3A_966, %gather3A_433 : vector<16xf32>
        %add3A_974 = arith.addf %mul3A_972, %mul3A_973 : vector<16xf32>
        %mul3A_975 = arith.mulf %unpack3A_968, %gather3A_437 : vector<16xf32>
        %mul3A_976 = arith.mulf %unpack3A_970, %gather3A_441 : vector<16xf32>
        %add3A_977 = arith.addf %mul3A_975, %mul3A_976 : vector<16xf32>
        %add3A_978 = arith.addf %add3A_974, %add3A_977 : vector<16xf32>
        %mul3A_979 = arith.mulf %unpack3A_965, %gather3A : vector<16xf32>
        %mul3A_980 = arith.mulf %unpack3A_967, %gather3A_433 : vector<16xf32>
        %add3A_981 = arith.addf %mul3A_979, %mul3A_980 : vector<16xf32>
        %mul3A_982 = arith.mulf %unpack3A_969, %gather3A_437 : vector<16xf32>
        %mul3A_983 = arith.mulf %unpack3A_971, %gather3A_441 : vector<16xf32>
        %add3A_984 = arith.addf %mul3A_982, %mul3A_983 : vector<16xf32>
        %add3A_985 = arith.addf %add3A_981, %add3A_984 : vector<16xf32>
        %add3A_986 = arith.constant 320 : i32
        %add3A_987 = vector.broadcast %add3A_986 : i32 to vector<16xi32>
        %add3A_988 = arith.addi %mul3A_444, %add3A_987 : vector<16xi32>
        tpu.vector_store_idx %arg20[%add3A_429, %add3A_988], %add3A_978 : memref<16x576xf32, #tpu.memory_space<vmem>>[vector<16xi32>, vector<16xi32>], vector<16xf32>,
        %add3A_989 = arith.constant 1 : i32
        %add3A_990 = vector.broadcast %add3A_989 : i32 to vector<16xi32>
        %add3A_991 = arith.addi %add3A_988, %add3A_990 : vector<16xi32>
        tpu.vector_store_idx %arg20[%add3A_429, %add3A_991], %add3A_985 : memref<16x576xf32, #tpu.memory_space<vmem>>[vector<16xi32>, vector<16xi32>], vector<16xf32>,
        %add3A_992 = arith.constant 0 : i32
        %add3A_993 = arith.addi %add3A_992, %scan3A_425 : i32
        %get3A_994 = arith.index_cast %add3A_993 : i32 to index
        %get3A_995 = arith.constant 0 : index
        %get3A_996 = tpu.vector_load %arg15[%get3A_994, %get3A_995] {strides = array<i32>} : memref<64x192xbf16, #tpu.memory_space<vmem>>, vector<32xbf16>,
        %add3A_997 = arith.constant 16 : i32
        %add3A_998 = arith.addi %add3A_997, %scan3A_425 : i32
        %get3A_999 = arith.index_cast %add3A_998 : i32 to index
        %get3A_1000 = arith.constant 0 : index
        %get3A_1001 = tpu.vector_load %arg15[%get3A_999, %get3A_1000] {strides = array<i32>} : memref<64x192xbf16, #tpu.memory_space<vmem>>, vector<32xbf16>,
        %add3A_1002 = arith.constant 32 : i32
        %add3A_1003 = arith.addi %add3A_1002, %scan3A_425 : i32
        %get3A_1004 = arith.index_cast %add3A_1003 : i32 to index
        %get3A_1005 = arith.constant 0 : index
        %get3A_1006 = tpu.vector_load %arg15[%get3A_1004, %get3A_1005] {strides = array<i32>} : memref<64x192xbf16, #tpu.memory_space<vmem>>, vector<32xbf16>,
        %add3A_1007 = arith.constant 48 : i32
        %add3A_1008 = arith.addi %add3A_1007, %scan3A_425 : i32
        %get3A_1009 = arith.index_cast %add3A_1008 : i32 to index
        %get3A_1010 = arith.constant 0 : index
        %get3A_1011 = tpu.vector_load %arg15[%get3A_1009, %get3A_1010] {strides = array<i32>} : memref<64x192xbf16, #tpu.memory_space<vmem>>, vector<32xbf16>,
        %unpack3A_1012 = tpu.unpack_subelements %get3A_948, 0 {pack_format = #tpu.pack_format<interleaved>} : vector<32xbf16> -> vector<16xf32>
        %unpack3A_1013 = tpu.unpack_subelements %get3A_948, 1 {pack_format = #tpu.pack_format<interleaved>} : vector<32xbf16> -> vector<16xf32>
        %unpack3A_1014 = tpu.unpack_subelements %get3A_953, 0 {pack_format = #tpu.pack_format<interleaved>} : vector<32xbf16> -> vector<16xf32>
        %unpack3A_1015 = tpu.unpack_subelements %get3A_953, 1 {pack_format = #tpu.pack_format<interleaved>} : vector<32xbf16> -> vector<16xf32>
        %unpack3A_1016 = tpu.unpack_subelements %get3A_958, 0 {pack_format = #tpu.pack_format<interleaved>} : vector<32xbf16> -> vector<16xf32>
        %unpack3A_1017 = tpu.unpack_subelements %get3A_958, 1 {pack_format = #tpu.pack_format<interleaved>} : vector<32xbf16> -> vector<16xf32>
        %unpack3A_1018 = tpu.unpack_subelements %get3A_963, 0 {pack_format = #tpu.pack_format<interleaved>} : vector<32xbf16> -> vector<16xf32>
        %unpack3A_1019 = tpu.unpack_subelements %get3A_963, 1 {pack_format = #tpu.pack_format<interleaved>} : vector<32xbf16> -> vector<16xf32>
        %mul3A_1020 = arith.mulf %unpack3A_1012, %gather3A : vector<16xf32>
        %mul3A_1021 = arith.mulf %unpack3A_1014, %gather3A_433 : vector<16xf32>
        %add3A_1022 = arith.addf %mul3A_1020, %mul3A_1021 : vector<16xf32>
        %mul3A_1023 = arith.mulf %unpack3A_1016, %gather3A_437 : vector<16xf32>
        %mul3A_1024 = arith.mulf %unpack3A_1018, %gather3A_441 : vector<16xf32>
        %add3A_1025 = arith.addf %mul3A_1023, %mul3A_1024 : vector<16xf32>
        %add3A_1026 = arith.addf %add3A_1022, %add3A_1025 : vector<16xf32>
        %mul3A_1027 = arith.mulf %unpack3A_1013, %gather3A : vector<16xf32>
        %mul3A_1028 = arith.mulf %unpack3A_1015, %gather3A_433 : vector<16xf32>
        %add3A_1029 = arith.addf %mul3A_1027, %mul3A_1028 : vector<16xf32>
        %mul3A_1030 = arith.mulf %unpack3A_1017, %gather3A_437 : vector<16xf32>
        %mul3A_1031 = arith.mulf %unpack3A_1019, %gather3A_441 : vector<16xf32>
        %add3A_1032 = arith.addf %mul3A_1030, %mul3A_1031 : vector<16xf32>
        %add3A_1033 = arith.addf %add3A_1029, %add3A_1032 : vector<16xf32>
        %add3A_1034 = arith.constant 352 : i32
        %add3A_1035 = vector.broadcast %add3A_1034 : i32 to vector<16xi32>
        %add3A_1036 = arith.addi %mul3A_444, %add3A_1035 : vector<16xi32>
        tpu.vector_store_idx %arg20[%add3A_429, %add3A_1036], %add3A_1026 : memref<16x576xf32, #tpu.memory_space<vmem>>[vector<16xi32>, vector<16xi32>], vector<16xf32>,
        %add3A_1037 = arith.constant 1 : i32
        %add3A_1038 = vector.broadcast %add3A_1037 : i32 to vector<16xi32>
        %add3A_1039 = arith.addi %add3A_1036, %add3A_1038 : vector<16xi32>
        tpu.vector_store_idx %arg20[%add3A_429, %add3A_1039], %add3A_1033 : memref<16x576xf32, #tpu.memory_space<vmem>>[vector<16xi32>, vector<16xi32>], vector<16xf32>,
        %add3A_1040 = arith.constant 0 : i32
        %add3A_1041 = arith.addi %add3A_1040, %scan3A_425 : i32
        %get3A_1042 = arith.index_cast %add3A_1041 : i32 to index
        %get3A_1043 = arith.constant 32 : index
        %get3A_1044 = tpu.vector_load %arg15[%get3A_1042, %get3A_1043] {strides = array<i32>} : memref<64x192xbf16, #tpu.memory_space<vmem>>, vector<32xbf16>,
        %add3A_1045 = arith.constant 16 : i32
        %add3A_1046 = arith.addi %add3A_1045, %scan3A_425 : i32
        %get3A_1047 = arith.index_cast %add3A_1046 : i32 to index
        %get3A_1048 = arith.constant 32 : index
        %get3A_1049 = tpu.vector_load %arg15[%get3A_1047, %get3A_1048] {strides = array<i32>} : memref<64x192xbf16, #tpu.memory_space<vmem>>, vector<32xbf16>,
        %add3A_1050 = arith.constant 32 : i32
        %add3A_1051 = arith.addi %add3A_1050, %scan3A_425 : i32
        %get3A_1052 = arith.index_cast %add3A_1051 : i32 to index
        %get3A_1053 = arith.constant 32 : index
        %get3A_1054 = tpu.vector_load %arg15[%get3A_1052, %get3A_1053] {strides = array<i32>} : memref<64x192xbf16, #tpu.memory_space<vmem>>, vector<32xbf16>,
        %add3A_1055 = arith.constant 48 : i32
        %add3A_1056 = arith.addi %add3A_1055, %scan3A_425 : i32
        %get3A_1057 = arith.index_cast %add3A_1056 : i32 to index
        %get3A_1058 = arith.constant 32 : index
        %get3A_1059 = tpu.vector_load %arg15[%get3A_1057, %get3A_1058] {strides = array<i32>} : memref<64x192xbf16, #tpu.memory_space<vmem>>, vector<32xbf16>,
        %unpack3A_1060 = tpu.unpack_subelements %get3A_996, 0 {pack_format = #tpu.pack_format<interleaved>} : vector<32xbf16> -> vector<16xf32>
        %unpack3A_1061 = tpu.unpack_subelements %get3A_996, 1 {pack_format = #tpu.pack_format<interleaved>} : vector<32xbf16> -> vector<16xf32>
        %unpack3A_1062 = tpu.unpack_subelements %get3A_1001, 0 {pack_format = #tpu.pack_format<interleaved>} : vector<32xbf16> -> vector<16xf32>
        %unpack3A_1063 = tpu.unpack_subelements %get3A_1001, 1 {pack_format = #tpu.pack_format<interleaved>} : vector<32xbf16> -> vector<16xf32>
        %unpack3A_1064 = tpu.unpack_subelements %get3A_1006, 0 {pack_format = #tpu.pack_format<interleaved>} : vector<32xbf16> -> vector<16xf32>
        %unpack3A_1065 = tpu.unpack_subelements %get3A_1006, 1 {pack_format = #tpu.pack_format<interleaved>} : vector<32xbf16> -> vector<16xf32>
        %unpack3A_1066 = tpu.unpack_subelements %get3A_1011, 0 {pack_format = #tpu.pack_format<interleaved>} : vector<32xbf16> -> vector<16xf32>
        %unpack3A_1067 = tpu.unpack_subelements %get3A_1011, 1 {pack_format = #tpu.pack_format<interleaved>} : vector<32xbf16> -> vector<16xf32>
        %mul3A_1068 = arith.mulf %unpack3A_1060, %gather3A : vector<16xf32>
        %mul3A_1069 = arith.mulf %unpack3A_1062, %gather3A_433 : vector<16xf32>
        %add3A_1070 = arith.addf %mul3A_1068, %mul3A_1069 : vector<16xf32>
        %mul3A_1071 = arith.mulf %unpack3A_1064, %gather3A_437 : vector<16xf32>
        %mul3A_1072 = arith.mulf %unpack3A_1066, %gather3A_441 : vector<16xf32>
        %add3A_1073 = arith.addf %mul3A_1071, %mul3A_1072 : vector<16xf32>
        %add3A_1074 = arith.addf %add3A_1070, %add3A_1073 : vector<16xf32>
        %mul3A_1075 = arith.mulf %unpack3A_1061, %gather3A : vector<16xf32>
        %mul3A_1076 = arith.mulf %unpack3A_1063, %gather3A_433 : vector<16xf32>
        %add3A_1077 = arith.addf %mul3A_1075, %mul3A_1076 : vector<16xf32>
        %mul3A_1078 = arith.mulf %unpack3A_1065, %gather3A_437 : vector<16xf32>
        %mul3A_1079 = arith.mulf %unpack3A_1067, %gather3A_441 : vector<16xf32>
        %add3A_1080 = arith.addf %mul3A_1078, %mul3A_1079 : vector<16xf32>
        %add3A_1081 = arith.addf %add3A_1077, %add3A_1080 : vector<16xf32>
        %add3A_1082 = arith.constant 384 : i32
        %add3A_1083 = vector.broadcast %add3A_1082 : i32 to vector<16xi32>
        %add3A_1084 = arith.addi %mul3A_444, %add3A_1083 : vector<16xi32>
        tpu.vector_store_idx %arg20[%add3A_429, %add3A_1084], %add3A_1074 : memref<16x576xf32, #tpu.memory_space<vmem>>[vector<16xi32>, vector<16xi32>], vector<16xf32>,
        %add3A_1085 = arith.constant 1 : i32
        %add3A_1086 = vector.broadcast %add3A_1085 : i32 to vector<16xi32>
        %add3A_1087 = arith.addi %add3A_1084, %add3A_1086 : vector<16xi32>
        tpu.vector_store_idx %arg20[%add3A_429, %add3A_1087], %add3A_1081 : memref<16x576xf32, #tpu.memory_space<vmem>>[vector<16xi32>, vector<16xi32>], vector<16xf32>,
        %add3A_1088 = arith.constant 0 : i32
        %add3A_1089 = arith.addi %add3A_1088, %scan3A_425 : i32
        %get3A_1090 = arith.index_cast %add3A_1089 : i32 to index
        %get3A_1091 = arith.constant 64 : index
        %get3A_1092 = tpu.vector_load %arg15[%get3A_1090, %get3A_1091] {strides = array<i32>} : memref<64x192xbf16, #tpu.memory_space<vmem>>, vector<32xbf16>,
        %add3A_1093 = arith.constant 16 : i32
        %add3A_1094 = arith.addi %add3A_1093, %scan3A_425 : i32
        %get3A_1095 = arith.index_cast %add3A_1094 : i32 to index
        %get3A_1096 = arith.constant 64 : index
        %get3A_1097 = tpu.vector_load %arg15[%get3A_1095, %get3A_1096] {strides = array<i32>} : memref<64x192xbf16, #tpu.memory_space<vmem>>, vector<32xbf16>,
        %add3A_1098 = arith.constant 32 : i32
        %add3A_1099 = arith.addi %add3A_1098, %scan3A_425 : i32
        %get3A_1100 = arith.index_cast %add3A_1099 : i32 to index
        %get3A_1101 = arith.constant 64 : index
        %get3A_1102 = tpu.vector_load %arg15[%get3A_1100, %get3A_1101] {strides = array<i32>} : memref<64x192xbf16, #tpu.memory_space<vmem>>, vector<32xbf16>,
        %add3A_1103 = arith.constant 48 : i32
        %add3A_1104 = arith.addi %add3A_1103, %scan3A_425 : i32
        %get3A_1105 = arith.index_cast %add3A_1104 : i32 to index
        %get3A_1106 = arith.constant 64 : index
        %get3A_1107 = tpu.vector_load %arg15[%get3A_1105, %get3A_1106] {strides = array<i32>} : memref<64x192xbf16, #tpu.memory_space<vmem>>, vector<32xbf16>,
        %unpack3A_1108 = tpu.unpack_subelements %get3A_1044, 0 {pack_format = #tpu.pack_format<interleaved>} : vector<32xbf16> -> vector<16xf32>
        %unpack3A_1109 = tpu.unpack_subelements %get3A_1044, 1 {pack_format = #tpu.pack_format<interleaved>} : vector<32xbf16> -> vector<16xf32>
        %unpack3A_1110 = tpu.unpack_subelements %get3A_1049, 0 {pack_format = #tpu.pack_format<interleaved>} : vector<32xbf16> -> vector<16xf32>
        %unpack3A_1111 = tpu.unpack_subelements %get3A_1049, 1 {pack_format = #tpu.pack_format<interleaved>} : vector<32xbf16> -> vector<16xf32>
        %unpack3A_1112 = tpu.unpack_subelements %get3A_1054, 0 {pack_format = #tpu.pack_format<interleaved>} : vector<32xbf16> -> vector<16xf32>
        %unpack3A_1113 = tpu.unpack_subelements %get3A_1054, 1 {pack_format = #tpu.pack_format<interleaved>} : vector<32xbf16> -> vector<16xf32>
        %unpack3A_1114 = tpu.unpack_subelements %get3A_1059, 0 {pack_format = #tpu.pack_format<interleaved>} : vector<32xbf16> -> vector<16xf32>
        %unpack3A_1115 = tpu.unpack_subelements %get3A_1059, 1 {pack_format = #tpu.pack_format<interleaved>} : vector<32xbf16> -> vector<16xf32>
        %mul3A_1116 = arith.mulf %unpack3A_1108, %gather3A : vector<16xf32>
        %mul3A_1117 = arith.mulf %unpack3A_1110, %gather3A_433 : vector<16xf32>
        %add3A_1118 = arith.addf %mul3A_1116, %mul3A_1117 : vector<16xf32>
        %mul3A_1119 = arith.mulf %unpack3A_1112, %gather3A_437 : vector<16xf32>
        %mul3A_1120 = arith.mulf %unpack3A_1114, %gather3A_441 : vector<16xf32>
        %add3A_1121 = arith.addf %mul3A_1119, %mul3A_1120 : vector<16xf32>
        %add3A_1122 = arith.addf %add3A_1118, %add3A_1121 : vector<16xf32>
        %mul3A_1123 = arith.mulf %unpack3A_1109, %gather3A : vector<16xf32>
        %mul3A_1124 = arith.mulf %unpack3A_1111, %gather3A_433 : vector<16xf32>
        %add3A_1125 = arith.addf %mul3A_1123, %mul3A_1124 : vector<16xf32>
        %mul3A_1126 = arith.mulf %unpack3A_1113, %gather3A_437 : vector<16xf32>
        %mul3A_1127 = arith.mulf %unpack3A_1115, %gather3A_441 : vector<16xf32>
        %add3A_1128 = arith.addf %mul3A_1126, %mul3A_1127 : vector<16xf32>
        %add3A_1129 = arith.addf %add3A_1125, %add3A_1128 : vector<16xf32>
        %add3A_1130 = arith.constant 416 : i32
        %add3A_1131 = vector.broadcast %add3A_1130 : i32 to vector<16xi32>
        %add3A_1132 = arith.addi %mul3A_444, %add3A_1131 : vector<16xi32>
        tpu.vector_store_idx %arg20[%add3A_429, %add3A_1132], %add3A_1122 : memref<16x576xf32, #tpu.memory_space<vmem>>[vector<16xi32>, vector<16xi32>], vector<16xf32>,
        %add3A_1133 = arith.constant 1 : i32
        %add3A_1134 = vector.broadcast %add3A_1133 : i32 to vector<16xi32>
        %add3A_1135 = arith.addi %add3A_1132, %add3A_1134 : vector<16xi32>
        tpu.vector_store_idx %arg20[%add3A_429, %add3A_1135], %add3A_1129 : memref<16x576xf32, #tpu.memory_space<vmem>>[vector<16xi32>, vector<16xi32>], vector<16xf32>,
        %add3A_1136 = arith.constant 0 : i32
        %add3A_1137 = arith.addi %add3A_1136, %scan3A_425 : i32
        %get3A_1138 = arith.index_cast %add3A_1137 : i32 to index
        %get3A_1139 = arith.constant 96 : index
        %get3A_1140 = tpu.vector_load %arg15[%get3A_1138, %get3A_1139] {strides = array<i32>} : memref<64x192xbf16, #tpu.memory_space<vmem>>, vector<32xbf16>,
        %add3A_1141 = arith.constant 16 : i32
        %add3A_1142 = arith.addi %add3A_1141, %scan3A_425 : i32
        %get3A_1143 = arith.index_cast %add3A_1142 : i32 to index
        %get3A_1144 = arith.constant 96 : index
        %get3A_1145 = tpu.vector_load %arg15[%get3A_1143, %get3A_1144] {strides = array<i32>} : memref<64x192xbf16, #tpu.memory_space<vmem>>, vector<32xbf16>,
        %add3A_1146 = arith.constant 32 : i32
        %add3A_1147 = arith.addi %add3A_1146, %scan3A_425 : i32
        %get3A_1148 = arith.index_cast %add3A_1147 : i32 to index
        %get3A_1149 = arith.constant 96 : index
        %get3A_1150 = tpu.vector_load %arg15[%get3A_1148, %get3A_1149] {strides = array<i32>} : memref<64x192xbf16, #tpu.memory_space<vmem>>, vector<32xbf16>,
        %add3A_1151 = arith.constant 48 : i32
        %add3A_1152 = arith.addi %add3A_1151, %scan3A_425 : i32
        %get3A_1153 = arith.index_cast %add3A_1152 : i32 to index
        %get3A_1154 = arith.constant 96 : index
        %get3A_1155 = tpu.vector_load %arg15[%get3A_1153, %get3A_1154] {strides = array<i32>} : memref<64x192xbf16, #tpu.memory_space<vmem>>, vector<32xbf16>,
        %unpack3A_1156 = tpu.unpack_subelements %get3A_1092, 0 {pack_format = #tpu.pack_format<interleaved>} : vector<32xbf16> -> vector<16xf32>
        %unpack3A_1157 = tpu.unpack_subelements %get3A_1092, 1 {pack_format = #tpu.pack_format<interleaved>} : vector<32xbf16> -> vector<16xf32>
        %unpack3A_1158 = tpu.unpack_subelements %get3A_1097, 0 {pack_format = #tpu.pack_format<interleaved>} : vector<32xbf16> -> vector<16xf32>
        %unpack3A_1159 = tpu.unpack_subelements %get3A_1097, 1 {pack_format = #tpu.pack_format<interleaved>} : vector<32xbf16> -> vector<16xf32>
        %unpack3A_1160 = tpu.unpack_subelements %get3A_1102, 0 {pack_format = #tpu.pack_format<interleaved>} : vector<32xbf16> -> vector<16xf32>
        %unpack3A_1161 = tpu.unpack_subelements %get3A_1102, 1 {pack_format = #tpu.pack_format<interleaved>} : vector<32xbf16> -> vector<16xf32>
        %unpack3A_1162 = tpu.unpack_subelements %get3A_1107, 0 {pack_format = #tpu.pack_format<interleaved>} : vector<32xbf16> -> vector<16xf32>
        %unpack3A_1163 = tpu.unpack_subelements %get3A_1107, 1 {pack_format = #tpu.pack_format<interleaved>} : vector<32xbf16> -> vector<16xf32>
        %mul3A_1164 = arith.mulf %unpack3A_1156, %gather3A : vector<16xf32>
        %mul3A_1165 = arith.mulf %unpack3A_1158, %gather3A_433 : vector<16xf32>
        %add3A_1166 = arith.addf %mul3A_1164, %mul3A_1165 : vector<16xf32>
        %mul3A_1167 = arith.mulf %unpack3A_1160, %gather3A_437 : vector<16xf32>
        %mul3A_1168 = arith.mulf %unpack3A_1162, %gather3A_441 : vector<16xf32>
        %add3A_1169 = arith.addf %mul3A_1167, %mul3A_1168 : vector<16xf32>
        %add3A_1170 = arith.addf %add3A_1166, %add3A_1169 : vector<16xf32>
        %mul3A_1171 = arith.mulf %unpack3A_1157, %gather3A : vector<16xf32>
        %mul3A_1172 = arith.mulf %unpack3A_1159, %gather3A_433 : vector<16xf32>
        %add3A_1173 = arith.addf %mul3A_1171, %mul3A_1172 : vector<16xf32>
        %mul3A_1174 = arith.mulf %unpack3A_1161, %gather3A_437 : vector<16xf32>
        %mul3A_1175 = arith.mulf %unpack3A_1163, %gather3A_441 : vector<16xf32>
        %add3A_1176 = arith.addf %mul3A_1174, %mul3A_1175 : vector<16xf32>
        %add3A_1177 = arith.addf %add3A_1173, %add3A_1176 : vector<16xf32>
        %add3A_1178 = arith.constant 448 : i32
        %add3A_1179 = vector.broadcast %add3A_1178 : i32 to vector<16xi32>
        %add3A_1180 = arith.addi %mul3A_444, %add3A_1179 : vector<16xi32>
        tpu.vector_store_idx %arg20[%add3A_429, %add3A_1180], %add3A_1170 : memref<16x576xf32, #tpu.memory_space<vmem>>[vector<16xi32>, vector<16xi32>], vector<16xf32>,
        %add3A_1181 = arith.constant 1 : i32
        %add3A_1182 = vector.broadcast %add3A_1181 : i32 to vector<16xi32>
        %add3A_1183 = arith.addi %add3A_1180, %add3A_1182 : vector<16xi32>
        tpu.vector_store_idx %arg20[%add3A_429, %add3A_1183], %add3A_1177 : memref<16x576xf32, #tpu.memory_space<vmem>>[vector<16xi32>, vector<16xi32>], vector<16xf32>,
        %add3A_1184 = arith.constant 0 : i32
        %add3A_1185 = arith.addi %add3A_1184, %scan3A_425 : i32
        %get3A_1186 = arith.index_cast %add3A_1185 : i32 to index
        %get3A_1187 = arith.constant 128 : index
        %get3A_1188 = tpu.vector_load %arg15[%get3A_1186, %get3A_1187] {strides = array<i32>} : memref<64x192xbf16, #tpu.memory_space<vmem>>, vector<32xbf16>,
        %add3A_1189 = arith.constant 16 : i32
        %add3A_1190 = arith.addi %add3A_1189, %scan3A_425 : i32
        %get3A_1191 = arith.index_cast %add3A_1190 : i32 to index
        %get3A_1192 = arith.constant 128 : index
        %get3A_1193 = tpu.vector_load %arg15[%get3A_1191, %get3A_1192] {strides = array<i32>} : memref<64x192xbf16, #tpu.memory_space<vmem>>, vector<32xbf16>,
        %add3A_1194 = arith.constant 32 : i32
        %add3A_1195 = arith.addi %add3A_1194, %scan3A_425 : i32
        %get3A_1196 = arith.index_cast %add3A_1195 : i32 to index
        %get3A_1197 = arith.constant 128 : index
        %get3A_1198 = tpu.vector_load %arg15[%get3A_1196, %get3A_1197] {strides = array<i32>} : memref<64x192xbf16, #tpu.memory_space<vmem>>, vector<32xbf16>,
        %add3A_1199 = arith.constant 48 : i32
        %add3A_1200 = arith.addi %add3A_1199, %scan3A_425 : i32
        %get3A_1201 = arith.index_cast %add3A_1200 : i32 to index
        %get3A_1202 = arith.constant 128 : index
        %get3A_1203 = tpu.vector_load %arg15[%get3A_1201, %get3A_1202] {strides = array<i32>} : memref<64x192xbf16, #tpu.memory_space<vmem>>, vector<32xbf16>,
        %unpack3A_1204 = tpu.unpack_subelements %get3A_1140, 0 {pack_format = #tpu.pack_format<interleaved>} : vector<32xbf16> -> vector<16xf32>
        %unpack3A_1205 = tpu.unpack_subelements %get3A_1140, 1 {pack_format = #tpu.pack_format<interleaved>} : vector<32xbf16> -> vector<16xf32>
        %unpack3A_1206 = tpu.unpack_subelements %get3A_1145, 0 {pack_format = #tpu.pack_format<interleaved>} : vector<32xbf16> -> vector<16xf32>
        %unpack3A_1207 = tpu.unpack_subelements %get3A_1145, 1 {pack_format = #tpu.pack_format<interleaved>} : vector<32xbf16> -> vector<16xf32>
        %unpack3A_1208 = tpu.unpack_subelements %get3A_1150, 0 {pack_format = #tpu.pack_format<interleaved>} : vector<32xbf16> -> vector<16xf32>
        %unpack3A_1209 = tpu.unpack_subelements %get3A_1150, 1 {pack_format = #tpu.pack_format<interleaved>} : vector<32xbf16> -> vector<16xf32>
        %unpack3A_1210 = tpu.unpack_subelements %get3A_1155, 0 {pack_format = #tpu.pack_format<interleaved>} : vector<32xbf16> -> vector<16xf32>
        %unpack3A_1211 = tpu.unpack_subelements %get3A_1155, 1 {pack_format = #tpu.pack_format<interleaved>} : vector<32xbf16> -> vector<16xf32>
        %mul3A_1212 = arith.mulf %unpack3A_1204, %gather3A : vector<16xf32>
        %mul3A_1213 = arith.mulf %unpack3A_1206, %gather3A_433 : vector<16xf32>
        %add3A_1214 = arith.addf %mul3A_1212, %mul3A_1213 : vector<16xf32>
        %mul3A_1215 = arith.mulf %unpack3A_1208, %gather3A_437 : vector<16xf32>
        %mul3A_1216 = arith.mulf %unpack3A_1210, %gather3A_441 : vector<16xf32>
        %add3A_1217 = arith.addf %mul3A_1215, %mul3A_1216 : vector<16xf32>
        %add3A_1218 = arith.addf %add3A_1214, %add3A_1217 : vector<16xf32>
        %mul3A_1219 = arith.mulf %unpack3A_1205, %gather3A : vector<16xf32>
        %mul3A_1220 = arith.mulf %unpack3A_1207, %gather3A_433 : vector<16xf32>
        %add3A_1221 = arith.addf %mul3A_1219, %mul3A_1220 : vector<16xf32>
        %mul3A_1222 = arith.mulf %unpack3A_1209, %gather3A_437 : vector<16xf32>
        %mul3A_1223 = arith.mulf %unpack3A_1211, %gather3A_441 : vector<16xf32>
        %add3A_1224 = arith.addf %mul3A_1222, %mul3A_1223 : vector<16xf32>
        %add3A_1225 = arith.addf %add3A_1221, %add3A_1224 : vector<16xf32>
        %add3A_1226 = arith.constant 480 : i32
        %add3A_1227 = vector.broadcast %add3A_1226 : i32 to vector<16xi32>
        %add3A_1228 = arith.addi %mul3A_444, %add3A_1227 : vector<16xi32>
        tpu.vector_store_idx %arg20[%add3A_429, %add3A_1228], %add3A_1218 : memref<16x576xf32, #tpu.memory_space<vmem>>[vector<16xi32>, vector<16xi32>], vector<16xf32>,
        %add3A_1229 = arith.constant 1 : i32
        %add3A_1230 = vector.broadcast %add3A_1229 : i32 to vector<16xi32>
        %add3A_1231 = arith.addi %add3A_1228, %add3A_1230 : vector<16xi32>
        tpu.vector_store_idx %arg20[%add3A_429, %add3A_1231], %add3A_1225 : memref<16x576xf32, #tpu.memory_space<vmem>>[vector<16xi32>, vector<16xi32>], vector<16xf32>,
        %add3A_1232 = arith.constant 0 : i32
        %add3A_1233 = arith.addi %add3A_1232, %scan3A_425 : i32
        %get3A_1234 = arith.index_cast %add3A_1233 : i32 to index
        %get3A_1235 = arith.constant 160 : index
        %get3A_1236 = tpu.vector_load %arg15[%get3A_1234, %get3A_1235] {strides = array<i32>} : memref<64x192xbf16, #tpu.memory_space<vmem>>, vector<32xbf16>,
        %add3A_1237 = arith.constant 16 : i32
        %add3A_1238 = arith.addi %add3A_1237, %scan3A_425 : i32
        %get3A_1239 = arith.index_cast %add3A_1238 : i32 to index
        %get3A_1240 = arith.constant 160 : index
        %get3A_1241 = tpu.vector_load %arg15[%get3A_1239, %get3A_1240] {strides = array<i32>} : memref<64x192xbf16, #tpu.memory_space<vmem>>, vector<32xbf16>,
        %add3A_1242 = arith.constant 32 : i32
        %add3A_1243 = arith.addi %add3A_1242, %scan3A_425 : i32
        %get3A_1244 = arith.index_cast %add3A_1243 : i32 to index
        %get3A_1245 = arith.constant 160 : index
        %get3A_1246 = tpu.vector_load %arg15[%get3A_1244, %get3A_1245] {strides = array<i32>} : memref<64x192xbf16, #tpu.memory_space<vmem>>, vector<32xbf16>,
        %add3A_1247 = arith.constant 48 : i32
        %add3A_1248 = arith.addi %add3A_1247, %scan3A_425 : i32
        %get3A_1249 = arith.index_cast %add3A_1248 : i32 to index
        %get3A_1250 = arith.constant 160 : index
        %get3A_1251 = tpu.vector_load %arg15[%get3A_1249, %get3A_1250] {strides = array<i32>} : memref<64x192xbf16, #tpu.memory_space<vmem>>, vector<32xbf16>,
        %unpack3A_1252 = tpu.unpack_subelements %get3A_1188, 0 {pack_format = #tpu.pack_format<interleaved>} : vector<32xbf16> -> vector<16xf32>
        %unpack3A_1253 = tpu.unpack_subelements %get3A_1188, 1 {pack_format = #tpu.pack_format<interleaved>} : vector<32xbf16> -> vector<16xf32>
        %unpack3A_1254 = tpu.unpack_subelements %get3A_1193, 0 {pack_format = #tpu.pack_format<interleaved>} : vector<32xbf16> -> vector<16xf32>
        %unpack3A_1255 = tpu.unpack_subelements %get3A_1193, 1 {pack_format = #tpu.pack_format<interleaved>} : vector<32xbf16> -> vector<16xf32>
        %unpack3A_1256 = tpu.unpack_subelements %get3A_1198, 0 {pack_format = #tpu.pack_format<interleaved>} : vector<32xbf16> -> vector<16xf32>
        %unpack3A_1257 = tpu.unpack_subelements %get3A_1198, 1 {pack_format = #tpu.pack_format<interleaved>} : vector<32xbf16> -> vector<16xf32>
        %unpack3A_1258 = tpu.unpack_subelements %get3A_1203, 0 {pack_format = #tpu.pack_format<interleaved>} : vector<32xbf16> -> vector<16xf32>
        %unpack3A_1259 = tpu.unpack_subelements %get3A_1203, 1 {pack_format = #tpu.pack_format<interleaved>} : vector<32xbf16> -> vector<16xf32>
        %mul3A_1260 = arith.mulf %unpack3A_1252, %gather3A : vector<16xf32>
        %mul3A_1261 = arith.mulf %unpack3A_1254, %gather3A_433 : vector<16xf32>
        %add3A_1262 = arith.addf %mul3A_1260, %mul3A_1261 : vector<16xf32>
        %mul3A_1263 = arith.mulf %unpack3A_1256, %gather3A_437 : vector<16xf32>
        %mul3A_1264 = arith.mulf %unpack3A_1258, %gather3A_441 : vector<16xf32>
        %add3A_1265 = arith.addf %mul3A_1263, %mul3A_1264 : vector<16xf32>
        %add3A_1266 = arith.addf %add3A_1262, %add3A_1265 : vector<16xf32>
        %mul3A_1267 = arith.mulf %unpack3A_1253, %gather3A : vector<16xf32>
        %mul3A_1268 = arith.mulf %unpack3A_1255, %gather3A_433 : vector<16xf32>
        %add3A_1269 = arith.addf %mul3A_1267, %mul3A_1268 : vector<16xf32>
        %mul3A_1270 = arith.mulf %unpack3A_1257, %gather3A_437 : vector<16xf32>
        %mul3A_1271 = arith.mulf %unpack3A_1259, %gather3A_441 : vector<16xf32>
        %add3A_1272 = arith.addf %mul3A_1270, %mul3A_1271 : vector<16xf32>
        %add3A_1273 = arith.addf %add3A_1269, %add3A_1272 : vector<16xf32>
        %add3A_1274 = arith.constant 512 : i32
        %add3A_1275 = vector.broadcast %add3A_1274 : i32 to vector<16xi32>
        %add3A_1276 = arith.addi %mul3A_444, %add3A_1275 : vector<16xi32>
        tpu.vector_store_idx %arg20[%add3A_429, %add3A_1276], %add3A_1266 : memref<16x576xf32, #tpu.memory_space<vmem>>[vector<16xi32>, vector<16xi32>], vector<16xf32>,
        %add3A_1277 = arith.constant 1 : i32
        %add3A_1278 = vector.broadcast %add3A_1277 : i32 to vector<16xi32>
        %add3A_1279 = arith.addi %add3A_1276, %add3A_1278 : vector<16xi32>
        tpu.vector_store_idx %arg20[%add3A_429, %add3A_1279], %add3A_1273 : memref<16x576xf32, #tpu.memory_space<vmem>>[vector<16xi32>, vector<16xi32>], vector<16xf32>,
        %unpack3A_1280 = tpu.unpack_subelements %get3A_1236, 0 {pack_format = #tpu.pack_format<interleaved>} : vector<32xbf16> -> vector<16xf32>
        %unpack3A_1281 = tpu.unpack_subelements %get3A_1236, 1 {pack_format = #tpu.pack_format<interleaved>} : vector<32xbf16> -> vector<16xf32>
        %unpack3A_1282 = tpu.unpack_subelements %get3A_1241, 0 {pack_format = #tpu.pack_format<interleaved>} : vector<32xbf16> -> vector<16xf32>
        %unpack3A_1283 = tpu.unpack_subelements %get3A_1241, 1 {pack_format = #tpu.pack_format<interleaved>} : vector<32xbf16> -> vector<16xf32>
        %unpack3A_1284 = tpu.unpack_subelements %get3A_1246, 0 {pack_format = #tpu.pack_format<interleaved>} : vector<32xbf16> -> vector<16xf32>
        %unpack3A_1285 = tpu.unpack_subelements %get3A_1246, 1 {pack_format = #tpu.pack_format<interleaved>} : vector<32xbf16> -> vector<16xf32>
        %unpack3A_1286 = tpu.unpack_subelements %get3A_1251, 0 {pack_format = #tpu.pack_format<interleaved>} : vector<32xbf16> -> vector<16xf32>
        %unpack3A_1287 = tpu.unpack_subelements %get3A_1251, 1 {pack_format = #tpu.pack_format<interleaved>} : vector<32xbf16> -> vector<16xf32>
        %mul3A_1288 = arith.mulf %unpack3A_1280, %gather3A : vector<16xf32>
        %mul3A_1289 = arith.mulf %unpack3A_1282, %gather3A_433 : vector<16xf32>
        %add3A_1290 = arith.addf %mul3A_1288, %mul3A_1289 : vector<16xf32>
        %mul3A_1291 = arith.mulf %unpack3A_1284, %gather3A_437 : vector<16xf32>
        %mul3A_1292 = arith.mulf %unpack3A_1286, %gather3A_441 : vector<16xf32>
        %add3A_1293 = arith.addf %mul3A_1291, %mul3A_1292 : vector<16xf32>
        %add3A_1294 = arith.addf %add3A_1290, %add3A_1293 : vector<16xf32>
        %mul3A_1295 = arith.mulf %unpack3A_1281, %gather3A : vector<16xf32>
        %mul3A_1296 = arith.mulf %unpack3A_1283, %gather3A_433 : vector<16xf32>
        %add3A_1297 = arith.addf %mul3A_1295, %mul3A_1296 : vector<16xf32>
        %mul3A_1298 = arith.mulf %unpack3A_1285, %gather3A_437 : vector<16xf32>
        %mul3A_1299 = arith.mulf %unpack3A_1287, %gather3A_441 : vector<16xf32>
        %add3A_1300 = arith.addf %mul3A_1298, %mul3A_1299 : vector<16xf32>
        %add3A_1301 = arith.addf %add3A_1297, %add3A_1300 : vector<16xf32>
        %add3A_1302 = arith.constant 544 : i32
        %add3A_1303 = vector.broadcast %add3A_1302 : i32 to vector<16xi32>
        %add3A_1304 = arith.addi %mul3A_444, %add3A_1303 : vector<16xi32>
        tpu.vector_store_idx %arg20[%add3A_429, %add3A_1304], %add3A_1294 : memref<16x576xf32, #tpu.memory_space<vmem>>[vector<16xi32>, vector<16xi32>], vector<16xf32>,
        %add3A_1305 = arith.constant 1 : i32
        %add3A_1306 = vector.broadcast %add3A_1305 : i32 to vector<16xi32>
        %add3A_1307 = arith.addi %add3A_1304, %add3A_1306 : vector<16xi32>
        tpu.vector_store_idx %arg20[%add3A_429, %add3A_1307], %add3A_1301 : memref<16x576xf32, #tpu.memory_space<vmem>>[vector<16xi32>, vector<16xi32>], vector<16xf32>,
      }
      %scan3A_384 = arith.constant 16 : i32
      %mul3A_385 = arith.constant 16 : i32
      %mul3A_386 = arith.muli %mul3A_378, %mul3A_385 : i32
      %add3A_387 = arith.addi %mul3A_2, %mul3A_386 : i32
      %dma_start3A_388 = arith.constant 0 : i32
      %dma_start3A_389 = tpu.memref_slice %arg6[%add3A_387, %dma_start3A_388] : memref<65536x576xf32, #tpu.memory_space<hbm>> -> memref<16x576xf32, #tpu.memory_space<hbm>>
      %dma_start3A_390 = arith.constant 0 : i32
      %dma_start3A_391 = tpu.memref_slice %arg6[%add3A_387, %dma_start3A_390] : memref<65536x576xf32, #tpu.memory_space<hbm>> -> memref<16x576xf32, #tpu.memory_space<hbm>>
      tpu.enqueue_dma source(%arg20 : memref<16x576xf32, #tpu.memory_space<vmem>>) target(%dma_start3A_391 : memref<16x576xf32, #tpu.memory_space<hbm>>) target_semaphore(%arg24 : memref<!tpu.dma_semaphore, #tpu.memory_space<semaphore_mem>>)
      %lt3A = arith.constant 63 : i32
      %lt3A_392 = arith.cmpi slt, %scan3A_189, %lt3A : i32
      %convert_element_type3A_393 = arith.extui %lt3A_392 : i1 to i32
      %cond3A_394 = arith.constant 0 : i32
      %cond3A_395 = arith.cmpi ne, %convert_element_type3A_393, %cond3A_394 : i32
      scf.if %cond3A_395 {
        %mul3A_425 = arith.constant 2 : i32
        %mul3A_426 = arith.muli %mul3A_425, %scan3A_189 : i32
        %add3A_427 = arith.constant 2 : i32
        %add3A_428 = arith.addi %mul3A_426, %add3A_427 : i32
        %mul3A_429 = arith.constant 16 : i32
        %mul3A_430 = arith.muli %add3A_428, %mul3A_429 : i32
        %get3A_431 = arith.index_cast %mul3A_430 : i32 to index
        %get3A_432 = tpu.vector_load %arg7[%get3A_431] {strides = array<i32>} : memref<2048xf32, #tpu.memory_space<vmem>>, vector<16xf32>,
        %get3A_433 = arith.index_cast %mul3A_430 : i32 to index
        %get3A_434 = tpu.vector_load %arg8[%get3A_433] {strides = array<i32>} : memref<2048xf32, #tpu.memory_space<vmem>>, vector<16xf32>,
        %get3A_435 = arith.index_cast %mul3A_430 : i32 to index
        %get3A_436 = tpu.vector_load %arg9[%get3A_435] {strides = array<i32>} : memref<2048xf32, #tpu.memory_space<vmem>>, vector<16xf32>,
        %abs3A_437 = math.absf %get3A_436 : vector<16xf32>
        %mul3A_438 = arith.constant 4.200000e+02 : f32
        %mul3A_439 = vector.broadcast %mul3A_438 : f32 to vector<16xf32>
        %mul3A_440 = arith.mulf %mul3A_439, %get3A_432 : vector<16xf32>
        %div3A_441 = arith.divf %mul3A_440, %abs3A_437 : vector<16xf32>
        %add3A_442 = arith.constant 1.115000e+02 : f32
        %add3A_443 = vector.broadcast %add3A_442 : f32 to vector<16xf32>
        %add3A_444 = arith.addf %div3A_441, %add3A_443 : vector<16xf32>
        %mul3A_445 = arith.constant 4.200000e+02 : f32
        %mul3A_446 = vector.broadcast %mul3A_445 : f32 to vector<16xf32>
        %mul3A_447 = arith.mulf %mul3A_446, %get3A_434 : vector<16xf32>
        %div3A_448 = arith.divf %mul3A_447, %abs3A_437 : vector<16xf32>
        %add3A_449 = arith.constant 1.115000e+02 : f32
        %add3A_450 = vector.broadcast %add3A_449 : f32 to vector<16xf32>
        %add3A_451 = arith.addf %div3A_448, %add3A_450 : vector<16xf32>
        %jit3A_452 = arith.constant 0.000000e+00 : f32
        %jit3A_453 = arith.constant 2.230000e+02 : f32
        %max3A_454 = vector.broadcast %jit3A_452 : f32 to vector<16xf32>
        %max3A_455 = arith.maximumf %max3A_454, %add3A_444 : vector<16xf32>
        %min3A_456 = vector.broadcast %jit3A_453 : f32 to vector<16xf32>
        %min3A_457 = arith.minimumf %min3A_456, %max3A_455 : vector<16xf32>
        %jit3A_458 = arith.constant 0.000000e+00 : f32
        %jit3A_459 = arith.constant 2.230000e+02 : f32
        %max3A_460 = vector.broadcast %jit3A_458 : f32 to vector<16xf32>
        %max3A_461 = arith.maximumf %max3A_460, %add3A_451 : vector<16xf32>
        %min3A_462 = vector.broadcast %jit3A_459 : f32 to vector<16xf32>
        %min3A_463 = arith.minimumf %min3A_462, %max3A_461 : vector<16xf32>
        %div3A_464 = arith.constant 4.0545454 : f32
        %div3A_465 = vector.broadcast %div3A_464 : f32 to vector<16xf32>
        %div3A_466 = arith.divf %min3A_457, %div3A_465 : vector<16xf32>
        %div3A_467 = arith.constant 4.0545454 : f32
        %div3A_468 = vector.broadcast %div3A_467 : f32 to vector<16xf32>
        %div3A_469 = arith.divf %min3A_463, %div3A_468 : vector<16xf32>
        %convert_element_type3A_470 = arith.fptosi %div3A_466 : vector<16xf32> to vector<16xi32>
        %convert_element_type3A_471 = arith.fptosi %div3A_469 : vector<16xf32> to vector<16xi32>
        %convert_element_type3A_472 = arith.sitofp %convert_element_type3A_470 : vector<16xi32> to vector<16xf32>
        %convert_element_type3A_473 = arith.sitofp %convert_element_type3A_471 : vector<16xi32> to vector<16xf32>
        %gt3A_474 = arith.cmpf ogt, %div3A_466, %convert_element_type3A_472 : vector<16xf32>
        %jit3A_475 = arith.constant 1 : i32
        %jit3A_476 = arith.constant 0 : i32
        %broadcast_in_dim3A_477 = vector.broadcast %jit3A_475 : i32 to vector<16xi32>
        %broadcast_in_dim3A_478 = vector.broadcast %jit3A_476 : i32 to vector<16xi32>
        %select_n3A_479 = arith.select %gt3A_474, %broadcast_in_dim3A_477, %broadcast_in_dim3A_478 : vector<16xi1>, vector<16xi32>
        %add3A_480 = arith.addi %convert_element_type3A_470, %select_n3A_479 : vector<16xi32>
        %gt3A_481 = arith.cmpf ogt, %div3A_469, %convert_element_type3A_473 : vector<16xf32>
        %jit3A_482 = arith.constant 1 : i32
        %jit3A_483 = arith.constant 0 : i32
        %broadcast_in_dim3A_484 = vector.broadcast %jit3A_482 : i32 to vector<16xi32>
        %broadcast_in_dim3A_485 = vector.broadcast %jit3A_483 : i32 to vector<16xi32>
        %select_n3A_486 = arith.select %gt3A_481, %broadcast_in_dim3A_484, %broadcast_in_dim3A_485 : vector<16xi1>, vector<16xi32>
        %add3A_487 = arith.addi %convert_element_type3A_471, %select_n3A_486 : vector<16xi32>
        %convert_element_type3A_488 = arith.sitofp %add3A_480 : vector<16xi32> to vector<16xf32>
        %convert_element_type3A_489 = arith.sitofp %add3A_487 : vector<16xi32> to vector<16xf32>
        %sub3A_490 = arith.subf %convert_element_type3A_488, %div3A_466 : vector<16xf32>
        %sub3A_491 = arith.subf %div3A_466, %convert_element_type3A_472 : vector<16xf32>
        %sub3A_492 = arith.subf %convert_element_type3A_489, %div3A_469 : vector<16xf32>
        %sub3A_493 = arith.subf %div3A_469, %convert_element_type3A_473 : vector<16xf32>
        %mul3A_494 = arith.mulf %sub3A_490, %sub3A_492 : vector<16xf32>
        %swap3A_495 = arith.constant 0 : index
        %swap3A_496 = tpu.vector_load %arg18[%swap3A_495] {strides = array<i32>} : memref<64xf32, #tpu.memory_space<vmem>>, vector<16xf32>,
        tpu.vector_store %arg18[%swap3A_495], %mul3A_494 {strides = array<i32>} : memref<64xf32, #tpu.memory_space<vmem>>, vector<16xf32>,
        %mul3A_497 = arith.mulf %sub3A_490, %sub3A_493 : vector<16xf32>
        %swap3A_498 = arith.constant 16 : index
        %swap3A_499 = tpu.vector_load %arg18[%swap3A_498] {strides = array<i32>} : memref<64xf32, #tpu.memory_space<vmem>>, vector<16xf32>,
        tpu.vector_store %arg18[%swap3A_498], %mul3A_497 {strides = array<i32>} : memref<64xf32, #tpu.memory_space<vmem>>, vector<16xf32>,
        %mul3A_500 = arith.mulf %sub3A_491, %sub3A_492 : vector<16xf32>
        %swap3A_501 = arith.constant 32 : index
        %swap3A_502 = tpu.vector_load %arg18[%swap3A_501] {strides = array<i32>} : memref<64xf32, #tpu.memory_space<vmem>>, vector<16xf32>,
        tpu.vector_store %arg18[%swap3A_501], %mul3A_500 {strides = array<i32>} : memref<64xf32, #tpu.memory_space<vmem>>, vector<16xf32>,
        %mul3A_503 = arith.mulf %sub3A_491, %sub3A_493 : vector<16xf32>
        %swap3A_504 = arith.constant 48 : index
        %swap3A_505 = tpu.vector_load %arg18[%swap3A_504] {strides = array<i32>} : memref<64xf32, #tpu.memory_space<vmem>>, vector<16xf32>,
        tpu.vector_store %arg18[%swap3A_504], %mul3A_503 {strides = array<i32>} : memref<64xf32, #tpu.memory_space<vmem>>, vector<16xf32>,
        %mul3A_506 = arith.constant 56 : i32
        %mul3A_507 = vector.broadcast %mul3A_506 : i32 to vector<16xi32>
        %mul3A_508 = arith.muli %convert_element_type3A_470, %mul3A_507 : vector<16xi32>
        %add3A_509 = vector.broadcast %mul3A_20 : i32 to vector<16xi32>
        %add3A_510 = arith.addi %add3A_509, %mul3A_508 : vector<16xi32>
        %add3A_511 = arith.addi %add3A_510, %convert_element_type3A_471 : vector<16xi32>
        %mul3A_512 = arith.constant 56 : i32
        %mul3A_513 = vector.broadcast %mul3A_512 : i32 to vector<16xi32>
        %mul3A_514 = arith.muli %convert_element_type3A_470, %mul3A_513 : vector<16xi32>
        %add3A_515 = vector.broadcast %mul3A_20 : i32 to vector<16xi32>
        %add3A_516 = arith.addi %add3A_515, %mul3A_514 : vector<16xi32>
        %add3A_517 = arith.addi %add3A_516, %add3A_487 : vector<16xi32>
        %mul3A_518 = arith.constant 56 : i32
        %mul3A_519 = vector.broadcast %mul3A_518 : i32 to vector<16xi32>
        %mul3A_520 = arith.muli %add3A_480, %mul3A_519 : vector<16xi32>
        %add3A_521 = vector.broadcast %mul3A_20 : i32 to vector<16xi32>
        %add3A_522 = arith.addi %add3A_521, %mul3A_520 : vector<16xi32>
        %add3A_523 = arith.addi %add3A_522, %convert_element_type3A_471 : vector<16xi32>
        %mul3A_524 = arith.constant 56 : i32
        %mul3A_525 = vector.broadcast %mul3A_524 : i32 to vector<16xi32>
        %mul3A_526 = arith.muli %add3A_480, %mul3A_525 : vector<16xi32>
        %add3A_527 = vector.broadcast %mul3A_20 : i32 to vector<16xi32>
        %add3A_528 = arith.addi %add3A_527, %mul3A_526 : vector<16xi32>
        %add3A_529 = arith.addi %add3A_528, %add3A_487 : vector<16xi32>
        %add3A_530 = arith.constant 0 : i32
        %add3A_531 = vector.broadcast %add3A_530 : i32 to vector<16xi32>
        %add3A_532 = arith.addi %add3A_511, %add3A_531 : vector<16xi32>
        %swap3A_533 = arith.constant 0 : index
        %swap3A_534 = tpu.vector_load %arg10[%swap3A_533] {strides = array<i32>} : memref<128xi32, #tpu.memory_space<vmem>>, vector<16xi32>,
        tpu.vector_store %arg10[%swap3A_533], %add3A_532 {strides = array<i32>} : memref<128xi32, #tpu.memory_space<vmem>>, vector<16xi32>,
        %add3A_535 = arith.constant 0 : i32
        %add3A_536 = vector.broadcast %add3A_535 : i32 to vector<16xi32>
        %add3A_537 = arith.addi %add3A_517, %add3A_536 : vector<16xi32>
        %swap3A_538 = arith.constant 16 : index
        %swap3A_539 = tpu.vector_load %arg10[%swap3A_538] {strides = array<i32>} : memref<128xi32, #tpu.memory_space<vmem>>, vector<16xi32>,
        tpu.vector_store %arg10[%swap3A_538], %add3A_537 {strides = array<i32>} : memref<128xi32, #tpu.memory_space<vmem>>, vector<16xi32>,
        %add3A_540 = arith.constant 0 : i32
        %add3A_541 = vector.broadcast %add3A_540 : i32 to vector<16xi32>
        %add3A_542 = arith.addi %add3A_523, %add3A_541 : vector<16xi32>
        %swap3A_543 = arith.constant 32 : index
        %swap3A_544 = tpu.vector_load %arg10[%swap3A_543] {strides = array<i32>} : memref<128xi32, #tpu.memory_space<vmem>>, vector<16xi32>,
        tpu.vector_store %arg10[%swap3A_543], %add3A_542 {strides = array<i32>} : memref<128xi32, #tpu.memory_space<vmem>>, vector<16xi32>,
        %add3A_545 = arith.constant 0 : i32
        %add3A_546 = vector.broadcast %add3A_545 : i32 to vector<16xi32>
        %add3A_547 = arith.addi %add3A_529, %add3A_546 : vector<16xi32>
        %swap3A_548 = arith.constant 48 : index
        %swap3A_549 = tpu.vector_load %arg10[%swap3A_548] {strides = array<i32>} : memref<128xi32, #tpu.memory_space<vmem>>, vector<16xi32>,
        tpu.vector_store %arg10[%swap3A_548], %add3A_547 {strides = array<i32>} : memref<128xi32, #tpu.memory_space<vmem>>, vector<16xi32>,
        %add3A_550 = arith.constant 50176 : i32
        %add3A_551 = vector.broadcast %add3A_550 : i32 to vector<16xi32>
        %add3A_552 = arith.addi %add3A_511, %add3A_551 : vector<16xi32>
        %swap3A_553 = arith.constant 64 : index
        %swap3A_554 = tpu.vector_load %arg10[%swap3A_553] {strides = array<i32>} : memref<128xi32, #tpu.memory_space<vmem>>, vector<16xi32>,
        tpu.vector_store %arg10[%swap3A_553], %add3A_552 {strides = array<i32>} : memref<128xi32, #tpu.memory_space<vmem>>, vector<16xi32>,
        %add3A_555 = arith.constant 50176 : i32
        %add3A_556 = vector.broadcast %add3A_555 : i32 to vector<16xi32>
        %add3A_557 = arith.addi %add3A_517, %add3A_556 : vector<16xi32>
        %swap3A_558 = arith.constant 80 : index
        %swap3A_559 = tpu.vector_load %arg10[%swap3A_558] {strides = array<i32>} : memref<128xi32, #tpu.memory_space<vmem>>, vector<16xi32>,
        tpu.vector_store %arg10[%swap3A_558], %add3A_557 {strides = array<i32>} : memref<128xi32, #tpu.memory_space<vmem>>, vector<16xi32>,
        %add3A_560 = arith.constant 50176 : i32
        %add3A_561 = vector.broadcast %add3A_560 : i32 to vector<16xi32>
        %add3A_562 = arith.addi %add3A_523, %add3A_561 : vector<16xi32>
        %swap3A_563 = arith.constant 96 : index
        %swap3A_564 = tpu.vector_load %arg10[%swap3A_563] {strides = array<i32>} : memref<128xi32, #tpu.memory_space<vmem>>, vector<16xi32>,
        tpu.vector_store %arg10[%swap3A_563], %add3A_562 {strides = array<i32>} : memref<128xi32, #tpu.memory_space<vmem>>, vector<16xi32>,
        %add3A_565 = arith.constant 50176 : i32
        %add3A_566 = vector.broadcast %add3A_565 : i32 to vector<16xi32>
        %add3A_567 = arith.addi %add3A_529, %add3A_566 : vector<16xi32>
        %swap3A_568 = arith.constant 112 : index
        %swap3A_569 = tpu.vector_load %arg10[%swap3A_568] {strides = array<i32>} : memref<128xi32, #tpu.memory_space<vmem>>, vector<16xi32>,
        tpu.vector_store %arg10[%swap3A_568], %add3A_567 {strides = array<i32>} : memref<128xi32, #tpu.memory_space<vmem>>, vector<16xi32>,
        %add3A_570 = arith.constant 100352 : i32
        %add3A_571 = vector.broadcast %add3A_570 : i32 to vector<16xi32>
        %add3A_572 = arith.addi %add3A_511, %add3A_571 : vector<16xi32>
        %swap3A_573 = arith.constant 0 : index
        %swap3A_574 = tpu.vector_load %arg11[%swap3A_573] {strides = array<i32>} : memref<64xi32, #tpu.memory_space<vmem>>, vector<16xi32>,
        tpu.vector_store %arg11[%swap3A_573], %add3A_572 {strides = array<i32>} : memref<64xi32, #tpu.memory_space<vmem>>, vector<16xi32>,
        %add3A_575 = arith.constant 100352 : i32
        %add3A_576 = vector.broadcast %add3A_575 : i32 to vector<16xi32>
        %add3A_577 = arith.addi %add3A_517, %add3A_576 : vector<16xi32>
        %swap3A_578 = arith.constant 16 : index
        %swap3A_579 = tpu.vector_load %arg11[%swap3A_578] {strides = array<i32>} : memref<64xi32, #tpu.memory_space<vmem>>, vector<16xi32>,
        tpu.vector_store %arg11[%swap3A_578], %add3A_577 {strides = array<i32>} : memref<64xi32, #tpu.memory_space<vmem>>, vector<16xi32>,
        %add3A_580 = arith.constant 100352 : i32
        %add3A_581 = vector.broadcast %add3A_580 : i32 to vector<16xi32>
        %add3A_582 = arith.addi %add3A_523, %add3A_581 : vector<16xi32>
        %swap3A_583 = arith.constant 32 : index
        %swap3A_584 = tpu.vector_load %arg11[%swap3A_583] {strides = array<i32>} : memref<64xi32, #tpu.memory_space<vmem>>, vector<16xi32>,
        tpu.vector_store %arg11[%swap3A_583], %add3A_582 {strides = array<i32>} : memref<64xi32, #tpu.memory_space<vmem>>, vector<16xi32>,
        %add3A_585 = arith.constant 100352 : i32
        %add3A_586 = vector.broadcast %add3A_585 : i32 to vector<16xi32>
        %add3A_587 = arith.addi %add3A_529, %add3A_586 : vector<16xi32>
        %swap3A_588 = arith.constant 48 : index
        %swap3A_589 = tpu.vector_load %arg11[%swap3A_588] {strides = array<i32>} : memref<64xi32, #tpu.memory_space<vmem>>, vector<16xi32>,
        tpu.vector_store %arg11[%swap3A_588], %add3A_587 {strides = array<i32>} : memref<64xi32, #tpu.memory_space<vmem>>, vector<16xi32>,
        %dma_start3A_590 = arith.constant 0 : i32
        %dma_start3A_591 = arith.constant 0 : i32
        %dma_start3A_592 = tpu.memref_slice %arg2[%dma_start3A_590, %dma_start3A_591] : memref<150528x192xbf16, #tpu.memory_space<hbm>> -> memref<150528x192xbf16, #tpu.memory_space<hbm>>
        tpu.enqueue_indirect_dma source(%dma_start3A_592 : memref<150528x192xbf16, #tpu.memory_space<hbm>>) target(%arg14 : memref<128x192xbf16, #tpu.memory_space<vmem>>) offsets(%arg10 : memref<128xi32, #tpu.memory_space<vmem>>) semaphore(%arg22 : memref<!tpu.dma_semaphore, #tpu.memory_space<semaphore_mem>>)
        %dma_start3A_593 = arith.constant 0 : i32
        %dma_start3A_594 = arith.constant 0 : i32
        %dma_start3A_595 = tpu.memref_slice %arg2[%dma_start3A_593, %dma_start3A_594] : memref<150528x192xbf16, #tpu.memory_space<hbm>> -> memref<150528x192xbf16, #tpu.memory_space<hbm>>
        tpu.enqueue_indirect_dma source(%dma_start3A_595 : memref<150528x192xbf16, #tpu.memory_space<hbm>>) target(%arg15 : memref<64x192xbf16, #tpu.memory_space<vmem>>) offsets(%arg11 : memref<64xi32, #tpu.memory_space<vmem>>) semaphore(%arg22 : memref<!tpu.dma_semaphore, #tpu.memory_space<semaphore_mem>>)
      } else {
      }
      %dma_wait3A_396 = arith.constant 0 : i32
      %dma_wait3A_397 = arith.constant 0 : i32
      %dma_wait3A_398 = tpu.memref_slice %arg2[%dma_wait3A_396, %dma_wait3A_397] : memref<150528x192xbf16, #tpu.memory_space<hbm>> -> memref<128x192xbf16, #tpu.memory_space<hbm>>
      %dma_wait3A_399 = arith.constant 0 : i32
      %dma_wait3A_400 = arith.constant 0 : i32
      %dma_wait3A_401 = tpu.memref_slice %arg2[%dma_wait3A_399, %dma_wait3A_400] : memref<150528x192xbf16, #tpu.memory_space<hbm>> -> memref<128x192xbf16, #tpu.memory_space<hbm>>
      tpu.wait_dma2 semaphore(%arg23 : memref<!tpu.dma_semaphore, #tpu.memory_space<semaphore_mem>>) src(%dma_wait3A_401 : memref<128x192xbf16, #tpu.memory_space<hbm>>) dst(%arg16 : memref<128x192xbf16, #tpu.memory_space<vmem>>)
      %dma_wait3A_402 = arith.constant 0 : i32
      %dma_wait3A_403 = arith.constant 0 : i32
      %dma_wait3A_404 = tpu.memref_slice %arg2[%dma_wait3A_402, %dma_wait3A_403] : memref<150528x192xbf16, #tpu.memory_space<hbm>> -> memref<64x192xbf16, #tpu.memory_space<hbm>>
      %dma_wait3A_405 = arith.constant 0 : i32
      %dma_wait3A_406 = arith.constant 0 : i32
      %dma_wait3A_407 = tpu.memref_slice %arg2[%dma_wait3A_405, %dma_wait3A_406] : memref<150528x192xbf16, #tpu.memory_space<hbm>> -> memref<64x192xbf16, #tpu.memory_space<hbm>>
      tpu.wait_dma2 semaphore(%arg23 : memref<!tpu.dma_semaphore, #tpu.memory_space<semaphore_mem>>) src(%dma_wait3A_407 : memref<64x192xbf16, #tpu.memory_space<hbm>>) dst(%arg17 : memref<64x192xbf16, #tpu.memory_space<vmem>>)
      %mul3A_408 = arith.constant 2 : i32
      %mul3A_409 = arith.muli %mul3A_408, %scan3A_189 : i32
      %add3A_410 = arith.constant 1 : i32
      %add3A_411 = arith.addi %mul3A_409, %add3A_410 : i32
      %scan3A_412 = arith.constant 0 : i32
      %scan3A_413 = arith.constant 0 : i32
      %scan3A_414 = arith.constant 16 : i32
      %scan3A_415 = arith.addi %scan3A_413, %scan3A_414 : i32
      %scan3A_416 = arith.constant 1 : i32
      scf.for %scan3A_425 = %scan3A_413 to %scan3A_415 step %scan3A_416  : i32 {
        %broadcast_in_dim3A_426 = arith.constant 0 : i32
        %broadcast_in_dim3A_427 = vector.broadcast %broadcast_in_dim3A_426 : i32 to vector<16xi32>
        %add3A_428 = vector.broadcast %scan3A_425 : i32 to vector<16xi32>
        %add3A_429 = arith.addi %broadcast_in_dim3A_427, %add3A_428 : vector<16xi32>
        %gather3A = tpu.vector_load_idx %arg19[%add3A_429] : memref<64xf32, #tpu.memory_space<vmem>>[vector<16xi32>], vector<16xf32>,
        %add3A_430 = arith.constant 16 : i32
        %add3A_431 = vector.broadcast %add3A_430 : i32 to vector<16xi32>
        %add3A_432 = arith.addi %add3A_429, %add3A_431 : vector<16xi32>
        %gather3A_433 = tpu.vector_load_idx %arg19[%add3A_432] : memref<64xf32, #tpu.memory_space<vmem>>[vector<16xi32>], vector<16xf32>,
        %add3A_434 = arith.constant 32 : i32
        %add3A_435 = vector.broadcast %add3A_434 : i32 to vector<16xi32>
        %add3A_436 = arith.addi %add3A_429, %add3A_435 : vector<16xi32>
        %gather3A_437 = tpu.vector_load_idx %arg19[%add3A_436] : memref<64xf32, #tpu.memory_space<vmem>>[vector<16xi32>], vector<16xf32>,
        %add3A_438 = arith.constant 48 : i32
        %add3A_439 = vector.broadcast %add3A_438 : i32 to vector<16xi32>
        %add3A_440 = arith.addi %add3A_429, %add3A_439 : vector<16xi32>
        %gather3A_441 = tpu.vector_load_idx %arg19[%add3A_440] : memref<64xf32, #tpu.memory_space<vmem>>[vector<16xi32>], vector<16xf32>,
        %iota3A = tpu.iota {dimensions = array<i32: 0>} : vector<16xi32>
        %mul3A_442 = arith.constant 2 : i32
        %mul3A_443 = vector.broadcast %mul3A_442 : i32 to vector<16xi32>
        %mul3A_444 = arith.muli %mul3A_443, %iota3A : vector<16xi32>
        %add3A_445 = arith.constant 0 : i32
        %add3A_446 = arith.addi %add3A_445, %scan3A_425 : i32
        %get3A_447 = arith.index_cast %add3A_446 : i32 to index
        %get3A_448 = arith.constant 0 : index
        %get3A_449 = tpu.vector_load %arg16[%get3A_447, %get3A_448] {strides = array<i32>} : memref<128x192xbf16, #tpu.memory_space<vmem>>, vector<32xbf16>,
        %add3A_450 = arith.constant 16 : i32
        %add3A_451 = arith.addi %add3A_450, %scan3A_425 : i32
        %get3A_452 = arith.index_cast %add3A_451 : i32 to index
        %get3A_453 = arith.constant 0 : index
        %get3A_454 = tpu.vector_load %arg16[%get3A_452, %get3A_453] {strides = array<i32>} : memref<128x192xbf16, #tpu.memory_space<vmem>>, vector<32xbf16>,
        %add3A_455 = arith.constant 32 : i32
        %add3A_456 = arith.addi %add3A_455, %scan3A_425 : i32
        %get3A_457 = arith.index_cast %add3A_456 : i32 to index
        %get3A_458 = arith.constant 0 : index
        %get3A_459 = tpu.vector_load %arg16[%get3A_457, %get3A_458] {strides = array<i32>} : memref<128x192xbf16, #tpu.memory_space<vmem>>, vector<32xbf16>,
        %add3A_460 = arith.constant 48 : i32
        %add3A_461 = arith.addi %add3A_460, %scan3A_425 : i32
        %get3A_462 = arith.index_cast %add3A_461 : i32 to index
        %get3A_463 = arith.constant 0 : index
        %get3A_464 = tpu.vector_load %arg16[%get3A_462, %get3A_463] {strides = array<i32>} : memref<128x192xbf16, #tpu.memory_space<vmem>>, vector<32xbf16>,
        %add3A_465 = arith.constant 0 : i32
        %add3A_466 = arith.addi %add3A_465, %scan3A_425 : i32
        %get3A_467 = arith.index_cast %add3A_466 : i32 to index
        %get3A_468 = arith.constant 32 : index
        %get3A_469 = tpu.vector_load %arg16[%get3A_467, %get3A_468] {strides = array<i32>} : memref<128x192xbf16, #tpu.memory_space<vmem>>, vector<32xbf16>,
        %add3A_470 = arith.constant 16 : i32
        %add3A_471 = arith.addi %add3A_470, %scan3A_425 : i32
        %get3A_472 = arith.index_cast %add3A_471 : i32 to index
        %get3A_473 = arith.constant 32 : index
        %get3A_474 = tpu.vector_load %arg16[%get3A_472, %get3A_473] {strides = array<i32>} : memref<128x192xbf16, #tpu.memory_space<vmem>>, vector<32xbf16>,
        %add3A_475 = arith.constant 32 : i32
        %add3A_476 = arith.addi %add3A_475, %scan3A_425 : i32
        %get3A_477 = arith.index_cast %add3A_476 : i32 to index
        %get3A_478 = arith.constant 32 : index
        %get3A_479 = tpu.vector_load %arg16[%get3A_477, %get3A_478] {strides = array<i32>} : memref<128x192xbf16, #tpu.memory_space<vmem>>, vector<32xbf16>,
        %add3A_480 = arith.constant 48 : i32
        %add3A_481 = arith.addi %add3A_480, %scan3A_425 : i32
        %get3A_482 = arith.index_cast %add3A_481 : i32 to index
        %get3A_483 = arith.constant 32 : index
        %get3A_484 = tpu.vector_load %arg16[%get3A_482, %get3A_483] {strides = array<i32>} : memref<128x192xbf16, #tpu.memory_space<vmem>>, vector<32xbf16>,
        %unpack3A = tpu.unpack_subelements %get3A_449, 0 {pack_format = #tpu.pack_format<interleaved>} : vector<32xbf16> -> vector<16xf32>
        %unpack3A_485 = tpu.unpack_subelements %get3A_449, 1 {pack_format = #tpu.pack_format<interleaved>} : vector<32xbf16> -> vector<16xf32>
        %unpack3A_486 = tpu.unpack_subelements %get3A_454, 0 {pack_format = #tpu.pack_format<interleaved>} : vector<32xbf16> -> vector<16xf32>
        %unpack3A_487 = tpu.unpack_subelements %get3A_454, 1 {pack_format = #tpu.pack_format<interleaved>} : vector<32xbf16> -> vector<16xf32>
        %unpack3A_488 = tpu.unpack_subelements %get3A_459, 0 {pack_format = #tpu.pack_format<interleaved>} : vector<32xbf16> -> vector<16xf32>
        %unpack3A_489 = tpu.unpack_subelements %get3A_459, 1 {pack_format = #tpu.pack_format<interleaved>} : vector<32xbf16> -> vector<16xf32>
        %unpack3A_490 = tpu.unpack_subelements %get3A_464, 0 {pack_format = #tpu.pack_format<interleaved>} : vector<32xbf16> -> vector<16xf32>
        %unpack3A_491 = tpu.unpack_subelements %get3A_464, 1 {pack_format = #tpu.pack_format<interleaved>} : vector<32xbf16> -> vector<16xf32>
        %mul3A_492 = arith.mulf %unpack3A, %gather3A : vector<16xf32>
        %mul3A_493 = arith.mulf %unpack3A_486, %gather3A_433 : vector<16xf32>
        %add3A_494 = arith.addf %mul3A_492, %mul3A_493 : vector<16xf32>
        %mul3A_495 = arith.mulf %unpack3A_488, %gather3A_437 : vector<16xf32>
        %mul3A_496 = arith.mulf %unpack3A_490, %gather3A_441 : vector<16xf32>
        %add3A_497 = arith.addf %mul3A_495, %mul3A_496 : vector<16xf32>
        %add3A_498 = arith.addf %add3A_494, %add3A_497 : vector<16xf32>
        %mul3A_499 = arith.mulf %unpack3A_485, %gather3A : vector<16xf32>
        %mul3A_500 = arith.mulf %unpack3A_487, %gather3A_433 : vector<16xf32>
        %add3A_501 = arith.addf %mul3A_499, %mul3A_500 : vector<16xf32>
        %mul3A_502 = arith.mulf %unpack3A_489, %gather3A_437 : vector<16xf32>
        %mul3A_503 = arith.mulf %unpack3A_491, %gather3A_441 : vector<16xf32>
        %add3A_504 = arith.addf %mul3A_502, %mul3A_503 : vector<16xf32>
        %add3A_505 = arith.addf %add3A_501, %add3A_504 : vector<16xf32>
        %add3A_506 = arith.constant 0 : i32
        %add3A_507 = vector.broadcast %add3A_506 : i32 to vector<16xi32>
        %add3A_508 = arith.addi %mul3A_444, %add3A_507 : vector<16xi32>
        tpu.vector_store_idx %arg21[%add3A_429, %add3A_508], %add3A_498 : memref<16x576xf32, #tpu.memory_space<vmem>>[vector<16xi32>, vector<16xi32>], vector<16xf32>,
        %add3A_509 = arith.constant 1 : i32
        %add3A_510 = vector.broadcast %add3A_509 : i32 to vector<16xi32>
        %add3A_511 = arith.addi %add3A_508, %add3A_510 : vector<16xi32>
        tpu.vector_store_idx %arg21[%add3A_429, %add3A_511], %add3A_505 : memref<16x576xf32, #tpu.memory_space<vmem>>[vector<16xi32>, vector<16xi32>], vector<16xf32>,
        %add3A_512 = arith.constant 0 : i32
        %add3A_513 = arith.addi %add3A_512, %scan3A_425 : i32
        %get3A_514 = arith.index_cast %add3A_513 : i32 to index
        %get3A_515 = arith.constant 64 : index
        %get3A_516 = tpu.vector_load %arg16[%get3A_514, %get3A_515] {strides = array<i32>} : memref<128x192xbf16, #tpu.memory_space<vmem>>, vector<32xbf16>,
        %add3A_517 = arith.constant 16 : i32
        %add3A_518 = arith.addi %add3A_517, %scan3A_425 : i32
        %get3A_519 = arith.index_cast %add3A_518 : i32 to index
        %get3A_520 = arith.constant 64 : index
        %get3A_521 = tpu.vector_load %arg16[%get3A_519, %get3A_520] {strides = array<i32>} : memref<128x192xbf16, #tpu.memory_space<vmem>>, vector<32xbf16>,
        %add3A_522 = arith.constant 32 : i32
        %add3A_523 = arith.addi %add3A_522, %scan3A_425 : i32
        %get3A_524 = arith.index_cast %add3A_523 : i32 to index
        %get3A_525 = arith.constant 64 : index
        %get3A_526 = tpu.vector_load %arg16[%get3A_524, %get3A_525] {strides = array<i32>} : memref<128x192xbf16, #tpu.memory_space<vmem>>, vector<32xbf16>,
        %add3A_527 = arith.constant 48 : i32
        %add3A_528 = arith.addi %add3A_527, %scan3A_425 : i32
        %get3A_529 = arith.index_cast %add3A_528 : i32 to index
        %get3A_530 = arith.constant 64 : index
        %get3A_531 = tpu.vector_load %arg16[%get3A_529, %get3A_530] {strides = array<i32>} : memref<128x192xbf16, #tpu.memory_space<vmem>>, vector<32xbf16>,
        %unpack3A_532 = tpu.unpack_subelements %get3A_469, 0 {pack_format = #tpu.pack_format<interleaved>} : vector<32xbf16> -> vector<16xf32>
        %unpack3A_533 = tpu.unpack_subelements %get3A_469, 1 {pack_format = #tpu.pack_format<interleaved>} : vector<32xbf16> -> vector<16xf32>
        %unpack3A_534 = tpu.unpack_subelements %get3A_474, 0 {pack_format = #tpu.pack_format<interleaved>} : vector<32xbf16> -> vector<16xf32>
        %unpack3A_535 = tpu.unpack_subelements %get3A_474, 1 {pack_format = #tpu.pack_format<interleaved>} : vector<32xbf16> -> vector<16xf32>
        %unpack3A_536 = tpu.unpack_subelements %get3A_479, 0 {pack_format = #tpu.pack_format<interleaved>} : vector<32xbf16> -> vector<16xf32>
        %unpack3A_537 = tpu.unpack_subelements %get3A_479, 1 {pack_format = #tpu.pack_format<interleaved>} : vector<32xbf16> -> vector<16xf32>
        %unpack3A_538 = tpu.unpack_subelements %get3A_484, 0 {pack_format = #tpu.pack_format<interleaved>} : vector<32xbf16> -> vector<16xf32>
        %unpack3A_539 = tpu.unpack_subelements %get3A_484, 1 {pack_format = #tpu.pack_format<interleaved>} : vector<32xbf16> -> vector<16xf32>
        %mul3A_540 = arith.mulf %unpack3A_532, %gather3A : vector<16xf32>
        %mul3A_541 = arith.mulf %unpack3A_534, %gather3A_433 : vector<16xf32>
        %add3A_542 = arith.addf %mul3A_540, %mul3A_541 : vector<16xf32>
        %mul3A_543 = arith.mulf %unpack3A_536, %gather3A_437 : vector<16xf32>
        %mul3A_544 = arith.mulf %unpack3A_538, %gather3A_441 : vector<16xf32>
        %add3A_545 = arith.addf %mul3A_543, %mul3A_544 : vector<16xf32>
        %add3A_546 = arith.addf %add3A_542, %add3A_545 : vector<16xf32>
        %mul3A_547 = arith.mulf %unpack3A_533, %gather3A : vector<16xf32>
        %mul3A_548 = arith.mulf %unpack3A_535, %gather3A_433 : vector<16xf32>
        %add3A_549 = arith.addf %mul3A_547, %mul3A_548 : vector<16xf32>
        %mul3A_550 = arith.mulf %unpack3A_537, %gather3A_437 : vector<16xf32>
        %mul3A_551 = arith.mulf %unpack3A_539, %gather3A_441 : vector<16xf32>
        %add3A_552 = arith.addf %mul3A_550, %mul3A_551 : vector<16xf32>
        %add3A_553 = arith.addf %add3A_549, %add3A_552 : vector<16xf32>
        %add3A_554 = arith.constant 32 : i32
        %add3A_555 = vector.broadcast %add3A_554 : i32 to vector<16xi32>
        %add3A_556 = arith.addi %mul3A_444, %add3A_555 : vector<16xi32>
        tpu.vector_store_idx %arg21[%add3A_429, %add3A_556], %add3A_546 : memref<16x576xf32, #tpu.memory_space<vmem>>[vector<16xi32>, vector<16xi32>], vector<16xf32>,
        %add3A_557 = arith.constant 1 : i32
        %add3A_558 = vector.broadcast %add3A_557 : i32 to vector<16xi32>
        %add3A_559 = arith.addi %add3A_556, %add3A_558 : vector<16xi32>
        tpu.vector_store_idx %arg21[%add3A_429, %add3A_559], %add3A_553 : memref<16x576xf32, #tpu.memory_space<vmem>>[vector<16xi32>, vector<16xi32>], vector<16xf32>,
        %add3A_560 = arith.constant 0 : i32
        %add3A_561 = arith.addi %add3A_560, %scan3A_425 : i32
        %get3A_562 = arith.index_cast %add3A_561 : i32 to index
        %get3A_563 = arith.constant 96 : index
        %get3A_564 = tpu.vector_load %arg16[%get3A_562, %get3A_563] {strides = array<i32>} : memref<128x192xbf16, #tpu.memory_space<vmem>>, vector<32xbf16>,
        %add3A_565 = arith.constant 16 : i32
        %add3A_566 = arith.addi %add3A_565, %scan3A_425 : i32
        %get3A_567 = arith.index_cast %add3A_566 : i32 to index
        %get3A_568 = arith.constant 96 : index
        %get3A_569 = tpu.vector_load %arg16[%get3A_567, %get3A_568] {strides = array<i32>} : memref<128x192xbf16, #tpu.memory_space<vmem>>, vector<32xbf16>,
        %add3A_570 = arith.constant 32 : i32
        %add3A_571 = arith.addi %add3A_570, %scan3A_425 : i32
        %get3A_572 = arith.index_cast %add3A_571 : i32 to index
        %get3A_573 = arith.constant 96 : index
        %get3A_574 = tpu.vector_load %arg16[%get3A_572, %get3A_573] {strides = array<i32>} : memref<128x192xbf16, #tpu.memory_space<vmem>>, vector<32xbf16>,
        %add3A_575 = arith.constant 48 : i32
        %add3A_576 = arith.addi %add3A_575, %scan3A_425 : i32
        %get3A_577 = arith.index_cast %add3A_576 : i32 to index
        %get3A_578 = arith.constant 96 : index
        %get3A_579 = tpu.vector_load %arg16[%get3A_577, %get3A_578] {strides = array<i32>} : memref<128x192xbf16, #tpu.memory_space<vmem>>, vector<32xbf16>,
        %unpack3A_580 = tpu.unpack_subelements %get3A_516, 0 {pack_format = #tpu.pack_format<interleaved>} : vector<32xbf16> -> vector<16xf32>
        %unpack3A_581 = tpu.unpack_subelements %get3A_516, 1 {pack_format = #tpu.pack_format<interleaved>} : vector<32xbf16> -> vector<16xf32>
        %unpack3A_582 = tpu.unpack_subelements %get3A_521, 0 {pack_format = #tpu.pack_format<interleaved>} : vector<32xbf16> -> vector<16xf32>
        %unpack3A_583 = tpu.unpack_subelements %get3A_521, 1 {pack_format = #tpu.pack_format<interleaved>} : vector<32xbf16> -> vector<16xf32>
        %unpack3A_584 = tpu.unpack_subelements %get3A_526, 0 {pack_format = #tpu.pack_format<interleaved>} : vector<32xbf16> -> vector<16xf32>
        %unpack3A_585 = tpu.unpack_subelements %get3A_526, 1 {pack_format = #tpu.pack_format<interleaved>} : vector<32xbf16> -> vector<16xf32>
        %unpack3A_586 = tpu.unpack_subelements %get3A_531, 0 {pack_format = #tpu.pack_format<interleaved>} : vector<32xbf16> -> vector<16xf32>
        %unpack3A_587 = tpu.unpack_subelements %get3A_531, 1 {pack_format = #tpu.pack_format<interleaved>} : vector<32xbf16> -> vector<16xf32>
        %mul3A_588 = arith.mulf %unpack3A_580, %gather3A : vector<16xf32>
        %mul3A_589 = arith.mulf %unpack3A_582, %gather3A_433 : vector<16xf32>
        %add3A_590 = arith.addf %mul3A_588, %mul3A_589 : vector<16xf32>
        %mul3A_591 = arith.mulf %unpack3A_584, %gather3A_437 : vector<16xf32>
        %mul3A_592 = arith.mulf %unpack3A_586, %gather3A_441 : vector<16xf32>
        %add3A_593 = arith.addf %mul3A_591, %mul3A_592 : vector<16xf32>
        %add3A_594 = arith.addf %add3A_590, %add3A_593 : vector<16xf32>
        %mul3A_595 = arith.mulf %unpack3A_581, %gather3A : vector<16xf32>
        %mul3A_596 = arith.mulf %unpack3A_583, %gather3A_433 : vector<16xf32>
        %add3A_597 = arith.addf %mul3A_595, %mul3A_596 : vector<16xf32>
        %mul3A_598 = arith.mulf %unpack3A_585, %gather3A_437 : vector<16xf32>
        %mul3A_599 = arith.mulf %unpack3A_587, %gather3A_441 : vector<16xf32>
        %add3A_600 = arith.addf %mul3A_598, %mul3A_599 : vector<16xf32>
        %add3A_601 = arith.addf %add3A_597, %add3A_600 : vector<16xf32>
        %add3A_602 = arith.constant 64 : i32
        %add3A_603 = vector.broadcast %add3A_602 : i32 to vector<16xi32>
        %add3A_604 = arith.addi %mul3A_444, %add3A_603 : vector<16xi32>
        tpu.vector_store_idx %arg21[%add3A_429, %add3A_604], %add3A_594 : memref<16x576xf32, #tpu.memory_space<vmem>>[vector<16xi32>, vector<16xi32>], vector<16xf32>,
        %add3A_605 = arith.constant 1 : i32
        %add3A_606 = vector.broadcast %add3A_605 : i32 to vector<16xi32>
        %add3A_607 = arith.addi %add3A_604, %add3A_606 : vector<16xi32>
        tpu.vector_store_idx %arg21[%add3A_429, %add3A_607], %add3A_601 : memref<16x576xf32, #tpu.memory_space<vmem>>[vector<16xi32>, vector<16xi32>], vector<16xf32>,
        %add3A_608 = arith.constant 0 : i32
        %add3A_609 = arith.addi %add3A_608, %scan3A_425 : i32
        %get3A_610 = arith.index_cast %add3A_609 : i32 to index
        %get3A_611 = arith.constant 128 : index
        %get3A_612 = tpu.vector_load %arg16[%get3A_610, %get3A_611] {strides = array<i32>} : memref<128x192xbf16, #tpu.memory_space<vmem>>, vector<32xbf16>,
        %add3A_613 = arith.constant 16 : i32
        %add3A_614 = arith.addi %add3A_613, %scan3A_425 : i32
        %get3A_615 = arith.index_cast %add3A_614 : i32 to index
        %get3A_616 = arith.constant 128 : index
        %get3A_617 = tpu.vector_load %arg16[%get3A_615, %get3A_616] {strides = array<i32>} : memref<128x192xbf16, #tpu.memory_space<vmem>>, vector<32xbf16>,
        %add3A_618 = arith.constant 32 : i32
        %add3A_619 = arith.addi %add3A_618, %scan3A_425 : i32
        %get3A_620 = arith.index_cast %add3A_619 : i32 to index
        %get3A_621 = arith.constant 128 : index
        %get3A_622 = tpu.vector_load %arg16[%get3A_620, %get3A_621] {strides = array<i32>} : memref<128x192xbf16, #tpu.memory_space<vmem>>, vector<32xbf16>,
        %add3A_623 = arith.constant 48 : i32
        %add3A_624 = arith.addi %add3A_623, %scan3A_425 : i32
        %get3A_625 = arith.index_cast %add3A_624 : i32 to index
        %get3A_626 = arith.constant 128 : index
        %get3A_627 = tpu.vector_load %arg16[%get3A_625, %get3A_626] {strides = array<i32>} : memref<128x192xbf16, #tpu.memory_space<vmem>>, vector<32xbf16>,
        %unpack3A_628 = tpu.unpack_subelements %get3A_564, 0 {pack_format = #tpu.pack_format<interleaved>} : vector<32xbf16> -> vector<16xf32>
        %unpack3A_629 = tpu.unpack_subelements %get3A_564, 1 {pack_format = #tpu.pack_format<interleaved>} : vector<32xbf16> -> vector<16xf32>
        %unpack3A_630 = tpu.unpack_subelements %get3A_569, 0 {pack_format = #tpu.pack_format<interleaved>} : vector<32xbf16> -> vector<16xf32>
        %unpack3A_631 = tpu.unpack_subelements %get3A_569, 1 {pack_format = #tpu.pack_format<interleaved>} : vector<32xbf16> -> vector<16xf32>
        %unpack3A_632 = tpu.unpack_subelements %get3A_574, 0 {pack_format = #tpu.pack_format<interleaved>} : vector<32xbf16> -> vector<16xf32>
        %unpack3A_633 = tpu.unpack_subelements %get3A_574, 1 {pack_format = #tpu.pack_format<interleaved>} : vector<32xbf16> -> vector<16xf32>
        %unpack3A_634 = tpu.unpack_subelements %get3A_579, 0 {pack_format = #tpu.pack_format<interleaved>} : vector<32xbf16> -> vector<16xf32>
        %unpack3A_635 = tpu.unpack_subelements %get3A_579, 1 {pack_format = #tpu.pack_format<interleaved>} : vector<32xbf16> -> vector<16xf32>
        %mul3A_636 = arith.mulf %unpack3A_628, %gather3A : vector<16xf32>
        %mul3A_637 = arith.mulf %unpack3A_630, %gather3A_433 : vector<16xf32>
        %add3A_638 = arith.addf %mul3A_636, %mul3A_637 : vector<16xf32>
        %mul3A_639 = arith.mulf %unpack3A_632, %gather3A_437 : vector<16xf32>
        %mul3A_640 = arith.mulf %unpack3A_634, %gather3A_441 : vector<16xf32>
        %add3A_641 = arith.addf %mul3A_639, %mul3A_640 : vector<16xf32>
        %add3A_642 = arith.addf %add3A_638, %add3A_641 : vector<16xf32>
        %mul3A_643 = arith.mulf %unpack3A_629, %gather3A : vector<16xf32>
        %mul3A_644 = arith.mulf %unpack3A_631, %gather3A_433 : vector<16xf32>
        %add3A_645 = arith.addf %mul3A_643, %mul3A_644 : vector<16xf32>
        %mul3A_646 = arith.mulf %unpack3A_633, %gather3A_437 : vector<16xf32>
        %mul3A_647 = arith.mulf %unpack3A_635, %gather3A_441 : vector<16xf32>
        %add3A_648 = arith.addf %mul3A_646, %mul3A_647 : vector<16xf32>
        %add3A_649 = arith.addf %add3A_645, %add3A_648 : vector<16xf32>
        %add3A_650 = arith.constant 96 : i32
        %add3A_651 = vector.broadcast %add3A_650 : i32 to vector<16xi32>
        %add3A_652 = arith.addi %mul3A_444, %add3A_651 : vector<16xi32>
        tpu.vector_store_idx %arg21[%add3A_429, %add3A_652], %add3A_642 : memref<16x576xf32, #tpu.memory_space<vmem>>[vector<16xi32>, vector<16xi32>], vector<16xf32>,
        %add3A_653 = arith.constant 1 : i32
        %add3A_654 = vector.broadcast %add3A_653 : i32 to vector<16xi32>
        %add3A_655 = arith.addi %add3A_652, %add3A_654 : vector<16xi32>
        tpu.vector_store_idx %arg21[%add3A_429, %add3A_655], %add3A_649 : memref<16x576xf32, #tpu.memory_space<vmem>>[vector<16xi32>, vector<16xi32>], vector<16xf32>,
        %add3A_656 = arith.constant 0 : i32
        %add3A_657 = arith.addi %add3A_656, %scan3A_425 : i32
        %get3A_658 = arith.index_cast %add3A_657 : i32 to index
        %get3A_659 = arith.constant 160 : index
        %get3A_660 = tpu.vector_load %arg16[%get3A_658, %get3A_659] {strides = array<i32>} : memref<128x192xbf16, #tpu.memory_space<vmem>>, vector<32xbf16>,
        %add3A_661 = arith.constant 16 : i32
        %add3A_662 = arith.addi %add3A_661, %scan3A_425 : i32
        %get3A_663 = arith.index_cast %add3A_662 : i32 to index
        %get3A_664 = arith.constant 160 : index
        %get3A_665 = tpu.vector_load %arg16[%get3A_663, %get3A_664] {strides = array<i32>} : memref<128x192xbf16, #tpu.memory_space<vmem>>, vector<32xbf16>,
        %add3A_666 = arith.constant 32 : i32
        %add3A_667 = arith.addi %add3A_666, %scan3A_425 : i32
        %get3A_668 = arith.index_cast %add3A_667 : i32 to index
        %get3A_669 = arith.constant 160 : index
        %get3A_670 = tpu.vector_load %arg16[%get3A_668, %get3A_669] {strides = array<i32>} : memref<128x192xbf16, #tpu.memory_space<vmem>>, vector<32xbf16>,
        %add3A_671 = arith.constant 48 : i32
        %add3A_672 = arith.addi %add3A_671, %scan3A_425 : i32
        %get3A_673 = arith.index_cast %add3A_672 : i32 to index
        %get3A_674 = arith.constant 160 : index
        %get3A_675 = tpu.vector_load %arg16[%get3A_673, %get3A_674] {strides = array<i32>} : memref<128x192xbf16, #tpu.memory_space<vmem>>, vector<32xbf16>,
        %unpack3A_676 = tpu.unpack_subelements %get3A_612, 0 {pack_format = #tpu.pack_format<interleaved>} : vector<32xbf16> -> vector<16xf32>
        %unpack3A_677 = tpu.unpack_subelements %get3A_612, 1 {pack_format = #tpu.pack_format<interleaved>} : vector<32xbf16> -> vector<16xf32>
        %unpack3A_678 = tpu.unpack_subelements %get3A_617, 0 {pack_format = #tpu.pack_format<interleaved>} : vector<32xbf16> -> vector<16xf32>
        %unpack3A_679 = tpu.unpack_subelements %get3A_617, 1 {pack_format = #tpu.pack_format<interleaved>} : vector<32xbf16> -> vector<16xf32>
        %unpack3A_680 = tpu.unpack_subelements %get3A_622, 0 {pack_format = #tpu.pack_format<interleaved>} : vector<32xbf16> -> vector<16xf32>
        %unpack3A_681 = tpu.unpack_subelements %get3A_622, 1 {pack_format = #tpu.pack_format<interleaved>} : vector<32xbf16> -> vector<16xf32>
        %unpack3A_682 = tpu.unpack_subelements %get3A_627, 0 {pack_format = #tpu.pack_format<interleaved>} : vector<32xbf16> -> vector<16xf32>
        %unpack3A_683 = tpu.unpack_subelements %get3A_627, 1 {pack_format = #tpu.pack_format<interleaved>} : vector<32xbf16> -> vector<16xf32>
        %mul3A_684 = arith.mulf %unpack3A_676, %gather3A : vector<16xf32>
        %mul3A_685 = arith.mulf %unpack3A_678, %gather3A_433 : vector<16xf32>
        %add3A_686 = arith.addf %mul3A_684, %mul3A_685 : vector<16xf32>
        %mul3A_687 = arith.mulf %unpack3A_680, %gather3A_437 : vector<16xf32>
        %mul3A_688 = arith.mulf %unpack3A_682, %gather3A_441 : vector<16xf32>
        %add3A_689 = arith.addf %mul3A_687, %mul3A_688 : vector<16xf32>
        %add3A_690 = arith.addf %add3A_686, %add3A_689 : vector<16xf32>
        %mul3A_691 = arith.mulf %unpack3A_677, %gather3A : vector<16xf32>
        %mul3A_692 = arith.mulf %unpack3A_679, %gather3A_433 : vector<16xf32>
        %add3A_693 = arith.addf %mul3A_691, %mul3A_692 : vector<16xf32>
        %mul3A_694 = arith.mulf %unpack3A_681, %gather3A_437 : vector<16xf32>
        %mul3A_695 = arith.mulf %unpack3A_683, %gather3A_441 : vector<16xf32>
        %add3A_696 = arith.addf %mul3A_694, %mul3A_695 : vector<16xf32>
        %add3A_697 = arith.addf %add3A_693, %add3A_696 : vector<16xf32>
        %add3A_698 = arith.constant 128 : i32
        %add3A_699 = vector.broadcast %add3A_698 : i32 to vector<16xi32>
        %add3A_700 = arith.addi %mul3A_444, %add3A_699 : vector<16xi32>
        tpu.vector_store_idx %arg21[%add3A_429, %add3A_700], %add3A_690 : memref<16x576xf32, #tpu.memory_space<vmem>>[vector<16xi32>, vector<16xi32>], vector<16xf32>,
        %add3A_701 = arith.constant 1 : i32
        %add3A_702 = vector.broadcast %add3A_701 : i32 to vector<16xi32>
        %add3A_703 = arith.addi %add3A_700, %add3A_702 : vector<16xi32>
        tpu.vector_store_idx %arg21[%add3A_429, %add3A_703], %add3A_697 : memref<16x576xf32, #tpu.memory_space<vmem>>[vector<16xi32>, vector<16xi32>], vector<16xf32>,
        %add3A_704 = arith.constant 64 : i32
        %add3A_705 = arith.addi %add3A_704, %scan3A_425 : i32
        %get3A_706 = arith.index_cast %add3A_705 : i32 to index
        %get3A_707 = arith.constant 0 : index
        %get3A_708 = tpu.vector_load %arg16[%get3A_706, %get3A_707] {strides = array<i32>} : memref<128x192xbf16, #tpu.memory_space<vmem>>, vector<32xbf16>,
        %add3A_709 = arith.constant 80 : i32
        %add3A_710 = arith.addi %add3A_709, %scan3A_425 : i32
        %get3A_711 = arith.index_cast %add3A_710 : i32 to index
        %get3A_712 = arith.constant 0 : index
        %get3A_713 = tpu.vector_load %arg16[%get3A_711, %get3A_712] {strides = array<i32>} : memref<128x192xbf16, #tpu.memory_space<vmem>>, vector<32xbf16>,
        %add3A_714 = arith.constant 96 : i32
        %add3A_715 = arith.addi %add3A_714, %scan3A_425 : i32
        %get3A_716 = arith.index_cast %add3A_715 : i32 to index
        %get3A_717 = arith.constant 0 : index
        %get3A_718 = tpu.vector_load %arg16[%get3A_716, %get3A_717] {strides = array<i32>} : memref<128x192xbf16, #tpu.memory_space<vmem>>, vector<32xbf16>,
        %add3A_719 = arith.constant 112 : i32
        %add3A_720 = arith.addi %add3A_719, %scan3A_425 : i32
        %get3A_721 = arith.index_cast %add3A_720 : i32 to index
        %get3A_722 = arith.constant 0 : index
        %get3A_723 = tpu.vector_load %arg16[%get3A_721, %get3A_722] {strides = array<i32>} : memref<128x192xbf16, #tpu.memory_space<vmem>>, vector<32xbf16>,
        %unpack3A_724 = tpu.unpack_subelements %get3A_660, 0 {pack_format = #tpu.pack_format<interleaved>} : vector<32xbf16> -> vector<16xf32>
        %unpack3A_725 = tpu.unpack_subelements %get3A_660, 1 {pack_format = #tpu.pack_format<interleaved>} : vector<32xbf16> -> vector<16xf32>
        %unpack3A_726 = tpu.unpack_subelements %get3A_665, 0 {pack_format = #tpu.pack_format<interleaved>} : vector<32xbf16> -> vector<16xf32>
        %unpack3A_727 = tpu.unpack_subelements %get3A_665, 1 {pack_format = #tpu.pack_format<interleaved>} : vector<32xbf16> -> vector<16xf32>
        %unpack3A_728 = tpu.unpack_subelements %get3A_670, 0 {pack_format = #tpu.pack_format<interleaved>} : vector<32xbf16> -> vector<16xf32>
        %unpack3A_729 = tpu.unpack_subelements %get3A_670, 1 {pack_format = #tpu.pack_format<interleaved>} : vector<32xbf16> -> vector<16xf32>
        %unpack3A_730 = tpu.unpack_subelements %get3A_675, 0 {pack_format = #tpu.pack_format<interleaved>} : vector<32xbf16> -> vector<16xf32>
        %unpack3A_731 = tpu.unpack_subelements %get3A_675, 1 {pack_format = #tpu.pack_format<interleaved>} : vector<32xbf16> -> vector<16xf32>
        %mul3A_732 = arith.mulf %unpack3A_724, %gather3A : vector<16xf32>
        %mul3A_733 = arith.mulf %unpack3A_726, %gather3A_433 : vector<16xf32>
        %add3A_734 = arith.addf %mul3A_732, %mul3A_733 : vector<16xf32>
        %mul3A_735 = arith.mulf %unpack3A_728, %gather3A_437 : vector<16xf32>
        %mul3A_736 = arith.mulf %unpack3A_730, %gather3A_441 : vector<16xf32>
        %add3A_737 = arith.addf %mul3A_735, %mul3A_736 : vector<16xf32>
        %add3A_738 = arith.addf %add3A_734, %add3A_737 : vector<16xf32>
        %mul3A_739 = arith.mulf %unpack3A_725, %gather3A : vector<16xf32>
        %mul3A_740 = arith.mulf %unpack3A_727, %gather3A_433 : vector<16xf32>
        %add3A_741 = arith.addf %mul3A_739, %mul3A_740 : vector<16xf32>
        %mul3A_742 = arith.mulf %unpack3A_729, %gather3A_437 : vector<16xf32>
        %mul3A_743 = arith.mulf %unpack3A_731, %gather3A_441 : vector<16xf32>
        %add3A_744 = arith.addf %mul3A_742, %mul3A_743 : vector<16xf32>
        %add3A_745 = arith.addf %add3A_741, %add3A_744 : vector<16xf32>
        %add3A_746 = arith.constant 160 : i32
        %add3A_747 = vector.broadcast %add3A_746 : i32 to vector<16xi32>
        %add3A_748 = arith.addi %mul3A_444, %add3A_747 : vector<16xi32>
        tpu.vector_store_idx %arg21[%add3A_429, %add3A_748], %add3A_738 : memref<16x576xf32, #tpu.memory_space<vmem>>[vector<16xi32>, vector<16xi32>], vector<16xf32>,
        %add3A_749 = arith.constant 1 : i32
        %add3A_750 = vector.broadcast %add3A_749 : i32 to vector<16xi32>
        %add3A_751 = arith.addi %add3A_748, %add3A_750 : vector<16xi32>
        tpu.vector_store_idx %arg21[%add3A_429, %add3A_751], %add3A_745 : memref<16x576xf32, #tpu.memory_space<vmem>>[vector<16xi32>, vector<16xi32>], vector<16xf32>,
        %add3A_752 = arith.constant 64 : i32
        %add3A_753 = arith.addi %add3A_752, %scan3A_425 : i32
        %get3A_754 = arith.index_cast %add3A_753 : i32 to index
        %get3A_755 = arith.constant 32 : index
        %get3A_756 = tpu.vector_load %arg16[%get3A_754, %get3A_755] {strides = array<i32>} : memref<128x192xbf16, #tpu.memory_space<vmem>>, vector<32xbf16>,
        %add3A_757 = arith.constant 80 : i32
        %add3A_758 = arith.addi %add3A_757, %scan3A_425 : i32
        %get3A_759 = arith.index_cast %add3A_758 : i32 to index
        %get3A_760 = arith.constant 32 : index
        %get3A_761 = tpu.vector_load %arg16[%get3A_759, %get3A_760] {strides = array<i32>} : memref<128x192xbf16, #tpu.memory_space<vmem>>, vector<32xbf16>,
        %add3A_762 = arith.constant 96 : i32
        %add3A_763 = arith.addi %add3A_762, %scan3A_425 : i32
        %get3A_764 = arith.index_cast %add3A_763 : i32 to index
        %get3A_765 = arith.constant 32 : index
        %get3A_766 = tpu.vector_load %arg16[%get3A_764, %get3A_765] {strides = array<i32>} : memref<128x192xbf16, #tpu.memory_space<vmem>>, vector<32xbf16>,
        %add3A_767 = arith.constant 112 : i32
        %add3A_768 = arith.addi %add3A_767, %scan3A_425 : i32
        %get3A_769 = arith.index_cast %add3A_768 : i32 to index
        %get3A_770 = arith.constant 32 : index
        %get3A_771 = tpu.vector_load %arg16[%get3A_769, %get3A_770] {strides = array<i32>} : memref<128x192xbf16, #tpu.memory_space<vmem>>, vector<32xbf16>,
        %unpack3A_772 = tpu.unpack_subelements %get3A_708, 0 {pack_format = #tpu.pack_format<interleaved>} : vector<32xbf16> -> vector<16xf32>
        %unpack3A_773 = tpu.unpack_subelements %get3A_708, 1 {pack_format = #tpu.pack_format<interleaved>} : vector<32xbf16> -> vector<16xf32>
        %unpack3A_774 = tpu.unpack_subelements %get3A_713, 0 {pack_format = #tpu.pack_format<interleaved>} : vector<32xbf16> -> vector<16xf32>
        %unpack3A_775 = tpu.unpack_subelements %get3A_713, 1 {pack_format = #tpu.pack_format<interleaved>} : vector<32xbf16> -> vector<16xf32>
        %unpack3A_776 = tpu.unpack_subelements %get3A_718, 0 {pack_format = #tpu.pack_format<interleaved>} : vector<32xbf16> -> vector<16xf32>
        %unpack3A_777 = tpu.unpack_subelements %get3A_718, 1 {pack_format = #tpu.pack_format<interleaved>} : vector<32xbf16> -> vector<16xf32>
        %unpack3A_778 = tpu.unpack_subelements %get3A_723, 0 {pack_format = #tpu.pack_format<interleaved>} : vector<32xbf16> -> vector<16xf32>
        %unpack3A_779 = tpu.unpack_subelements %get3A_723, 1 {pack_format = #tpu.pack_format<interleaved>} : vector<32xbf16> -> vector<16xf32>
        %mul3A_780 = arith.mulf %unpack3A_772, %gather3A : vector<16xf32>
        %mul3A_781 = arith.mulf %unpack3A_774, %gather3A_433 : vector<16xf32>
        %add3A_782 = arith.addf %mul3A_780, %mul3A_781 : vector<16xf32>
        %mul3A_783 = arith.mulf %unpack3A_776, %gather3A_437 : vector<16xf32>
        %mul3A_784 = arith.mulf %unpack3A_778, %gather3A_441 : vector<16xf32>
        %add3A_785 = arith.addf %mul3A_783, %mul3A_784 : vector<16xf32>
        %add3A_786 = arith.addf %add3A_782, %add3A_785 : vector<16xf32>
        %mul3A_787 = arith.mulf %unpack3A_773, %gather3A : vector<16xf32>
        %mul3A_788 = arith.mulf %unpack3A_775, %gather3A_433 : vector<16xf32>
        %add3A_789 = arith.addf %mul3A_787, %mul3A_788 : vector<16xf32>
        %mul3A_790 = arith.mulf %unpack3A_777, %gather3A_437 : vector<16xf32>
        %mul3A_791 = arith.mulf %unpack3A_779, %gather3A_441 : vector<16xf32>
        %add3A_792 = arith.addf %mul3A_790, %mul3A_791 : vector<16xf32>
        %add3A_793 = arith.addf %add3A_789, %add3A_792 : vector<16xf32>
        %add3A_794 = arith.constant 192 : i32
        %add3A_795 = vector.broadcast %add3A_794 : i32 to vector<16xi32>
        %add3A_796 = arith.addi %mul3A_444, %add3A_795 : vector<16xi32>
        tpu.vector_store_idx %arg21[%add3A_429, %add3A_796], %add3A_786 : memref<16x576xf32, #tpu.memory_space<vmem>>[vector<16xi32>, vector<16xi32>], vector<16xf32>,
        %add3A_797 = arith.constant 1 : i32
        %add3A_798 = vector.broadcast %add3A_797 : i32 to vector<16xi32>
        %add3A_799 = arith.addi %add3A_796, %add3A_798 : vector<16xi32>
        tpu.vector_store_idx %arg21[%add3A_429, %add3A_799], %add3A_793 : memref<16x576xf32, #tpu.memory_space<vmem>>[vector<16xi32>, vector<16xi32>], vector<16xf32>,
        %add3A_800 = arith.constant 64 : i32
        %add3A_801 = arith.addi %add3A_800, %scan3A_425 : i32
        %get3A_802 = arith.index_cast %add3A_801 : i32 to index
        %get3A_803 = arith.constant 64 : index
        %get3A_804 = tpu.vector_load %arg16[%get3A_802, %get3A_803] {strides = array<i32>} : memref<128x192xbf16, #tpu.memory_space<vmem>>, vector<32xbf16>,
        %add3A_805 = arith.constant 80 : i32
        %add3A_806 = arith.addi %add3A_805, %scan3A_425 : i32
        %get3A_807 = arith.index_cast %add3A_806 : i32 to index
        %get3A_808 = arith.constant 64 : index
        %get3A_809 = tpu.vector_load %arg16[%get3A_807, %get3A_808] {strides = array<i32>} : memref<128x192xbf16, #tpu.memory_space<vmem>>, vector<32xbf16>,
        %add3A_810 = arith.constant 96 : i32
        %add3A_811 = arith.addi %add3A_810, %scan3A_425 : i32
        %get3A_812 = arith.index_cast %add3A_811 : i32 to index
        %get3A_813 = arith.constant 64 : index
        %get3A_814 = tpu.vector_load %arg16[%get3A_812, %get3A_813] {strides = array<i32>} : memref<128x192xbf16, #tpu.memory_space<vmem>>, vector<32xbf16>,
        %add3A_815 = arith.constant 112 : i32
        %add3A_816 = arith.addi %add3A_815, %scan3A_425 : i32
        %get3A_817 = arith.index_cast %add3A_816 : i32 to index
        %get3A_818 = arith.constant 64 : index
        %get3A_819 = tpu.vector_load %arg16[%get3A_817, %get3A_818] {strides = array<i32>} : memref<128x192xbf16, #tpu.memory_space<vmem>>, vector<32xbf16>,
        %unpack3A_820 = tpu.unpack_subelements %get3A_756, 0 {pack_format = #tpu.pack_format<interleaved>} : vector<32xbf16> -> vector<16xf32>
        %unpack3A_821 = tpu.unpack_subelements %get3A_756, 1 {pack_format = #tpu.pack_format<interleaved>} : vector<32xbf16> -> vector<16xf32>
        %unpack3A_822 = tpu.unpack_subelements %get3A_761, 0 {pack_format = #tpu.pack_format<interleaved>} : vector<32xbf16> -> vector<16xf32>
        %unpack3A_823 = tpu.unpack_subelements %get3A_761, 1 {pack_format = #tpu.pack_format<interleaved>} : vector<32xbf16> -> vector<16xf32>
        %unpack3A_824 = tpu.unpack_subelements %get3A_766, 0 {pack_format = #tpu.pack_format<interleaved>} : vector<32xbf16> -> vector<16xf32>
        %unpack3A_825 = tpu.unpack_subelements %get3A_766, 1 {pack_format = #tpu.pack_format<interleaved>} : vector<32xbf16> -> vector<16xf32>
        %unpack3A_826 = tpu.unpack_subelements %get3A_771, 0 {pack_format = #tpu.pack_format<interleaved>} : vector<32xbf16> -> vector<16xf32>
        %unpack3A_827 = tpu.unpack_subelements %get3A_771, 1 {pack_format = #tpu.pack_format<interleaved>} : vector<32xbf16> -> vector<16xf32>
        %mul3A_828 = arith.mulf %unpack3A_820, %gather3A : vector<16xf32>
        %mul3A_829 = arith.mulf %unpack3A_822, %gather3A_433 : vector<16xf32>
        %add3A_830 = arith.addf %mul3A_828, %mul3A_829 : vector<16xf32>
        %mul3A_831 = arith.mulf %unpack3A_824, %gather3A_437 : vector<16xf32>
        %mul3A_832 = arith.mulf %unpack3A_826, %gather3A_441 : vector<16xf32>
        %add3A_833 = arith.addf %mul3A_831, %mul3A_832 : vector<16xf32>
        %add3A_834 = arith.addf %add3A_830, %add3A_833 : vector<16xf32>
        %mul3A_835 = arith.mulf %unpack3A_821, %gather3A : vector<16xf32>
        %mul3A_836 = arith.mulf %unpack3A_823, %gather3A_433 : vector<16xf32>
        %add3A_837 = arith.addf %mul3A_835, %mul3A_836 : vector<16xf32>
        %mul3A_838 = arith.mulf %unpack3A_825, %gather3A_437 : vector<16xf32>
        %mul3A_839 = arith.mulf %unpack3A_827, %gather3A_441 : vector<16xf32>
        %add3A_840 = arith.addf %mul3A_838, %mul3A_839 : vector<16xf32>
        %add3A_841 = arith.addf %add3A_837, %add3A_840 : vector<16xf32>
        %add3A_842 = arith.constant 224 : i32
        %add3A_843 = vector.broadcast %add3A_842 : i32 to vector<16xi32>
        %add3A_844 = arith.addi %mul3A_444, %add3A_843 : vector<16xi32>
        tpu.vector_store_idx %arg21[%add3A_429, %add3A_844], %add3A_834 : memref<16x576xf32, #tpu.memory_space<vmem>>[vector<16xi32>, vector<16xi32>], vector<16xf32>,
        %add3A_845 = arith.constant 1 : i32
        %add3A_846 = vector.broadcast %add3A_845 : i32 to vector<16xi32>
        %add3A_847 = arith.addi %add3A_844, %add3A_846 : vector<16xi32>
        tpu.vector_store_idx %arg21[%add3A_429, %add3A_847], %add3A_841 : memref<16x576xf32, #tpu.memory_space<vmem>>[vector<16xi32>, vector<16xi32>], vector<16xf32>,
        %add3A_848 = arith.constant 64 : i32
        %add3A_849 = arith.addi %add3A_848, %scan3A_425 : i32
        %get3A_850 = arith.index_cast %add3A_849 : i32 to index
        %get3A_851 = arith.constant 96 : index
        %get3A_852 = tpu.vector_load %arg16[%get3A_850, %get3A_851] {strides = array<i32>} : memref<128x192xbf16, #tpu.memory_space<vmem>>, vector<32xbf16>,
        %add3A_853 = arith.constant 80 : i32
        %add3A_854 = arith.addi %add3A_853, %scan3A_425 : i32
        %get3A_855 = arith.index_cast %add3A_854 : i32 to index
        %get3A_856 = arith.constant 96 : index
        %get3A_857 = tpu.vector_load %arg16[%get3A_855, %get3A_856] {strides = array<i32>} : memref<128x192xbf16, #tpu.memory_space<vmem>>, vector<32xbf16>,
        %add3A_858 = arith.constant 96 : i32
        %add3A_859 = arith.addi %add3A_858, %scan3A_425 : i32
        %get3A_860 = arith.index_cast %add3A_859 : i32 to index
        %get3A_861 = arith.constant 96 : index
        %get3A_862 = tpu.vector_load %arg16[%get3A_860, %get3A_861] {strides = array<i32>} : memref<128x192xbf16, #tpu.memory_space<vmem>>, vector<32xbf16>,
        %add3A_863 = arith.constant 112 : i32
        %add3A_864 = arith.addi %add3A_863, %scan3A_425 : i32
        %get3A_865 = arith.index_cast %add3A_864 : i32 to index
        %get3A_866 = arith.constant 96 : index
        %get3A_867 = tpu.vector_load %arg16[%get3A_865, %get3A_866] {strides = array<i32>} : memref<128x192xbf16, #tpu.memory_space<vmem>>, vector<32xbf16>,
        %unpack3A_868 = tpu.unpack_subelements %get3A_804, 0 {pack_format = #tpu.pack_format<interleaved>} : vector<32xbf16> -> vector<16xf32>
        %unpack3A_869 = tpu.unpack_subelements %get3A_804, 1 {pack_format = #tpu.pack_format<interleaved>} : vector<32xbf16> -> vector<16xf32>
        %unpack3A_870 = tpu.unpack_subelements %get3A_809, 0 {pack_format = #tpu.pack_format<interleaved>} : vector<32xbf16> -> vector<16xf32>
        %unpack3A_871 = tpu.unpack_subelements %get3A_809, 1 {pack_format = #tpu.pack_format<interleaved>} : vector<32xbf16> -> vector<16xf32>
        %unpack3A_872 = tpu.unpack_subelements %get3A_814, 0 {pack_format = #tpu.pack_format<interleaved>} : vector<32xbf16> -> vector<16xf32>
        %unpack3A_873 = tpu.unpack_subelements %get3A_814, 1 {pack_format = #tpu.pack_format<interleaved>} : vector<32xbf16> -> vector<16xf32>
        %unpack3A_874 = tpu.unpack_subelements %get3A_819, 0 {pack_format = #tpu.pack_format<interleaved>} : vector<32xbf16> -> vector<16xf32>
        %unpack3A_875 = tpu.unpack_subelements %get3A_819, 1 {pack_format = #tpu.pack_format<interleaved>} : vector<32xbf16> -> vector<16xf32>
        %mul3A_876 = arith.mulf %unpack3A_868, %gather3A : vector<16xf32>
        %mul3A_877 = arith.mulf %unpack3A_870, %gather3A_433 : vector<16xf32>
        %add3A_878 = arith.addf %mul3A_876, %mul3A_877 : vector<16xf32>
        %mul3A_879 = arith.mulf %unpack3A_872, %gather3A_437 : vector<16xf32>
        %mul3A_880 = arith.mulf %unpack3A_874, %gather3A_441 : vector<16xf32>
        %add3A_881 = arith.addf %mul3A_879, %mul3A_880 : vector<16xf32>
        %add3A_882 = arith.addf %add3A_878, %add3A_881 : vector<16xf32>
        %mul3A_883 = arith.mulf %unpack3A_869, %gather3A : vector<16xf32>
        %mul3A_884 = arith.mulf %unpack3A_871, %gather3A_433 : vector<16xf32>
        %add3A_885 = arith.addf %mul3A_883, %mul3A_884 : vector<16xf32>
        %mul3A_886 = arith.mulf %unpack3A_873, %gather3A_437 : vector<16xf32>
        %mul3A_887 = arith.mulf %unpack3A_875, %gather3A_441 : vector<16xf32>
        %add3A_888 = arith.addf %mul3A_886, %mul3A_887 : vector<16xf32>
        %add3A_889 = arith.addf %add3A_885, %add3A_888 : vector<16xf32>
        %add3A_890 = arith.constant 256 : i32
        %add3A_891 = vector.broadcast %add3A_890 : i32 to vector<16xi32>
        %add3A_892 = arith.addi %mul3A_444, %add3A_891 : vector<16xi32>
        tpu.vector_store_idx %arg21[%add3A_429, %add3A_892], %add3A_882 : memref<16x576xf32, #tpu.memory_space<vmem>>[vector<16xi32>, vector<16xi32>], vector<16xf32>,
        %add3A_893 = arith.constant 1 : i32
        %add3A_894 = vector.broadcast %add3A_893 : i32 to vector<16xi32>
        %add3A_895 = arith.addi %add3A_892, %add3A_894 : vector<16xi32>
        tpu.vector_store_idx %arg21[%add3A_429, %add3A_895], %add3A_889 : memref<16x576xf32, #tpu.memory_space<vmem>>[vector<16xi32>, vector<16xi32>], vector<16xf32>,
        %add3A_896 = arith.constant 64 : i32
        %add3A_897 = arith.addi %add3A_896, %scan3A_425 : i32
        %get3A_898 = arith.index_cast %add3A_897 : i32 to index
        %get3A_899 = arith.constant 128 : index
        %get3A_900 = tpu.vector_load %arg16[%get3A_898, %get3A_899] {strides = array<i32>} : memref<128x192xbf16, #tpu.memory_space<vmem>>, vector<32xbf16>,
        %add3A_901 = arith.constant 80 : i32
        %add3A_902 = arith.addi %add3A_901, %scan3A_425 : i32
        %get3A_903 = arith.index_cast %add3A_902 : i32 to index
        %get3A_904 = arith.constant 128 : index
        %get3A_905 = tpu.vector_load %arg16[%get3A_903, %get3A_904] {strides = array<i32>} : memref<128x192xbf16, #tpu.memory_space<vmem>>, vector<32xbf16>,
        %add3A_906 = arith.constant 96 : i32
        %add3A_907 = arith.addi %add3A_906, %scan3A_425 : i32
        %get3A_908 = arith.index_cast %add3A_907 : i32 to index
        %get3A_909 = arith.constant 128 : index
        %get3A_910 = tpu.vector_load %arg16[%get3A_908, %get3A_909] {strides = array<i32>} : memref<128x192xbf16, #tpu.memory_space<vmem>>, vector<32xbf16>,
        %add3A_911 = arith.constant 112 : i32
        %add3A_912 = arith.addi %add3A_911, %scan3A_425 : i32
        %get3A_913 = arith.index_cast %add3A_912 : i32 to index
        %get3A_914 = arith.constant 128 : index
        %get3A_915 = tpu.vector_load %arg16[%get3A_913, %get3A_914] {strides = array<i32>} : memref<128x192xbf16, #tpu.memory_space<vmem>>, vector<32xbf16>,
        %unpack3A_916 = tpu.unpack_subelements %get3A_852, 0 {pack_format = #tpu.pack_format<interleaved>} : vector<32xbf16> -> vector<16xf32>
        %unpack3A_917 = tpu.unpack_subelements %get3A_852, 1 {pack_format = #tpu.pack_format<interleaved>} : vector<32xbf16> -> vector<16xf32>
        %unpack3A_918 = tpu.unpack_subelements %get3A_857, 0 {pack_format = #tpu.pack_format<interleaved>} : vector<32xbf16> -> vector<16xf32>
        %unpack3A_919 = tpu.unpack_subelements %get3A_857, 1 {pack_format = #tpu.pack_format<interleaved>} : vector<32xbf16> -> vector<16xf32>
        %unpack3A_920 = tpu.unpack_subelements %get3A_862, 0 {pack_format = #tpu.pack_format<interleaved>} : vector<32xbf16> -> vector<16xf32>
        %unpack3A_921 = tpu.unpack_subelements %get3A_862, 1 {pack_format = #tpu.pack_format<interleaved>} : vector<32xbf16> -> vector<16xf32>
        %unpack3A_922 = tpu.unpack_subelements %get3A_867, 0 {pack_format = #tpu.pack_format<interleaved>} : vector<32xbf16> -> vector<16xf32>
        %unpack3A_923 = tpu.unpack_subelements %get3A_867, 1 {pack_format = #tpu.pack_format<interleaved>} : vector<32xbf16> -> vector<16xf32>
        %mul3A_924 = arith.mulf %unpack3A_916, %gather3A : vector<16xf32>
        %mul3A_925 = arith.mulf %unpack3A_918, %gather3A_433 : vector<16xf32>
        %add3A_926 = arith.addf %mul3A_924, %mul3A_925 : vector<16xf32>
        %mul3A_927 = arith.mulf %unpack3A_920, %gather3A_437 : vector<16xf32>
        %mul3A_928 = arith.mulf %unpack3A_922, %gather3A_441 : vector<16xf32>
        %add3A_929 = arith.addf %mul3A_927, %mul3A_928 : vector<16xf32>
        %add3A_930 = arith.addf %add3A_926, %add3A_929 : vector<16xf32>
        %mul3A_931 = arith.mulf %unpack3A_917, %gather3A : vector<16xf32>
        %mul3A_932 = arith.mulf %unpack3A_919, %gather3A_433 : vector<16xf32>
        %add3A_933 = arith.addf %mul3A_931, %mul3A_932 : vector<16xf32>
        %mul3A_934 = arith.mulf %unpack3A_921, %gather3A_437 : vector<16xf32>
        %mul3A_935 = arith.mulf %unpack3A_923, %gather3A_441 : vector<16xf32>
        %add3A_936 = arith.addf %mul3A_934, %mul3A_935 : vector<16xf32>
        %add3A_937 = arith.addf %add3A_933, %add3A_936 : vector<16xf32>
        %add3A_938 = arith.constant 288 : i32
        %add3A_939 = vector.broadcast %add3A_938 : i32 to vector<16xi32>
        %add3A_940 = arith.addi %mul3A_444, %add3A_939 : vector<16xi32>
        tpu.vector_store_idx %arg21[%add3A_429, %add3A_940], %add3A_930 : memref<16x576xf32, #tpu.memory_space<vmem>>[vector<16xi32>, vector<16xi32>], vector<16xf32>,
        %add3A_941 = arith.constant 1 : i32
        %add3A_942 = vector.broadcast %add3A_941 : i32 to vector<16xi32>
        %add3A_943 = arith.addi %add3A_940, %add3A_942 : vector<16xi32>
        tpu.vector_store_idx %arg21[%add3A_429, %add3A_943], %add3A_937 : memref<16x576xf32, #tpu.memory_space<vmem>>[vector<16xi32>, vector<16xi32>], vector<16xf32>,
        %add3A_944 = arith.constant 64 : i32
        %add3A_945 = arith.addi %add3A_944, %scan3A_425 : i32
        %get3A_946 = arith.index_cast %add3A_945 : i32 to index
        %get3A_947 = arith.constant 160 : index
        %get3A_948 = tpu.vector_load %arg16[%get3A_946, %get3A_947] {strides = array<i32>} : memref<128x192xbf16, #tpu.memory_space<vmem>>, vector<32xbf16>,
        %add3A_949 = arith.constant 80 : i32
        %add3A_950 = arith.addi %add3A_949, %scan3A_425 : i32
        %get3A_951 = arith.index_cast %add3A_950 : i32 to index
        %get3A_952 = arith.constant 160 : index
        %get3A_953 = tpu.vector_load %arg16[%get3A_951, %get3A_952] {strides = array<i32>} : memref<128x192xbf16, #tpu.memory_space<vmem>>, vector<32xbf16>,
        %add3A_954 = arith.constant 96 : i32
        %add3A_955 = arith.addi %add3A_954, %scan3A_425 : i32
        %get3A_956 = arith.index_cast %add3A_955 : i32 to index
        %get3A_957 = arith.constant 160 : index
        %get3A_958 = tpu.vector_load %arg16[%get3A_956, %get3A_957] {strides = array<i32>} : memref<128x192xbf16, #tpu.memory_space<vmem>>, vector<32xbf16>,
        %add3A_959 = arith.constant 112 : i32
        %add3A_960 = arith.addi %add3A_959, %scan3A_425 : i32
        %get3A_961 = arith.index_cast %add3A_960 : i32 to index
        %get3A_962 = arith.constant 160 : index
        %get3A_963 = tpu.vector_load %arg16[%get3A_961, %get3A_962] {strides = array<i32>} : memref<128x192xbf16, #tpu.memory_space<vmem>>, vector<32xbf16>,
        %unpack3A_964 = tpu.unpack_subelements %get3A_900, 0 {pack_format = #tpu.pack_format<interleaved>} : vector<32xbf16> -> vector<16xf32>
        %unpack3A_965 = tpu.unpack_subelements %get3A_900, 1 {pack_format = #tpu.pack_format<interleaved>} : vector<32xbf16> -> vector<16xf32>
        %unpack3A_966 = tpu.unpack_subelements %get3A_905, 0 {pack_format = #tpu.pack_format<interleaved>} : vector<32xbf16> -> vector<16xf32>
        %unpack3A_967 = tpu.unpack_subelements %get3A_905, 1 {pack_format = #tpu.pack_format<interleaved>} : vector<32xbf16> -> vector<16xf32>
        %unpack3A_968 = tpu.unpack_subelements %get3A_910, 0 {pack_format = #tpu.pack_format<interleaved>} : vector<32xbf16> -> vector<16xf32>
        %unpack3A_969 = tpu.unpack_subelements %get3A_910, 1 {pack_format = #tpu.pack_format<interleaved>} : vector<32xbf16> -> vector<16xf32>
        %unpack3A_970 = tpu.unpack_subelements %get3A_915, 0 {pack_format = #tpu.pack_format<interleaved>} : vector<32xbf16> -> vector<16xf32>
        %unpack3A_971 = tpu.unpack_subelements %get3A_915, 1 {pack_format = #tpu.pack_format<interleaved>} : vector<32xbf16> -> vector<16xf32>
        %mul3A_972 = arith.mulf %unpack3A_964, %gather3A : vector<16xf32>
        %mul3A_973 = arith.mulf %unpack3A_966, %gather3A_433 : vector<16xf32>
        %add3A_974 = arith.addf %mul3A_972, %mul3A_973 : vector<16xf32>
        %mul3A_975 = arith.mulf %unpack3A_968, %gather3A_437 : vector<16xf32>
        %mul3A_976 = arith.mulf %unpack3A_970, %gather3A_441 : vector<16xf32>
        %add3A_977 = arith.addf %mul3A_975, %mul3A_976 : vector<16xf32>
        %add3A_978 = arith.addf %add3A_974, %add3A_977 : vector<16xf32>
        %mul3A_979 = arith.mulf %unpack3A_965, %gather3A : vector<16xf32>
        %mul3A_980 = arith.mulf %unpack3A_967, %gather3A_433 : vector<16xf32>
        %add3A_981 = arith.addf %mul3A_979, %mul3A_980 : vector<16xf32>
        %mul3A_982 = arith.mulf %unpack3A_969, %gather3A_437 : vector<16xf32>
        %mul3A_983 = arith.mulf %unpack3A_971, %gather3A_441 : vector<16xf32>
        %add3A_984 = arith.addf %mul3A_982, %mul3A_983 : vector<16xf32>
        %add3A_985 = arith.addf %add3A_981, %add3A_984 : vector<16xf32>
        %add3A_986 = arith.constant 320 : i32
        %add3A_987 = vector.broadcast %add3A_986 : i32 to vector<16xi32>
        %add3A_988 = arith.addi %mul3A_444, %add3A_987 : vector<16xi32>
        tpu.vector_store_idx %arg21[%add3A_429, %add3A_988], %add3A_978 : memref<16x576xf32, #tpu.memory_space<vmem>>[vector<16xi32>, vector<16xi32>], vector<16xf32>,
        %add3A_989 = arith.constant 1 : i32
        %add3A_990 = vector.broadcast %add3A_989 : i32 to vector<16xi32>
        %add3A_991 = arith.addi %add3A_988, %add3A_990 : vector<16xi32>
        tpu.vector_store_idx %arg21[%add3A_429, %add3A_991], %add3A_985 : memref<16x576xf32, #tpu.memory_space<vmem>>[vector<16xi32>, vector<16xi32>], vector<16xf32>,
        %add3A_992 = arith.constant 0 : i32
        %add3A_993 = arith.addi %add3A_992, %scan3A_425 : i32
        %get3A_994 = arith.index_cast %add3A_993 : i32 to index
        %get3A_995 = arith.constant 0 : index
        %get3A_996 = tpu.vector_load %arg17[%get3A_994, %get3A_995] {strides = array<i32>} : memref<64x192xbf16, #tpu.memory_space<vmem>>, vector<32xbf16>,
        %add3A_997 = arith.constant 16 : i32
        %add3A_998 = arith.addi %add3A_997, %scan3A_425 : i32
        %get3A_999 = arith.index_cast %add3A_998 : i32 to index
        %get3A_1000 = arith.constant 0 : index
        %get3A_1001 = tpu.vector_load %arg17[%get3A_999, %get3A_1000] {strides = array<i32>} : memref<64x192xbf16, #tpu.memory_space<vmem>>, vector<32xbf16>,
        %add3A_1002 = arith.constant 32 : i32
        %add3A_1003 = arith.addi %add3A_1002, %scan3A_425 : i32
        %get3A_1004 = arith.index_cast %add3A_1003 : i32 to index
        %get3A_1005 = arith.constant 0 : index
        %get3A_1006 = tpu.vector_load %arg17[%get3A_1004, %get3A_1005] {strides = array<i32>} : memref<64x192xbf16, #tpu.memory_space<vmem>>, vector<32xbf16>,
        %add3A_1007 = arith.constant 48 : i32
        %add3A_1008 = arith.addi %add3A_1007, %scan3A_425 : i32
        %get3A_1009 = arith.index_cast %add3A_1008 : i32 to index
        %get3A_1010 = arith.constant 0 : index
        %get3A_1011 = tpu.vector_load %arg17[%get3A_1009, %get3A_1010] {strides = array<i32>} : memref<64x192xbf16, #tpu.memory_space<vmem>>, vector<32xbf16>,
        %unpack3A_1012 = tpu.unpack_subelements %get3A_948, 0 {pack_format = #tpu.pack_format<interleaved>} : vector<32xbf16> -> vector<16xf32>
        %unpack3A_1013 = tpu.unpack_subelements %get3A_948, 1 {pack_format = #tpu.pack_format<interleaved>} : vector<32xbf16> -> vector<16xf32>
        %unpack3A_1014 = tpu.unpack_subelements %get3A_953, 0 {pack_format = #tpu.pack_format<interleaved>} : vector<32xbf16> -> vector<16xf32>
        %unpack3A_1015 = tpu.unpack_subelements %get3A_953, 1 {pack_format = #tpu.pack_format<interleaved>} : vector<32xbf16> -> vector<16xf32>
        %unpack3A_1016 = tpu.unpack_subelements %get3A_958, 0 {pack_format = #tpu.pack_format<interleaved>} : vector<32xbf16> -> vector<16xf32>
        %unpack3A_1017 = tpu.unpack_subelements %get3A_958, 1 {pack_format = #tpu.pack_format<interleaved>} : vector<32xbf16> -> vector<16xf32>
        %unpack3A_1018 = tpu.unpack_subelements %get3A_963, 0 {pack_format = #tpu.pack_format<interleaved>} : vector<32xbf16> -> vector<16xf32>
        %unpack3A_1019 = tpu.unpack_subelements %get3A_963, 1 {pack_format = #tpu.pack_format<interleaved>} : vector<32xbf16> -> vector<16xf32>
        %mul3A_1020 = arith.mulf %unpack3A_1012, %gather3A : vector<16xf32>
        %mul3A_1021 = arith.mulf %unpack3A_1014, %gather3A_433 : vector<16xf32>
        %add3A_1022 = arith.addf %mul3A_1020, %mul3A_1021 : vector<16xf32>
        %mul3A_1023 = arith.mulf %unpack3A_1016, %gather3A_437 : vector<16xf32>
        %mul3A_1024 = arith.mulf %unpack3A_1018, %gather3A_441 : vector<16xf32>
        %add3A_1025 = arith.addf %mul3A_1023, %mul3A_1024 : vector<16xf32>
        %add3A_1026 = arith.addf %add3A_1022, %add3A_1025 : vector<16xf32>
        %mul3A_1027 = arith.mulf %unpack3A_1013, %gather3A : vector<16xf32>
        %mul3A_1028 = arith.mulf %unpack3A_1015, %gather3A_433 : vector<16xf32>
        %add3A_1029 = arith.addf %mul3A_1027, %mul3A_1028 : vector<16xf32>
        %mul3A_1030 = arith.mulf %unpack3A_1017, %gather3A_437 : vector<16xf32>
        %mul3A_1031 = arith.mulf %unpack3A_1019, %gather3A_441 : vector<16xf32>
        %add3A_1032 = arith.addf %mul3A_1030, %mul3A_1031 : vector<16xf32>
        %add3A_1033 = arith.addf %add3A_1029, %add3A_1032 : vector<16xf32>
        %add3A_1034 = arith.constant 352 : i32
        %add3A_1035 = vector.broadcast %add3A_1034 : i32 to vector<16xi32>
        %add3A_1036 = arith.addi %mul3A_444, %add3A_1035 : vector<16xi32>
        tpu.vector_store_idx %arg21[%add3A_429, %add3A_1036], %add3A_1026 : memref<16x576xf32, #tpu.memory_space<vmem>>[vector<16xi32>, vector<16xi32>], vector<16xf32>,
        %add3A_1037 = arith.constant 1 : i32
        %add3A_1038 = vector.broadcast %add3A_1037 : i32 to vector<16xi32>
        %add3A_1039 = arith.addi %add3A_1036, %add3A_1038 : vector<16xi32>
        tpu.vector_store_idx %arg21[%add3A_429, %add3A_1039], %add3A_1033 : memref<16x576xf32, #tpu.memory_space<vmem>>[vector<16xi32>, vector<16xi32>], vector<16xf32>,
        %add3A_1040 = arith.constant 0 : i32
        %add3A_1041 = arith.addi %add3A_1040, %scan3A_425 : i32
        %get3A_1042 = arith.index_cast %add3A_1041 : i32 to index
        %get3A_1043 = arith.constant 32 : index
        %get3A_1044 = tpu.vector_load %arg17[%get3A_1042, %get3A_1043] {strides = array<i32>} : memref<64x192xbf16, #tpu.memory_space<vmem>>, vector<32xbf16>,
        %add3A_1045 = arith.constant 16 : i32
        %add3A_1046 = arith.addi %add3A_1045, %scan3A_425 : i32
        %get3A_1047 = arith.index_cast %add3A_1046 : i32 to index
        %get3A_1048 = arith.constant 32 : index
        %get3A_1049 = tpu.vector_load %arg17[%get3A_1047, %get3A_1048] {strides = array<i32>} : memref<64x192xbf16, #tpu.memory_space<vmem>>, vector<32xbf16>,
        %add3A_1050 = arith.constant 32 : i32
        %add3A_1051 = arith.addi %add3A_1050, %scan3A_425 : i32
        %get3A_1052 = arith.index_cast %add3A_1051 : i32 to index
        %get3A_1053 = arith.constant 32 : index
        %get3A_1054 = tpu.vector_load %arg17[%get3A_1052, %get3A_1053] {strides = array<i32>} : memref<64x192xbf16, #tpu.memory_space<vmem>>, vector<32xbf16>,
        %add3A_1055 = arith.constant 48 : i32
        %add3A_1056 = arith.addi %add3A_1055, %scan3A_425 : i32
        %get3A_1057 = arith.index_cast %add3A_1056 : i32 to index
        %get3A_1058 = arith.constant 32 : index
        %get3A_1059 = tpu.vector_load %arg17[%get3A_1057, %get3A_1058] {strides = array<i32>} : memref<64x192xbf16, #tpu.memory_space<vmem>>, vector<32xbf16>,
        %unpack3A_1060 = tpu.unpack_subelements %get3A_996, 0 {pack_format = #tpu.pack_format<interleaved>} : vector<32xbf16> -> vector<16xf32>
        %unpack3A_1061 = tpu.unpack_subelements %get3A_996, 1 {pack_format = #tpu.pack_format<interleaved>} : vector<32xbf16> -> vector<16xf32>
        %unpack3A_1062 = tpu.unpack_subelements %get3A_1001, 0 {pack_format = #tpu.pack_format<interleaved>} : vector<32xbf16> -> vector<16xf32>
        %unpack3A_1063 = tpu.unpack_subelements %get3A_1001, 1 {pack_format = #tpu.pack_format<interleaved>} : vector<32xbf16> -> vector<16xf32>
        %unpack3A_1064 = tpu.unpack_subelements %get3A_1006, 0 {pack_format = #tpu.pack_format<interleaved>} : vector<32xbf16> -> vector<16xf32>
        %unpack3A_1065 = tpu.unpack_subelements %get3A_1006, 1 {pack_format = #tpu.pack_format<interleaved>} : vector<32xbf16> -> vector<16xf32>
        %unpack3A_1066 = tpu.unpack_subelements %get3A_1011, 0 {pack_format = #tpu.pack_format<interleaved>} : vector<32xbf16> -> vector<16xf32>
        %unpack3A_1067 = tpu.unpack_subelements %get3A_1011, 1 {pack_format = #tpu.pack_format<interleaved>} : vector<32xbf16> -> vector<16xf32>
        %mul3A_1068 = arith.mulf %unpack3A_1060, %gather3A : vector<16xf32>
        %mul3A_1069 = arith.mulf %unpack3A_1062, %gather3A_433 : vector<16xf32>
        %add3A_1070 = arith.addf %mul3A_1068, %mul3A_1069 : vector<16xf32>
        %mul3A_1071 = arith.mulf %unpack3A_1064, %gather3A_437 : vector<16xf32>
        %mul3A_1072 = arith.mulf %unpack3A_1066, %gather3A_441 : vector<16xf32>
        %add3A_1073 = arith.addf %mul3A_1071, %mul3A_1072 : vector<16xf32>
        %add3A_1074 = arith.addf %add3A_1070, %add3A_1073 : vector<16xf32>
        %mul3A_1075 = arith.mulf %unpack3A_1061, %gather3A : vector<16xf32>
        %mul3A_1076 = arith.mulf %unpack3A_1063, %gather3A_433 : vector<16xf32>
        %add3A_1077 = arith.addf %mul3A_1075, %mul3A_1076 : vector<16xf32>
        %mul3A_1078 = arith.mulf %unpack3A_1065, %gather3A_437 : vector<16xf32>
        %mul3A_1079 = arith.mulf %unpack3A_1067, %gather3A_441 : vector<16xf32>
        %add3A_1080 = arith.addf %mul3A_1078, %mul3A_1079 : vector<16xf32>
        %add3A_1081 = arith.addf %add3A_1077, %add3A_1080 : vector<16xf32>
        %add3A_1082 = arith.constant 384 : i32
        %add3A_1083 = vector.broadcast %add3A_1082 : i32 to vector<16xi32>
        %add3A_1084 = arith.addi %mul3A_444, %add3A_1083 : vector<16xi32>
        tpu.vector_store_idx %arg21[%add3A_429, %add3A_1084], %add3A_1074 : memref<16x576xf32, #tpu.memory_space<vmem>>[vector<16xi32>, vector<16xi32>], vector<16xf32>,
        %add3A_1085 = arith.constant 1 : i32
        %add3A_1086 = vector.broadcast %add3A_1085 : i32 to vector<16xi32>
        %add3A_1087 = arith.addi %add3A_1084, %add3A_1086 : vector<16xi32>
        tpu.vector_store_idx %arg21[%add3A_429, %add3A_1087], %add3A_1081 : memref<16x576xf32, #tpu.memory_space<vmem>>[vector<16xi32>, vector<16xi32>], vector<16xf32>,
        %add3A_1088 = arith.constant 0 : i32
        %add3A_1089 = arith.addi %add3A_1088, %scan3A_425 : i32
        %get3A_1090 = arith.index_cast %add3A_1089 : i32 to index
        %get3A_1091 = arith.constant 64 : index
        %get3A_1092 = tpu.vector_load %arg17[%get3A_1090, %get3A_1091] {strides = array<i32>} : memref<64x192xbf16, #tpu.memory_space<vmem>>, vector<32xbf16>,
        %add3A_1093 = arith.constant 16 : i32
        %add3A_1094 = arith.addi %add3A_1093, %scan3A_425 : i32
        %get3A_1095 = arith.index_cast %add3A_1094 : i32 to index
        %get3A_1096 = arith.constant 64 : index
        %get3A_1097 = tpu.vector_load %arg17[%get3A_1095, %get3A_1096] {strides = array<i32>} : memref<64x192xbf16, #tpu.memory_space<vmem>>, vector<32xbf16>,
        %add3A_1098 = arith.constant 32 : i32
        %add3A_1099 = arith.addi %add3A_1098, %scan3A_425 : i32
        %get3A_1100 = arith.index_cast %add3A_1099 : i32 to index
        %get3A_1101 = arith.constant 64 : index
        %get3A_1102 = tpu.vector_load %arg17[%get3A_1100, %get3A_1101] {strides = array<i32>} : memref<64x192xbf16, #tpu.memory_space<vmem>>, vector<32xbf16>,
        %add3A_1103 = arith.constant 48 : i32
        %add3A_1104 = arith.addi %add3A_1103, %scan3A_425 : i32
        %get3A_1105 = arith.index_cast %add3A_1104 : i32 to index
        %get3A_1106 = arith.constant 64 : index
        %get3A_1107 = tpu.vector_load %arg17[%get3A_1105, %get3A_1106] {strides = array<i32>} : memref<64x192xbf16, #tpu.memory_space<vmem>>, vector<32xbf16>,
        %unpack3A_1108 = tpu.unpack_subelements %get3A_1044, 0 {pack_format = #tpu.pack_format<interleaved>} : vector<32xbf16> -> vector<16xf32>
        %unpack3A_1109 = tpu.unpack_subelements %get3A_1044, 1 {pack_format = #tpu.pack_format<interleaved>} : vector<32xbf16> -> vector<16xf32>
        %unpack3A_1110 = tpu.unpack_subelements %get3A_1049, 0 {pack_format = #tpu.pack_format<interleaved>} : vector<32xbf16> -> vector<16xf32>
        %unpack3A_1111 = tpu.unpack_subelements %get3A_1049, 1 {pack_format = #tpu.pack_format<interleaved>} : vector<32xbf16> -> vector<16xf32>
        %unpack3A_1112 = tpu.unpack_subelements %get3A_1054, 0 {pack_format = #tpu.pack_format<interleaved>} : vector<32xbf16> -> vector<16xf32>
        %unpack3A_1113 = tpu.unpack_subelements %get3A_1054, 1 {pack_format = #tpu.pack_format<interleaved>} : vector<32xbf16> -> vector<16xf32>
        %unpack3A_1114 = tpu.unpack_subelements %get3A_1059, 0 {pack_format = #tpu.pack_format<interleaved>} : vector<32xbf16> -> vector<16xf32>
        %unpack3A_1115 = tpu.unpack_subelements %get3A_1059, 1 {pack_format = #tpu.pack_format<interleaved>} : vector<32xbf16> -> vector<16xf32>
        %mul3A_1116 = arith.mulf %unpack3A_1108, %gather3A : vector<16xf32>
        %mul3A_1117 = arith.mulf %unpack3A_1110, %gather3A_433 : vector<16xf32>
        %add3A_1118 = arith.addf %mul3A_1116, %mul3A_1117 : vector<16xf32>
        %mul3A_1119 = arith.mulf %unpack3A_1112, %gather3A_437 : vector<16xf32>
        %mul3A_1120 = arith.mulf %unpack3A_1114, %gather3A_441 : vector<16xf32>
        %add3A_1121 = arith.addf %mul3A_1119, %mul3A_1120 : vector<16xf32>
        %add3A_1122 = arith.addf %add3A_1118, %add3A_1121 : vector<16xf32>
        %mul3A_1123 = arith.mulf %unpack3A_1109, %gather3A : vector<16xf32>
        %mul3A_1124 = arith.mulf %unpack3A_1111, %gather3A_433 : vector<16xf32>
        %add3A_1125 = arith.addf %mul3A_1123, %mul3A_1124 : vector<16xf32>
        %mul3A_1126 = arith.mulf %unpack3A_1113, %gather3A_437 : vector<16xf32>
        %mul3A_1127 = arith.mulf %unpack3A_1115, %gather3A_441 : vector<16xf32>
        %add3A_1128 = arith.addf %mul3A_1126, %mul3A_1127 : vector<16xf32>
        %add3A_1129 = arith.addf %add3A_1125, %add3A_1128 : vector<16xf32>
        %add3A_1130 = arith.constant 416 : i32
        %add3A_1131 = vector.broadcast %add3A_1130 : i32 to vector<16xi32>
        %add3A_1132 = arith.addi %mul3A_444, %add3A_1131 : vector<16xi32>
        tpu.vector_store_idx %arg21[%add3A_429, %add3A_1132], %add3A_1122 : memref<16x576xf32, #tpu.memory_space<vmem>>[vector<16xi32>, vector<16xi32>], vector<16xf32>,
        %add3A_1133 = arith.constant 1 : i32
        %add3A_1134 = vector.broadcast %add3A_1133 : i32 to vector<16xi32>
        %add3A_1135 = arith.addi %add3A_1132, %add3A_1134 : vector<16xi32>
        tpu.vector_store_idx %arg21[%add3A_429, %add3A_1135], %add3A_1129 : memref<16x576xf32, #tpu.memory_space<vmem>>[vector<16xi32>, vector<16xi32>], vector<16xf32>,
        %add3A_1136 = arith.constant 0 : i32
        %add3A_1137 = arith.addi %add3A_1136, %scan3A_425 : i32
        %get3A_1138 = arith.index_cast %add3A_1137 : i32 to index
        %get3A_1139 = arith.constant 96 : index
        %get3A_1140 = tpu.vector_load %arg17[%get3A_1138, %get3A_1139] {strides = array<i32>} : memref<64x192xbf16, #tpu.memory_space<vmem>>, vector<32xbf16>,
        %add3A_1141 = arith.constant 16 : i32
        %add3A_1142 = arith.addi %add3A_1141, %scan3A_425 : i32
        %get3A_1143 = arith.index_cast %add3A_1142 : i32 to index
        %get3A_1144 = arith.constant 96 : index
        %get3A_1145 = tpu.vector_load %arg17[%get3A_1143, %get3A_1144] {strides = array<i32>} : memref<64x192xbf16, #tpu.memory_space<vmem>>, vector<32xbf16>,
        %add3A_1146 = arith.constant 32 : i32
        %add3A_1147 = arith.addi %add3A_1146, %scan3A_425 : i32
        %get3A_1148 = arith.index_cast %add3A_1147 : i32 to index
        %get3A_1149 = arith.constant 96 : index
        %get3A_1150 = tpu.vector_load %arg17[%get3A_1148, %get3A_1149] {strides = array<i32>} : memref<64x192xbf16, #tpu.memory_space<vmem>>, vector<32xbf16>,
        %add3A_1151 = arith.constant 48 : i32
        %add3A_1152 = arith.addi %add3A_1151, %scan3A_425 : i32
        %get3A_1153 = arith.index_cast %add3A_1152 : i32 to index
        %get3A_1154 = arith.constant 96 : index
        %get3A_1155 = tpu.vector_load %arg17[%get3A_1153, %get3A_1154] {strides = array<i32>} : memref<64x192xbf16, #tpu.memory_space<vmem>>, vector<32xbf16>,
        %unpack3A_1156 = tpu.unpack_subelements %get3A_1092, 0 {pack_format = #tpu.pack_format<interleaved>} : vector<32xbf16> -> vector<16xf32>
        %unpack3A_1157 = tpu.unpack_subelements %get3A_1092, 1 {pack_format = #tpu.pack_format<interleaved>} : vector<32xbf16> -> vector<16xf32>
        %unpack3A_1158 = tpu.unpack_subelements %get3A_1097, 0 {pack_format = #tpu.pack_format<interleaved>} : vector<32xbf16> -> vector<16xf32>
        %unpack3A_1159 = tpu.unpack_subelements %get3A_1097, 1 {pack_format = #tpu.pack_format<interleaved>} : vector<32xbf16> -> vector<16xf32>
        %unpack3A_1160 = tpu.unpack_subelements %get3A_1102, 0 {pack_format = #tpu.pack_format<interleaved>} : vector<32xbf16> -> vector<16xf32>
        %unpack3A_1161 = tpu.unpack_subelements %get3A_1102, 1 {pack_format = #tpu.pack_format<interleaved>} : vector<32xbf16> -> vector<16xf32>
        %unpack3A_1162 = tpu.unpack_subelements %get3A_1107, 0 {pack_format = #tpu.pack_format<interleaved>} : vector<32xbf16> -> vector<16xf32>
        %unpack3A_1163 = tpu.unpack_subelements %get3A_1107, 1 {pack_format = #tpu.pack_format<interleaved>} : vector<32xbf16> -> vector<16xf32>
        %mul3A_1164 = arith.mulf %unpack3A_1156, %gather3A : vector<16xf32>
        %mul3A_1165 = arith.mulf %unpack3A_1158, %gather3A_433 : vector<16xf32>
        %add3A_1166 = arith.addf %mul3A_1164, %mul3A_1165 : vector<16xf32>
        %mul3A_1167 = arith.mulf %unpack3A_1160, %gather3A_437 : vector<16xf32>
        %mul3A_1168 = arith.mulf %unpack3A_1162, %gather3A_441 : vector<16xf32>
        %add3A_1169 = arith.addf %mul3A_1167, %mul3A_1168 : vector<16xf32>
        %add3A_1170 = arith.addf %add3A_1166, %add3A_1169 : vector<16xf32>
        %mul3A_1171 = arith.mulf %unpack3A_1157, %gather3A : vector<16xf32>
        %mul3A_1172 = arith.mulf %unpack3A_1159, %gather3A_433 : vector<16xf32>
        %add3A_1173 = arith.addf %mul3A_1171, %mul3A_1172 : vector<16xf32>
        %mul3A_1174 = arith.mulf %unpack3A_1161, %gather3A_437 : vector<16xf32>
        %mul3A_1175 = arith.mulf %unpack3A_1163, %gather3A_441 : vector<16xf32>
        %add3A_1176 = arith.addf %mul3A_1174, %mul3A_1175 : vector<16xf32>
        %add3A_1177 = arith.addf %add3A_1173, %add3A_1176 : vector<16xf32>
        %add3A_1178 = arith.constant 448 : i32
        %add3A_1179 = vector.broadcast %add3A_1178 : i32 to vector<16xi32>
        %add3A_1180 = arith.addi %mul3A_444, %add3A_1179 : vector<16xi32>
        tpu.vector_store_idx %arg21[%add3A_429, %add3A_1180], %add3A_1170 : memref<16x576xf32, #tpu.memory_space<vmem>>[vector<16xi32>, vector<16xi32>], vector<16xf32>,
        %add3A_1181 = arith.constant 1 : i32
        %add3A_1182 = vector.broadcast %add3A_1181 : i32 to vector<16xi32>
        %add3A_1183 = arith.addi %add3A_1180, %add3A_1182 : vector<16xi32>
        tpu.vector_store_idx %arg21[%add3A_429, %add3A_1183], %add3A_1177 : memref<16x576xf32, #tpu.memory_space<vmem>>[vector<16xi32>, vector<16xi32>], vector<16xf32>,
        %add3A_1184 = arith.constant 0 : i32
        %add3A_1185 = arith.addi %add3A_1184, %scan3A_425 : i32
        %get3A_1186 = arith.index_cast %add3A_1185 : i32 to index
        %get3A_1187 = arith.constant 128 : index
        %get3A_1188 = tpu.vector_load %arg17[%get3A_1186, %get3A_1187] {strides = array<i32>} : memref<64x192xbf16, #tpu.memory_space<vmem>>, vector<32xbf16>,
        %add3A_1189 = arith.constant 16 : i32
        %add3A_1190 = arith.addi %add3A_1189, %scan3A_425 : i32
        %get3A_1191 = arith.index_cast %add3A_1190 : i32 to index
        %get3A_1192 = arith.constant 128 : index
        %get3A_1193 = tpu.vector_load %arg17[%get3A_1191, %get3A_1192] {strides = array<i32>} : memref<64x192xbf16, #tpu.memory_space<vmem>>, vector<32xbf16>,
        %add3A_1194 = arith.constant 32 : i32
        %add3A_1195 = arith.addi %add3A_1194, %scan3A_425 : i32
        %get3A_1196 = arith.index_cast %add3A_1195 : i32 to index
        %get3A_1197 = arith.constant 128 : index
        %get3A_1198 = tpu.vector_load %arg17[%get3A_1196, %get3A_1197] {strides = array<i32>} : memref<64x192xbf16, #tpu.memory_space<vmem>>, vector<32xbf16>,
        %add3A_1199 = arith.constant 48 : i32
        %add3A_1200 = arith.addi %add3A_1199, %scan3A_425 : i32
        %get3A_1201 = arith.index_cast %add3A_1200 : i32 to index
        %get3A_1202 = arith.constant 128 : index
        %get3A_1203 = tpu.vector_load %arg17[%get3A_1201, %get3A_1202] {strides = array<i32>} : memref<64x192xbf16, #tpu.memory_space<vmem>>, vector<32xbf16>,
        %unpack3A_1204 = tpu.unpack_subelements %get3A_1140, 0 {pack_format = #tpu.pack_format<interleaved>} : vector<32xbf16> -> vector<16xf32>
        %unpack3A_1205 = tpu.unpack_subelements %get3A_1140, 1 {pack_format = #tpu.pack_format<interleaved>} : vector<32xbf16> -> vector<16xf32>
        %unpack3A_1206 = tpu.unpack_subelements %get3A_1145, 0 {pack_format = #tpu.pack_format<interleaved>} : vector<32xbf16> -> vector<16xf32>
        %unpack3A_1207 = tpu.unpack_subelements %get3A_1145, 1 {pack_format = #tpu.pack_format<interleaved>} : vector<32xbf16> -> vector<16xf32>
        %unpack3A_1208 = tpu.unpack_subelements %get3A_1150, 0 {pack_format = #tpu.pack_format<interleaved>} : vector<32xbf16> -> vector<16xf32>
        %unpack3A_1209 = tpu.unpack_subelements %get3A_1150, 1 {pack_format = #tpu.pack_format<interleaved>} : vector<32xbf16> -> vector<16xf32>
        %unpack3A_1210 = tpu.unpack_subelements %get3A_1155, 0 {pack_format = #tpu.pack_format<interleaved>} : vector<32xbf16> -> vector<16xf32>
        %unpack3A_1211 = tpu.unpack_subelements %get3A_1155, 1 {pack_format = #tpu.pack_format<interleaved>} : vector<32xbf16> -> vector<16xf32>
        %mul3A_1212 = arith.mulf %unpack3A_1204, %gather3A : vector<16xf32>
        %mul3A_1213 = arith.mulf %unpack3A_1206, %gather3A_433 : vector<16xf32>
        %add3A_1214 = arith.addf %mul3A_1212, %mul3A_1213 : vector<16xf32>
        %mul3A_1215 = arith.mulf %unpack3A_1208, %gather3A_437 : vector<16xf32>
        %mul3A_1216 = arith.mulf %unpack3A_1210, %gather3A_441 : vector<16xf32>
        %add3A_1217 = arith.addf %mul3A_1215, %mul3A_1216 : vector<16xf32>
        %add3A_1218 = arith.addf %add3A_1214, %add3A_1217 : vector<16xf32>
        %mul3A_1219 = arith.mulf %unpack3A_1205, %gather3A : vector<16xf32>
        %mul3A_1220 = arith.mulf %unpack3A_1207, %gather3A_433 : vector<16xf32>
        %add3A_1221 = arith.addf %mul3A_1219, %mul3A_1220 : vector<16xf32>
        %mul3A_1222 = arith.mulf %unpack3A_1209, %gather3A_437 : vector<16xf32>
        %mul3A_1223 = arith.mulf %unpack3A_1211, %gather3A_441 : vector<16xf32>
        %add3A_1224 = arith.addf %mul3A_1222, %mul3A_1223 : vector<16xf32>
        %add3A_1225 = arith.addf %add3A_1221, %add3A_1224 : vector<16xf32>
        %add3A_1226 = arith.constant 480 : i32
        %add3A_1227 = vector.broadcast %add3A_1226 : i32 to vector<16xi32>
        %add3A_1228 = arith.addi %mul3A_444, %add3A_1227 : vector<16xi32>
        tpu.vector_store_idx %arg21[%add3A_429, %add3A_1228], %add3A_1218 : memref<16x576xf32, #tpu.memory_space<vmem>>[vector<16xi32>, vector<16xi32>], vector<16xf32>,
        %add3A_1229 = arith.constant 1 : i32
        %add3A_1230 = vector.broadcast %add3A_1229 : i32 to vector<16xi32>
        %add3A_1231 = arith.addi %add3A_1228, %add3A_1230 : vector<16xi32>
        tpu.vector_store_idx %arg21[%add3A_429, %add3A_1231], %add3A_1225 : memref<16x576xf32, #tpu.memory_space<vmem>>[vector<16xi32>, vector<16xi32>], vector<16xf32>,
        %add3A_1232 = arith.constant 0 : i32
        %add3A_1233 = arith.addi %add3A_1232, %scan3A_425 : i32
        %get3A_1234 = arith.index_cast %add3A_1233 : i32 to index
        %get3A_1235 = arith.constant 160 : index
        %get3A_1236 = tpu.vector_load %arg17[%get3A_1234, %get3A_1235] {strides = array<i32>} : memref<64x192xbf16, #tpu.memory_space<vmem>>, vector<32xbf16>,
        %add3A_1237 = arith.constant 16 : i32
        %add3A_1238 = arith.addi %add3A_1237, %scan3A_425 : i32
        %get3A_1239 = arith.index_cast %add3A_1238 : i32 to index
        %get3A_1240 = arith.constant 160 : index
        %get3A_1241 = tpu.vector_load %arg17[%get3A_1239, %get3A_1240] {strides = array<i32>} : memref<64x192xbf16, #tpu.memory_space<vmem>>, vector<32xbf16>,
        %add3A_1242 = arith.constant 32 : i32
        %add3A_1243 = arith.addi %add3A_1242, %scan3A_425 : i32
        %get3A_1244 = arith.index_cast %add3A_1243 : i32 to index
        %get3A_1245 = arith.constant 160 : index
        %get3A_1246 = tpu.vector_load %arg17[%get3A_1244, %get3A_1245] {strides = array<i32>} : memref<64x192xbf16, #tpu.memory_space<vmem>>, vector<32xbf16>,
        %add3A_1247 = arith.constant 48 : i32
        %add3A_1248 = arith.addi %add3A_1247, %scan3A_425 : i32
        %get3A_1249 = arith.index_cast %add3A_1248 : i32 to index
        %get3A_1250 = arith.constant 160 : index
        %get3A_1251 = tpu.vector_load %arg17[%get3A_1249, %get3A_1250] {strides = array<i32>} : memref<64x192xbf16, #tpu.memory_space<vmem>>, vector<32xbf16>,
        %unpack3A_1252 = tpu.unpack_subelements %get3A_1188, 0 {pack_format = #tpu.pack_format<interleaved>} : vector<32xbf16> -> vector<16xf32>
        %unpack3A_1253 = tpu.unpack_subelements %get3A_1188, 1 {pack_format = #tpu.pack_format<interleaved>} : vector<32xbf16> -> vector<16xf32>
        %unpack3A_1254 = tpu.unpack_subelements %get3A_1193, 0 {pack_format = #tpu.pack_format<interleaved>} : vector<32xbf16> -> vector<16xf32>
        %unpack3A_1255 = tpu.unpack_subelements %get3A_1193, 1 {pack_format = #tpu.pack_format<interleaved>} : vector<32xbf16> -> vector<16xf32>
        %unpack3A_1256 = tpu.unpack_subelements %get3A_1198, 0 {pack_format = #tpu.pack_format<interleaved>} : vector<32xbf16> -> vector<16xf32>
        %unpack3A_1257 = tpu.unpack_subelements %get3A_1198, 1 {pack_format = #tpu.pack_format<interleaved>} : vector<32xbf16> -> vector<16xf32>
        %unpack3A_1258 = tpu.unpack_subelements %get3A_1203, 0 {pack_format = #tpu.pack_format<interleaved>} : vector<32xbf16> -> vector<16xf32>
        %unpack3A_1259 = tpu.unpack_subelements %get3A_1203, 1 {pack_format = #tpu.pack_format<interleaved>} : vector<32xbf16> -> vector<16xf32>
        %mul3A_1260 = arith.mulf %unpack3A_1252, %gather3A : vector<16xf32>
        %mul3A_1261 = arith.mulf %unpack3A_1254, %gather3A_433 : vector<16xf32>
        %add3A_1262 = arith.addf %mul3A_1260, %mul3A_1261 : vector<16xf32>
        %mul3A_1263 = arith.mulf %unpack3A_1256, %gather3A_437 : vector<16xf32>
        %mul3A_1264 = arith.mulf %unpack3A_1258, %gather3A_441 : vector<16xf32>
        %add3A_1265 = arith.addf %mul3A_1263, %mul3A_1264 : vector<16xf32>
        %add3A_1266 = arith.addf %add3A_1262, %add3A_1265 : vector<16xf32>
        %mul3A_1267 = arith.mulf %unpack3A_1253, %gather3A : vector<16xf32>
        %mul3A_1268 = arith.mulf %unpack3A_1255, %gather3A_433 : vector<16xf32>
        %add3A_1269 = arith.addf %mul3A_1267, %mul3A_1268 : vector<16xf32>
        %mul3A_1270 = arith.mulf %unpack3A_1257, %gather3A_437 : vector<16xf32>
        %mul3A_1271 = arith.mulf %unpack3A_1259, %gather3A_441 : vector<16xf32>
        %add3A_1272 = arith.addf %mul3A_1270, %mul3A_1271 : vector<16xf32>
        %add3A_1273 = arith.addf %add3A_1269, %add3A_1272 : vector<16xf32>
        %add3A_1274 = arith.constant 512 : i32
        %add3A_1275 = vector.broadcast %add3A_1274 : i32 to vector<16xi32>
        %add3A_1276 = arith.addi %mul3A_444, %add3A_1275 : vector<16xi32>
        tpu.vector_store_idx %arg21[%add3A_429, %add3A_1276], %add3A_1266 : memref<16x576xf32, #tpu.memory_space<vmem>>[vector<16xi32>, vector<16xi32>], vector<16xf32>,
        %add3A_1277 = arith.constant 1 : i32
        %add3A_1278 = vector.broadcast %add3A_1277 : i32 to vector<16xi32>
        %add3A_1279 = arith.addi %add3A_1276, %add3A_1278 : vector<16xi32>
        tpu.vector_store_idx %arg21[%add3A_429, %add3A_1279], %add3A_1273 : memref<16x576xf32, #tpu.memory_space<vmem>>[vector<16xi32>, vector<16xi32>], vector<16xf32>,
        %unpack3A_1280 = tpu.unpack_subelements %get3A_1236, 0 {pack_format = #tpu.pack_format<interleaved>} : vector<32xbf16> -> vector<16xf32>
        %unpack3A_1281 = tpu.unpack_subelements %get3A_1236, 1 {pack_format = #tpu.pack_format<interleaved>} : vector<32xbf16> -> vector<16xf32>
        %unpack3A_1282 = tpu.unpack_subelements %get3A_1241, 0 {pack_format = #tpu.pack_format<interleaved>} : vector<32xbf16> -> vector<16xf32>
        %unpack3A_1283 = tpu.unpack_subelements %get3A_1241, 1 {pack_format = #tpu.pack_format<interleaved>} : vector<32xbf16> -> vector<16xf32>
        %unpack3A_1284 = tpu.unpack_subelements %get3A_1246, 0 {pack_format = #tpu.pack_format<interleaved>} : vector<32xbf16> -> vector<16xf32>
        %unpack3A_1285 = tpu.unpack_subelements %get3A_1246, 1 {pack_format = #tpu.pack_format<interleaved>} : vector<32xbf16> -> vector<16xf32>
        %unpack3A_1286 = tpu.unpack_subelements %get3A_1251, 0 {pack_format = #tpu.pack_format<interleaved>} : vector<32xbf16> -> vector<16xf32>
        %unpack3A_1287 = tpu.unpack_subelements %get3A_1251, 1 {pack_format = #tpu.pack_format<interleaved>} : vector<32xbf16> -> vector<16xf32>
        %mul3A_1288 = arith.mulf %unpack3A_1280, %gather3A : vector<16xf32>
        %mul3A_1289 = arith.mulf %unpack3A_1282, %gather3A_433 : vector<16xf32>
        %add3A_1290 = arith.addf %mul3A_1288, %mul3A_1289 : vector<16xf32>
        %mul3A_1291 = arith.mulf %unpack3A_1284, %gather3A_437 : vector<16xf32>
        %mul3A_1292 = arith.mulf %unpack3A_1286, %gather3A_441 : vector<16xf32>
        %add3A_1293 = arith.addf %mul3A_1291, %mul3A_1292 : vector<16xf32>
        %add3A_1294 = arith.addf %add3A_1290, %add3A_1293 : vector<16xf32>
        %mul3A_1295 = arith.mulf %unpack3A_1281, %gather3A : vector<16xf32>
        %mul3A_1296 = arith.mulf %unpack3A_1283, %gather3A_433 : vector<16xf32>
        %add3A_1297 = arith.addf %mul3A_1295, %mul3A_1296 : vector<16xf32>
        %mul3A_1298 = arith.mulf %unpack3A_1285, %gather3A_437 : vector<16xf32>
        %mul3A_1299 = arith.mulf %unpack3A_1287, %gather3A_441 : vector<16xf32>
        %add3A_1300 = arith.addf %mul3A_1298, %mul3A_1299 : vector<16xf32>
        %add3A_1301 = arith.addf %add3A_1297, %add3A_1300 : vector<16xf32>
        %add3A_1302 = arith.constant 544 : i32
        %add3A_1303 = vector.broadcast %add3A_1302 : i32 to vector<16xi32>
        %add3A_1304 = arith.addi %mul3A_444, %add3A_1303 : vector<16xi32>
        tpu.vector_store_idx %arg21[%add3A_429, %add3A_1304], %add3A_1294 : memref<16x576xf32, #tpu.memory_space<vmem>>[vector<16xi32>, vector<16xi32>], vector<16xf32>,
        %add3A_1305 = arith.constant 1 : i32
        %add3A_1306 = vector.broadcast %add3A_1305 : i32 to vector<16xi32>
        %add3A_1307 = arith.addi %add3A_1304, %add3A_1306 : vector<16xi32>
        tpu.vector_store_idx %arg21[%add3A_429, %add3A_1307], %add3A_1301 : memref<16x576xf32, #tpu.memory_space<vmem>>[vector<16xi32>, vector<16xi32>], vector<16xf32>,
      }
      %scan3A_417 = arith.constant 16 : i32
      %mul3A_418 = arith.constant 16 : i32
      %mul3A_419 = arith.muli %add3A_411, %mul3A_418 : i32
      %add3A_420 = arith.addi %mul3A_2, %mul3A_419 : i32
      %dma_start3A_421 = arith.constant 0 : i32
      %dma_start3A_422 = tpu.memref_slice %arg6[%add3A_420, %dma_start3A_421] : memref<65536x576xf32, #tpu.memory_space<hbm>> -> memref<16x576xf32, #tpu.memory_space<hbm>>
      %dma_start3A_423 = arith.constant 0 : i32
      %dma_start3A_424 = tpu.memref_slice %arg6[%add3A_420, %dma_start3A_423] : memref<65536x576xf32, #tpu.memory_space<hbm>> -> memref<16x576xf32, #tpu.memory_space<hbm>>
      tpu.enqueue_dma source(%arg21 : memref<16x576xf32, #tpu.memory_space<vmem>>) target(%dma_start3A_424 : memref<16x576xf32, #tpu.memory_space<hbm>>) target_semaphore(%arg24 : memref<!tpu.dma_semaphore, #tpu.memory_space<semaphore_mem>>)
    }
    %scan3A_181 = arith.constant 64 : i32
    %dma_wait3A = arith.constant 0 : i32
    %dma_wait3A_182 = tpu.memref_slice %arg3[%dma_wait3A] : memref<65536xf32, #tpu.memory_space<hbm>> -> memref<16xf32, #tpu.memory_space<hbm>>
    %dma_wait3A_183 = arith.constant 0 : i32
    %dma_wait3A_184 = tpu.memref_slice %arg3[%dma_wait3A_183] : memref<65536xf32, #tpu.memory_space<hbm>> -> memref<16xf32, #tpu.memory_space<hbm>>
    tpu.wait_dma2 semaphore(%arg24 : memref<!tpu.dma_semaphore, #tpu.memory_space<semaphore_mem>>) src(%dma_wait3A_184 : memref<16xf32, #tpu.memory_space<hbm>>) dst(%arg20 : memref<16x576xf32, #tpu.memory_space<vmem>>)
    %dma_wait3A_185 = arith.constant 0 : i32
    %dma_wait3A_186 = tpu.memref_slice %arg3[%dma_wait3A_185] : memref<65536xf32, #tpu.memory_space<hbm>> -> memref<16xf32, #tpu.memory_space<hbm>>
    %dma_wait3A_187 = arith.constant 0 : i32
    %dma_wait3A_188 = tpu.memref_slice %arg3[%dma_wait3A_187] : memref<65536xf32, #tpu.memory_space<hbm>> -> memref<16xf32, #tpu.memory_space<hbm>>
    tpu.wait_dma2 semaphore(%arg24 : memref<!tpu.dma_semaphore, #tpu.memory_space<semaphore_mem>>) src(%dma_wait3A_188 : memref<16xf32, #tpu.memory_space<hbm>>) dst(%arg21 : memref<16x576xf32, #tpu.memory_space<vmem>>)
    return
  }
}

</mosaic_0001>

<sc_bundles>
// kernel: kernel.3.cloned.1.call-start
scs
__scs_entry_jumppad:
0x0: {  	(pc) =	sbr.rel $0x88, $3  }
0x1: {  	(tag) =	ssettag $0x0;
	lr =	simm.s32 $0x1  }
0x2: {  	[smem:$0x3F9F] =	sst lr;
	_ =	strace $0xD0000000  }
0x3: {  	_ = 	snop  }
0x4: {  	_ = 	snop  }
0x5: {  	_ = 	snop  }
0x6: {  	_ = 	snop  }
0x7: {  	_ = 	snop  }
__scs_overlays_trampoline_lowered:
0x8: {  	[smem:$0x3FAE] =	sst s0  }
0x9: {  	[smem:$0x3FAF] =	sst s1  }
0xa: {  	[smem:$0x3FB0] =	sst s2  }
0xb: {  	[smem:$0x3FB1] =	sst s3  }
0xc: {  	[smem:$0x3FB2] =	sst s4  }
0xd: {  	[smem:$0x3FB3] =	sst s5  }
0xe: {  	[smem:$0x3FB4] =	sst s6  }
0xf: {  	[smem:$0x3FB5] =	sst s7  }
0x10: {  	[smem:$0x3FB6] =	sst s8  }
0x11: {  	[smem:$0x3FB7] =	sst s9;
	s0 =	simm.s32 @!p0 $0x0  }
0x12: {  	s1 =	sld [smem:$0x3F9D];
	s0 =	simm.s32 @p0 $0x1  }
0x13: {  	[smem:$0x3FB8] =	sst s0;
	s0 =	simm.s32 @!p1 $0x0  }
0x14: {  	s2 =	sld [smem:$0x3F9C];
	s0 =	simm.s32 @p1 $0x1  }
0x15: {  	[smem:$0x3FB9] =	sst s0;
	s0 =	simm.s32 @!p2 $0x0  }
0x16: {  	s3 =	sld [smem:$0x3FDB];
	s0 =	simm.s32 @p2 $0x1  }
0x17: {  	s4 =	simm.s32 $0x1BF5;
	[smem:$0x3FBB] =	sst s0  }
0x18: {  	s0 =	sld [smem:$0x3F9E];
	_ =	swait.ge [sflag:s4], $0x0  }
0x19: {  	s7 =	sld [smem:$0x3F9F]  }
0x1a: {  	s8 =	sadd.s32 $0xFFFFE003, lr  }
0x1b: {  	s9 =	sadd.s32 $0xFFFFFEF7, lr;
	s5 =	simm.s32 $0xFFFFFFFF;
	p2 =	slt.u32 s8, $0xFFFFF086  }
0x1c: {  	p1 =	slt.u32 s9, $0xF7A;
	s5 =	simm.s32 @!p2 $0x0  }
0x1d: {  	s5 =	simm.s32 @p1 $0x1;
	p0 =	seq.s32 s7, s2  }
0x1e: {  	s7 =	smul.u32 @!p0 $0xF7A, s2;
	p2 =	seq.s32 @!p0 s5, $0x0  }
0x1f: {  	s9 =	smul.u32 $0xF7A, s1;
	s8 =	simm.s32 @!p0 $0x1BF5;
	p2 =	por !p2, p0  }
0x20: {  	[sflag:s8] =	ssyncset.s32 @!p0 $0xFFFFF086;
	s6 =	sadd.s32 @!p0 s3, s7;
	s7 =	simm.s32 @!p0 $0x108  }
0x21: {  	s3 =	sadd.s32 s3, s9;
	s6 =	sadd.s32 @!p0 $0x88, s6;
	s7 =	simm.s32 @p2 $0x1082  }
0x22: {  	[simem:s7], [sflag:s8] =	dma.local @!p0 [hbm:s6], $0xF7A  }
0x23: {  	s9 =	sor.u32 $0xD0000000, s2;
	s6 =	simm.s32 $0x108;
	_ =	swait.ge @!p0 [sflag:s8], $0x0  }
0x24: {  	s3 =	sadd.s32 $0x88, s3;
	s6 =	simm.s32 @!p1 $0x1082;
	[sflag:s4] =	ssyncset.s32 $0xFFFFF086  }
0x25: {  	[simem:s6], [sflag:s4] =	dma.local [hbm:s3], $0xF7A  }
0x26: {  	[smem:$0x3F9F] =	sst s1;
	(tag) =	ssettag s2;
	_ =	strace s9  }
0x27: {  	s1 =	sld [smem:$0x3FAF]  }
0x28: {  	s2 =	sld [smem:$0x3FB0]  }
0x29: {  	s4 =	sld [smem:$0x3FB2]  }
0x2a: {  	p0 =	seq.s32 s5, $0x0;
	s5 =	sld [smem:$0x3FB3]  }
0x2b: {  	s6 =	sld [smem:$0x3FB4]  }
0x2c: {  	s7 =	sld [smem:$0x3FB5]  }
0x2d: {  	s3 =	simm.s32 $0x108;
	s8 =	sld [smem:$0x3FB6]  }
0x2e: {  	s3 =	simm.s32 @!p0 $0x1082;
	s9 =	sld [smem:$0x3FB7]  }
0x2f: {  	lr =	sadd.s32 s0, s3;
	s0 =	sld [smem:$0x3FAE]  }
0x30: {  	s3 =	sld [smem:$0x3FB1]  }
0x31: {  	[smem:$0x3FBA] =	sst s10  }
0x32: {  	s10 =	sld [smem:$0x3FB8];
	_ =	sdelay $0x3  }
0x33: {  	p0 =	seq.s32 s10, $0x1;
	s10 =	sld [smem:$0x3FBA];
	_ =	sdelay $0x3  }
0x34: {  	[smem:$0x3FBA] =	sst s10  }
0x35: {  	s10 =	sld [smem:$0x3FB9];
	_ =	sdelay $0x3  }
0x36: {  	p1 =	seq.s32 s10, $0x1;
	s10 =	sld [smem:$0x3FBA];
	_ =	sdelay $0x3  }
0x37: {  	[smem:$0x3FBA] =	sst s10  }
0x38: {  	s10 =	sld [smem:$0x3FBB]  }
0x39: {  	_ = 	snop;
	(pc) =	sbr.ind lr, $3  }
0x3a: {  	_ = 	snop  }
0x3b: {  	_ = 	snop  }
0x3c: {  	p2 =	seq.s32 s10, $0x1;
	s10 =	sld [smem:$0x3FBA]  }
0x3d: {  	_ =	shalt  }
0x3e: {  	_ =	shalt  }
0x3f: {  	_ =	shalt  }
0x40: {  	_ =	shalt  }
0x41: {  	_ =	shalt  }
0x42: {  	_ =	shalt  }
0x43: {  	_ =	shalt  }
0x44: {  	_ =	shalt  }
0x45: {  	_ =	shalt  }
0x46: {  	_ =	shalt  }
0x47: {  	_ =	shalt  }
0x48: {  	_ =	shalt  }
0x49: {  	_ =	shalt  }
0x4a: {  	_ =	shalt  }
0x4b: {  	_ =	shalt  }
0x4c: {  	_ =	shalt  }
0x4d: {  	_ =	shalt  }
0x4e: {  	_ =	shalt  }
0x4f: {  	_ =	shalt  }
0x50: {  	_ =	shalt  }
0x51: {  	_ =	shalt  }
0x52: {  	_ =	shalt  }
0x53: {  	_ =	shalt  }
0x54: {  	_ =	shalt  }
0x55: {  	_ =	shalt  }
0x56: {  	_ =	shalt  }
0x57: {  	_ =	shalt  }
0x58: {  	_ =	shalt  }
0x59: {  	_ =	shalt  }
0x5a: {  	_ =	shalt  }
0x5b: {  	_ =	shalt  }
0x5c: {  	_ =	shalt  }
0x5d: {  	_ =	shalt  }
0x5e: {  	_ =	shalt  }
0x5f: {  	_ =	shalt  }
0x60: {  	_ =	shalt  }
0x61: {  	_ =	shalt  }
0x62: {  	_ =	shalt  }
0x63: {  	_ =	shalt  }
0x64: {  	_ =	shalt  }
0x65: {  	_ =	shalt  }
0x66: {  	_ =	shalt  }
0x67: {  	_ =	shalt  }
0x68: {  	_ =	shalt  }
0x69: {  	_ =	shalt  }
0x6a: {  	_ =	shalt  }
0x6b: {  	_ =	shalt  }
0x6c: {  	_ =	shalt  }
0x6d: {  	_ =	shalt  }
0x6e: {  	_ =	shalt  }
0x6f: {  	_ =	shalt  }
0x70: {  	_ =	shalt  }
0x71: {  	_ =	shalt  }
0x72: {  	_ =	shalt  }
0x73: {  	_ =	shalt  }
0x74: {  	_ =	shalt  }
0x75: {  	_ =	shalt  }
0x76: {  	_ =	shalt  }
0x77: {  	_ =	shalt  }
0x78: {  	_ =	shalt  }
0x79: {  	_ =	shalt  }
0x7a: {  	_ =	shalt  }
0x7b: {  	_ =	shalt  }
0x7c: {  	_ =	shalt  }
0x7d: {  	_ =	shalt  }
0x7e: {  	_ =	shalt  }
0x7f: {  	_ =	shalt  }
0x80: {  	_ =	shalt  }
0x81: {  	_ =	shalt  }
0x82: {  	_ =	shalt  }
0x83: {  	_ =	shalt  }
0x84: {  	_ =	shalt  }
0x85: {  	_ =	shalt  }
0x86: {  	_ =	shalt  }
0x87: {  	_ =	shalt  }
.Lfunc_end0:
.L_simem_size_0:
called_computation.2_lowered:
.L_overlay_start_0:
0x88: {  	s2 =	sld [smem:$0x3FD9]  }
0x89: {  	s3 =	sld [smem:$0x3FFE];
	_ =	sdelay $0x1  }
0x8a: {  	s1 =	srdreg.scid  }
0x8b: {  	s0 =	sand.u32 $0x1, s1  }
0x8c: {  	s17 =	sshll.u32 s0, $0xA;
	s2 =	sadd.s32 s3, s2  }
0x8d: {  	s2 =	sadd.s32 s2, s17  }
0x8e: {  	[smem:$0x3FC6] =	sst s2  }
0x8f: {  	_ = 	snop  }
0x90: {  	s2 =	sld [smem:$0x3FD0];
	(tm) =	ssettm $0x1  }
0x91: {  	s18 =	sld [smem:$0x3FFB];
	_ =	sdelay $0x3  }
0x92: {  	_ =	strace s18  }
0x93: {  	s3 =	sld [smem:$0x3FFC];
	_ =	sdelay $0x3  }
0x94: {  	_ =	strace s3  }
0x95: {  	s3 =	sld [smem:$0x3FFD];
	_ =	sdelay $0x3  }
0x96: {  	_ =	strace s3  }
0x97: {  	_ =	strace $0x8FFFFFFF  }
0x98: {  	s19 =	sld [smem:$0x3FDB];
	_ =	sdelay $0x1  }
0x99: {  	s4 =	simm.s32 $_scs_section_size  }
0x9a: {  	s5 =	simm.s32 $_size__tile_overlayer_lowered;
	s6 =	simm.s32 $_tile_overlayer_lowered  }
0x9b: {  	s22 =	simm.s32 $0x1BFF;
	s21 =	sshll.u32 s6, $0x1;
	s3 =	sadd.s32 s4, s19  }
0x9c: {  	s7 =	simm.s32 $0x0;
	s20 =	sshll.u32 s5, $0x1;
	s5 =	sadd.s32 s21, s3  }
0x9d: {  	[timem:s7], [sflag:s22] =	dma.local [hbm:s5], s20  }
0x9e: {  	_ =	swait.ge [sflag:s22], s20  }
0x9f: {  	s4 =	ssub.s32 $0x0, s20;
	[sflag:s22] =	ssyncset.done $0x0  }
0xa0: {  	[sflag:s22] =	ssyncadd.s32 s4;
	_ =	sdelay $0x1  }
0xa1: {  	s23 =	simm.s32 $0x1B8B  }
0xa2: {  	_ =	swait.ge [sflag:s23], $0x1  }
0xa3: {  	[sflag:s23] =	ssyncset.done $0x0  }
0xa4: {  	s25 =	simm.s32 $0x1B8E;
	s24 =	sld [smem:$0x3FFE];
	[sflag:s23] =	ssyncadd.s32 $0xFFFFFFFF  }
0xa5: {  	s26 =	simm.s32 $execute0_lowered;
	[smem:$0x3FD2] =	sst s25  }
0xa6: {  	s5 =	sshll.u32 s26, $0x1;
	_ =	strace $0x80000049;
	[dreg:$0x1] =	wrdreg $0xFFFFFFFF  }
0xa7: {  	s28 =	simm.s32 $_size_execute0_lowered;
	s3 =	sadd.s32 s3, s5;
	[dreg:$0x0] =	wrdreg $0x0  }
0xa8: {  	s5 =	sshll.u32 s28, $0x1;
	[dreg:$0x2] =	wrdreg s3  }
0xa9: {  	[dreg:$0x3] =	wrdreg s5  }
0xaa: {  	[dreg:$0x4] =	wrdreg $0xC0  }
0xab: {  	_ =	task [dreg:s7], $0x5FFFF  }
0xac: {  	[dreg:$0x1] =	wrdreg $0xFFFFFFFF  }
0xad: {  	[dreg:$0x0] =	wrdreg $0x60  }
0xae: {  	[dreg:$0x2] =	wrdreg s24  }
0xaf: {  	[dreg:$0x3] =	wrdreg s2  }
0xb0: {  	[dreg:$0x4] =	wrdreg $0x9  }
0xb1: {  	_ =	task.clear_ibuf [dreg:s7], $0x5FFFF;
	_ =	strace $0x90000049  }
0xb2: {  	s29 =	simm.s32 $0x9;
	_ =	strace $0x8000004B  }
0xb3: {  	_ =	swait.ge [sflag:s29], $0x1  }
0xb4: {  	[sflag:s29] =	ssyncadd.s32 $0xFFFFFFFF  }
0xb5: {  	_ =	strace $0x9000004B  }
0xb6: {  	_ =	sfence  }
0xb7: {  	s30 =	sld [smem:$0x0];
	_ =	sdelay $0x2  }
0xb8: {  	s31 =	sshll.u32 s1, $0xD;
	s1 =	sshrl.u32 s1, $0x2  }
0xb9: {  	s3 =	sand.u32 $0x4000, s31;
	s1 =	sadd.s32 s1, s30  }
0xba: {  	s0 =	sor.u32 s3, s0;
	s1 =	sshll.u32 s1, $0x11  }
0xbb: {  	s0 =	sor.u32 s1, s0  }
0xbc: {  	s0 =	sadd.s32 $0x8F2B, s0  }
0xbd: {  	[sflag:s0] =	ssyncadd.remote.s32 $0x1  }
0xbe: {  	_ =	sfence.sel $0xFFFF  }
0xbf: {  	[dreg:$0x0] =	wrdreg $0xFFFFFFFF;
	(pc) =	sbr.abs _section_cstart, $3  }
0xc0: {  	[dreg:$0x1] =	wrdreg $0xFFFFFFFF  }
0xc1: {  	_ =	task.clear_ibuf [dreg:s7], $0x2FFFF;
	_ =	strace $0x9FFFFFFF  }
0xc2: {  	(tm) =	ssettm $0x7FFFFFFF  }
0xc3: {  	_ =	shalt  }
tec
execute0_lowered:
.L_overlay_start_1:
0x0: {  	(tag) =	ssettag $0x1  }
0x1: {  	s0 =	srdreg.scid;
	s6 =	rddreg [dreg:$0x0]  }
0x2: {  	s7 =	stileid.u32;
	s3 =	rddreg [dreg:$0x1];
	s4 =	simm.s32 $0x0  }
0x3: {  	s11 =	simm.s32 $0x4;
	s14 =	simm.s32 $0x80;
	s15 =	simm.s32 $0x1800  }
0x4: {  	s16 =	simm.s32 $0x1980;
	s17 =	simm.s32 $0x40;
	s18 =	simm.s32 $0x1880  }
0x5: {  	s19 =	simm.s32 $0x4980;
	s20 =	simm.s32 $0x18C0;
	s21 =	simm.s32 $0x6180  }
0x6: {  	s22 =	simm.s32 $0x1940;
	s23 =	simm.s32 $0x9180;
	[smem:$0x7FF] =	sst s4  }
0x7: {  	v0 =	vimm.f32 $4.054545400e+00;
	v1 =	vlaneseq.u32;
	s28 =	simm.s32 $0xA9C0;
	s0 =	sand.u32 $0x1, s0;
	_ =	strace $0x8000004A  }
0x8: {  	s29 =	simm.s32 $0xCE00;
	s1 =	sshll.u32 s7, $0xC;
	s2 =	sshll.u32 s0, $0xB;
	(erf) = vrcp.f32 v0;
	v0 =	vmul.u32 $0x2, v1  }
0x9: {  	s30 =	simm.s32 $0x3;
	s31 =	simm.s32 $0x0;
	s2 =	sor.u32 s2, s1  }
0xa: {  	v2 =	vimm.s32 $0x0;
	p1 =	seq.s32 s0, $0x1;
	s0 =	ssub.s32 $0x2, s0;
	p0 =	seq.s32 s2, $0x0;
	v3 =	vor.u32 $0x1, v0;
	v4 =	vor.u32 $0x20, v0  }
0xb: {  	s5 =	sadd.s32 $0x1000, s6;
	s8 =	sshrl.u32 s0, $0x1;
	p0 =	por !p0, !p1;
	v5 =	vor.u32 $0x21, v0;
	v6 =	vor.u32 $0x40, v0;
	v7 =	vor.u32 $0x41, v0  }
0xc: {  	s1 =	simm.s32 $0x1;
	s0 =	ssub.s32 s0, s8;
	v8 =	vor.u32 $0x60, v0;
	v9 =	vor.u32 $0x61, v0;
	v10 =	vor.u32 $0x80, v0;
	p0 =	por !p0, !p0  }
0xd: {  	s24 =	sshrl.u32 s2, $0x3;
	s10 =	smax.u32 s0, $0x1;
	v11 =	vor.u32 $0x81, v0;
	v12 =	vor.u32 $0xA0, v0;
	v13 =	vor.u32 $0xA1, v0;
	s1 =	simm.s32 @!p0 $0x0  }
0xe: {  	v14 =	vor.u32 $0xC0, v0;
	v15 =	vor.u32 $0xC1, v0;
	v16 =	vor.u32 $0xE0, v0;
	s1 =	ssub.s32 s7, s1;
	s7 =	sadd.s32 s24, s6;
	s6 =	simm.s32 $0x1  }
0xf: {  	v17 =	vor.u32 $0xE1, v0;
	v18 =	vor.u32 $0x100, v0;
	v19 =	vor.u32 $0x101, v0;
	s24 =	simm.s32 $0xA980;
	s1 =	smul.u32 $0xC40, s1;
	s25 =	sadd.s32 $0x1BE000, s7  }
0x10: {  	v20 =	vor.u32 $0x120, v0;
	v21 =	vor.u32 $0x121, v0;
	v23 =	vor.u32 $0x140, v0;
	s26 =	sadd.s32 $0x1BC000, s7;
	s9 =	sadd.s32 $0x1BA000, s7;
	[dreg:$0x3] =	wrdreg s25  }
0x11: {  	v24 =	vor.u32 $0x141, v0;
	v25 =	vor.u32 $0x160, v0;
	[dreg:$0x4] =	wrdreg s26;
	s25 =	simm.s32 $0xAA00;
	s26 =	simm.s32 $0x2;
	v1 =	vmov s1;
	v22 =	vpop (erf)  }
.LBB2_1:
0x12: {  	s0 =	rddreg [dreg:$0x3]  }
0x13: {  	[tilespmem:s4], [sflag:$0x4] =	stream.linear.gather [hbm4b:s0+s4], $0x800, $0x38;
	[tilespmem:$0xF200] =	vst v63  }
0x14: {  	_ =	swait.ge [sflag:s11], $0x800  }
0x15: {  	[sflag:s11] =	ssyncset.done $0x0  }
0x16: {  	s1 =	simm.s32 $0x800;
	s12 =	rddreg [dreg:$0x4];
	[sflag:s11] =	ssyncadd.s32 $0xFFFFF800  }
0x17: {  	[tilespmem:s1], [sflag:$0x4] =	stream.linear.gather [hbm4b:s12+s4], $0x800, $0x38;
	[tilespmem:$0xF200] =	vst v63  }
0x18: {  	_ =	swait.ge [sflag:s11], $0x800  }
0x19: {  	[sflag:s11] =	ssyncset.done $0x0  }
0x1a: {  	s13 =	simm.s32 $0x1000;
	[sflag:s11] =	ssyncadd.s32 $0xFFFFF800  }
0x1b: {  	[tilespmem:s13], [sflag:$0x4] =	stream.linear.gather [hbm4b:s9+s4], $0x800, $0x38;
	[tilespmem:$0xF200] =	vst v63  }
0x1c: {  	_ =	swait.ge [sflag:s11], $0x800  }
0x1d: {  	[sflag:s11] =	ssyncset.done $0x0  }
0x1e: {  	[sflag:s11] =	ssyncadd.s32 $0xFFFFF800  }
0x1f: {  	v26 =	vld [tilespmem:$0x1000];
	_ =	sdelay $0x4  }
0x20: {  	v26 =	vand.u32 $0x7FFFFFFF, v26  }
0x21: {  	(erf) = vrcp.f32 v26;
	_ =	sdelay $0x1  }
0x22: {  	v27 =	vld [tilespmem:$0x800]  }
0x23: {  	v26 =	vld [tilespmem:$0x0];
	_ =	sdelay $0x4  }
0x24: {  	v27 =	vmul.f32 $4.200000000e+02, v27;
	v26 =	vmul.f32 $4.200000000e+02, v26  }
0x25: {  	v28 =	vpop (erf)  }
0x26: {  	v26 =	vmul.f32 v28, v26;
	v27 =	vmul.f32 v28, v27;
	_ =	sdelay $0x1  }
0x27: {  	v26 =	vadd.f32 $1.115000000e+02, v26;
	v27 =	vadd.f32 $1.115000000e+02, v27;
	_ =	sdelay $0x1  }
0x28: {  	v26 =	vmax.f32 v26, $0.0e+00;
	v27 =	vmax.f32 v27, $0.0e+00  }
0x29: {  	v26 =	vmin.f32 v26, $2.230000000e+02;
	v27 =	vmin.f32 v27, $2.230000000e+02  }
0x2a: {  	v26 =	vmul.f32 v26, v22;
	v27 =	vmul.f32 v27, v22;
	_ =	sdelay $0x1  }
0x2b: {  	v56 =	vtrunc.f32 v26;
	v29 =	vtrunc.f32 v27  }
0x2c: {  	v28 =	vcvt.f32.s32 v56;
	v29 =	vcvt.f32.s32 v29;
	_ =	sdelay $0x1  }
0x2d: {  	v30 =	vcvt.s32.f32 v28;
	v31 =	vcvt.s32.f32 v29;
	_ =	sdelay $0x1  }
0x2e: {  	vm0 =	vgt.f32 v26, v30;
	vm1 =	vgt.f32 v27, v31  }
0x2f: {  	v32 =	vsel vm0, $0x1, v2;
	v33 =	vsel vm1, $0x1, v2  }
0x30: {  	v32 =	vadd.s32 v28, v32;
	v33 =	vadd.s32 v29, v33  }
0x31: {  	v34 =	vcvt.s32.f32 v32;
	v35 =	vcvt.s32.f32 v33;
	_ =	sdelay $0x1  }
0x32: {  	v34 =	vsub.f32 v34, v26;
	v35 =	vsub.f32 v35, v27  }
0x33: {  	v27 =	vsub.f32 v27, v31  }
0x34: {  	v26 =	vsub.f32 v26, v30;
	v57 =	vmul.f32 v35, v34  }
0x35: {  	v31 =	vmul.f32 v34, v27  }
0x36: {  	v28 =	vmul.u32 $0x38, v28;
	v58 =	vmul.f32 v35, v26;
	[tilespmem:$0xA980] =	vst v57  }
0x37: {  	v26 =	vmul.f32 v27, v26;
	[tilespmem:$0xA990] =	vst v31  }
0x38: {  	v59 =	vmul.u32 $0x38, v32;
	v27 =	vadd.s32 v1, v28;
	[tilespmem:$0xA9A0] =	vst v58  }
0x39: {  	[tilespmem:$0xA9B0] =	vst v26;
	v26 =	vadd.s32 v29, v27  }
0x3a: {  	v28 =	vadd.s32 v1, v59;
	v27 =	vadd.s32 v27, v33;
	[tilespmem:$0x1800] =	vst v26  }
0x3b: {  	v29 =	vadd.s32 v29, v28;
	[tilespmem:$0x1810] =	vst v27  }
0x3c: {  	v28 =	vadd.s32 v33, v28;
	[tilespmem:$0x1820] =	vst v29  }
0x3d: {  	[tilespmem:$0x1830] =	vst v28;
	v60 =	vadd.s32 $0xC400, v26  }
0x3e: {  	v61 =	vadd.s32 $0xC400, v27;
	[tilespmem:$0x1840] =	vst v60  }
0x3f: {  	v62 =	vadd.s32 $0xC400, v29;
	[tilespmem:$0x1850] =	vst v61  }
0x40: {  	v63 =	vadd.s32 $0xC400, v28;
	[tilespmem:$0x1860] =	vst v62  }
0x41: {  	v26 =	vadd.s32 $0x18800, v26;
	[tilespmem:$0x1870] =	vst v63  }
0x42: {  	[tilespmem:$0x1880] =	vst v26;
	v26 =	vadd.s32 $0x18800, v27  }
0x43: {  	[tilespmem:$0x1890] =	vst v26;
	v26 =	vadd.s32 $0x18800, v29  }
0x44: {  	[tilespmem:$0x18A0] =	vst v26;
	v26 =	vadd.s32 $0x18800, v28  }
0x45: {  	[tilespmem:$0x18B0] =	vst v26  }
0x46: {  	[tilespmem:s16], [sflag:$0x1] =	stream.indirect.gather [hbm4b:s5+s14], $0x60, s15, s14, $0xb8;
	[tilespmem:$0xF200] =	vst v63  }
0x47: {  	s1 =	simm.s32 $0x0  }
0x48: {  	[tilespmem:s19], [sflag:$0x1] =	stream.indirect.gather [hbm4b:s5+s17], $0x60, s18, s17, $0xb8;
	[tilespmem:$0xF200] =	vst v63  }
.LBB2_2:
0x49: {  	p0 =	seq.s32 s1, $0x0  }
0x4a: {  	s0 =	simm.s32 @!p0 $0x3  }
0x4b: {  	_ =	swait.ge @!p0 [sflag:s0], $0x2400  }
0x4c: {  	[sflag:s0] =	ssyncset.done @!p0 $0x0  }
0x4d: {  	[sflag:s0] =	ssyncadd.s32 @!p0 $0xFFFFDC00  }
0x4e: {  	_ =	swait.ge @!p0 [sflag:s0], $0x2400  }
0x4f: {  	[sflag:s0] =	ssyncset.done @!p0 $0x0  }
0x50: {  	s12 =	sshll.u32 s1, $0x5;
	[sflag:s0] =	ssyncadd.s32 @!p0 $0xFFFFDC00  }
0x51: {  	v26 =	vld [tilespmem:s12+$0x1010];
	_ =	sdelay $0x4  }
0x52: {  	v26 =	vand.u32 $0x7FFFFFFF, v26  }
0x53: {  	(erf) = vrcp.f32 v26;
	_ =	sdelay $0x1  }
0x54: {  	v27 =	vld [tilespmem:s12+$0x810]  }
0x55: {  	v26 =	vld [tilespmem:s12+$0x10];
	_ =	sdelay $0x4  }
0x56: {  	v27 =	vmul.f32 $4.200000000e+02, v27;
	v26 =	vmul.f32 $4.200000000e+02, v26  }
0x57: {  	v28 =	vpop (erf)  }
0x58: {  	v26 =	vmul.f32 v28, v26;
	v27 =	vmul.f32 v28, v27;
	_ =	sdelay $0x1  }
0x59: {  	v26 =	vadd.f32 $1.115000000e+02, v26;
	v27 =	vadd.f32 $1.115000000e+02, v27;
	_ =	sdelay $0x1  }
0x5a: {  	v26 =	vmax.f32 v26, $0.0e+00;
	v27 =	vmax.f32 v27, $0.0e+00  }
0x5b: {  	v26 =	vmin.f32 v26, $2.230000000e+02;
	v27 =	vmin.f32 v27, $2.230000000e+02  }
0x5c: {  	v26 =	vmul.f32 v26, v22;
	v27 =	vmul.f32 v27, v22;
	_ =	sdelay $0x1  }
0x5d: {  	v56 =	vtrunc.f32 v26;
	v29 =	vtrunc.f32 v27  }
0x5e: {  	v28 =	vcvt.f32.s32 v56;
	v29 =	vcvt.f32.s32 v29;
	_ =	sdelay $0x1  }
0x5f: {  	v30 =	vcvt.s32.f32 v28;
	v31 =	vcvt.s32.f32 v29;
	_ =	sdelay $0x1  }
0x60: {  	vm0 =	vgt.f32 v26, v30;
	vm1 =	vgt.f32 v27, v31  }
0x61: {  	v32 =	vsel vm0, $0x1, v2;
	v33 =	vsel vm1, $0x1, v2  }
0x62: {  	v32 =	vadd.s32 v28, v32;
	v33 =	vadd.s32 v29, v33  }
0x63: {  	v34 =	vcvt.s32.f32 v32;
	v35 =	vcvt.s32.f32 v33;
	_ =	sdelay $0x1  }
0x64: {  	v34 =	vsub.f32 v34, v26;
	v35 =	vsub.f32 v35, v27  }
0x65: {  	v27 =	vsub.f32 v27, v31  }
0x66: {  	v26 =	vsub.f32 v26, v30;
	v57 =	vmul.f32 v35, v34  }
0x67: {  	v31 =	vmul.f32 v34, v27  }
0x68: {  	v28 =	vmul.u32 $0x38, v28;
	v58 =	vmul.f32 v35, v26;
	[tilespmem:$0xA9C0] =	vst v57  }
0x69: {  	v26 =	vmul.f32 v27, v26;
	[tilespmem:$0xA9D0] =	vst v31  }
0x6a: {  	v59 =	vmul.u32 $0x38, v32;
	v27 =	vadd.s32 v1, v28;
	[tilespmem:$0xA9E0] =	vst v58  }
0x6b: {  	[tilespmem:$0xA9F0] =	vst v26;
	v26 =	vadd.s32 v29, v27  }
0x6c: {  	v28 =	vadd.s32 v1, v59;
	v27 =	vadd.s32 v27, v33;
	[tilespmem:$0x18C0] =	vst v26  }
0x6d: {  	v29 =	vadd.s32 v29, v28;
	[tilespmem:$0x18D0] =	vst v27  }
0x6e: {  	v28 =	vadd.s32 v33, v28;
	[tilespmem:$0x18E0] =	vst v29  }
0x6f: {  	[tilespmem:$0x18F0] =	vst v28;
	v60 =	vadd.s32 $0xC400, v26  }
0x70: {  	v61 =	vadd.s32 $0xC400, v27;
	[tilespmem:$0x1900] =	vst v60  }
0x71: {  	v62 =	vadd.s32 $0xC400, v29;
	[tilespmem:$0x1910] =	vst v61  }
0x72: {  	v63 =	vadd.s32 $0xC400, v28;
	[tilespmem:$0x1920] =	vst v62  }
0x73: {  	v26 =	vadd.s32 $0x18800, v26;
	[tilespmem:$0x1930] =	vst v63  }
0x74: {  	[tilespmem:$0x1940] =	vst v26;
	v26 =	vadd.s32 $0x18800, v27  }
0x75: {  	[tilespmem:$0x1950] =	vst v26;
	v26 =	vadd.s32 $0x18800, v29  }
0x76: {  	[tilespmem:$0x1960] =	vst v26;
	v26 =	vadd.s32 $0x18800, v28  }
0x77: {  	[tilespmem:$0x1970] =	vst v26  }
0x78: {  	[tilespmem:s21], [sflag:$0x2] =	stream.indirect.gather [hbm4b:s5+s14], $0x60, s20, s14, $0xb8;
	[tilespmem:$0xF200] =	vst v63  }
0x79: {  	_ = 	snop  }
0x7a: {  	[tilespmem:s23], [sflag:$0x2] =	stream.indirect.gather [hbm4b:s5+s17], $0x60, s22, s17, $0xb8;
	[tilespmem:$0xF200] =	vst v63  }
0x7b: {  	_ =	swait.ge [sflag:s6], $0x3000  }
0x7c: {  	[sflag:s6] =	ssyncset.done $0x0  }
0x7d: {  	[sflag:s6] =	ssyncadd.s32 $0xFFFFD000  }
0x7e: {  	_ =	swait.ge [sflag:s6], $0x1800  }
0x7f: {  	s13 =	simm.s32 $0x0;
	s7 =	simm.s32 $0x3180;
	[sflag:s6] =	ssyncset.done $0x0  }
0x80: {  	s8 =	simm.s32 $0x5580;
	s0 =	sor.u32 $0x10, s12;
	[sflag:s6] =	ssyncadd.s32 $0xFFFFE800  }
.LBB2_3:
0x81: {  	v26 =	vmov s13  }
0x82: {  	v27 =	vor.u32 $0x10, v26;
	_ =	sdelay $0x1  }
0x83: {  	v28 =	vor.u32 $0x20, v26  }
0x84: {  	v29 =	vld [tilespmem:s7+$0xFFFFEE00]  }
0x85: {  	v30 =	vld [tilespmem:s7+$0xFFFFF400]  }
0x86: {  	v37 =	vld.idx.msk [tilespmem:v27+s24+$0x0], $0xffff;
	v27 =	vor.u32 $0x30, v26  }
0x87: {  	v31 =	vld [tilespmem:s7+$0xFFFFFA00]  }
0x88: {  	v38 =	vld.idx.msk [tilespmem:v28+s24+$0x0], $0xffff  }
0x89: {  	v28 =	vld [tilespmem:s7+$0xFFFFE800]  }
0x8a: {  	v40 =	vld.idx.msk [tilespmem:v26+s24+$0x0], $0xffff  }
0x8b: {  	v39 =	vld.idx.msk [tilespmem:v27+s24+$0x0], $0xffff  }
0x8c: {  	v41 =	vmul.u32 $0x240, v26;
	v32 =	vunpack.i.u.bf16.f32 v29;
	v29 =	vunpack.i.l.bf16.f32 v29  }
0x8d: {  	v33 =	vunpack.i.u.bf16.f32 v30;
	v30 =	vunpack.i.l.bf16.f32 v30;
	v34 =	vunpack.i.l.bf16.f32 v31  }
0x8e: {  	v27 =	vunpack.i.u.bf16.f32 v28;
	v29 =	vmul.f32 v29, v37;
	v30 =	vmul.f32 v30, v38  }
0x8f: {  	v36 =	vld [tilespmem:s7+$0xFFFFF410];
	v28 =	vunpack.i.l.bf16.f32 v28;
	v32 =	vmul.f32 v32, v37;
	v33 =	vmul.f32 v33, v38  }
0x90: {  	v43 =	vld [tilespmem:s7+$0xFFFFFA10];
	v31 =	vunpack.i.u.bf16.f32 v31;
	v28 =	vmul.f32 v28, v40;
	v34 =	vmul.f32 v34, v39  }
0x91: {  	v35 =	vld [tilespmem:s7+$0xFFFFE810];
	v42 =	vor.u32 v0, v41;
	v27 =	vmul.f32 v27, v40;
	v31 =	vmul.f32 v31, v39  }
0x92: {  	v26 =	vld [tilespmem:s7+$0xFFFFEE10];
	v28 =	vadd.f32 v29, v28;
	v29 =	vadd.f32 v34, v30;
	v30 =	vor.u32 v3, v41  }
0x93: {  	v27 =	vadd.f32 v32, v27;
	v31 =	vadd.f32 v31, v33  }
0x94: {  	v57 =	vunpack.i.l.bf16.f32 v36;
	v28 =	vadd.f32 v29, v28  }
0x95: {  	v58 =	vunpack.i.u.bf16.f32 v36;
	v60 =	vunpack.i.u.bf16.f32 v43;
	v27 =	vadd.f32 v31, v27  }
0x96: {  	v32 =	vmul.f32 v57, v38;
	v33 =	vmul.f32 v58, v38;
	v29 =	vunpack.i.u.bf16.f32 v35;
	[tilespmem:v42+s25+$0x0] =	vst.idx.msk $0xffff, v28  }
0x97: {  	v31 =	vunpack.i.l.bf16.f32 v35;
	v35 =	vmul.f32 v60, v39;
	v28 =	vunpack.i.u.bf16.f32 v26;
	[tilespmem:v30+s25+$0x0] =	vst.idx.msk $0xffff, v27  }
0x98: {  	v26 =	vunpack.i.l.bf16.f32 v26;
	v27 =	vunpack.i.l.bf16.f32 v43;
	v30 =	vmul.f32 v31, v40;
	v31 =	vld [tilespmem:s7+$0xFFFFE820]  }
0x99: {  	v26 =	vmul.f32 v26, v37;
	v27 =	vmul.f32 v27, v39;
	v59 =	vld [tilespmem:s7+$0xFFFFEE20]  }
0x9a: {  	v62 =	vor.u32 v4, v41;
	v29 =	vmul.f32 v29, v40;
	v28 =	vmul.f32 v28, v37;
	v61 =	vld [tilespmem:s7+$0xFFFFF420]  }
0x9b: {  	v63 =	vld [tilespmem:s7+$0xFFFFFA20];
	v26 =	vadd.f32 v26, v30;
	v30 =	vor.u32 v5, v41;
	v27 =	vadd.f32 v27, v32  }
0x9c: {  	v28 =	vadd.f32 v28, v29;
	v29 =	vadd.f32 v35, v33  }
0x9d: {  	v26 =	vadd.f32 v27, v26  }
0x9e: {  	v27 =	vadd.f32 v29, v28;
	v28 =	vunpack.i.u.bf16.f32 v31;
	v29 =	vunpack.i.l.bf16.f32 v31  }
0x9f: {  	v31 =	vunpack.i.l.bf16.f32 v59;
	v42 =	vunpack.i.l.bf16.f32 v61;
	v44 =	vunpack.i.u.bf16.f32 v61;
	[tilespmem:v62+s25+$0x0] =	vst.idx.msk $0xffff, v26  }
0xa0: {  	v46 =	vunpack.i.u.bf16.f32 v63;
	v29 =	vmul.f32 v29, v40;
	v32 =	vmul.f32 v42, v38;
	[tilespmem:v30+s25+$0x0] =	vst.idx.msk $0xffff, v27  }
0xa1: {  	v28 =	vmul.f32 v28, v40;
	v27 =	vunpack.i.l.bf16.f32 v63;
	v30 =	vmul.f32 v31, v37;
	v31 =	vld [tilespmem:s7+$0xFFFFE830]  }
0xa2: {  	v26 =	vunpack.i.u.bf16.f32 v59;
	v33 =	vmul.f32 v44, v38;
	v27 =	vmul.f32 v27, v39;
	v45 =	vld [tilespmem:s7+$0xFFFFEE30]  }
0xa3: {  	v48 =	vadd.s32 v6, v41;
	v35 =	vmul.f32 v46, v39;
	v26 =	vmul.f32 v26, v37;
	v47 =	vld [tilespmem:s7+$0xFFFFF430]  }
0xa4: {  	v49 =	vld [tilespmem:s7+$0xFFFFFA30];
	v29 =	vadd.f32 v30, v29;
	v30 =	vadd.s32 v7, v41;
	v27 =	vadd.f32 v27, v32  }
0xa5: {  	v26 =	vadd.f32 v26, v28;
	v28 =	vadd.f32 v35, v33  }
0xa6: {  	v27 =	vadd.f32 v27, v29  }
0xa7: {  	v26 =	vadd.f32 v28, v26;
	v28 =	vunpack.i.u.bf16.f32 v31;
	v29 =	vunpack.i.l.bf16.f32 v31  }
0xa8: {  	v31 =	vunpack.i.l.bf16.f32 v45;
	v50 =	vunpack.i.l.bf16.f32 v47;
	v51 =	vunpack.i.u.bf16.f32 v47;
	[tilespmem:v48+s25+$0x0] =	vst.idx.msk $0xffff, v27  }
0xa9: {  	v53 =	vunpack.i.u.bf16.f32 v49;
	v29 =	vmul.f32 v29, v40;
	v32 =	vmul.f32 v50, v38;
	[tilespmem:v30+s25+$0x0] =	vst.idx.msk $0xffff, v26  }
0xaa: {  	v28 =	vmul.f32 v28, v40;
	v26 =	vunpack.i.l.bf16.f32 v49;
	v30 =	vmul.f32 v31, v37;
	v31 =	vld [tilespmem:s7+$0xFFFFE840]  }
0xab: {  	v27 =	vunpack.i.u.bf16.f32 v45;
	v33 =	vmul.f32 v51, v38;
	v26 =	vmul.f32 v26, v39;
	v52 =	vld [tilespmem:s7+$0xFFFFEE40]  }
0xac: {  	v55 =	vadd.s32 v8, v41;
	v35 =	vmul.f32 v53, v39;
	v27 =	vmul.f32 v27, v37;
	v54 =	vld [tilespmem:s7+$0xFFFFF440]  }
0xad: {  	v56 =	vld [tilespmem:s7+$0xFFFFFA40];
	v29 =	vadd.f32 v30, v29;
	v30 =	vadd.s32 v9, v41;
	v26 =	vadd.f32 v26, v32  }
0xae: {  	v27 =	vadd.f32 v27, v28;
	v28 =	vadd.f32 v35, v33  }
0xaf: {  	v26 =	vadd.f32 v26, v29  }
0xb0: {  	v27 =	vadd.f32 v28, v27;
	v28 =	vunpack.i.u.bf16.f32 v31;
	v29 =	vunpack.i.l.bf16.f32 v31  }
0xb1: {  	v31 =	vunpack.i.l.bf16.f32 v52;
	v57 =	vunpack.i.l.bf16.f32 v54;
	v58 =	vunpack.i.u.bf16.f32 v54;
	[tilespmem:v55+s25+$0x0] =	vst.idx.msk $0xffff, v26  }
0xb2: {  	v60 =	vunpack.i.u.bf16.f32 v56;
	v29 =	vmul.f32 v29, v40;
	v32 =	vmul.f32 v57, v38;
	[tilespmem:v30+s25+$0x0] =	vst.idx.msk $0xffff, v27  }
0xb3: {  	v28 =	vmul.f32 v28, v40;
	v27 =	vunpack.i.l.bf16.f32 v56;
	v30 =	vmul.f32 v31, v37;
	v31 =	vld [tilespmem:s7+$0xFFFFE850]  }
0xb4: {  	v26 =	vunpack.i.u.bf16.f32 v52;
	v33 =	vmul.f32 v58, v38;
	v27 =	vmul.f32 v27, v39;
	v59 =	vld [tilespmem:s7+$0xFFFFEE50]  }
0xb5: {  	v62 =	vadd.s32 v10, v41;
	v35 =	vmul.f32 v60, v39;
	v26 =	vmul.f32 v26, v37;
	v61 =	vld [tilespmem:s7+$0xFFFFF450]  }
0xb6: {  	v63 =	vld [tilespmem:s7+$0xFFFFFA50];
	v29 =	vadd.f32 v30, v29;
	v30 =	vadd.s32 v11, v41;
	v27 =	vadd.f32 v27, v32  }
0xb7: {  	v26 =	vadd.f32 v26, v28;
	v28 =	vadd.f32 v35, v33  }
0xb8: {  	v27 =	vadd.f32 v27, v29  }
0xb9: {  	v26 =	vadd.f32 v28, v26;
	v28 =	vunpack.i.u.bf16.f32 v31;
	v29 =	vunpack.i.l.bf16.f32 v31  }
0xba: {  	v31 =	vunpack.i.l.bf16.f32 v59;
	v42 =	vunpack.i.l.bf16.f32 v61;
	v44 =	vunpack.i.u.bf16.f32 v61;
	[tilespmem:v62+s25+$0x0] =	vst.idx.msk $0xffff, v27  }
0xbb: {  	v46 =	vunpack.i.u.bf16.f32 v63;
	v29 =	vmul.f32 v29, v40;
	v32 =	vmul.f32 v42, v38;
	[tilespmem:v30+s25+$0x0] =	vst.idx.msk $0xffff, v26  }
0xbc: {  	v28 =	vmul.f32 v28, v40;
	v26 =	vunpack.i.l.bf16.f32 v63;
	v30 =	vmul.f32 v31, v37;
	v31 =	vld [tilespmem:s7+$0x0]  }
0xbd: {  	v27 =	vunpack.i.u.bf16.f32 v59;
	v33 =	vmul.f32 v44, v38;
	v26 =	vmul.f32 v26, v39;
	v45 =	vld [tilespmem:s7+$0x600]  }
0xbe: {  	v48 =	vadd.s32 v12, v41;
	v35 =	vmul.f32 v46, v39;
	v27 =	vmul.f32 v27, v37;
	v47 =	vld [tilespmem:s7+$0xC00]  }
0xbf: {  	v49 =	vld [tilespmem:s7+$0x1200];
	v29 =	vadd.f32 v30, v29;
	v30 =	vadd.s32 v13, v41;
	v26 =	vadd.f32 v26, v32  }
0xc0: {  	v27 =	vadd.f32 v27, v28;
	v28 =	vadd.f32 v35, v33  }
0xc1: {  	v26 =	vadd.f32 v26, v29  }
0xc2: {  	v27 =	vadd.f32 v28, v27;
	v28 =	vunpack.i.u.bf16.f32 v31;
	v29 =	vunpack.i.l.bf16.f32 v31  }
0xc3: {  	v31 =	vunpack.i.l.bf16.f32 v45;
	v50 =	vunpack.i.l.bf16.f32 v47;
	v51 =	vunpack.i.u.bf16.f32 v47;
	[tilespmem:v48+s25+$0x0] =	vst.idx.msk $0xffff, v26  }
0xc4: {  	v53 =	vunpack.i.u.bf16.f32 v49;
	v29 =	vmul.f32 v29, v40;
	v32 =	vmul.f32 v50, v38;
	[tilespmem:v30+s25+$0x0] =	vst.idx.msk $0xffff, v27  }
0xc5: {  	v28 =	vmul.f32 v28, v40;
	v27 =	vunpack.i.l.bf16.f32 v49;
	v30 =	vmul.f32 v31, v37;
	v31 =	vld [tilespmem:s7+$0x10]  }
0xc6: {  	v26 =	vunpack.i.u.bf16.f32 v45;
	v33 =	vmul.f32 v51, v38;
	v27 =	vmul.f32 v27, v39;
	v52 =	vld [tilespmem:s7+$0x610]  }
0xc7: {  	v55 =	vadd.s32 v14, v41;
	v35 =	vmul.f32 v53, v39;
	v26 =	vmul.f32 v26, v37;
	v54 =	vld [tilespmem:s7+$0xC10]  }
0xc8: {  	v56 =	vld [tilespmem:s7+$0x1210];
	v29 =	vadd.f32 v30, v29;
	v30 =	vadd.s32 v15, v41;
	v27 =	vadd.f32 v27, v32  }
0xc9: {  	v26 =	vadd.f32 v26, v28;
	v28 =	vadd.f32 v35, v33  }
0xca: {  	v27 =	vadd.f32 v27, v29  }
0xcb: {  	v26 =	vadd.f32 v28, v26;
	v28 =	vunpack.i.u.bf16.f32 v31;
	v29 =	vunpack.i.l.bf16.f32 v31  }
0xcc: {  	v31 =	vunpack.i.l.bf16.f32 v52;
	v57 =	vunpack.i.l.bf16.f32 v54;
	v58 =	vunpack.i.u.bf16.f32 v54;
	[tilespmem:v55+s25+$0x0] =	vst.idx.msk $0xffff, v27  }
0xcd: {  	v60 =	vunpack.i.u.bf16.f32 v56;
	v29 =	vmul.f32 v29, v40;
	v32 =	vmul.f32 v57, v38;
	[tilespmem:v30+s25+$0x0] =	vst.idx.msk $0xffff, v26  }
0xce: {  	v28 =	vmul.f32 v28, v40;
	v26 =	vunpack.i.l.bf16.f32 v56;
	v30 =	vmul.f32 v31, v37;
	v31 =	vld [tilespmem:s7+$0x20]  }
0xcf: {  	v27 =	vunpack.i.u.bf16.f32 v52;
	v33 =	vmul.f32 v58, v38;
	v26 =	vmul.f32 v26, v39;
	v59 =	vld [tilespmem:s7+$0x620]  }
0xd0: {  	v62 =	vadd.s32 v16, v41;
	v35 =	vmul.f32 v60, v39;
	v27 =	vmul.f32 v27, v37;
	v61 =	vld [tilespmem:s7+$0xC20]  }
0xd1: {  	v63 =	vld [tilespmem:s7+$0x1220];
	v29 =	vadd.f32 v30, v29;
	v30 =	vadd.s32 v17, v41;
	v26 =	vadd.f32 v26, v32  }
0xd2: {  	v27 =	vadd.f32 v27, v28;
	v28 =	vadd.f32 v35, v33  }
0xd3: {  	v26 =	vadd.f32 v26, v29  }
0xd4: {  	v27 =	vadd.f32 v28, v27;
	v28 =	vunpack.i.u.bf16.f32 v31;
	v29 =	vunpack.i.l.bf16.f32 v31  }
0xd5: {  	v31 =	vunpack.i.l.bf16.f32 v59;
	v42 =	vunpack.i.l.bf16.f32 v61;
	v44 =	vunpack.i.u.bf16.f32 v61;
	[tilespmem:v62+s25+$0x0] =	vst.idx.msk $0xffff, v26  }
0xd6: {  	v46 =	vunpack.i.u.bf16.f32 v63;
	v29 =	vmul.f32 v29, v40;
	v32 =	vmul.f32 v42, v38;
	[tilespmem:v30+s25+$0x0] =	vst.idx.msk $0xffff, v27  }
0xd7: {  	v28 =	vmul.f32 v28, v40;
	v27 =	vunpack.i.l.bf16.f32 v63;
	v30 =	vmul.f32 v31, v37;
	v31 =	vld [tilespmem:s7+$0x30]  }
0xd8: {  	v26 =	vunpack.i.u.bf16.f32 v59;
	v33 =	vmul.f32 v44, v38;
	v27 =	vmul.f32 v27, v39;
	v45 =	vld [tilespmem:s7+$0x630]  }
0xd9: {  	v48 =	vadd.s32 v18, v41;
	v35 =	vmul.f32 v46, v39;
	v26 =	vmul.f32 v26, v37;
	v47 =	vld [tilespmem:s7+$0xC30]  }
0xda: {  	v49 =	vld [tilespmem:s7+$0x1230];
	v29 =	vadd.f32 v30, v29;
	v30 =	vadd.s32 v19, v41;
	v27 =	vadd.f32 v27, v32  }
0xdb: {  	v26 =	vadd.f32 v26, v28;
	v28 =	vadd.f32 v35, v33  }
0xdc: {  	v27 =	vadd.f32 v27, v29  }
0xdd: {  	v26 =	vadd.f32 v28, v26;
	v28 =	vunpack.i.u.bf16.f32 v31;
	v29 =	vunpack.i.l.bf16.f32 v31  }
0xde: {  	v31 =	vunpack.i.l.bf16.f32 v45;
	v50 =	vunpack.i.l.bf16.f32 v47;
	v51 =	vunpack.i.u.bf16.f32 v47;
	[tilespmem:v48+s25+$0x0] =	vst.idx.msk $0xffff, v27  }
0xdf: {  	v53 =	vunpack.i.u.bf16.f32 v49;
	v29 =	vmul.f32 v29, v40;
	v32 =	vmul.f32 v50, v38;
	[tilespmem:v30+s25+$0x0] =	vst.idx.msk $0xffff, v26  }
0xe0: {  	v28 =	vmul.f32 v28, v40;
	v26 =	vunpack.i.l.bf16.f32 v49;
	v30 =	vmul.f32 v31, v37;
	v31 =	vld [tilespmem:s7+$0x40]  }
0xe1: {  	v27 =	vunpack.i.u.bf16.f32 v45;
	v33 =	vmul.f32 v51, v38;
	v26 =	vmul.f32 v26, v39;
	v52 =	vld [tilespmem:s7+$0x640]  }
0xe2: {  	v55 =	vadd.s32 v20, v41;
	v35 =	vmul.f32 v53, v39;
	v27 =	vmul.f32 v27, v37;
	v54 =	vld [tilespmem:s7+$0xC40]  }
0xe3: {  	v56 =	vld [tilespmem:s7+$0x1240];
	v29 =	vadd.f32 v30, v29;
	v30 =	vadd.s32 v21, v41;
	v26 =	vadd.f32 v26, v32  }
0xe4: {  	v27 =	vadd.f32 v27, v28;
	v28 =	vadd.f32 v35, v33  }
0xe5: {  	v26 =	vadd.f32 v26, v29  }
0xe6: {  	v27 =	vadd.f32 v28, v27;
	v28 =	vunpack.i.u.bf16.f32 v31;
	v29 =	vunpack.i.l.bf16.f32 v31  }
0xe7: {  	v31 =	vunpack.i.l.bf16.f32 v52;
	v57 =	vunpack.i.l.bf16.f32 v54;
	v58 =	vunpack.i.u.bf16.f32 v54;
	[tilespmem:v55+s25+$0x0] =	vst.idx.msk $0xffff, v26  }
0xe8: {  	v60 =	vunpack.i.u.bf16.f32 v56;
	v29 =	vmul.f32 v29, v40;
	v32 =	vmul.f32 v57, v38;
	[tilespmem:v30+s25+$0x0] =	vst.idx.msk $0xffff, v27  }
0xe9: {  	v28 =	vmul.f32 v28, v40;
	v27 =	vunpack.i.l.bf16.f32 v56;
	v30 =	vmul.f32 v31, v37;
	v31 =	vld [tilespmem:s7+$0x50]  }
0xea: {  	v26 =	vunpack.i.u.bf16.f32 v52;
	v33 =	vmul.f32 v58, v38;
	v27 =	vmul.f32 v27, v39;
	v59 =	vld [tilespmem:s7+$0x650]  }
0xeb: {  	v62 =	vadd.s32 v23, v41;
	v35 =	vmul.f32 v60, v39;
	v26 =	vmul.f32 v26, v37;
	v61 =	vld [tilespmem:s7+$0xC50]  }
0xec: {  	v63 =	vld [tilespmem:s7+$0x1250];
	v29 =	vadd.f32 v30, v29;
	v30 =	vadd.s32 v24, v41;
	v27 =	vadd.f32 v27, v32  }
0xed: {  	v26 =	vadd.f32 v26, v28;
	v28 =	vadd.f32 v35, v33  }
0xee: {  	v27 =	vadd.f32 v27, v29  }
0xef: {  	v26 =	vadd.f32 v28, v26;
	v28 =	vunpack.i.u.bf16.f32 v31;
	v29 =	vunpack.i.l.bf16.f32 v31  }
0xf0: {  	v31 =	vunpack.i.l.bf16.f32 v59;
	v45 =	vunpack.i.l.bf16.f32 v61;
	v46 =	vunpack.i.u.bf16.f32 v61;
	[tilespmem:v62+s25+$0x0] =	vst.idx.msk $0xffff, v27  }
0xf1: {  	v48 =	vunpack.i.u.bf16.f32 v63;
	v29 =	vmul.f32 v29, v40;
	v32 =	vmul.f32 v45, v38;
	[tilespmem:v30+s25+$0x0] =	vst.idx.msk $0xffff, v26  }
0xf2: {  	v28 =	vmul.f32 v28, v40;
	v26 =	vunpack.i.l.bf16.f32 v63;
	v30 =	vmul.f32 v31, v37;
	v31 =	vld [tilespmem:s8+$0xFFFFF400]  }
0xf3: {  	v27 =	vunpack.i.u.bf16.f32 v59;
	v50 =	vmul.f32 v48, v39;
	v26 =	vmul.f32 v26, v39;
	v47 =	vld [tilespmem:s8+$0xFFFFFA00]  }
0xf4: {  	v27 =	vmul.f32 v27, v37;
	v49 =	vld [tilespmem:s8+$0x0];
	v29 =	vadd.f32 v30, v29;
	v30 =	vmul.f32 v46, v38  }
0xf5: {  	v52 =	vadd.s32 v25, v41;
	v51 =	vld [tilespmem:s8+$0x600];
	v32 =	vadd.f32 v26, v32;
	v26 =	vor.u32 $0x161, v0  }
0xf6: {  	v27 =	vadd.f32 v27, v28;
	v28 =	vadd.f32 v50, v30;
	v30 =	vadd.s32 v26, v41  }
0xf7: {  	v29 =	vadd.f32 v32, v29  }
0xf8: {  	v27 =	vadd.f32 v28, v27;
	v28 =	vunpack.i.u.bf16.f32 v31;
	v31 =	vunpack.i.l.bf16.f32 v31  }
0xf9: {  	v53 =	vunpack.i.u.bf16.f32 v47;
	v54 =	vunpack.i.l.bf16.f32 v47;
	v55 =	vunpack.i.l.bf16.f32 v49  }
0xfa: {  	v35 =	vunpack.i.u.bf16.f32 v51;
	[tilespmem:v52+s25+$0x0] =	vst.idx.msk $0xffff, v29;
	v31 =	vmul.f32 v31, v40;
	v33 =	vmul.f32 v54, v37  }
0xfb: {  	v29 =	vunpack.i.l.bf16.f32 v51;
	v28 =	vmul.f32 v28, v40;
	v32 =	vmul.f32 v53, v37;
	[tilespmem:v30+s25+$0x0] =	vst.idx.msk $0xffff, v27  }
0xfc: {  	v29 =	vmul.f32 v29, v39;
	v27 =	vunpack.i.u.bf16.f32 v49;
	v30 =	vmul.f32 v55, v38;
	v56 =	vld [tilespmem:s8+$0xFFFFF410]  }
0xfd: {  	v35 =	vmul.f32 v35, v39;
	v31 =	vadd.f32 v33, v31;
	v57 =	vld [tilespmem:s8+$0xFFFFFA10];
	v58 =	vmul.f32 v27, v38  }
0xfe: {  	v42 =	vld [tilespmem:s8+$0x10];
	v27 =	vor.u32 $0x180, v0;
	v29 =	vadd.f32 v29, v30;
	v30 =	vadd.f32 v32, v28  }
0xff: {  	v60 =	vadd.s32 v27, v41;
	v28 =	vor.u32 $0x181, v0;
	v33 =	vadd.f32 v35, v58  }
0x100: {  	v59 =	vld [tilespmem:s8+$0x610];
	v61 =	vadd.s32 v28, v41  }
0x101: {  	v29 =	vadd.f32 v29, v31;
	v30 =	vadd.f32 v33, v30  }
0x102: {  	v31 =	vunpack.i.u.bf16.f32 v56;
	v62 =	vunpack.i.l.bf16.f32 v56;
	v36 =	vunpack.i.l.bf16.f32 v57  }
0x103: {  	v44 =	vunpack.i.u.bf16.f32 v42;
	v42 =	vunpack.i.l.bf16.f32 v42;
	v33 =	vmul.f32 v62, v40  }
0x104: {  	v63 =	vunpack.i.u.bf16.f32 v57;
	[tilespmem:v60+s25+$0x0] =	vst.idx.msk $0xffff, v29;
	v48 =	vmul.f32 v36, v37;
	v49 =	vmul.f32 v42, v38  }
0x105: {  	v29 =	vunpack.i.l.bf16.f32 v59;
	v31 =	vmul.f32 v31, v40;
	v34 =	vmul.f32 v63, v37;
	[tilespmem:v61+s25+$0x0] =	vst.idx.msk $0xffff, v30  }
0x106: {  	v53 =	vmul.f32 v44, v38;
	v30 =	vunpack.i.u.bf16.f32 v59;
	v50 =	vmul.f32 v29, v39;
	v51 =	vld [tilespmem:s8+$0xFFFFF420]  }
0x107: {  	v29 =	vor.u32 $0x1A0, v0;
	v33 =	vadd.f32 v48, v33;
	v52 =	vld [tilespmem:s8+$0xFFFFFA20];
	v54 =	vmul.f32 v30, v39  }
0x108: {  	v45 =	vld [tilespmem:s8+$0x20];
	v55 =	vadd.s32 v29, v41;
	v30 =	vor.u32 $0x1A1, v0;
	v31 =	vadd.f32 v34, v31  }
0x109: {  	v46 =	vld [tilespmem:s8+$0x620];
	v32 =	vadd.f32 v50, v49;
	v57 =	vadd.s32 v30, v41;
	v56 =	vadd.f32 v54, v53;
	_ =	sdelay $0x1  }
0x10a: {  	v32 =	vadd.f32 v32, v33;
	v31 =	vadd.f32 v56, v31  }
0x10b: {  	v58 =	vunpack.i.u.bf16.f32 v51;
	v59 =	vunpack.i.l.bf16.f32 v51;
	v60 =	vunpack.i.u.bf16.f32 v52  }
0x10c: {  	v35 =	vunpack.i.l.bf16.f32 v52;
	[tilespmem:v55+s25+$0x0] =	vst.idx.msk $0xffff, v32;
	v61 =	vunpack.i.u.bf16.f32 v45;
	v62 =	vunpack.i.l.bf16.f32 v45  }
0x10d: {  	v63 =	vunpack.i.u.bf16.f32 v46;
	v34 =	vmul.f32 v59, v40;
	[tilespmem:v57+s25+$0x0] =	vst.idx.msk $0xffff, v31;
	v35 =	vmul.f32 v35, v37  }
0x10e: {  	v32 =	vor.u32 $0x1C1, v0;
	v36 =	vmul.f32 v62, v38;
	v33 =	vmul.f32 v58, v40;
	v43 =	vld [tilespmem:s8+$0xFFFFF430]  }
0x10f: {  	v31 =	vunpack.i.l.bf16.f32 v46;
	v42 =	vmul.f32 v60, v37;
	v47 =	vmul.f32 v61, v38;
	v53 =	vld [tilespmem:s8+$0xFFFFFA30]  }
0x110: {  	v44 =	vmul.f32 v63, v39;
	v52 =	vmul.f32 v31, v39;
	v31 =	vor.u32 $0x1C0, v0;
	v48 =	vld [tilespmem:s8+$0x30]  }
0x111: {  	v50 =	vld [tilespmem:s8+$0x630];
	v49 =	vadd.s32 v31, v41;
	v34 =	vadd.f32 v35, v34;
	v33 =	vadd.f32 v42, v33  }
0x112: {  	v55 =	vadd.s32 v32, v41;
	v56 =	vadd.f32 v44, v47;
	v54 =	vadd.f32 v52, v36;
	_ =	sdelay $0x1  }
0x113: {  	v33 =	vadd.f32 v56, v33;
	v34 =	vadd.f32 v54, v34;
	v57 =	vunpack.i.u.bf16.f32 v43  }
0x114: {  	v58 =	vunpack.i.l.bf16.f32 v43;
	v59 =	vunpack.i.u.bf16.f32 v53;
	v60 =	vunpack.i.l.bf16.f32 v53  }
0x115: {  	v61 =	vunpack.i.l.bf16.f32 v48;
	v62 =	vunpack.i.l.bf16.f32 v50;
	[tilespmem:v49+s25+$0x0] =	vst.idx.msk $0xffff, v34;
	v63 =	vmul.f32 v58, v40  }
0x116: {  	v54 =	vunpack.i.u.bf16.f32 v48;
	v44 =	vmul.f32 v61, v38;
	v35 =	vmul.f32 v57, v40;
	[tilespmem:v55+s25+$0x0] =	vst.idx.msk $0xffff, v33  }
0x117: {  	v56 =	vunpack.i.u.bf16.f32 v50;
	v34 =	vmul.f32 v59, v37;
	v58 =	vmul.f32 v54, v38;
	v53 =	vld [tilespmem:s8+$0xFFFFF440]  }
0x118: {  	v59 =	vmul.f32 v56, v39;
	v33 =	vmul.f32 v62, v39;
	v55 =	vld [tilespmem:s8+$0xFFFFFA40]  }
0x119: {  	v52 =	vmul.f32 v60, v37;
	v57 =	vld [tilespmem:s8+$0x40];
	v35 =	vadd.f32 v34, v35  }
0x11a: {  	v60 =	vld [tilespmem:s8+$0x640];
	v42 =	vadd.f32 v59, v58;
	v44 =	vadd.f32 v33, v44;
	v33 =	vor.u32 $0x1E0, v0  }
0x11b: {  	v36 =	vadd.f32 v52, v63;
	v34 =	vor.u32 $0x1E1, v0;
	v61 =	vadd.s32 v33, v41  }
0x11c: {  	v62 =	vadd.s32 v34, v41;
	v35 =	vadd.f32 v42, v35  }
0x11d: {  	v36 =	vadd.f32 v44, v36;
	v63 =	vunpack.i.u.bf16.f32 v53;
	v43 =	vunpack.i.l.bf16.f32 v53  }
0x11e: {  	v54 =	vunpack.i.u.bf16.f32 v55;
	v46 =	vunpack.i.l.bf16.f32 v55;
	v55 =	vunpack.i.l.bf16.f32 v57  }
0x11f: {  	v51 =	vunpack.i.l.bf16.f32 v60;
	v43 =	vmul.f32 v43, v40;
	v46 =	vmul.f32 v46, v37  }
0x120: {  	v56 =	vunpack.i.u.bf16.f32 v57;
	v57 =	vmul.f32 v55, v38;
	v58 =	vmul.f32 v51, v39;
	[tilespmem:v61+s25+$0x0] =	vst.idx.msk $0xffff, v36  }
0x121: {  	v59 =	vunpack.i.u.bf16.f32 v60;
	v42 =	vmul.f32 v63, v40;
	v60 =	vmul.f32 v54, v37;
	[tilespmem:v62+s25+$0x0] =	vst.idx.msk $0xffff, v35  }
0x122: {  	v36 =	vmul.f32 v56, v38;
	v35 =	vmul.f32 v59, v39;
	v61 =	vld [tilespmem:s8+$0xFFFFF450]  }
0x123: {  	v43 =	vadd.f32 v46, v43;
	v45 =	vadd.f32 v58, v57;
	v62 =	vld [tilespmem:s8+$0xFFFFFA50]  }
0x124: {  	v42 =	vadd.f32 v60, v42;
	v63 =	vld [tilespmem:s8+$0x50];
	v35 =	vadd.f32 v35, v36  }
0x125: {  	v56 =	vld [tilespmem:s8+$0x650];
	v43 =	vadd.f32 v45, v43  }
0x126: {  	v36 =	vor.u32 $0x201, v0;
	v42 =	vadd.f32 v35, v42;
	v35 =	vor.u32 $0x200, v0  }
0x127: {  	v58 =	vadd.s32 v36, v41;
	v57 =	vadd.s32 v35, v41;
	v59 =	vunpack.i.u.bf16.f32 v61  }
0x128: {  	v47 =	vunpack.i.l.bf16.f32 v61;
	v60 =	vunpack.i.u.bf16.f32 v62;
	v49 =	vunpack.i.l.bf16.f32 v62  }
0x129: {  	v52 =	vunpack.i.u.bf16.f32 v63;
	v46 =	vunpack.i.l.bf16.f32 v63;
	v47 =	vmul.f32 v47, v40  }
0x12a: {  	v61 =	vunpack.i.l.bf16.f32 v56;
	v40 =	vmul.f32 v59, v40;
	v49 =	vmul.f32 v49, v37  }
0x12b: {  	v44 =	vunpack.i.u.bf16.f32 v56;
	v46 =	vmul.f32 v46, v38;
	v50 =	vmul.f32 v61, v39  }
0x12c: {  	v51 =	vmul.f32 v60, v37;
	v52 =	vmul.f32 v52, v38;
	v37 =	vor.u32 $0x220, v0  }
0x12d: {  	v39 =	vmul.f32 v44, v39;
	v38 =	vor.u32 $0x221, v0;
	v62 =	vadd.s32 v37, v41  }
0x12e: {  	p0 =	sne.s32 s13, $0xF;
	v41 =	vadd.s32 v38, v41;
	v47 =	vadd.f32 v49, v47;
	v46 =	vadd.f32 v50, v46  }
.Ltmp0:
0x12f: {  	v40 =	vadd.f32 v51, v40;
	v39 =	vadd.f32 v39, v52;
	(pc) =	sbr.rel @p0 .LBB2_3-.Ltmp0, $4  }
0x130: {  	[tilespmem:v57+s25+$0x0] =	vst.idx.msk $0xffff, v43;
	v63 =	vadd.f32 v46, v47  }
0x131: {  	[tilespmem:v58+s25+$0x0] =	vst.idx.msk $0xffff, v42;
	v39 =	vadd.f32 v39, v40  }
0x132: {  	[tilespmem:v62+s25+$0x0] =	vst.idx.msk $0xffff, v63  }
0x133: {  	s13 =	sadd.s32 $0x1, s13;
	s7 =	sadd.s32 $0x60, s7;
	s8 =	sadd.s32 $0x60, s8;
	[tilespmem:v41+s25+$0x0] =	vst.idx.msk $0xffff, v39  }
0x134: {  	p0 =	seq.s32 s1, $0x3F  }
.Ltmp1:
0x135: {  	s7 =	sadd.s32 s2, s12;
	(pc) =	sbr.rel @p0 .LBB2_6-.Ltmp1, $3  }
0x136: {  	s7 =	smul.u32 $0x48, s7;
	_ =	sdelay $0x1  }
0x137: {  	s7 =	sadd.s32 s3, s7  }
0x138: {  	[hbm4b:s7+s4] =	stream.linear.scatter [tilespmem:s25], [sflag:$0x3], $0x2400, $0x38;
	[tilespmem:$0xF200] =	vst v63  }
0x139: {  	v39 =	vld [tilespmem:s12+$0x1020];
	_ =	sdelay $0x4  }
0x13a: {  	v39 =	vand.u32 $0x7FFFFFFF, v39  }
0x13b: {  	(erf) = vrcp.f32 v39;
	_ =	sdelay $0x2  }
0x13c: {  	v50 =	vld [tilespmem:s12+$0x20]  }
0x13d: {  	v40 =	vld [tilespmem:s12+$0x820];
	_ =	sdelay $0x3  }
0x13e: {  	v39 =	vmul.f32 $4.200000000e+02, v50  }
0x13f: {  	v40 =	vmul.f32 $4.200000000e+02, v40;
	v41 =	vpop (erf)  }
0x140: {  	v39 =	vmul.f32 v41, v39  }
0x141: {  	v40 =	vmul.f32 v41, v40  }
0x142: {  	v39 =	vadd.f32 $1.115000000e+02, v39  }
0x143: {  	v40 =	vadd.f32 $1.115000000e+02, v40  }
0x144: {  	v39 =	vmax.f32 v39, $0.0e+00  }
0x145: {  	v40 =	vmax.f32 v40, $0.0e+00;
	v39 =	vmin.f32 v39, $2.230000000e+02  }
0x146: {  	v40 =	vmin.f32 v40, $2.230000000e+02;
	v39 =	vmul.f32 v39, v22  }
0x147: {  	v40 =	vmul.f32 v40, v22  }
0x148: {  	v51 =	vtrunc.f32 v39  }
0x149: {  	v42 =	vtrunc.f32 v40;
	v41 =	vcvt.f32.s32 v51  }
0x14a: {  	v42 =	vcvt.f32.s32 v42  }
0x14b: {  	v43 =	vcvt.s32.f32 v41  }
0x14c: {  	v44 =	vcvt.s32.f32 v42  }
0x14d: {  	vm0 =	vgt.f32 v39, v43  }
0x14e: {  	vm1 =	vgt.f32 v40, v44;
	v45 =	vsel vm0, $0x1, v2  }
0x14f: {  	v46 =	vsel vm1, $0x1, v2;
	v45 =	vadd.s32 v41, v45;
	v41 =	vmul.u32 $0x38, v41  }
0x150: {  	v46 =	vadd.s32 v42, v46;
	v47 =	vcvt.s32.f32 v45;
	v55 =	vmul.u32 $0x38, v45  }
0x151: {  	v48 =	vcvt.s32.f32 v46;
	v54 =	vadd.s32 v1, v41  }
0x152: {  	v47 =	vsub.f32 v47, v39;
	v56 =	vadd.s32 v42, v54;
	v41 =	vadd.s32 v1, v55  }
0x153: {  	v48 =	vsub.f32 v48, v40;
	v40 =	vsub.f32 v40, v44;
	[tilespmem:$0x1800] =	vst v56;
	v42 =	vadd.s32 v42, v41  }
0x154: {  	v39 =	vsub.f32 v39, v43;
	v41 =	vadd.s32 v46, v41;
	[tilespmem:$0x1820] =	vst v42  }
0x155: {  	v57 =	vadd.s32 $0xC400, v56;
	v44 =	vmul.f32 v47, v40;
	[tilespmem:$0x1830] =	vst v41  }
0x156: {  	v53 =	vmul.f32 v48, v39;
	v39 =	vmul.f32 v40, v39;
	v40 =	vadd.s32 v54, v46;
	[tilespmem:$0x1840] =	vst v57  }
0x157: {  	v59 =	vadd.s32 $0xC400, v42;
	[tilespmem:$0x1810] =	vst v40  }
0x158: {  	v60 =	vadd.s32 $0xC400, v41;
	[tilespmem:$0x1860] =	vst v59  }
0x159: {  	v62 =	vadd.s32 $0x18800, v42;
	[tilespmem:$0x1870] =	vst v60  }
0x15a: {  	v52 =	vmul.f32 v48, v47;
	v63 =	vadd.s32 $0x18800, v41;
	[tilespmem:$0x18A0] =	vst v62  }
0x15b: {  	[tilespmem:$0x18B0] =	vst v63  }
0x15c: {  	[tilespmem:$0xA980] =	vst v52  }
0x15d: {  	[tilespmem:$0xA990] =	vst v44  }
0x15e: {  	[tilespmem:$0xA9A0] =	vst v53  }
0x15f: {  	v58 =	vadd.s32 $0xC400, v40;
	[tilespmem:$0xA9B0] =	vst v39  }
0x160: {  	v61 =	vadd.s32 $0x18800, v40;
	[tilespmem:$0x1850] =	vst v58  }
0x161: {  	v39 =	vadd.s32 $0x18800, v56;
	[tilespmem:$0x1890] =	vst v61  }
0x162: {  	[tilespmem:$0x1880] =	vst v39  }
0x163: {  	[tilespmem:s16], [sflag:$0x1] =	stream.indirect.gather [hbm4b:s5+s14], $0x60, s15, s14, $0xb8;
	[tilespmem:$0xF200] =	vst v63  }
0x164: {  	_ = 	snop  }
0x165: {  	[tilespmem:s19], [sflag:$0x1] =	stream.indirect.gather [hbm4b:s5+s17], $0x60, s18, s17, $0xb8;
	[tilespmem:$0xF200] =	vst v63  }
.LBB2_6:
0x166: {  	_ =	swait.ge [sflag:s26], $0x3000  }
0x167: {  	[sflag:s26] =	ssyncset.done $0x0  }
0x168: {  	[sflag:s26] =	ssyncadd.s32 $0xFFFFD000  }
0x169: {  	_ =	swait.ge [sflag:s26], $0x1800  }
0x16a: {  	s7 =	simm.s32 $0x0;
	[sflag:s26] =	ssyncset.done $0x0  }
0x16b: {  	s8 =	simm.s32 $0x7980;
	s12 =	simm.s32 $0x9D80;
	[sflag:s26] =	ssyncadd.s32 $0xFFFFE800  }
.LBB2_7:
0x16c: {  	v43 =	vmov s7  }
0x16d: {  	v44 =	vld [tilespmem:s8+$0xFFFFE800];
	v40 =	vor.u32 $0x10, v43  }
0x16e: {  	v45 =	vld [tilespmem:s8+$0xFFFFEE00];
	v41 =	vor.u32 $0x20, v43  }
0x16f: {  	v46 =	vld [tilespmem:s8+$0xFFFFF400];
	v42 =	vor.u32 $0x30, v43  }
0x170: {  	v47 =	vld [tilespmem:s8+$0xFFFFFA00]  }
0x171: {  	v39 =	vld.idx.msk [tilespmem:v43+s28+$0x0], $0xffff  }
0x172: {  	v40 =	vld.idx.msk [tilespmem:v40+s28+$0x0], $0xffff  }
0x173: {  	v41 =	vld.idx.msk [tilespmem:v41+s28+$0x0], $0xffff  }
0x174: {  	v42 =	vld.idx.msk [tilespmem:v42+s28+$0x0], $0xffff  }
0x175: {  	v48 =	vunpack.i.u.bf16.f32 v44;
	v44 =	vunpack.i.l.bf16.f32 v44;
	v49 =	vunpack.i.u.bf16.f32 v45  }
0x176: {  	v45 =	vunpack.i.l.bf16.f32 v45;
	v50 =	vunpack.i.u.bf16.f32 v46;
	v46 =	vunpack.i.l.bf16.f32 v46  }
0x177: {  	v51 =	vunpack.i.l.bf16.f32 v47;
	v44 =	vmul.f32 v44, v39;
	v48 =	vmul.f32 v48, v39  }
0x178: {  	v52 =	vld [tilespmem:s8+$0xFFFFE810];
	v43 =	vmul.u32 $0x240, v43;
	v45 =	vmul.f32 v45, v40;
	v46 =	vmul.f32 v46, v41  }
0x179: {  	v54 =	vld [tilespmem:s8+$0xFFFFF410];
	v47 =	vunpack.i.u.bf16.f32 v47;
	v51 =	vmul.f32 v51, v42;
	v49 =	vmul.f32 v49, v40  }
0x17a: {  	v55 =	vor.u32 v0, v43;
	v50 =	vmul.f32 v50, v41;
	v47 =	vmul.f32 v47, v42  }
0x17b: {  	v53 =	vld [tilespmem:s8+$0xFFFFEE10];
	v59 =	vor.u32 v3, v43;
	v44 =	vadd.f32 v45, v44;
	v46 =	vadd.f32 v51, v46  }
0x17c: {  	v45 =	vld [tilespmem:s8+$0xFFFFFA10];
	v48 =	vadd.f32 v49, v48;
	v47 =	vadd.f32 v47, v50  }
0x17d: {  	v44 =	vadd.f32 v46, v44  }
0x17e: {  	v61 =	vunpack.i.u.bf16.f32 v52;
	v58 =	vunpack.i.u.bf16.f32 v54;
	v60 =	vadd.f32 v47, v48  }
0x17f: {  	v62 =	vunpack.i.l.bf16.f32 v52;
	v56 =	vunpack.i.l.bf16.f32 v54;
	v52 =	vmul.f32 v58, v41;
	[tilespmem:v55+s29+$0x0] =	vst.idx.msk $0xffff, v44  }
0x180: {  	v63 =	vunpack.i.u.bf16.f32 v53;
	v50 =	vmul.f32 v56, v41;
	v48 =	vmul.f32 v62, v39;
	[tilespmem:v59+s29+$0x0] =	vst.idx.msk $0xffff, v60  }
0x181: {  	v47 =	vmul.f32 v61, v39;
	v55 =	vunpack.i.l.bf16.f32 v53;
	v57 =	vunpack.i.l.bf16.f32 v45;
	v51 =	vld [tilespmem:s8+$0xFFFFE820]  }
0x182: {  	v49 =	vmul.f32 v55, v40;
	v45 =	vunpack.i.u.bf16.f32 v45;
	v46 =	vmul.f32 v57, v42;
	v59 =	vld [tilespmem:s8+$0xFFFFEE20]  }
0x183: {  	v44 =	vmul.f32 v63, v40;
	v60 =	vor.u32 v4, v43;
	v54 =	vld [tilespmem:s8+$0xFFFFF420];
	v45 =	vmul.f32 v45, v42  }
0x184: {  	v61 =	vor.u32 v5, v43;
	v48 =	vadd.f32 v49, v48;
	v49 =	vld [tilespmem:s8+$0xFFFFFA20];
	v46 =	vadd.f32 v46, v50  }
0x185: {  	v44 =	vadd.f32 v44, v47;
	v45 =	vadd.f32 v45, v52  }
0x186: {  	v46 =	vadd.f32 v46, v48  }
0x187: {  	v44 =	vadd.f32 v45, v44;
	v62 =	vunpack.i.u.bf16.f32 v51;
	v63 =	vunpack.i.l.bf16.f32 v51  }
0x188: {  	v56 =	vunpack.i.u.bf16.f32 v59;
	v57 =	vunpack.i.l.bf16.f32 v59;
	v58 =	vunpack.i.l.bf16.f32 v54;
	[tilespmem:v60+s29+$0x0] =	vst.idx.msk $0xffff, v46  }
0x189: {  	v59 =	vunpack.i.l.bf16.f32 v49;
	v47 =	vmul.f32 v63, v39;
	v48 =	vmul.f32 v57, v40;
	[tilespmem:v61+s29+$0x0] =	vst.idx.msk $0xffff, v44  }
0x18a: {  	v60 =	vunpack.i.u.bf16.f32 v54;
	v51 =	vmul.f32 v58, v41;
	v45 =	vmul.f32 v62, v39;
	v50 =	vld [tilespmem:s8+$0xFFFFE830]  }
0x18b: {  	v49 =	vunpack.i.u.bf16.f32 v49;
	v46 =	vmul.f32 v56, v40;
	v44 =	vmul.f32 v59, v42;
	v61 =	vld [tilespmem:s8+$0xFFFFEE30]  }
0x18c: {  	v62 =	vadd.s32 v6, v43;
	v52 =	vmul.f32 v60, v41;
	v49 =	vmul.f32 v49, v42;
	v57 =	vld [tilespmem:s8+$0xFFFFF430]  }
0x18d: {  	v63 =	vadd.s32 v7, v43;
	v47 =	vadd.f32 v48, v47;
	v48 =	vld [tilespmem:s8+$0xFFFFFA30];
	v44 =	vadd.f32 v44, v51  }
0x18e: {  	v45 =	vadd.f32 v46, v45;
	v52 =	vadd.f32 v49, v52  }
0x18f: {  	v44 =	vadd.f32 v44, v47  }
0x190: {  	v45 =	vadd.f32 v52, v45;
	v56 =	vunpack.i.u.bf16.f32 v50;
	v58 =	vunpack.i.l.bf16.f32 v50  }
0x191: {  	[tilespmem:v62+s29+$0x0] =	vst.idx.msk $0xffff, v44;
	v59 =	vunpack.i.u.bf16.f32 v61;
	v60 =	vunpack.i.l.bf16.f32 v61;
	v61 =	vunpack.i.l.bf16.f32 v57  }
0x192: {  	v62 =	vunpack.i.l.bf16.f32 v48;
	[tilespmem:v63+s29+$0x0] =	vst.idx.msk $0xffff, v45;
	v47 =	vmul.f32 v58, v39;
	v49 =	vmul.f32 v60, v40  }
0x193: {  	v48 =	vunpack.i.u.bf16.f32 v48;
	v50 =	vmul.f32 v61, v41;
	v45 =	vmul.f32 v62, v42;
	v51 =	vld [tilespmem:s8+$0xFFFFE840]  }
0x194: {  	v63 =	vunpack.i.u.bf16.f32 v57;
	v46 =	vmul.f32 v56, v39;
	v44 =	vmul.f32 v59, v40;
	v57 =	vld [tilespmem:s8+$0xFFFFEE40]  }
0x195: {  	v48 =	vmul.f32 v48, v42;
	v58 =	vadd.s32 v8, v43;
	v54 =	vld [tilespmem:s8+$0xFFFFF440];
	v52 =	vmul.f32 v63, v41  }
0x196: {  	v59 =	vadd.s32 v9, v43;
	v47 =	vadd.f32 v49, v47;
	v45 =	vadd.f32 v45, v50  }
0x197: {  	v49 =	vld [tilespmem:s8+$0xFFFFFA40];
	v44 =	vadd.f32 v44, v46;
	v60 =	vadd.f32 v48, v52  }
0x198: {  	v45 =	vadd.f32 v45, v47  }
0x199: {  	v44 =	vadd.f32 v60, v44;
	v61 =	vunpack.i.u.bf16.f32 v51;
	v62 =	vunpack.i.l.bf16.f32 v51  }
0x19a: {  	[tilespmem:v58+s29+$0x0] =	vst.idx.msk $0xffff, v45;
	v63 =	vunpack.i.u.bf16.f32 v57;
	v55 =	vunpack.i.l.bf16.f32 v57;
	v56 =	vunpack.i.l.bf16.f32 v54  }
0x19b: {  	v58 =	vunpack.i.u.bf16.f32 v54;
	[tilespmem:v59+s29+$0x0] =	vst.idx.msk $0xffff, v44;
	v47 =	vmul.f32 v62, v39;
	v48 =	vmul.f32 v55, v40  }
0x19c: {  	v57 =	vunpack.i.l.bf16.f32 v49;
	v51 =	vmul.f32 v56, v41;
	v46 =	vmul.f32 v61, v39;
	v50 =	vld [tilespmem:s8+$0xFFFFE850]  }
0x19d: {  	v49 =	vunpack.i.u.bf16.f32 v49;
	v45 =	vmul.f32 v63, v40;
	v44 =	vmul.f32 v57, v42;
	v59 =	vld [tilespmem:s8+$0xFFFFEE50]  }
0x19e: {  	v60 =	vadd.s32 v10, v43;
	v52 =	vmul.f32 v58, v41;
	v54 =	vld [tilespmem:s8+$0xFFFFF450];
	v49 =	vmul.f32 v49, v42  }
0x19f: {  	v61 =	vadd.s32 v11, v43;
	v47 =	vadd.f32 v48, v47;
	v48 =	vld [tilespmem:s8+$0xFFFFFA50];
	v44 =	vadd.f32 v44, v51  }
0x1a0: {  	v45 =	vadd.f32 v45, v46;
	v62 =	vadd.f32 v49, v52  }
0x1a1: {  	v44 =	vadd.f32 v44, v47  }
0x1a2: {  	v45 =	vadd.f32 v62, v45;
	v63 =	vunpack.i.u.bf16.f32 v50;
	v52 =	vunpack.i.l.bf16.f32 v50  }
0x1a3: {  	v56 =	vunpack.i.u.bf16.f32 v59;
	v57 =	vunpack.i.l.bf16.f32 v59;
	v58 =	vunpack.i.l.bf16.f32 v54;
	[tilespmem:v60+s29+$0x0] =	vst.idx.msk $0xffff, v44  }
0x1a4: {  	v59 =	vunpack.i.l.bf16.f32 v48;
	v47 =	vmul.f32 v52, v39;
	v49 =	vmul.f32 v57, v40;
	[tilespmem:v61+s29+$0x0] =	vst.idx.msk $0xffff, v45  }
0x1a5: {  	v60 =	vunpack.i.u.bf16.f32 v54;
	v50 =	vmul.f32 v58, v41;
	v46 =	vmul.f32 v63, v39;
	v51 =	vld [tilespmem:s8+$0x0]  }
0x1a6: {  	v48 =	vunpack.i.u.bf16.f32 v48;
	v44 =	vmul.f32 v56, v40;
	v45 =	vmul.f32 v59, v42;
	v61 =	vld [tilespmem:s8+$0x600]  }
0x1a7: {  	v62 =	vadd.s32 v12, v43;
	v52 =	vmul.f32 v60, v41;
	v48 =	vmul.f32 v48, v42;
	v57 =	vld [tilespmem:s8+$0xC00]  }
0x1a8: {  	v63 =	vadd.s32 v13, v43;
	v47 =	vadd.f32 v49, v47;
	v49 =	vld [tilespmem:s8+$0x1200];
	v45 =	vadd.f32 v45, v50  }
0x1a9: {  	v44 =	vadd.f32 v44, v46;
	v52 =	vadd.f32 v48, v52  }
0x1aa: {  	v45 =	vadd.f32 v45, v47  }
0x1ab: {  	v44 =	vadd.f32 v52, v44;
	v56 =	vunpack.i.u.bf16.f32 v51;
	v58 =	vunpack.i.l.bf16.f32 v51  }
0x1ac: {  	[tilespmem:v62+s29+$0x0] =	vst.idx.msk $0xffff, v45;
	v59 =	vunpack.i.u.bf16.f32 v61;
	v60 =	vunpack.i.l.bf16.f32 v61;
	v61 =	vunpack.i.l.bf16.f32 v57  }
0x1ad: {  	v62 =	vunpack.i.l.bf16.f32 v49;
	[tilespmem:v63+s29+$0x0] =	vst.idx.msk $0xffff, v44;
	v47 =	vmul.f32 v58, v39;
	v48 =	vmul.f32 v60, v40  }
0x1ae: {  	v49 =	vunpack.i.u.bf16.f32 v49;
	v51 =	vmul.f32 v61, v41;
	v44 =	vmul.f32 v62, v42;
	v50 =	vld [tilespmem:s8+$0x10]  }
0x1af: {  	v63 =	vunpack.i.u.bf16.f32 v57;
	v46 =	vmul.f32 v56, v39;
	v45 =	vmul.f32 v59, v40;
	v57 =	vld [tilespmem:s8+$0x610]  }
0x1b0: {  	v49 =	vmul.f32 v49, v42;
	v58 =	vadd.s32 v14, v43;
	v54 =	vld [tilespmem:s8+$0xC10];
	v52 =	vmul.f32 v63, v41  }
0x1b1: {  	v59 =	vadd.s32 v15, v43;
	v47 =	vadd.f32 v48, v47;
	v44 =	vadd.f32 v44, v51  }
0x1b2: {  	v48 =	vld [tilespmem:s8+$0x1210];
	v45 =	vadd.f32 v45, v46;
	v60 =	vadd.f32 v49, v52  }
0x1b3: {  	v44 =	vadd.f32 v44, v47  }
0x1b4: {  	v45 =	vadd.f32 v60, v45;
	v61 =	vunpack.i.u.bf16.f32 v50;
	v62 =	vunpack.i.l.bf16.f32 v50  }
0x1b5: {  	[tilespmem:v58+s29+$0x0] =	vst.idx.msk $0xffff, v44;
	v63 =	vunpack.i.u.bf16.f32 v57;
	v55 =	vunpack.i.l.bf16.f32 v57;
	v56 =	vunpack.i.l.bf16.f32 v54  }
0x1b6: {  	v58 =	vunpack.i.u.bf16.f32 v54;
	[tilespmem:v59+s29+$0x0] =	vst.idx.msk $0xffff, v45;
	v47 =	vmul.f32 v62, v39;
	v49 =	vmul.f32 v55, v40  }
0x1b7: {  	v57 =	vunpack.i.l.bf16.f32 v48;
	v50 =	vmul.f32 v56, v41;
	v46 =	vmul.f32 v61, v39;
	v51 =	vld [tilespmem:s8+$0x20]  }
0x1b8: {  	v48 =	vunpack.i.u.bf16.f32 v48;
	v44 =	vmul.f32 v63, v40;
	v45 =	vmul.f32 v57, v42;
	v59 =	vld [tilespmem:s8+$0x620]  }
0x1b9: {  	v60 =	vadd.s32 v16, v43;
	v52 =	vmul.f32 v58, v41;
	v54 =	vld [tilespmem:s8+$0xC20];
	v48 =	vmul.f32 v48, v42  }
0x1ba: {  	v61 =	vadd.s32 v17, v43;
	v47 =	vadd.f32 v49, v47;
	v49 =	vld [tilespmem:s8+$0x1220];
	v45 =	vadd.f32 v45, v50  }
0x1bb: {  	v44 =	vadd.f32 v44, v46;
	v62 =	vadd.f32 v48, v52  }
0x1bc: {  	v45 =	vadd.f32 v45, v47  }
0x1bd: {  	v44 =	vadd.f32 v62, v44;
	v63 =	vunpack.i.u.bf16.f32 v51;
	v56 =	vunpack.i.l.bf16.f32 v51  }
0x1be: {  	v57 =	vunpack.i.u.bf16.f32 v59;
	v58 =	vunpack.i.l.bf16.f32 v59;
	v59 =	vunpack.i.l.bf16.f32 v54;
	[tilespmem:v60+s29+$0x0] =	vst.idx.msk $0xffff, v45  }
0x1bf: {  	v60 =	vunpack.i.l.bf16.f32 v49;
	v47 =	vmul.f32 v56, v39;
	v48 =	vmul.f32 v58, v40;
	[tilespmem:v61+s29+$0x0] =	vst.idx.msk $0xffff, v44  }
0x1c0: {  	v51 =	vmul.f32 v59, v41;
	v49 =	vunpack.i.u.bf16.f32 v49;
	v46 =	vmul.f32 v63, v39;
	v50 =	vld [tilespmem:s8+$0x30]  }
0x1c1: {  	v45 =	vmul.f32 v57, v40;
	v61 =	vunpack.i.u.bf16.f32 v54;
	v44 =	vmul.f32 v60, v42;
	v62 =	vld [tilespmem:s8+$0x630]  }
0x1c2: {  	v63 =	vadd.s32 v18, v43;
	v49 =	vmul.f32 v49, v42;
	v54 =	vld [tilespmem:s8+$0xC30];
	v52 =	vmul.f32 v61, v41  }
0x1c3: {  	v57 =	vadd.s32 v19, v43;
	v47 =	vadd.f32 v48, v47;
	v48 =	vld [tilespmem:s8+$0x1230];
	v44 =	vadd.f32 v44, v51  }
0x1c4: {  	v45 =	vadd.f32 v45, v46;
	v58 =	vadd.f32 v49, v52  }
0x1c5: {  	v44 =	vadd.f32 v44, v47  }
0x1c6: {  	v45 =	vadd.f32 v58, v45;
	v59 =	vunpack.i.u.bf16.f32 v50;
	v60 =	vunpack.i.l.bf16.f32 v50  }
0x1c7: {  	[tilespmem:v63+s29+$0x0] =	vst.idx.msk $0xffff, v44;
	v61 =	vunpack.i.u.bf16.f32 v62;
	v62 =	vunpack.i.l.bf16.f32 v62;
	v63 =	vunpack.i.l.bf16.f32 v54  }
0x1c8: {  	v56 =	vunpack.i.l.bf16.f32 v48;
	[tilespmem:v57+s29+$0x0] =	vst.idx.msk $0xffff, v45;
	v47 =	vmul.f32 v60, v39;
	v49 =	vmul.f32 v62, v40  }
0x1c9: {  	v48 =	vunpack.i.u.bf16.f32 v48;
	v50 =	vmul.f32 v63, v41;
	v45 =	vmul.f32 v56, v42;
	v51 =	vld [tilespmem:s8+$0x40]  }
0x1ca: {  	v57 =	vunpack.i.u.bf16.f32 v54;
	v46 =	vmul.f32 v59, v39;
	v44 =	vmul.f32 v61, v40;
	v58 =	vld [tilespmem:s8+$0x640]  }
0x1cb: {  	v48 =	vmul.f32 v48, v42;
	v59 =	vadd.s32 v20, v43;
	v54 =	vld [tilespmem:s8+$0xC40];
	v52 =	vmul.f32 v57, v41  }
0x1cc: {  	v60 =	vadd.s32 v21, v43;
	v47 =	vadd.f32 v49, v47;
	v49 =	vld [tilespmem:s8+$0x1240];
	v45 =	vadd.f32 v45, v50  }
0x1cd: {  	v44 =	vadd.f32 v44, v46;
	v61 =	vadd.f32 v48, v52  }
0x1ce: {  	v45 =	vadd.f32 v45, v47  }
0x1cf: {  	v44 =	vadd.f32 v61, v44;
	v62 =	vunpack.i.u.bf16.f32 v51;
	v63 =	vunpack.i.l.bf16.f32 v51  }
0x1d0: {  	[tilespmem:v59+s29+$0x0] =	vst.idx.msk $0xffff, v45;
	v56 =	vunpack.i.u.bf16.f32 v58;
	v57 =	vunpack.i.l.bf16.f32 v58;
	v58 =	vunpack.i.l.bf16.f32 v54  }
0x1d1: {  	[tilespmem:v60+s29+$0x0] =	vst.idx.msk $0xffff, v44;
	v59 =	vunpack.i.l.bf16.f32 v49;
	v47 =	vmul.f32 v63, v39;
	v48 =	vmul.f32 v57, v40  }
0x1d2: {  	v60 =	vunpack.i.u.bf16.f32 v54;
	v51 =	vmul.f32 v58, v41;
	v46 =	vmul.f32 v62, v39;
	v50 =	vld [tilespmem:s8+$0x50]  }
0x1d3: {  	v49 =	vunpack.i.u.bf16.f32 v49;
	v45 =	vmul.f32 v56, v40;
	v44 =	vmul.f32 v59, v42;
	v61 =	vld [tilespmem:s8+$0x650]  }
0x1d4: {  	v62 =	vadd.s32 v23, v43;
	v57 =	vld [tilespmem:s8+$0xC50];
	v52 =	vmul.f32 v60, v41;
	v49 =	vmul.f32 v49, v42  }
0x1d5: {  	v63 =	vadd.s32 v24, v43;
	v47 =	vadd.f32 v48, v47;
	v48 =	vld [tilespmem:s8+$0x1250];
	v44 =	vadd.f32 v44, v51  }
0x1d6: {  	v45 =	vadd.f32 v45, v46;
	v52 =	vadd.f32 v49, v52  }
0x1d7: {  	v44 =	vadd.f32 v44, v47  }
0x1d8: {  	v45 =	vadd.f32 v52, v45;
	v56 =	vunpack.i.u.bf16.f32 v50;
	v58 =	vunpack.i.l.bf16.f32 v50  }
0x1d9: {  	v59 =	vunpack.i.u.bf16.f32 v61;
	v60 =	vunpack.i.l.bf16.f32 v61;
	v61 =	vunpack.i.l.bf16.f32 v57;
	[tilespmem:v62+s29+$0x0] =	vst.idx.msk $0xffff, v44  }
0x1da: {  	v62 =	vunpack.i.l.bf16.f32 v48;
	v47 =	vmul.f32 v58, v39;
	v49 =	vmul.f32 v60, v40;
	[tilespmem:v63+s29+$0x0] =	vst.idx.msk $0xffff, v45  }
0x1db: {  	v50 =	vmul.f32 v61, v41;
	v48 =	vunpack.i.u.bf16.f32 v48;
	v46 =	vmul.f32 v56, v39;
	v51 =	vld [tilespmem:s12+$0xFFFFF400]  }
0x1dc: {  	v44 =	vmul.f32 v59, v40;
	v63 =	vunpack.i.u.bf16.f32 v57;
	v45 =	vmul.f32 v62, v42;
	v57 =	vld [tilespmem:s12+$0xFFFFFA00]  }
0x1dd: {  	v58 =	vadd.s32 v25, v43;
	v48 =	vmul.f32 v48, v42;
	v54 =	vld [tilespmem:s12+$0x0];
	v52 =	vmul.f32 v63, v41  }
0x1de: {  	v59 =	vadd.s32 v26, v43;
	v47 =	vadd.f32 v49, v47;
	v49 =	vld [tilespmem:s12+$0x600];
	v45 =	vadd.f32 v45, v50  }
0x1df: {  	v44 =	vadd.f32 v44, v46;
	v60 =	vadd.f32 v48, v52  }
0x1e0: {  	v45 =	vadd.f32 v45, v47  }
0x1e1: {  	v44 =	vadd.f32 v60, v44;
	v61 =	vunpack.i.u.bf16.f32 v51;
	v62 =	vunpack.i.l.bf16.f32 v51  }
0x1e2: {  	[tilespmem:v58+s29+$0x0] =	vst.idx.msk $0xffff, v45;
	v63 =	vunpack.i.u.bf16.f32 v57;
	v55 =	vunpack.i.l.bf16.f32 v57;
	v56 =	vunpack.i.l.bf16.f32 v54  }
0x1e3: {  	v57 =	vunpack.i.l.bf16.f32 v49;
	[tilespmem:v59+s29+$0x0] =	vst.idx.msk $0xffff, v44;
	v47 =	vmul.f32 v62, v39;
	v48 =	vmul.f32 v55, v40  }
0x1e4: {  	v58 =	vunpack.i.u.bf16.f32 v54;
	v51 =	vmul.f32 v56, v41;
	v44 =	vmul.f32 v57, v42;
	v50 =	vld [tilespmem:s12+$0xFFFFF410]  }
0x1e5: {  	v49 =	vunpack.i.u.bf16.f32 v49;
	v46 =	vmul.f32 v61, v39;
	v45 =	vmul.f32 v63, v40;
	v59 =	vld [tilespmem:s12+$0xFFFFFA10]  }
0x1e6: {  	v60 =	vadd.s32 v27, v43;
	v52 =	vmul.f32 v58, v41;
	v49 =	vmul.f32 v49, v42;
	v54 =	vld [tilespmem:s12+$0x10]  }
0x1e7: {  	v61 =	vadd.s32 v28, v43;
	v47 =	vadd.f32 v48, v47;
	v44 =	vadd.f32 v44, v51  }
0x1e8: {  	v48 =	vld [tilespmem:s12+$0x610];
	v45 =	vadd.f32 v45, v46;
	v62 =	vadd.f32 v49, v52  }
0x1e9: {  	v44 =	vadd.f32 v44, v47  }
0x1ea: {  	v45 =	vadd.f32 v62, v45;
	v63 =	vunpack.i.u.bf16.f32 v50;
	v52 =	vunpack.i.l.bf16.f32 v50  }
0x1eb: {  	[tilespmem:v60+s29+$0x0] =	vst.idx.msk $0xffff, v44;
	v56 =	vunpack.i.u.bf16.f32 v59;
	v57 =	vunpack.i.l.bf16.f32 v59;
	v58 =	vunpack.i.l.bf16.f32 v54  }
0x1ec: {  	v60 =	vunpack.i.u.bf16.f32 v54;
	[tilespmem:v61+s29+$0x0] =	vst.idx.msk $0xffff, v45;
	v47 =	vmul.f32 v52, v39;
	v49 =	vmul.f32 v57, v40  }
0x1ed: {  	v59 =	vunpack.i.l.bf16.f32 v48;
	v50 =	vmul.f32 v58, v41;
	v46 =	vmul.f32 v63, v39;
	v51 =	vld [tilespmem:s12+$0xFFFFF420]  }
0x1ee: {  	v48 =	vunpack.i.u.bf16.f32 v48;
	v44 =	vmul.f32 v56, v40;
	v45 =	vmul.f32 v59, v42;
	v61 =	vld [tilespmem:s12+$0xFFFFFA20]  }
0x1ef: {  	v62 =	vadd.s32 v29, v43;
	v52 =	vmul.f32 v60, v41;
	v57 =	vld [tilespmem:s12+$0x20];
	v48 =	vmul.f32 v48, v42  }
0x1f0: {  	v63 =	vadd.s32 v30, v43;
	v47 =	vadd.f32 v49, v47;
	v49 =	vld [tilespmem:s12+$0x620];
	v45 =	vadd.f32 v45, v50  }
0x1f1: {  	v44 =	vadd.f32 v44, v46;
	v52 =	vadd.f32 v48, v52  }
0x1f2: {  	v45 =	vadd.f32 v45, v47  }
0x1f3: {  	v44 =	vadd.f32 v52, v44;
	v56 =	vunpack.i.u.bf16.f32 v51;
	v58 =	vunpack.i.l.bf16.f32 v51  }
0x1f4: {  	v59 =	vunpack.i.u.bf16.f32 v61;
	v60 =	vunpack.i.l.bf16.f32 v61;
	v61 =	vunpack.i.l.bf16.f32 v57;
	[tilespmem:v62+s29+$0x0] =	vst.idx.msk $0xffff, v45  }
0x1f5: {  	v62 =	vunpack.i.l.bf16.f32 v49;
	v47 =	vmul.f32 v58, v39;
	v48 =	vmul.f32 v60, v40;
	[tilespmem:v63+s29+$0x0] =	vst.idx.msk $0xffff, v44  }
0x1f6: {  	v51 =	vmul.f32 v61, v41;
	v49 =	vunpack.i.u.bf16.f32 v49;
	v46 =	vmul.f32 v56, v39;
	v50 =	vld [tilespmem:s12+$0xFFFFF430]  }
0x1f7: {  	v45 =	vmul.f32 v59, v40;
	v63 =	vunpack.i.u.bf16.f32 v57;
	v44 =	vmul.f32 v62, v42;
	v57 =	vld [tilespmem:s12+$0xFFFFFA30]  }
0x1f8: {  	v58 =	vadd.s32 v31, v43;
	v49 =	vmul.f32 v49, v42;
	v54 =	vld [tilespmem:s12+$0x30];
	v52 =	vmul.f32 v63, v41  }
0x1f9: {  	v59 =	vadd.s32 v32, v43;
	v47 =	vadd.f32 v48, v47;
	v48 =	vld [tilespmem:s12+$0x630];
	v44 =	vadd.f32 v44, v51  }
0x1fa: {  	v45 =	vadd.f32 v45, v46;
	v60 =	vadd.f32 v49, v52  }
0x1fb: {  	v44 =	vadd.f32 v44, v47  }
0x1fc: {  	v45 =	vadd.f32 v60, v45;
	v61 =	vunpack.i.u.bf16.f32 v50;
	v62 =	vunpack.i.l.bf16.f32 v50  }
0x1fd: {  	[tilespmem:v58+s29+$0x0] =	vst.idx.msk $0xffff, v44;
	v63 =	vunpack.i.u.bf16.f32 v57;
	v55 =	vunpack.i.l.bf16.f32 v57;
	v56 =	vunpack.i.l.bf16.f32 v54  }
0x1fe: {  	v57 =	vunpack.i.l.bf16.f32 v48;
	[tilespmem:v59+s29+$0x0] =	vst.idx.msk $0xffff, v45;
	v47 =	vmul.f32 v62, v39;
	v49 =	vmul.f32 v55, v40  }
0x1ff: {  	v58 =	vunpack.i.u.bf16.f32 v54;
	v50 =	vmul.f32 v56, v41;
	v45 =	vmul.f32 v57, v42;
	v51 =	vld [tilespmem:s12+$0xFFFFF440]  }
0x200: {  	v48 =	vunpack.i.u.bf16.f32 v48;
	v46 =	vmul.f32 v61, v39;
	v44 =	vmul.f32 v63, v40;
	v59 =	vld [tilespmem:s12+$0xFFFFFA40]  }
0x201: {  	v52 =	vmul.f32 v58, v41;
	v48 =	vmul.f32 v48, v42;
	v54 =	vld [tilespmem:s12+$0x40]  }
0x202: {  	v60 =	vadd.s32 v33, v43;
	v55 =	vld [tilespmem:s12+$0x640];
	v47 =	vadd.f32 v49, v47;
	v45 =	vadd.f32 v45, v50  }
0x203: {  	v62 =	vadd.s32 v34, v43;
	v44 =	vadd.f32 v44, v46;
	v61 =	vadd.f32 v48, v52  }
0x204: {  	v45 =	vadd.f32 v45, v47  }
0x205: {  	v44 =	vadd.f32 v61, v44;
	v46 =	vunpack.i.u.bf16.f32 v51;
	v63 =	vunpack.i.l.bf16.f32 v51  }
0x206: {  	v56 =	vunpack.i.u.bf16.f32 v59;
	v57 =	vunpack.i.l.bf16.f32 v59;
	v58 =	vunpack.i.l.bf16.f32 v54  }
0x207: {  	[tilespmem:v60+s29+$0x0] =	vst.idx.msk $0xffff, v45;
	v59 =	vunpack.i.l.bf16.f32 v55;
	v47 =	vmul.f32 v63, v39;
	v60 =	vmul.f32 v57, v40  }
0x208: {  	v61 =	vunpack.i.u.bf16.f32 v54;
	[tilespmem:v62+s29+$0x0] =	vst.idx.msk $0xffff, v44;
	v62 =	vmul.f32 v58, v41;
	v45 =	vmul.f32 v59, v42  }
0x209: {  	v57 =	vunpack.i.u.bf16.f32 v55;
	v46 =	vmul.f32 v46, v39;
	v50 =	vmul.f32 v56, v40;
	v63 =	vld [tilespmem:s12+$0xFFFFF450]  }
0x20a: {  	v44 =	vmul.f32 v61, v41;
	v58 =	vld [tilespmem:s12+$0xFFFFFA50];
	v52 =	vmul.f32 v57, v42  }
0x20b: {  	v54 =	vld [tilespmem:s12+$0x50];
	v47 =	vadd.f32 v60, v47;
	v45 =	vadd.f32 v45, v62  }
0x20c: {  	v59 =	vld [tilespmem:s12+$0x650];
	v46 =	vadd.f32 v50, v46;
	v44 =	vadd.f32 v52, v44;
	_ =	sdelay $0x1  }
0x20d: {  	v45 =	vadd.f32 v45, v47;
	v47 =	vadd.s32 v36, v43;
	v44 =	vadd.f32 v44, v46  }
0x20e: {  	v46 =	vadd.s32 v35, v43;
	v60 =	vunpack.i.u.bf16.f32 v63;
	v61 =	vunpack.i.l.bf16.f32 v63  }
0x20f: {  	v62 =	vunpack.i.u.bf16.f32 v58;
	v63 =	vunpack.i.l.bf16.f32 v58;
	v57 =	vunpack.i.l.bf16.f32 v54  }
0x210: {  	v58 =	vunpack.i.l.bf16.f32 v59;
	v50 =	vmul.f32 v61, v39;
	v52 =	vmul.f32 v63, v40  }
0x211: {  	v54 =	vunpack.i.u.bf16.f32 v54;
	v53 =	vmul.f32 v57, v41;
	v55 =	vmul.f32 v58, v42  }
0x212: {  	v48 =	vunpack.i.u.bf16.f32 v59;
	v39 =	vmul.f32 v60, v39;
	v40 =	vmul.f32 v62, v40  }
0x213: {  	v59 =	vadd.s32 v37, v43;
	v41 =	vmul.f32 v54, v41;
	v42 =	vmul.f32 v48, v42  }
0x214: {  	p0 =	sne.s32 s7, $0xF;
	v43 =	vadd.s32 v38, v43;
	v60 =	vadd.f32 v52, v50;
	v61 =	vadd.f32 v55, v53  }
.Ltmp2:
0x215: {  	v39 =	vadd.f32 v40, v39;
	v62 =	vadd.f32 v42, v41;
	(pc) =	sbr.rel @p0 .LBB2_7-.Ltmp2, $4  }
0x216: {  	[tilespmem:v46+s29+$0x0] =	vst.idx.msk $0xffff, v45;
	v63 =	vadd.f32 v61, v60  }
0x217: {  	[tilespmem:v47+s29+$0x0] =	vst.idx.msk $0xffff, v44;
	v39 =	vadd.f32 v62, v39  }
0x218: {  	[tilespmem:v59+s29+$0x0] =	vst.idx.msk $0xffff, v63  }
0x219: {  	s7 =	sadd.s32 $0x1, s7;
	s8 =	sadd.s32 $0x60, s8;
	s12 =	sadd.s32 $0x60, s12;
	[tilespmem:v43+s29+$0x0] =	vst.idx.msk $0xffff, v39  }
0x21a: {  	s1 =	sadd.s32 $0x1, s1  }
0x21b: {  	p0 =	sne.s32 s1, $0x40  }
.Ltmp3:
0x21c: {  	s0 =	sadd.s32 s2, s0;
	(pc) =	sbr.rel @p0 .LBB2_2-.Ltmp3, $3  }
0x21d: {  	s0 =	smul.u32 $0x48, s0;
	_ =	sdelay $0x1  }
0x21e: {  	s0 =	sadd.s32 s3, s0  }
0x21f: {  	[hbm4b:s0+s4] =	stream.linear.scatter [tilespmem:s29], [sflag:$0x3], $0x2400, $0x38;
	[tilespmem:$0xF200] =	vst v63  }
0x220: {  	s31 =	sadd.s32 $0x1, s31  }
0x221: {  	_ =	swait.ge [sflag:s30], $0x2400;
	p0 =	sne.s32 s31, s10  }
.Ltmp4:
0x222: {  	[sflag:s30] =	ssyncset.done $0x0;
	(pc) =	sbr.rel @p0 .LBB2_1-.Ltmp4, $4  }
0x223: {  	[sflag:s30] =	ssyncadd.s32 $0xFFFFDC00  }
0x224: {  	_ =	swait.ge [sflag:s30], $0x2400  }
0x225: {  	[sflag:s30] =	ssyncset.done $0x0  }
0x226: {  	[sflag:s30] =	ssyncadd.s32 $0xFFFFDC00  }
0x227: {  	_ =	sfence.sel $0x180000  }
0x228: {  	[bflag:$0x0] =	sbarrier.arrive $0xFFFF  }
0x229: {  	_ =	strace $0x9000004A  }
0x22a: {  	s0 =	stileid.u32;
	[bflag:$0x2] =	sbarrier.arrive $0xFFFF  }
0x22b: {  	p0 =	sne.s32 s0, $0x0;
	s0 =	rddreg [dreg:$0x2]  }
0x22c: {  	s0 =	sadd.s32 @!p0 $0x100000, s0  }
0x22d: {  	[sflag:s0] =	ssyncadd.tile.s32 @!p0 $0x1;
	_ =	shalt  }
.Lfunc_end2:
_tile_overlayer_lowered:
.L_overlay_start_2:
0x22e: {  	(tag) =	ssettag $0x2  }
0x22f: {  	s0 =	rddreg [dreg:$0x0];
	s2 =	stileid.u32  }
0x230: {  	s1 =	rddreg [dreg:$0x1];
	p0 =	sne.s32 s2, $0x0  }
0x231: {  	s3 =	rddreg [dreg:$0x2];
	[bflag:$0x3] =	sbarrier.arrive $0xFFFF;
	s2 =	simm.s32 @!p0 $0x1C04  }
0x232: {  	[timem:s3], [sflag:s2] =	dma.local @!p0 [hbm:s0], s1  }
0x233: {  	s0 =	simm.s32 @!p0 $0x4  }
0x234: {  	_ =	swait.ge @!p0 [sflag:s0], s1  }
0x235: {  	s1 =	ssub.s32 @!p0 $0x0, s1;
	[sflag:s0] =	ssyncset.done @!p0 $0x0  }
0x236: {  	[sflag:s0] =	ssyncadd.s32 @!p0 s1  }
0x237: {  	[bflag:$0x3] =	sbarrier.arrive $0xFFFF  }
0x238: {  	_ =	shalt  }

// kernel: sparse-core-data-format-call.1.cloned.1.call-start
scs
called_computation.1_lowered:
.L_overlay_start_0:
0x0: {  	s2 =	sld [smem:$0x3FD9]  }
0x1: {  	s3 =	sld [smem:$0x3FFE];
	_ =	sdelay $0x1  }
0x2: {  	s1 =	srdreg.scid  }
0x3: {  	s0 =	sand.u32 $0x1, s1  }
0x4: {  	s18 =	sshll.u32 s0, $0xA;
	s2 =	sadd.s32 s3, s2  }
0x5: {  	s2 =	sadd.s32 s2, s18  }
0x6: {  	[smem:$0x3FC6] =	sst s2  }
0x7: {  	_ = 	snop  }
0x8: {  	s2 =	sld [smem:$0x3FD0];
	(tm) =	ssettm $0x1  }
0x9: {  	s19 =	sld [smem:$0x3FFB];
	_ =	sdelay $0x3  }
0xa: {  	_ =	strace s19  }
0xb: {  	s3 =	sld [smem:$0x3FFC];
	_ =	sdelay $0x3  }
0xc: {  	_ =	strace s3  }
0xd: {  	s3 =	sld [smem:$0x3FFD];
	_ =	sdelay $0x3  }
0xe: {  	_ =	strace s3  }
0xf: {  	_ =	strace $0x8FFFFFFF  }
0x10: {  	s20 =	sld [smem:$0x3FDB];
	_ =	sdelay $0x1  }
0x11: {  	s4 =	simm.s32 $_scs_section_size  }
0x12: {  	s5 =	simm.s32 $_size__tile_overlayer_lowered;
	s6 =	simm.s32 $_tile_overlayer_lowered  }
0x13: {  	s23 =	simm.s32 $0x1BFF;
	s22 =	sshll.u32 s6, $0x1;
	s3 =	sadd.s32 s4, s20  }
0x14: {  	s7 =	simm.s32 $0x0;
	s21 =	sshll.u32 s5, $0x1;
	s5 =	sadd.s32 s22, s3  }
0x15: {  	[timem:s7], [sflag:s23] =	dma.local [hbm:s5], s21  }
0x16: {  	_ =	swait.ge [sflag:s23], s21  }
0x17: {  	s4 =	ssub.s32 $0x0, s21;
	[sflag:s23] =	ssyncset.done $0x0  }
0x18: {  	[sflag:s23] =	ssyncadd.s32 s4;
	_ =	sdelay $0x1  }
0x19: {  	s24 =	simm.s32 $0x1B8B  }
0x1a: {  	_ =	swait.ge [sflag:s24], $0x1  }
0x1b: {  	[sflag:s24] =	ssyncset.done $0x0  }
0x1c: {  	s26 =	simm.s32 $0x1B8E;
	s25 =	sld [smem:$0x3FFE];
	[sflag:s24] =	ssyncadd.s32 $0xFFFFFFFF  }
0x1d: {  	s27 =	simm.s32 $execute0_lowered;
	[smem:$0x3FD2] =	sst s26  }
0x1e: {  	s5 =	sshll.u32 s27, $0x1;
	_ =	strace $0x80000046;
	[dreg:$0x1] =	wrdreg $0xFFFFFFFF  }
0x1f: {  	s28 =	simm.s32 $_size_execute0_lowered;
	s3 =	sadd.s32 s3, s5;
	[dreg:$0x0] =	wrdreg $0x0  }
0x20: {  	s5 =	sshll.u32 s28, $0x1;
	[dreg:$0x2] =	wrdreg s3  }
0x21: {  	[dreg:$0x3] =	wrdreg s5  }
0x22: {  	[dreg:$0x4] =	wrdreg $0xC0  }
0x23: {  	_ =	task [dreg:s7], $0x5FFFF  }
0x24: {  	[dreg:$0x1] =	wrdreg $0xFFFFFFFF  }
0x25: {  	[dreg:$0x0] =	wrdreg $0x60  }
0x26: {  	[dreg:$0x2] =	wrdreg s2  }
0x27: {  	[dreg:$0x3] =	wrdreg s25  }
0x28: {  	[dreg:$0x4] =	wrdreg $0x9  }
0x29: {  	_ =	task.clear_ibuf [dreg:s7], $0x5FFFF;
	_ =	strace $0x90000046  }
0x2a: {  	s29 =	simm.s32 $0x9;
	_ =	strace $0x80000048  }
0x2b: {  	_ =	swait.ge [sflag:s29], $0x1  }
0x2c: {  	[sflag:s29] =	ssyncadd.s32 $0xFFFFFFFF  }
0x2d: {  	_ =	strace $0x90000048  }
0x2e: {  	_ =	sfence  }
0x2f: {  	s30 =	sld [smem:$0x0];
	_ =	sdelay $0x2  }
0x30: {  	s31 =	sshll.u32 s1, $0xD;
	s1 =	sshrl.u32 s1, $0x2  }
0x31: {  	s3 =	sand.u32 $0x4000, s31;
	s1 =	sadd.s32 s1, s30  }
0x32: {  	s0 =	sor.u32 s3, s0;
	s1 =	sshll.u32 s1, $0x11  }
0x33: {  	s0 =	sor.u32 s1, s0  }
0x34: {  	s0 =	sadd.s32 $0x8F2B, s0  }
0x35: {  	[sflag:s0] =	ssyncadd.remote.s32 $0x1  }
0x36: {  	_ =	sfence.sel $0xFFFF  }
0x37: {  	[dreg:$0x0] =	wrdreg $0xFFFFFFFF;
	(pc) =	sbr.abs _section_cstart, $3  }
0x38: {  	[dreg:$0x1] =	wrdreg $0xFFFFFFFF  }
0x39: {  	_ =	task.clear_ibuf [dreg:s7], $0x2FFFF;
	_ =	strace $0x9FFFFFFF  }
0x3a: {  	(tm) =	ssettm $0x7FFFFFFF  }
0x3b: {  	_ =	shalt  }
tec
execute0_lowered:
.L_overlay_start_1:
0x0: {  	(tag) =	ssettag $0x1  }
0x1: {  	s0 =	srdreg.scid  }
0x2: {  	s1 =	sshll.u32 s0, $0x4  }
0x3: {  	s2 =	rddreg [dreg:$0x0];
	s0 =	stileid.u32;
	s1 =	sand.u32 $0x10, s1  }
0x4: {  	s4 =	rddreg [dreg:$0x1];
	s7 =	simm.s32 $0x1;
	s1 =	sor.u32 s0, s1  }
0x5: {  	s8 =	simm.s32 $0x2;
	s9 =	simm.s32 $0x0;
	s3 =	sshll.u32 s1, $0x4  }
0x6: {  	s12 =	simm.s32 $0x0;
	s11 =	simm.s32 $0x0;
	s6 =	ssub.s32 $0x3720, s3  }
.Ltmp0:
0x7: {  	s4 =	sadd.s32 $0x1000, s4;
	s5 =	sand.u32 $0x1F0, s6;
	(pc) =	sbr.rel .LBB1_1-.Ltmp0, $4  }
0x8: {  	s1 =	rddreg [dreg:$0x2];
	_ =	strace $0x80000047;
	p0 =	sne.s32 s5, $0x0  }
0x9: {  	s6 =	sshrl.u32 s6, $0x9;
	s5 =	simm.s32 $0x1;
	s7 =	simm.s32 @!p0 $0x0  }
0xa: {  	s10 =	smov.u32 s3;
	[sflag:s5] =	ssyncpa.u1 $0x0;
	s6 =	sadd.s32 s7, s6  }
0xb: {  	[sflag:s8] =	ssyncpa.u1 $0x0;
	s8 =	simm.s32 $0x0;
	s7 =	sadd.s32 $0x1, s6  }
.LBB1_7:
0xc: {  	s14 =	sadd.s32 $0x200, s10  }
0xd: {  	p1 =	sgt.s32 s14, $0x371F  }
0xe: {  	s14 =	smov.u32 @p1 s3;
	p1 =	sne.s32 s11, s7  }
.Ltmp1:
0xf: {  	p0 =	slt.u32 s11, $0x2;
	(pc) =	sbr.rel @!p1 .LBB1_8-.Ltmp1, $4  }
0x10: {  	s13 =	simm.s32 @!p0 $0x2  }
0x11: {  	s15 =	sadd.s32 $0x1, s11;
	_ =	swait.ge @!p0 [sflag:s13], $0x4000  }
0x12: {  	s12 =	smov.u32 s10;
	s9 =	sadd.s32 $0x8000, s9;
	[sflag:s13] =	ssyncset.done @!p0 $0x0  }
0x13: {  	s11 =	smov.u32 s15;
	s10 =	smov.u32 s14;
	[sflag:s13] =	ssyncadd.s32 @!p0 $0xFFFFC000  }
.LBB1_1:
0x14: {  	p0 =	sge.u32 s11, s6  }
0x15: {  	s13 =	sxor.u32 @!p0 $0xFFFFFFFF, s11  }
0x16: {  	s31 =	sadd.s32 $0xFFFFFFFF, s11;
	s14 =	sshll.u32 @!p0 s10, $0x7;
	s13 =	sshll.u32 @!p0 s13, $0xE  }
0x17: {  	s15 =	simm.s32 @!p0 $0x0;
	s14 =	sadd.s32 @!p0 s2, s14;
	s13 =	sand.u32 @!p0 $0x4000, s13  }
0x18: {  	[tilespmem:s13], [sflag:$0x1] =	stream.linear.gather @!p0 [hbm4b:s14+s15], $0x4000, $0x38;
	[tilespmem:$0x10000] =	vst v63  }
0x19: {  	p0 =	sge.u32 s31, s6  }
.Ltmp2:
0x1a: {  	_ = 	snop;
	(pc) =	sbr.rel @p0 .LBB1_7-.Ltmp2, $1  }
0x1b: {  	_ =	sdelay $0x3  }
0x1c: {  	s13 =	sshrl.u32 s9, $0x1;
	_ =	swait.ge [sflag:s5], $0x4000  }
0x1d: {  	s15 =	sshll.u32 s11, $0xE;
	s16 =	simm.s32 $0x0;
	s14 =	sand.u32 $0x4000, s13  }
0x1e: {  	[sflag:s5] =	ssyncset.done $0x0;
	s15 =	sand.u32 $0x4000, s15;
	s13 =	sor.u32 $0x200, s14  }
0x1f: {  	s14 =	sor.u32 $0x8080, s14;
	[sflag:s5] =	ssyncadd.s32 $0xFFFFC000;
	s15 =	sor.u32 $0x8000, s15  }
.LBB1_3:
0x20: {  	v0 =	vld [tilespmem:s13+$0xFFFFFE70]  }
0x21: {  	v1 =	vld [tilespmem:s13+$0x70]  }
0x22: {  	v2 =	vld [tilespmem:s13+$0x0]  }
0x23: {  	v3 =	vld [tilespmem:s13+$0xFFFFFE10]  }
0x24: {  	v4 =	vld [tilespmem:s13+$0x10]  }
0x25: {  	v5 =	vld [tilespmem:s13+$0xFFFFFE20]  }
0x26: {  	v7 =	vld [tilespmem:s13+$0x20]  }
0x27: {  	v11 =	vld [tilespmem:s13+$0x30];
	v6 =	vunpack.i.l.s16.s32 v0;
	v8 =	vunpack.i.u.s16.s32 v0;
	v9 =	vunpack.i.u.s16.s32 v1  }
0x28: {  	v10 =	vunpack.i.l.s16.s32 v1;
	v0 =	vunpack.i.u.s16.s32 v2;
	v1 =	vunpack.i.l.s16.s32 v2;
	v2 =	vld [tilespmem:s13+$0xFFFFFE30]  }
0x29: {  	v8 =	vpack.i.b32.b16 v9, v8;
	v9 =	vunpack.i.u.s16.s32 v3;
	v3 =	vunpack.i.l.s16.s32 v3  }
0x2a: {  	v12 =	vld [tilespmem:s13+$0xFFFFFE40];
	v6 =	vpack.i.b32.b16 v10, v6;
	[tilespmem:s14+$0x70] =	vst v8;
	v8 =	vunpack.i.u.s16.s32 v4;
	v4 =	vunpack.i.l.s16.s32 v4  }
0x2b: {  	v13 =	vld [tilespmem:s13+$0x40];
	v10 =	vunpack.i.u.s16.s32 v5;
	v5 =	vunpack.i.l.s16.s32 v5;
	[tilespmem:s14+$0xFFFFFFF0] =	vst v6;
	v3 =	vpack.i.b32.b16 v4, v3  }
0x2c: {  	v6 =	vunpack.i.l.s16.s32 v7;
	v4 =	vld [tilespmem:s13+$0xFFFFFE50];
	[tilespmem:s14+$0xFFFFFF90] =	vst v3;
	v3 =	vpack.i.b32.b16 v8, v9;
	v8 =	vunpack.i.u.s16.s32 v7  }
0x2d: {  	v7 =	vunpack.i.l.s16.s32 v11;
	[tilespmem:s14+$0x10] =	vst v3;
	v3 =	vpack.i.b32.b16 v6, v5;
	v9 =	vunpack.i.u.s16.s32 v2;
	v6 =	vld [tilespmem:s13+$0x50]  }
0x2e: {  	v5 =	vunpack.i.l.s16.s32 v2;
	v2 =	vld [tilespmem:s13+$0xFFFFFE60];
	[tilespmem:s14+$0xFFFFFFA0] =	vst v3;
	v3 =	vpack.i.b32.b16 v8, v10;
	v10 =	vunpack.i.u.s16.s32 v11  }
0x2f: {  	s19 =	simm.s32 $0x0;
	v11 =	vpack.i.b32.b16 v7, v5;
	v7 =	vunpack.i.u.s16.s32 v12;
	v8 =	vunpack.i.l.s16.s32 v12;
	[tilespmem:s14+$0x20] =	vst v3;
	v3 =	vld [tilespmem:s13+$0x60]  }
0x30: {  	s20 =	sadd.s32 $0x80, s13;
	s18 =	smov.u32 s14;
	s17 =	smov.u32 s14;
	v5 =	vld [tilespmem:s13+$0xFFFFFE00];
	[tilespmem:s14+$0xFFFFFFB0] =	vst v11;
	v10 =	vpack.i.b32.b16 v10, v9;
	v9 =	vunpack.i.u.s16.s32 v13;
	v11 =	vunpack.i.l.s16.s32 v13  }
.LBB1_4:
0x31: {  	v12 =	vld [tilespmem:s20+$0xFFFFFE70];
	[tilespmem:s18+$0x30] =	vst v10;
	v8 =	vpack.i.b32.b16 v11, v8;
	v10 =	vunpack.i.u.s16.s32 v4;
	v4 =	vunpack.i.l.s16.s32 v4  }
0x32: {  	s19 =	sadd.s32 $0x2, s19;
	v7 =	vpack.i.b32.b16 v9, v7;
	v11 =	vld [tilespmem:s20+$0x70];
	[tilespmem:s18+$0xFFFFFFC0] =	vst v8;
	v8 =	vunpack.i.u.s16.s32 v6;
	v6 =	vunpack.i.l.s16.s32 v6  }
0x33: {  	p0 =	slt.u32 s19, $0x6;
	v9 =	vld [tilespmem:s20+$0x0];
	[tilespmem:s18+$0x40] =	vst v7;
	v4 =	vpack.i.b32.b16 v6, v4;
	v6 =	vunpack.i.u.s16.s32 v2;
	v2 =	vunpack.i.l.s16.s32 v2  }
0x34: {  	v7 =	vld [tilespmem:s20+$0xFFFFFE10];
	[tilespmem:s18+$0xFFFFFFD0] =	vst v4;
	v4 =	vpack.i.b32.b16 v8, v10;
	v8 =	vunpack.i.u.s16.s32 v3;
	v3 =	vunpack.i.l.s16.s32 v3  }
0x35: {  	v10 =	vld [tilespmem:s20+$0x10];
	v13 =	vunpack.i.u.s16.s32 v5;
	v5 =	vunpack.i.l.s16.s32 v5;
	[tilespmem:s18+$0x50] =	vst v4;
	v2 =	vpack.i.b32.b16 v3, v2  }
0x36: {  	v3 =	vld [tilespmem:s20+$0xFFFFFE20];
	v4 =	vunpack.i.l.s16.s32 v12;
	v1 =	vpack.i.b32.b16 v1, v5;
	v5 =	vpack.i.b32.b16 v0, v13;
	[tilespmem:s18+$0xFFFFFFE0] =	vst v2  }
0x37: {  	v12 =	vunpack.i.u.s16.s32 v12;
	v2 =	vld [tilespmem:s20+$0x20];
	v13 =	vunpack.i.u.s16.s32 v11;
	v11 =	vunpack.i.l.s16.s32 v11;
	[tilespmem:s18+$0xFFFFFF80] =	vst v1  }
0x38: {  	s18 =	sadd.s32 $0x100, s18;
	v0 =	vunpack.i.u.s16.s32 v9;
	v1 =	vunpack.i.l.s16.s32 v9;
	v9 =	vld [tilespmem:s20+$0xFFFFFE30];
	v12 =	vpack.i.b32.b16 v13, v12;
	[tilespmem:s17+$0x0] =	vst v5  }
0x39: {  	v6 =	vpack.i.b32.b16 v8, v6;
	v5 =	vunpack.i.u.s16.s32 v7;
	v7 =	vunpack.i.l.s16.s32 v7;
	v13 =	vld [tilespmem:s20+$0x30];
	[tilespmem:s18+$0x70] =	vst v12  }
0x3a: {  	v4 =	vpack.i.b32.b16 v11, v4;
	v8 =	vunpack.i.u.s16.s32 v10;
	v10 =	vunpack.i.l.s16.s32 v10;
	v12 =	vld [tilespmem:s20+$0xFFFFFE40];
	[tilespmem:s17+$0x60] =	vst v6;
	s17 =	smov.u32 s18  }
0x3b: {  	v6 =	vpack.i.b32.b16 v10, v7;
	v7 =	vunpack.i.u.s16.s32 v3;
	v3 =	vunpack.i.l.s16.s32 v3;
	v11 =	vld [tilespmem:s20+$0x40];
	[tilespmem:s18+$0xFFFFFFF0] =	vst v4  }
.Ltmp3:
0x3c: {  	v5 =	vpack.i.b32.b16 v8, v5;
	[tilespmem:s18+$0xFFFFFF90] =	vst v6;
	v8 =	vunpack.i.u.s16.s32 v2;
	v2 =	vunpack.i.l.s16.s32 v2;
	v4 =	vld [tilespmem:s20+$0xFFFFFE50];
	(pc) =	sbr.rel @p0 .LBB1_4-.Ltmp3, $4  }
0x3d: {  	[tilespmem:s18+$0x10] =	vst v5;
	v2 =	vpack.i.b32.b16 v2, v3;
	v10 =	vunpack.i.u.s16.s32 v9;
	v3 =	vunpack.i.l.s16.s32 v9;
	v6 =	vld [tilespmem:s20+$0x50]  }
0x3e: {  	v5 =	vpack.i.b32.b16 v8, v7;
	[tilespmem:s18+$0xFFFFFFA0] =	vst v2;
	v9 =	vunpack.i.u.s16.s32 v13;
	v7 =	vunpack.i.l.s16.s32 v13;
	v2 =	vld [tilespmem:s20+$0xFFFFFE60]  }
0x3f: {  	[tilespmem:s18+$0x20] =	vst v5;
	v13 =	vpack.i.b32.b16 v7, v3;
	v7 =	vunpack.i.u.s16.s32 v12;
	v8 =	vunpack.i.l.s16.s32 v12;
	v3 =	vld [tilespmem:s20+$0x60]  }
0x40: {  	v10 =	vpack.i.b32.b16 v9, v10;
	v5 =	vld [tilespmem:s20+$0xFFFFFE00];
	[tilespmem:s18+$0xFFFFFFB0] =	vst v13;
	v9 =	vunpack.i.u.s16.s32 v11;
	v11 =	vunpack.i.l.s16.s32 v11;
	s20 =	sadd.s32 $0x80, s20  }
0x41: {  	[tilespmem:s18+$0x30] =	vst v10;
	v8 =	vpack.i.b32.b16 v11, v8  }
0x42: {  	v51 =	vunpack.i.l.s16.s32 v4;
	v7 =	vpack.i.b32.b16 v9, v7;
	[tilespmem:s18+$0xFFFFFFC0] =	vst v8;
	v52 =	vunpack.i.l.s16.s32 v6  }
0x43: {  	v53 =	vunpack.i.u.s16.s32 v4;
	s16 =	sadd.s32 $0x1, s16;
	v54 =	vunpack.i.u.s16.s32 v6;
	[tilespmem:s18+$0x40] =	vst v7;
	v55 =	vpack.i.b32.b16 v52, v51  }
0x44: {  	p0 =	sne.s32 s16, $0x10;
	v56 =	vunpack.i.l.s16.s32 v2;
	v4 =	vpack.i.b32.b16 v54, v53;
	[tilespmem:s18+$0xFFFFFFD0] =	vst v55;
	v57 =	vunpack.i.l.s16.s32 v3  }
.Ltmp4:
0x45: {  	[tilespmem:s18+$0x50] =	vst v4;
	v58 =	vunpack.i.l.s16.s32 v5;
	v59 =	vpack.i.b32.b16 v57, v56;
	(pc) =	sbr.rel @p0 .LBB1_3-.Ltmp4, $4  }
0x46: {  	v61 =	vunpack.i.u.s16.s32 v2;
	v62 =	vunpack.i.u.s16.s32 v3;
	v1 =	vpack.i.b32.b16 v1, v58;
	[tilespmem:s18+$0xFFFFFFE0] =	vst v59  }
0x47: {  	v60 =	vunpack.i.u.s16.s32 v5;
	v63 =	vpack.i.b32.b16 v62, v61;
	[tilespmem:s18+$0xFFFFFF80] =	vst v1  }
0x48: {  	v0 =	vpack.i.b32.b16 v0, v60;
	[tilespmem:s17+$0x60] =	vst v63  }
0x49: {  	s13 =	sadd.s32 $0x400, s13;
	s14 =	sadd.s32 $0x400, s14;
	[tilespmem:s17+$0x0] =	vst v0  }
.Ltmp5:
0x4a: {  	(pc) =	sbr.rel .LBB1_7-.Ltmp5, $4  }
0x4b: {  	_ = 	snop  }
0x4c: {  	s12 =	sshll.u32 s12, $0x7  }
0x4d: {  	s12 =	sadd.s32 s4, s12  }
0x4e: {  	[hbm4b:s12+s8] =	stream.linear.scatter [tilespmem:s15], [sflag:$0x2], $0x4000, $0x38;
	[tilespmem:$0x10000] =	vst v63  }
.LBB1_8:
0x4f: {  	_ =	sfence.sel $0x180000  }
0x50: {  	s2 =	simm.s32 $0x1;
	[bflag:$0x0] =	sbarrier.arrive $0xFFFF  }
0x51: {  	s31 =	simm.s32 $0x2;
	[sflag:s2] =	ssyncpa.u1 $0x1  }
0x52: {  	[sflag:s31] =	ssyncpa.u1 $0x1  }
0x53: {  	p0 =	sne.s32 s0, $0x0;
	_ =	strace $0x90000047  }
0x54: {  	s0 =	sadd.s32 @!p0 $0x100000, s1;
	[bflag:$0x2] =	sbarrier.arrive $0xFFFF  }
0x55: {  	[sflag:s0] =	ssyncadd.tile.s32 @!p0 $0x1;
	_ =	shalt  }
.Lfunc_end1:
_tile_overlayer_lowered:
.L_overlay_start_2:
0x56: {  	(tag) =	ssettag $0x2  }
0x57: {  	s0 =	rddreg [dreg:$0x0];
	s2 =	stileid.u32  }
0x58: {  	s1 =	rddreg [dreg:$0x1];
	p0 =	sne.s32 s2, $0x0  }
0x59: {  	s3 =	rddreg [dreg:$0x2];
	[bflag:$0x3] =	sbarrier.arrive $0xFFFF;
	s2 =	simm.s32 @!p0 $0x1C01  }
0x5a: {  	[timem:s3], [sflag:s2] =	dma.local @!p0 [hbm:s0], s1  }
0x5b: {  	s0 =	simm.s32 @!p0 $0x1  }
0x5c: {  	_ =	swait.ge @!p0 [sflag:s0], s1  }
0x5d: {  	s1 =	ssub.s32 @!p0 $0x0, s1;
	[sflag:s0] =	ssyncset.done @!p0 $0x0  }
0x5e: {  	[sflag:s0] =	ssyncadd.s32 @!p0 s1  }
0x5f: {  	[bflag:$0x3] =	sbarrier.arrive $0xFFFF  }
0x60: {  	_ =	shalt  }

// kernel: sparse-core-data-format-call.cloned.1.call-start
scs
called_computation_lowered:
.L_overlay_start_0:
0x0: {  	s2 =	sld [smem:$0x3FD9]  }
0x1: {  	s3 =	sld [smem:$0x3FFE];
	_ =	sdelay $0x1  }
0x2: {  	s1 =	srdreg.scid  }
0x3: {  	s0 =	sand.u32 $0x1, s1  }
0x4: {  	s18 =	sshll.u32 s0, $0xA;
	s2 =	sadd.s32 s3, s2  }
0x5: {  	s2 =	sadd.s32 s2, s18  }
0x6: {  	[smem:$0x3FC6] =	sst s2  }
0x7: {  	_ = 	snop  }
0x8: {  	s2 =	sld [smem:$0x3FD0];
	(tm) =	ssettm $0x1  }
0x9: {  	s19 =	sld [smem:$0x3FFB];
	_ =	sdelay $0x3  }
0xa: {  	_ =	strace s19  }
0xb: {  	s3 =	sld [smem:$0x3FFC];
	_ =	sdelay $0x3  }
0xc: {  	_ =	strace s3  }
0xd: {  	s3 =	sld [smem:$0x3FFD];
	_ =	sdelay $0x3  }
0xe: {  	_ =	strace s3  }
0xf: {  	_ =	strace $0x8FFFFFFF  }
0x10: {  	s20 =	sld [smem:$0x3FDB];
	_ =	sdelay $0x1  }
0x11: {  	s4 =	simm.s32 $_scs_section_size  }
0x12: {  	s5 =	simm.s32 $_size__tile_overlayer_lowered;
	s6 =	simm.s32 $_tile_overlayer_lowered  }
0x13: {  	s23 =	simm.s32 $0x1BFF;
	s22 =	sshll.u32 s6, $0x1;
	s3 =	sadd.s32 s4, s20  }
0x14: {  	s7 =	simm.s32 $0x0;
	s21 =	sshll.u32 s5, $0x1;
	s5 =	sadd.s32 s22, s3  }
0x15: {  	[timem:s7], [sflag:s23] =	dma.local [hbm:s5], s21  }
0x16: {  	_ =	swait.ge [sflag:s23], s21  }
0x17: {  	s4 =	ssub.s32 $0x0, s21;
	[sflag:s23] =	ssyncset.done $0x0  }
0x18: {  	[sflag:s23] =	ssyncadd.s32 s4;
	_ =	sdelay $0x1  }
0x19: {  	s24 =	simm.s32 $0x1B8B  }
0x1a: {  	_ =	swait.ge [sflag:s24], $0x1  }
0x1b: {  	[sflag:s24] =	ssyncset.done $0x0  }
0x1c: {  	s26 =	simm.s32 $0x1B8E;
	s25 =	sld [smem:$0x3FFE];
	[sflag:s24] =	ssyncadd.s32 $0xFFFFFFFF  }
0x1d: {  	s27 =	simm.s32 $execute0_lowered;
	[smem:$0x3FD2] =	sst s26  }
0x1e: {  	s5 =	sshll.u32 s27, $0x1;
	_ =	strace $0x8000004C;
	[dreg:$0x1] =	wrdreg $0xFFFFFFFF  }
0x1f: {  	s28 =	simm.s32 $_size_execute0_lowered;
	s3 =	sadd.s32 s3, s5;
	[dreg:$0x0] =	wrdreg $0x0  }
0x20: {  	s5 =	sshll.u32 s28, $0x1;
	[dreg:$0x2] =	wrdreg s3  }
0x21: {  	[dreg:$0x3] =	wrdreg s5  }
0x22: {  	[dreg:$0x4] =	wrdreg $0xC0  }
0x23: {  	_ =	task [dreg:s7], $0x5FFFF  }
0x24: {  	[dreg:$0x1] =	wrdreg $0xFFFFFFFF  }
0x25: {  	[dreg:$0x0] =	wrdreg $0x60  }
0x26: {  	[dreg:$0x2] =	wrdreg s25  }
0x27: {  	[dreg:$0x3] =	wrdreg s2  }
0x28: {  	[dreg:$0x4] =	wrdreg $0x9  }
0x29: {  	_ =	task.clear_ibuf [dreg:s7], $0x5FFFF;
	_ =	strace $0x9000004C  }
0x2a: {  	s29 =	simm.s32 $0x9;
	_ =	strace $0x8000004E  }
0x2b: {  	_ =	swait.ge [sflag:s29], $0x1  }
0x2c: {  	[sflag:s29] =	ssyncadd.s32 $0xFFFFFFFF  }
0x2d: {  	_ =	strace $0x9000004E  }
0x2e: {  	_ =	sfence  }
0x2f: {  	s30 =	sld [smem:$0x0];
	_ =	sdelay $0x2  }
0x30: {  	s31 =	sshll.u32 s1, $0xD;
	s1 =	sshrl.u32 s1, $0x2  }
0x31: {  	s3 =	sand.u32 $0x4000, s31;
	s1 =	sadd.s32 s1, s30  }
0x32: {  	s0 =	sor.u32 s3, s0;
	s1 =	sshll.u32 s1, $0x11  }
0x33: {  	s0 =	sor.u32 s1, s0  }
0x34: {  	s0 =	sadd.s32 $0x8F2B, s0  }
0x35: {  	[sflag:s0] =	ssyncadd.remote.s32 $0x1  }
0x36: {  	_ =	sfence.sel $0xFFFF  }
0x37: {  	[dreg:$0x0] =	wrdreg $0xFFFFFFFF;
	(pc) =	sbr.abs _section_cstart, $3  }
0x38: {  	[dreg:$0x1] =	wrdreg $0xFFFFFFFF  }
0x39: {  	_ =	task.clear_ibuf [dreg:s7], $0x2FFFF;
	_ =	strace $0x9FFFFFFF  }
0x3a: {  	(tm) =	ssettm $0x7FFFFFFF  }
0x3b: {  	_ =	shalt  }
tec
execute0_lowered:
.L_overlay_start_1:
0x0: {  	(tag) =	ssettag $0x1  }
0x1: {  	s3 =	rddreg [dreg:$0x0]  }
0x2: {  	s0 =	srdreg.scid;
	s2 =	rddreg [dreg:$0x1]  }
0x3: {  	s7 =	simm.s32 $0x2;
	s16 =	simm.s32 $0x0;
	p0 =	por $0x0, $0x0  }
0x4: {  	s8 =	simm.s32 $0x8000;
	s17 =	simm.s32 $0x0;
	s0 =	sshll.u32 s0, $0x7  }
0x5: {  	s18 =	simm.s32 $0x0;
	s9 =	simm.s32 $0x0;
	s1 =	sand.u32 $0x80, s0  }
0x6: {  	s10 =	simm.s32 $0x0;
	s11 =	simm.s32 $0x0;
	s4 =	ssub.s32 $0x1000, s1  }
0x7: {  	s12 =	simm.s32 $0x0;
	s14 =	stileid.u32;
	s5 =	sshrl.u32 s4, $0x7  }
.Ltmp0:
0x8: {  	s6 =	sshrl.u32 s4, $0x8;
	s5 =	sand.u32 $0x1, s5;
	(pc) =	sbr.rel .LBB1_1-.Ltmp0, $4  }
0x9: {  	s15 =	simm.s32 $0x0;
	s0 =	rddreg [dreg:$0x2];
	s5 =	sadd.s32 s6, s5  }
0xa: {  	_ =	strace $0x8000004D;
	s4 =	simm.s32 $0x1;
	s5 =	smul.u32 $0x5, s5  }
0xb: {  	s13 =	smov.u32 s1;
	[sflag:s4] =	ssyncpa.u1 $0x0;
	s6 =	sadd.s32 $0x1000, s3  }
0xc: {  	s3 =	stileid.u32;
	[sflag:s7] =	ssyncpa.u1 $0x0;
	s7 =	sadd.s32 $0x1, s5  }
.LBB1_4:
0xd: {  	s23 =	sshra.s32 s23, $0x2;
	s30 =	sshll.u32 s9, $0xC  }
0xe: {  	p1 =	sgt.s32 s11, $0xF;
	s24 =	smov.u32 s11;
	s25 =	sshra.s32 s11, $0x1F  }
0xf: {  	s26 =	sshll.u32 s10, $0x3;
	s28 =	smov.u32 s10;
	s29 =	sshra.s32 s10, $0x1F  }
0x10: {  	s22 =	sadd.s32 s23, s22;
	s24 =	simm.s32 @!p1 $0xF;
	s25 =	sand.u32 s25, s11  }
0x11: {  	s23 =	sand.u32 $0xFFFF8000, s30;
	s27 =	sand.u32 $0xFFFFFC00, s26;
	p1 =	sgt.s32 s9, $0x1C0  }
0x12: {  	s31 =	sand.u32 s29, s10;
	s29 =	sshll.u32 s9, $0x7;
	s30 =	sshra.s32 s9, $0x1F  }
0x13: {  	[tilespmem:s21+$0x2040 ss:$0x81] =	vst.msk $0xffff, v4;
	s24 =	ssub.s32 s24, s25;
	s23 =	sadd.s32 s27, s23;
	s27 =	smov.u32 s9  }
0x14: {  	[tilespmem:s21+$0x2850 ss:$0x81] =	vst.msk $0xffff, v3;
	s29 =	sand.u32 $0x380, s29;
	s25 =	sadd.s32 $0xFFFFFFF1, s24;
	s27 =	simm.s32 @!p1 $0x1C0  }
0x15: {  	v5 =	vld [tilespmem:s20+$0xFFFFFFD0];
	[tilespmem:s21+$0x3060 ss:$0x81] =	vst.msk $0xffff, v2;
	p1 =	sgt.s32 s10, $0xF80;
	s23 =	sshrl.u32 s23, $0xC;
	s24 =	ssub.s32 $0x10, s24  }
0x16: {  	v58 =	vld [tilespmem:s20+$0xFFFFFFE0];
	[tilespmem:s21+$0x0 ss:$0x81] =	vst.msk $0xffff, v1;
	s28 =	simm.s32 @!p1 $0xF80;
	p1 =	sgt.s32 s25, $0x0;
	s21 =	smulhi.u32 $0x71C71D, s23  }
0x17: {  	v59 =	vld [tilespmem:s20+$0xFFFFFFF0];
	s25 =	ssub.s32 s28, s31;
	s28 =	sand.u32 s30, s9;
	s24 =	simm.s32 @p1 $0x0  }
0x18: {  	v60 =	vld [tilespmem:s20+$0x0];
	s27 =	ssub.s32 s27, s28;
	s31 =	sadd.s32 $0xFFFFF080, s25;
	s25 =	ssub.s32 $0x1000, s25  }
0x19: {  	v61 =	vld [tilespmem:s20+$0x10];
	[tilespmem:s22+$0x3870 ss:$0x81] =	vst.msk $0xffff, v0;
	s21 =	smul.u32 $0x240, s21;
	s28 =	sand.u32 $0x7, s10;
	p1 =	sgt.s32 s31, $0x7F  }
0x1a: {  	v62 =	vld [tilespmem:s20+$0x20];
	[tilespmem:s22+$0x810 ss:$0x81] =	vst.msk $0xffff, v5;
	s30 =	sadd.s32 $0xFFFFFE40, s27;
	s31 =	sand.u32 $0x78, s10;
	s25 =	simm.s32 @p1 $0x0  }
0x1b: {  	v63 =	vld [tilespmem:s20+$0xFFFFFFC0];
	[tilespmem:s22+$0x1020 ss:$0x81] =	vst.msk $0xffff, v58;
	p1 =	sgt.s32 s30, $0x7F;
	s30 =	sand.u32 $0xC00, s26;
	s24 =	smul.u32 s24, s25  }
0x1c: {  	[tilespmem:s22+$0x1830 ss:$0x81] =	vst.msk $0xffff, v59;
	s26 =	ssub.s32 $0x240, s27;
	s20 =	sor.u32 s31, s30;
	s31 =	smul.u32 $0x48000, s11  }
0x1d: {  	[tilespmem:s22+$0x2040 ss:$0x81] =	vst.msk $0xffff, v60;
	s21 =	ssub.s32 s23, s21;
	s26 =	simm.s32 @p1 $0x0;
	s20 =	sor.u32 s29, s20  }
0x1e: {  	[tilespmem:s22+$0x2850 ss:$0x81] =	vst.msk $0xffff, v61;
	s26 =	smul.u32 s26, s24;
	s20 =	sshrl.u32 s20, $0x3;
	s27 =	sadd.s32 s2, s31  }
0x1f: {  	[tilespmem:s22+$0x3060 ss:$0x81] =	vst.msk $0xffff, v62;
	s21 =	sshll.u32 s21, $0x9;
	s29 =	sshll.u32 s28, $0x12;
	s20 =	sadd.s32 s20, s27  }
0x20: {  	[tilespmem:s22+$0x0 ss:$0x81] =	vst.msk $0xffff, v63;
	s31 =	sor.u32 $0x400, s29;
	s30 =	sand.u32 $0x3FFFFFFF, s26;
	s20 =	sadd.s32 s21, s20  }
0x21: {  	[hbm4b:s20+s31] =	stream.strided.scatter [tilespmem:s19], [sflag:$0x2], s30, s8, s31, $0x20;
	[tilespmem:$0x10100] =	vst v63  }
.LBB1_5:
0x22: {  	p1 =	slt.u32 s15, $0x2  }
0x23: {  	p2 =	sgt.s32 @!p1 s18, $0xF  }
0x24: {  	s19 =	smov.u32 s18;
	s20 =	sshra.s32 @!p1 s18, $0x1F;
	p2 =	por !p2, p1  }
0x25: {  	s18 =	sand.u32 @!p1 s20, s18;
	s19 =	simm.s32 @p2 $0xF  }
0x26: {  	p3 =	sgt.s32 @!p1 s17, $0xF80;
	s18 =	ssub.s32 @!p1 s19, s18  }
0x27: {  	p3 =	por !p3, p1;
	s20 =	sshra.s32 @!p1 s17, $0x1F;
	s19 =	sadd.s32 @!p1 $0xFFFFFFF1, s18  }
0x28: {  	s18 =	ssub.s32 @!p1 $0x10, s18;
	p2 =	sgt.s32 @!p1 s19, $0x0;
	s19 =	smov.u32 s17  }
0x29: {  	s17 =	sand.u32 @!p1 s20, s17;
	s19 =	simm.s32 @p3 $0xF80;
	p3 =	sgt.s32 @!p1 s16, $0x1C0  }
0x2a: {  	s20 =	smov.u32 s16;
	p2 =	por !p2, p1;
	p3 =	por !p3, p1  }
0x2b: {  	s17 =	ssub.s32 @!p1 s19, s17;
	s19 =	sshra.s32 @!p1 s16, $0x1F;
	s18 =	simm.s32 @!p2 $0x0  }
0x2c: {  	s20 =	simm.s32 @p3 $0x1C0;
	s16 =	sand.u32 @!p1 s19, s16;
	s19 =	sadd.s32 @!p1 $0xFFFFF080, s17  }
0x2d: {  	s17 =	ssub.s32 @!p1 $0x1000, s17;
	s16 =	ssub.s32 @!p1 s20, s16;
	p2 =	sgt.s32 @!p1 s19, $0x7F  }
0x2e: {  	s20 =	smov.u32 s13;
	s19 =	sadd.s32 @!p1 $0xFFFFFE40, s16;
	p2 =	por !p2, p1  }
0x2f: {  	s16 =	ssub.s32 @!p1 $0x240, s16;
	p3 =	sgt.s32 @!p1 s19, $0x7F;
	s17 =	simm.s32 @!p2 $0x0  }
0x30: {  	s19 =	sadd.s32 $0x80, s12;
	p2 =	por !p3, p1;
	s17 =	smul.u32 @!p1 s18, s17  }
0x31: {  	s18 =	sadd.s32 $0x100, s13;
	s16 =	simm.s32 @!p2 $0x0;
	p2 =	sgt.s32 s19, $0x23F  }
0x32: {  	s21 =	smov.u32 s14;
	s20 =	smov.u32 @p2 s18  }
0x33: {  	s16 =	smul.u32 @!p1 s16, s17;
	s17 =	sadd.s32 $0x10, s14;
	p3 =	sgt.s32 s20, $0xFFF  }
0x34: {  	p0 =	por !p0, !p0;
	s22 =	simm.s32 @!p1 $0x2;
	s21 =	smov.u32 @p3 s17  }
0x35: {  	s19 =	simm.s32 @p2 $0x0;
	s18 =	smov.u32 s11;
	p2 =	sgt.s32 s21, $0xF  }
0x36: {  	s11 =	smov.u32 s14;
	s21 =	smov.u32 @p2 s3;
	p2 =	sne.s32 s15, s7  }
.Ltmp1:
0x37: {  	s16 =	sand.u32 @!p1 $0x3FFFFFFF, s16;
	s20 =	smov.u32 @p3 s1;
	(pc) =	sbr.rel @!p2 .LBB1_6-.Ltmp1, $4  }
0x38: {  	s17 =	smov.u32 s10;
	s10 =	smov.u32 s13;
	_ =	swait.ge @!p1 [sflag:s22], s16  }
0x39: {  	s23 =	ssub.s32 @!p1 $0x0, s16;
	s16 =	smov.u32 s9;
	s9 =	smov.u32 s12  }
0x3a: {  	s12 =	smov.u32 s19;
	s13 =	smov.u32 s20;
	[sflag:s22] =	ssyncset.done @!p1 $0x0  }
0x3b: {  	s15 =	sadd.s32 $0x1, s15;
	[sflag:s22] =	ssyncadd.s32 @!p1 s23;
	s14 =	smov.u32 s21  }
.LBB1_1:
0x3c: {  	p1 =	sge.u32 s15, s5  }
0x3d: {  	s19 =	sshrl.u32 @!p1 s13, $0x3  }
0x3e: {  	s20 =	sshll.u32 @!p1 s12, $0x3;
	s19 =	smul.u32 @!p1 $0x1400, s19  }
0x3f: {  	s21 =	sshll.u32 @!p1 s13, $0x7;
	s20 =	sand.u32 @!p1 $0xFFFFFC00, s20  }
0x40: {  	s19 =	sadd.s32 @!p1 s19, s20;
	s20 =	sand.u32 @!p1 $0x380, s21  }
0x41: {  	s21 =	sand.u32 @!p1 $0x7F, s12;
	s19 =	sor.u32 @!p1 s20, s19  }
0x42: {  	s20 =	sor.u32 @!p1 s21, s19  }
0x43: {  	s21 =	smulhi.u32 @!p1 $0xCCCCCCCD, s20  }
0x44: {  	s19 =	smulhi.u32 @!p1 $0xCCCCCCCD, s19  }
0x45: {  	s21 =	sshrl.u32 @!p1 s21, $0x9  }
0x46: {  	s31 =	sadd.s32 $0xFFFFFFFF, s15;
	s19 =	sshrl.u32 @!p1 s19, $0x9;
	s21 =	smul.u32 @!p1 $0x280, s21  }
0x47: {  	s22 =	sxor.u32 @!p1 $0xFFFFFFFF, s15;
	s23 =	smul.u32 @!p1 $0x50000, s14;
	s19 =	sand.u32 @!p1 $0xFFF, s19  }
0x48: {  	s22 =	sshll.u32 @!p1 s22, $0xE;
	s19 =	smul.u32 @!p1 $0x50, s19;
	s20 =	ssub.s32 @!p1 s20, s21  }
0x49: {  	s21 =	sand.u32 @!p1 $0x4000, s22;
	s22 =	sadd.s32 @!p1 s6, s23;
	s23 =	sand.u32 @!p1 $0x7, s20  }
0x4a: {  	s20 =	sshrl.u32 @!p1 s20, $0x3;
	s19 =	sadd.s32 @!p1 s19, s22;
	s22 =	sshll.u32 @!p1 s23, $0x12  }
0x4b: {  	s19 =	sadd.s32 @!p1 s20, s19;
	s20 =	sor.u32 @!p1 $0x400, s22;
	s22 =	simm.s32 @!p1 $0x1400  }
0x4c: {  	[tilespmem:s21], [sflag:$0x1] =	stream.strided.gather @!p1 [hbm4b:s19+s20], $0x4000, s22, s20, $0x38;
	[tilespmem:$0x10100] =	vst v63  }
0x4d: {  	p1 =	sge.u32 s31, s5  }
.Ltmp2:
0x4e: {  	_ = 	snop;
	(pc) =	sbr.rel @p1 .LBB1_5-.Ltmp2, $1  }
0x4f: {  	_ =	sdelay $0x3  }
0x50: {  	s19 =	simm.s32 $0x1  }
0x51: {  	_ =	swait.ge [sflag:s4], $0x4000;
	s19 =	simm.s32 @!p0 $0x0  }
0x52: {  	[sflag:s4] =	ssyncset.done $0x0;
	s20 =	sshll.u32 s19, $0xE  }
0x53: {  	[sflag:s4] =	ssyncadd.s32 $0xFFFFC000;
	s20 =	sor.u32 $0x40, s20  }
0x54: {  	s19 =	smul.u32 $0x10200, s19;
	v0 =	vld [tilespmem:s20+$0x30]  }
0x55: {  	v1 =	vld [tilespmem:s20+$0xFFFFFFD0]  }
0x56: {  	s19 =	sshrl.u32 s19, $0x2;
	v5 =	vld [tilespmem:s20+$0xFFFFFFE0]  }
0x57: {  	v6 =	vld [tilespmem:s20+$0xFFFFFFF0];
	s22 =	sor.u32 $0x8000, s19  }
0x58: {  	s31 =	sand.u32 $0x1, s15;
	v4 =	vld [tilespmem:s20+$0x0];
	s21 =	sadd.s32 $0x0, s22  }
0x59: {  	v3 =	vld [tilespmem:s20+$0x10];
	s19 =	smul.u32 $0x10200, s31;
	[tilespmem:s21+$0x3870 ss:$0x81] =	vst.msk $0xffff, v0  }
0x5a: {  	v2 =	vld [tilespmem:s20+$0x20];
	[tilespmem:s21+$0x810 ss:$0x81] =	vst.msk $0xffff, v1  }
0x5b: {  	s19 =	sshrl.u32 s19, $0x2;
	v1 =	vld [tilespmem:s20+$0xFFFFFFC0];
	[tilespmem:s21+$0x1020 ss:$0x81] =	vst.msk $0xffff, v5;
	s20 =	sadd.s32 $0x80, s20  }
0x5c: {  	s23 =	simm.s32 $0x4;
	s24 =	simm.s32 $0x8;
	s19 =	sor.u32 $0x8000, s19;
	[tilespmem:s21+$0x1830 ss:$0x81] =	vst.msk $0xffff, v6;
	v0 =	vld [tilespmem:s20+$0x30]  }
.LBB1_3:
0x5d: {  	p1 =	sne.s32 s24, $0x1FC;
	v5 =	vld [tilespmem:s20+$0xFFFFFFD0];
	[tilespmem:s21+$0x2040 ss:$0x81] =	vst.msk $0xffff, v4  }
0x5e: {  	v6 =	vld [tilespmem:s20+$0xFFFFFFE0];
	[tilespmem:s21+$0x2850 ss:$0x81] =	vst.msk $0xffff, v3  }
0x5f: {  	s25 =	sshra.s32 s23, $0x2;
	s23 =	smov.u32 s24;
	v7 =	vld [tilespmem:s20+$0xFFFFFFF0];
	[tilespmem:s21+$0x3060 ss:$0x81] =	vst.msk $0xffff, v2  }
.Ltmp3:
0x60: {  	v4 =	vld [tilespmem:s20+$0x0];
	[tilespmem:s21+$0x0 ss:$0x81] =	vst.msk $0xffff, v1;
	s21 =	sadd.s32 s25, s22;
	(pc) =	sbr.rel @p1 .LBB1_3-.Ltmp3, $4  }
0x61: {  	v3 =	vld [tilespmem:s20+$0x10];
	[tilespmem:s21+$0x3870 ss:$0x81] =	vst.msk $0xffff, v0  }
0x62: {  	[tilespmem:s21+$0x810 ss:$0x81] =	vst.msk $0xffff, v5;
	v2 =	vld [tilespmem:s20+$0x20]  }
0x63: {  	v1 =	vld [tilespmem:s20+$0xFFFFFFC0];
	[tilespmem:s21+$0x1020 ss:$0x81] =	vst.msk $0xffff, v6;
	s20 =	sadd.s32 $0x80, s20  }
0x64: {  	s24 =	sadd.s32 $0x4, s24;
	v0 =	vld [tilespmem:s20+$0x30];
	[tilespmem:s21+$0x1830 ss:$0x81] =	vst.msk $0xffff, v7  }
.Ltmp4:
0x65: {  	_ = 	snop;
	(pc) =	sbr.rel .LBB1_4-.Ltmp4, $1  }
0x66: {  	_ =	sdelay $0x3  }
.LBB1_6:
0x67: {  	_ =	sfence.sel $0x180000  }
0x68: {  	s1 =	simm.s32 $0x1;
	[bflag:$0x0] =	sbarrier.arrive $0xFFFF  }
0x69: {  	s31 =	simm.s32 $0x2;
	[sflag:s1] =	ssyncpa.u1 $0x1  }
0x6a: {  	[sflag:s31] =	ssyncpa.u1 $0x1  }
0x6b: {  	p0 =	sne.s32 s3, $0x0;
	_ =	strace $0x9000004D  }
0x6c: {  	s0 =	sadd.s32 @!p0 $0x100000, s0;
	[bflag:$0x2] =	sbarrier.arrive $0xFFFF  }
0x6d: {  	[sflag:s0] =	ssyncadd.tile.s32 @!p0 $0x1;
	_ =	shalt  }
.Lfunc_end1:
_tile_overlayer_lowered:
.L_overlay_start_2:
0x6e: {  	(tag) =	ssettag $0x2  }
0x6f: {  	s0 =	rddreg [dreg:$0x0];
	s2 =	stileid.u32  }
0x70: {  	s1 =	rddreg [dreg:$0x1];
	p0 =	sne.s32 s2, $0x0  }
0x71: {  	s3 =	rddreg [dreg:$0x2];
	[bflag:$0x3] =	sbarrier.arrive $0xFFFF;
	s2 =	simm.s32 @!p0 $0x1C01  }
0x72: {  	[timem:s3], [sflag:s2] =	dma.local @!p0 [hbm:s0], s1  }
0x73: {  	s0 =	simm.s32 @!p0 $0x1  }
0x74: {  	_ =	swait.ge @!p0 [sflag:s0], s1  }
0x75: {  	s1 =	ssub.s32 @!p0 $0x0, s1;
	[sflag:s0] =	ssyncset.done @!p0 $0x0  }
0x76: {  	[sflag:s0] =	ssyncadd.s32 @!p0 s1  }
0x77: {  	[bflag:$0x3] =	sbarrier.arrive $0xFFFF  }
0x78: {  	_ =	shalt  }

</sc_bundles>
